<compile_context>
chip_gen: v7x
topology: tpu7x:2x2x1
jax: 0.10.2.dev20260603
libtpu: 0.0.44.dev20260713+nightly
codegen_flags: <defaults>
</compile_context>

<pallas_src>
import functools

import jax
import jax.numpy as jnp
from jax import lax
from jax.experimental import pallas as pl
from jax.experimental.pallas import tpu as pltpu
from jax.experimental.pallas import tpu_sc as plsc

NW = 32
NC = 2
ROWS_PER_TX = 128
TX_PER_CHUNK = 4


def _sc_mesh():
    return plsc.VectorSubcoreMesh(core_axis_name="c", subcore_axis_name="s")


def _make_gather2(n_pad, h_dim, ec_pad):
    chunk = ROWS_PER_TX * TX_PER_CHUNK
    per_w = ec_pad // NW
    n_chunks = per_w // chunk
    assert per_w % chunk == 0 and n_chunks % 2 == 0

    @functools.partial(
        pl.kernel,
        out_type=[jax.ShapeDtypeStruct((ec_pad, h_dim), jnp.float32),
                  jax.ShapeDtypeStruct((ec_pad, h_dim), jnp.float32)],
        mesh=_sc_mesh(),
        compiler_params=pltpu.CompilerParams(use_tc_tiling_on_sc=False),
        scratch_types=[
            [pltpu.VMEM((chunk,), jnp.int32) for _ in range(2)],
            [pltpu.VMEM((chunk,), jnp.int32) for _ in range(2)],
            [pltpu.VMEM((chunk, h_dim), jnp.float32) for _ in range(2)],
            [pltpu.VMEM((chunk, h_dim), jnp.float32) for _ in range(2)],
            [pltpu.SemaphoreType.DMA for _ in range(2)],
            [pltpu.SemaphoreType.DMA for _ in range(2)],
            [pltpu.SemaphoreType.DMA for _ in range(2)],
        ],
    )
    def gather2(tab_hbm, rows_hbm, cols_hbm, xi_hbm, xj_hbm, ia, ib, ba, bb,
                sidx, sg, sf):
        wid = lax.axis_index("s") * NC + lax.axis_index("c")
        base = wid * per_w

        def idx_copies(ci, b):
            off = base + ci * chunk
            return (pltpu.make_async_copy(rows_hbm.at[pl.ds(off, chunk)], ia[b], sidx[b]),
                    pltpu.make_async_copy(cols_hbm.at[pl.ds(off, chunk)], ib[b], sidx[b]))

        def gather_copies(b):
            return (pltpu.make_async_copy(tab_hbm.at[ia[b]], ba[b], sg[b]),
                    pltpu.make_async_copy(tab_hbm.at[ib[b]], bb[b], sg[b]))

        def flush_copies(ci, b):
            off = base + ci * chunk
            return (pltpu.make_async_copy(ba[b], xi_hbm.at[pl.ds(off, chunk)], sf[b]),
                    pltpu.make_async_copy(bb[b], xj_hbm.at[pl.ds(off, chunk)], sf[b]))

        for cp in idx_copies(0, 0):
            cp.start()

        @pl.loop(0, n_chunks, step=2)
        def _(i):
            for b in range(2):
                ci = i + b
                for cp in idx_copies(ci, b):
                    cp.wait()

                @pl.when(ci >= 2)
                def _():
                    for cp in flush_copies(ci, b):
                        cp.wait()

                for cp in gather_copies(b):
                    cp.start()

                @pl.when(ci >= 1)
                def _():
                    for cp in gather_copies(1 - b):
                        cp.wait()
                    for cp in flush_copies(ci - 1, 1 - b):
                        cp.start()

                @pl.when(ci + 1 < n_chunks)
                def _():
                    for cp in idx_copies(ci + 1, 1 - b):
                        cp.start()

        last = n_chunks - 1
        for cp in gather_copies(last % 2):
            cp.wait()
        for cp in flush_copies(last, last % 2):
            cp.start()
        for b in range(2):
            for cp in flush_copies(n_chunks - 2 + b, b):
                cp.wait()

    return gather2


def _make_scatter_add(nt, h_dim, ec_pad):
    chunk = ROWS_PER_TX * TX_PER_CHUNK
    per_w = ec_pad // NW
    n_chunks = per_w // chunk
    rows_per_tile = nt // 16
    assert per_w % chunk == 0 and nt % 16 == 0

    @functools.partial(
        pl.kernel,
        out_type=jax.ShapeDtypeStruct((NC, nt, h_dim), jnp.float32),
        mesh=_sc_mesh(),
        compiler_params=pltpu.CompilerParams(use_tc_tiling_on_sc=False),
        scratch_types=[
            pltpu.VMEM((TX_PER_CHUNK, ROWS_PER_TX), jnp.int32),
            pltpu.VMEM((chunk, h_dim), jnp.float32),
            pltpu.VMEM_SHARED((nt, h_dim), jnp.float32),
        ],
    )
    def scatter_add(m_hbm, seg_hbm, zeros_hbm, out_hbm, idx, buf, acc):
        cid = lax.axis_index("c")
        sid = lax.axis_index("s")
        wid = sid * NC + cid
        base_r = wid * (per_w // ROWS_PER_TX)

        @pl.when(sid == 0)
        def _():
            pltpu.sync_copy(zeros_hbm, acc)

        plsc.subcore_barrier()

        @pl.loop(0, n_chunks)
        def _(i):
            r0 = base_r + i * TX_PER_CHUNK
            off = r0 * ROWS_PER_TX
            pltpu.sync_copy(seg_hbm.at[pl.ds(r0, TX_PER_CHUNK)], idx)
            pltpu.sync_copy(m_hbm.at[pl.ds(off, chunk)], buf)
            for j in range(TX_PER_CHUNK):
                pltpu.sync_copy(
                    buf.at[pl.ds(j * ROWS_PER_TX, ROWS_PER_TX)],
                    acc.at[idx.at[j]], add=True)

        plsc.subcore_barrier()
        pltpu.sync_copy(acc.at[pl.ds(sid * rows_per_tile, rows_per_tile)],
                        out_hbm.at[cid].at[pl.ds(sid * rows_per_tile, rows_per_tile)])

    return scatter_add



def _input_net_kernel(x_ref, w1_ref, scale_ref, shift_ref, w2_ref, b2_ref, o_ref):
    h = jnp.dot(x_ref[...], w1_ref[...], preferred_element_type=jnp.float32)
    h = h * scale_ref[...] + shift_ref[...]
    h = jnp.tanh(h)
    h = jnp.dot(h, w2_ref[...], preferred_element_type=jnp.float32) + b2_ref[...]
    o_ref[...] = jnp.maximum(h, 0.0)


def _edge_mlp_kernel(xi_ref, xj_ref, wa_ref, wb_ref, bc1_ref, w2_ref, bc2_ref, o_ref):
    m = jnp.dot(xi_ref[...], wa_ref[...], preferred_element_type=jnp.float32)
    m += jnp.dot(xj_ref[...], wb_ref[...], preferred_element_type=jnp.float32)
    m = jnp.maximum(m + bc1_ref[...], 0.0)
    m = jnp.dot(m, w2_ref[...], preferred_element_type=jnp.float32) + bc2_ref[...]
    o_ref[...] = jnp.maximum(m, 0.0)


def _edge_score_kernel(hs_ref, hd_ref, wa_ref, wb_ref, be1_ref, w2_ref, be2_ref, o_ref):
    e = jnp.dot(hs_ref[...], wa_ref[...], preferred_element_type=jnp.float32)
    e += jnp.dot(hd_ref[...], wb_ref[...], preferred_element_type=jnp.float32)
    e = jnp.maximum(e + be1_ref[...], 0.0)
    e = jnp.dot(e, w2_ref[...], preferred_element_type=jnp.float32) + be2_ref[...]
    o_ref[...] = jax.nn.sigmoid(e)


def _blockdiag(w, copies):
    a, b = w.shape
    eye = jnp.eye(copies, dtype=w.dtype)
    return (eye[:, None, :, None] * w[None, :, None, :]).reshape(copies * a, copies * b)


def _full(shape):
    return pl.BlockSpec(shape, lambda i: tuple(0 for _ in shape))


def _input_net(x, W1, b1, bn_g, bn_b, bn_rm, bn_rv, W2, b2):
    n, d = x.shape
    h_dim = W1.shape[0]
    inv = bn_g / jnp.sqrt(bn_rv + 1e-5)
    scale = inv
    shift = (b1 - bn_rm) * inv + bn_b
    return pl.pallas_call(
        _input_net_kernel,
        grid=(1,),
        in_specs=[_full((n, d)), _full((d, h_dim)), _full((1, h_dim)),
                  _full((1, h_dim)), _full((h_dim, h_dim)), _full((1, h_dim))],
        out_specs=_full((n, h_dim)),
        out_shape=jax.ShapeDtypeStruct((n, h_dim), jnp.float32),
    )(x, W1.T, scale[None], shift[None], W2.T, b2[None])


def _edge_mlp(xi, xj, WA, WB, bc1, W2T, bc2, blk):
    ep, h2 = xi.shape[0], WA.shape[1]
    h_dim = W2T.shape[1]
    return pl.pallas_call(
        _edge_mlp_kernel,
        grid=(ep // blk,),
        in_specs=[pl.BlockSpec((blk, xi.shape[1]), lambda i: (i, 0)),
                  pl.BlockSpec((blk, xj.shape[1]), lambda i: (i, 0)),
                  _full(WA.shape), _full(WB.shape), _full((1, h2)),
                  _full(W2T.shape), _full((1, h_dim))],
        out_specs=pl.BlockSpec((blk, h_dim), lambda i: (i, 0)),
        out_shape=jax.ShapeDtypeStruct((ep, h_dim), jnp.float32),
    )(xi, xj, WA, WB, bc1[None], W2T, bc2[None])


def _edge_score(hs, hd, WA, WB, be1, W2T, be2, blk):
    ep = hs.shape[0]
    h_dim = WA.shape[1]
    return pl.pallas_call(
        _edge_score_kernel,
        grid=(ep // blk,),
        in_specs=[pl.BlockSpec((blk, hs.shape[1]), lambda i: (i, 0)),
                  pl.BlockSpec((blk, hd.shape[1]), lambda i: (i, 0)),
                  _full(WA.shape), _full(WB.shape), _full((1, h_dim)),
                  _full(W2T.shape), _full((1, W2T.shape[1]))],
        out_specs=pl.BlockSpec((blk, W2T.shape[1]), lambda i: (i, 0)),
        out_shape=jax.ShapeDtypeStruct((ep, W2T.shape[1]), jnp.float32),
    )(hs, hd, WA, WB, be1[None], W2T, be2[None])


def _pad_to(a, size, fill):
    return jnp.concatenate([a, jnp.full((size - a.shape[0],), fill, a.dtype)])


def kernel(x, edge_index, W1, b1, bn_g, bn_b, bn_rm, bn_rv, W2, b2, Wc1, bc1, Wc2, bc2, We1, be1, We2, be2):
    n = x.shape[0]
    e_cnt = edge_index.shape[1]
    h_dim = W1.shape[0]
    nt = n + 16

    loops = jnp.arange(n, dtype=edge_index.dtype)
    ei = jnp.concatenate([edge_index, jnp.stack([loops, loops])], axis=1)
    ei2 = jnp.concatenate([ei, ei[::-1]], axis=1)
    k = ei2[0] * n + ei2[1]
    ks = jnp.sort(k)
    mask = jnp.concatenate([jnp.ones((1,), dtype=bool), ks[1:] != ks[:-1]])
    row = ks // n
    col = ks % n

    ec = ks.shape[0]
    grain = NW * ROWS_PER_TX * TX_PER_CHUNK * 2
    ec_pad = ((ec + grain - 1) // grain) * grain
    rowp = _pad_to(row, ec_pad, 0)
    colp = _pad_to(col, ec_pad, 0)
    segp = _pad_to(jnp.where(mask, row, n), ec_pad, n).reshape(
        ec_pad // ROWS_PER_TX, ROWS_PER_TX)

    h = _input_net(x, W1, b1, bn_g, bn_b, bn_rm, bn_rv, W2, b2)

    A = Wc1[:, :h_dim]
    B = Wc1[:, h_dim:]
    WA4 = _blockdiag((A - B).T, 4)
    WB4 = _blockdiag(B.T, 4)
    W2T4 = _blockdiag(Wc2.T, 4)
    bc1t = jnp.tile(bc1, 4)
    bc2t = jnp.tile(bc2, 4)

    gather2 = _make_gather2(n, h_dim, ec_pad)
    scatter_add = _make_scatter_add(nt, h_dim, ec_pad)
    zeros_nt = jnp.zeros((nt, h_dim), jnp.float32)
    blk4 = 2048

    REP = 4
    per_w = ec_pad // NW
    off_ec = ((jnp.arange(ec_pad, dtype=jnp.int32) // per_w) % REP) * n
    rowp = rowp + off_ec
    colp = colp + off_ec

    for _ in range(3):
        hrep = jnp.tile(h, (REP, 1))
        xi, xj = gather2(hrep, rowp, colp)
        xi4 = xi.reshape(ec_pad // 4, 4 * h_dim)
        xj4 = xj.reshape(ec_pad // 4, 4 * h_dim)
        m4 = _edge_mlp(xi4, xj4, WA4, WB4, bc1t, W2T4, bc2t, blk4)
        m = m4.reshape(ec_pad, h_dim)
        partials = scatter_add(m, segp, zeros_nt)
        h = partials[0, :n] + partials[1, :n]

    e_pad = ((e_cnt + grain - 1) // grain) * grain
    off_e = ((jnp.arange(e_pad, dtype=jnp.int32) // (e_pad // NW)) % REP) * n
    srcp = _pad_to(edge_index[0], e_pad, 0) + off_e
    dstp = _pad_to(edge_index[1], e_pad, 0) + off_e
    hrep = jnp.tile(h, (REP, 1))
    hs, hd = gather2(hrep, srcp, dstp) if e_pad == ec_pad else _make_gather2(n, h_dim, e_pad)(hrep, srcp, dstp)
    EA4 = _blockdiag(We1[:, :h_dim].T, 4)
    EB4 = _blockdiag(We1[:, h_dim:].T, 4)
    W2c4 = _blockdiag(We2.T, 4)
    be1t = jnp.tile(be1, 4)
    be2t = jnp.tile(be2, 4)
    hs4 = hs.reshape(e_pad // 4, 4 * h_dim)
    hd4 = hd.reshape(e_pad // 4, 4 * h_dim)
    scores4 = _edge_score(hs4, hd4, EA4, EB4, be1t, W2c4, be2t, blk4)
    return scores4.reshape(e_pad)[:e_cnt]

# --- scband reference (transcript-rebuilt; emitter-appended) ---
"""Pipeline reference for scband-graph-net-61486751809588 (READ-ONLY COPY).

The authoritative reference and input builder live on the scoring server;
editing this copy changes nothing except your own understanding.
"""

import jax, jax.numpy as jnp
import numpy as np

N = 10000
E = 320000
D_IN = 128
H = 32


def _linear(x, W, b):
    return x @ W.T + b


def _prepare_edges(edge_index, n):
    # add_self_loops then to_undirected (concat reversed edges + coalesce/dedup)
    loops = jnp.arange(n, dtype=edge_index.dtype)
    ei = jnp.concatenate([edge_index, jnp.stack([loops, loops])], axis=1)
    ei2 = jnp.concatenate([ei, ei[::-1]], axis=1)
    k = ei2[0].astype(jnp.int64) * n + ei2[1].astype(jnp.int64)
    ks = jnp.sort(k)
    mask = jnp.concatenate([jnp.ones((1,), dtype=bool), ks[1:] != ks[:-1]])
    row = (ks // n).astype(edge_index.dtype)
    col = (ks % n).astype(edge_index.dtype)
    return row, col, mask


def setup_inputs(seed: int = 0) -> dict:
    key = jax.random.key(seed)
    ks = jax.random.split(key, 24)
    s = 0.05
    return {
        "x": jax.random.normal(ks[0], (N, D_IN), dtype=jnp.float32),
        "edge_index": jax.random.randint(ks[1], (2, E), 0, N, dtype=jnp.int32),
        # inputnetwork: Linear(D_IN,H) -> BatchNorm1d(H) -> Tanh -> Dropout(eval=id) -> Linear(H,H) -> ReLU
        "W1": jax.random.normal(ks[2], (H, D_IN), dtype=jnp.float32) * s,
        "b1": jnp.zeros((H,), jnp.float32),
        "bn_g": jnp.ones((H,), jnp.float32),
        "bn_b": jnp.zeros((H,), jnp.float32),
        "bn_rm": jnp.zeros((H,), jnp.float32),
        "bn_rv": jnp.ones((H,), jnp.float32),
        "W2": jax.random.normal(ks[3], (H, H), dtype=jnp.float32) * s,
        "b2": jnp.zeros((H,), jnp.float32),
        # EdgeConv nn: Linear(2H,2H) -> ReLU -> Dropout(eval=id) -> Linear(2H,H) -> ReLU
        "Wc1": jax.random.normal(ks[4], (2 * H, 2 * H), dtype=jnp.float32) * s,
        "bc1": jnp.zeros((2 * H,), jnp.float32),
        "Wc2": jax.random.normal(ks[5], (H, 2 * H), dtype=jnp.float32) * s,
        "bc2": jnp.zeros((H,), jnp.float32),
        # edgenetwork: Linear(2H,H) -> ReLU -> Dropout(eval=id) -> Linear(H,1) -> Sigmoid
        "We1": jax.random.normal(ks[6], (H, 2 * H), dtype=jnp.float32) * s,
        "be1": jnp.zeros((H,), jnp.float32),
        "We2": jax.random.normal(ks[7], (1, H), dtype=jnp.float32) * s,
        "be2": jnp.zeros((1,), jnp.float32),
    }


def reference(x, edge_index, W1, b1, bn_g, bn_b, bn_rm, bn_rv, W2, b2, Wc1, bc1, Wc2, bc2, We1, be1, We2, be2):
    n = x.shape[0]
    row, col, emask = _prepare_edges(edge_index, n)
    # inputnetwork (eval mode: BN uses running stats, dropout is identity)
    h = _linear(x, W1, b1)
    h = (h - bn_rm) / jnp.sqrt(bn_rv + 1e-5) * bn_g + bn_b
    h = jnp.tanh(h)
    h = jax.nn.relu(_linear(h, W2, b2))
    # 3 iterations of EdgeConv with aggr='add' on undirected+self-loop graph
    for _ in range(3):
        x_i = h[col]
        x_j = h[row]
        m = jnp.concatenate([x_i, x_j - x_i], axis=-1)
        m = jax.nn.relu(_linear(m, Wc1, bc1))
        m = jax.nn.relu(_linear(m, Wc2, bc2))
        m = jnp.where(emask[:, None], m, jnp.zeros_like(m))
        h = jax.ops.segment_sum(m, col, num_segments=n)
    # edgenetwork over ORIGINAL directed edges
    src = edge_index[0]
    dst = edge_index[1]
    e = jnp.concatenate([h[src], h[dst]], axis=-1)
    e = jax.nn.relu(_linear(e, We1, be1))
    e = jax.nn.sigmoid(_linear(e, We2, be2))
    return e.squeeze(-1)

if __name__ == "__main__":
    import jax
    _d = setup_inputs()
    print(jax.jit(kernel)(*tuple(_d.values())))

</pallas_src>

<mosaic_0001>
#map = affine_map<(d0, d1) -> (0, 0)>
#map1 = affine_map<(d0, d1) -> (0)>
module attributes {stable_mosaic.version = 14 : i64} {
  func.func @gather2(%arg0: i32, %arg1: i32, %arg2: memref<40000x32xf32, #tpu.memory_space<hbm>>, %arg3: memref<688128xi32, #tpu.memory_space<hbm>>, %arg4: memref<688128xi32, #tpu.memory_space<hbm>>, %arg5: memref<688128x32xf32, #tpu.memory_space<hbm>>, %arg6: memref<688128x32xf32, #tpu.memory_space<hbm>>, %arg7: memref<512xi32, #tpu.memory_space<vmem>>, %arg8: memref<512xi32, #tpu.memory_space<vmem>>, %arg9: memref<512xi32, #tpu.memory_space<vmem>>, %arg10: memref<512xi32, #tpu.memory_space<vmem>>, %arg11: memref<512x32xf32, #tpu.memory_space<vmem>>, %arg12: memref<512x32xf32, #tpu.memory_space<vmem>>, %arg13: memref<512x32xf32, #tpu.memory_space<vmem>>, %arg14: memref<512x32xf32, #tpu.memory_space<vmem>>, %arg15: memref<!tpu.dma_semaphore, #tpu.memory_space<semaphore_mem>>, %arg16: memref<!tpu.dma_semaphore, #tpu.memory_space<semaphore_mem>>, %arg17: memref<!tpu.dma_semaphore, #tpu.memory_space<semaphore_mem>>, %arg18: memref<!tpu.dma_semaphore, #tpu.memory_space<semaphore_mem>>, %arg19: memref<!tpu.dma_semaphore, #tpu.memory_space<semaphore_mem>>, %arg20: memref<!tpu.dma_semaphore, #tpu.memory_space<semaphore_mem>>) attributes {dimension_semantics = [#tpu.dimension_semantics<core_parallel>, #tpu.dimension_semantics<subcore_parallel>], iteration_bounds = array<i64: 2, 16>, scalar_prefetch = 0 : i64, scratch_operands = 14 : i64, tpu.core_type = #tpu.core_type<sc_vector_subcore>, window_params = [{transform_indices = #map}, {transform_indices = #map1}, {transform_indices = #map1}, {transform_indices = #map}, {transform_indices = #map}]} {
    %mul3A = arith.constant 2 : i32
    %mul3A_0 = arith.muli %arg1, %mul3A : i32
    %add3A = arith.addi %mul3A_0, %arg0 : i32
    %mul3A_1 = arith.constant 21504 : i32
    %mul3A_2 = arith.muli %add3A, %mul3A_1 : i32
    %add3A_3 = arith.constant 0 : i32
    %add3A_4 = arith.addi %mul3A_2, %add3A_3 : i32
    %dma_start3A = tpu.memref_slice %arg3[%add3A_4] : memref<688128xi32, #tpu.memory_space<hbm>> -> memref<512xi32, #tpu.memory_space<hbm>>
    %dma_start3A_5 = tpu.memref_slice %arg3[%add3A_4] : memref<688128xi32, #tpu.memory_space<hbm>> -> memref<512xi32, #tpu.memory_space<hbm>>
    tpu.enqueue_dma source(%dma_start3A_5 : memref<512xi32, #tpu.memory_space<hbm>>) target(%arg7 : memref<512xi32, #tpu.memory_space<vmem>>) target_semaphore(%arg15 : memref<!tpu.dma_semaphore, #tpu.memory_space<semaphore_mem>>)
    %dma_start3A_6 = tpu.memref_slice %arg4[%add3A_4] : memref<688128xi32, #tpu.memory_space<hbm>> -> memref<512xi32, #tpu.memory_space<hbm>>
    %dma_start3A_7 = tpu.memref_slice %arg4[%add3A_4] : memref<688128xi32, #tpu.memory_space<hbm>> -> memref<512xi32, #tpu.memory_space<hbm>>
    tpu.enqueue_dma source(%dma_start3A_7 : memref<512xi32, #tpu.memory_space<hbm>>) target(%arg9 : memref<512xi32, #tpu.memory_space<vmem>>) target_semaphore(%arg15 : memref<!tpu.dma_semaphore, #tpu.memory_space<semaphore_mem>>)
    %scan3A = arith.constant 0 : i32
    %scan3A_8 = arith.constant 21 : i32
    %scan3A_9 = arith.addi %scan3A, %scan3A_8 : i32
    %scan3A_10 = arith.constant 1 : i32
    scf.for %scan3A_47 = %scan3A to %scan3A_9 step %scan3A_10  : i32 {
      %mul3A_48 = arith.constant 2 : i32
      %mul3A_49 = arith.muli %scan3A_47, %mul3A_48 : i32
      %add3A_50 = arith.constant 0 : i32
      %add3A_51 = arith.addi %add3A_50, %mul3A_49 : i32
      %add3A_52 = arith.constant 0 : i32
      %add3A_53 = arith.addi %add3A_51, %add3A_52 : i32
      %mul3A_54 = arith.constant 512 : i32
      %mul3A_55 = arith.muli %add3A_53, %mul3A_54 : i32
      %add3A_56 = arith.addi %mul3A_2, %mul3A_55 : i32
      %dma_wait3A_57 = tpu.memref_slice %arg3[%add3A_56] : memref<688128xi32, #tpu.memory_space<hbm>> -> memref<512xi32, #tpu.memory_space<hbm>>
      %dma_wait3A_58 = tpu.memref_slice %arg3[%add3A_56] : memref<688128xi32, #tpu.memory_space<hbm>> -> memref<512xi32, #tpu.memory_space<hbm>>
      tpu.wait_dma2 semaphore(%arg15 : memref<!tpu.dma_semaphore, #tpu.memory_space<semaphore_mem>>) src(%dma_wait3A_58 : memref<512xi32, #tpu.memory_space<hbm>>) dst(%arg7 : memref<512xi32, #tpu.memory_space<vmem>>)
      %dma_wait3A_59 = tpu.memref_slice %arg4[%add3A_56] : memref<688128xi32, #tpu.memory_space<hbm>> -> memref<512xi32, #tpu.memory_space<hbm>>
      %dma_wait3A_60 = tpu.memref_slice %arg4[%add3A_56] : memref<688128xi32, #tpu.memory_space<hbm>> -> memref<512xi32, #tpu.memory_space<hbm>>
      tpu.wait_dma2 semaphore(%arg15 : memref<!tpu.dma_semaphore, #tpu.memory_space<semaphore_mem>>) src(%dma_wait3A_60 : memref<512xi32, #tpu.memory_space<hbm>>) dst(%arg9 : memref<512xi32, #tpu.memory_space<vmem>>)
      %ge3A = arith.constant 2 : i32
      %ge3A_61 = arith.cmpi sge, %add3A_53, %ge3A : i32
      %convert_element_type3A = arith.extui %ge3A_61 : i1 to i32
      %cond3A = arith.constant 0 : i32
      %cond3A_62 = arith.cmpi ne, %convert_element_type3A, %cond3A : i32
      scf.if %cond3A_62 {
        %mul3A_112 = arith.constant 512 : i32
        %mul3A_113 = arith.muli %add3A_53, %mul3A_112 : i32
        %add3A_114 = arith.addi %mul3A_2, %mul3A_113 : i32
        %dma_wait3A_115 = arith.constant 0 : i32
        %dma_wait3A_116 = tpu.memref_slice %arg5[%add3A_114, %dma_wait3A_115] : memref<688128x32xf32, #tpu.memory_space<hbm>> -> memref<512x32xf32, #tpu.memory_space<hbm>>
        %dma_wait3A_117 = arith.constant 0 : i32
        %dma_wait3A_118 = tpu.memref_slice %arg5[%add3A_114, %dma_wait3A_117] : memref<688128x32xf32, #tpu.memory_space<hbm>> -> memref<512x32xf32, #tpu.memory_space<hbm>>
        tpu.wait_dma2 semaphore(%arg19 : memref<!tpu.dma_semaphore, #tpu.memory_space<semaphore_mem>>) src(%arg11 : memref<512x32xf32, #tpu.memory_space<vmem>>) dst(%dma_wait3A_118 : memref<512x32xf32, #tpu.memory_space<hbm>>)
        %dma_wait3A_119 = arith.constant 0 : i32
        %dma_wait3A_120 = tpu.memref_slice %arg6[%add3A_114, %dma_wait3A_119] : memref<688128x32xf32, #tpu.memory_space<hbm>> -> memref<512x32xf32, #tpu.memory_space<hbm>>
        %dma_wait3A_121 = arith.constant 0 : i32
        %dma_wait3A_122 = tpu.memref_slice %arg6[%add3A_114, %dma_wait3A_121] : memref<688128x32xf32, #tpu.memory_space<hbm>> -> memref<512x32xf32, #tpu.memory_space<hbm>>
        tpu.wait_dma2 semaphore(%arg19 : memref<!tpu.dma_semaphore, #tpu.memory_space<semaphore_mem>>) src(%arg13 : memref<512x32xf32, #tpu.memory_space<vmem>>) dst(%dma_wait3A_122 : memref<512x32xf32, #tpu.memory_space<hbm>>)
      } else {
      }
      %dma_start3A_63 = arith.constant 0 : i32
      %dma_start3A_64 = arith.constant 0 : i32
      %dma_start3A_65 = tpu.memref_slice %arg2[%dma_start3A_63, %dma_start3A_64] : memref<40000x32xf32, #tpu.memory_space<hbm>> -> memref<40000x32xf32, #tpu.memory_space<hbm>>
      tpu.enqueue_indirect_dma source(%dma_start3A_65 : memref<40000x32xf32, #tpu.memory_space<hbm>>) target(%arg11 : memref<512x32xf32, #tpu.memory_space<vmem>>) offsets(%arg7 : memref<512xi32, #tpu.memory_space<vmem>>) semaphore(%arg17 : memref<!tpu.dma_semaphore, #tpu.memory_space<semaphore_mem>>)
      %dma_start3A_66 = arith.constant 0 : i32
      %dma_start3A_67 = arith.constant 0 : i32
      %dma_start3A_68 = tpu.memref_slice %arg2[%dma_start3A_66, %dma_start3A_67] : memref<40000x32xf32, #tpu.memory_space<hbm>> -> memref<40000x32xf32, #tpu.memory_space<hbm>>
      tpu.enqueue_indirect_dma source(%dma_start3A_68 : memref<40000x32xf32, #tpu.memory_space<hbm>>) target(%arg13 : memref<512x32xf32, #tpu.memory_space<vmem>>) offsets(%arg9 : memref<512xi32, #tpu.memory_space<vmem>>) semaphore(%arg17 : memref<!tpu.dma_semaphore, #tpu.memory_space<semaphore_mem>>)
      %ge3A_69 = arith.constant 1 : i32
      %ge3A_70 = arith.cmpi sge, %add3A_53, %ge3A_69 : i32
      %convert_element_type3A_71 = arith.extui %ge3A_70 : i1 to i32
      %cond3A_72 = arith.constant 0 : i32
      %cond3A_73 = arith.cmpi ne, %convert_element_type3A_71, %cond3A_72 : i32
      scf.if %cond3A_73 {
        %dma_wait3A_112 = arith.constant 0 : i32
        %dma_wait3A_113 = arith.constant 0 : i32
        %dma_wait3A_114 = tpu.memref_slice %arg2[%dma_wait3A_112, %dma_wait3A_113] : memref<40000x32xf32, #tpu.memory_space<hbm>> -> memref<40000x32xf32, #tpu.memory_space<hbm>>
        tpu.wait_indirect_dma semaphore(%arg18 : memref<!tpu.dma_semaphore, #tpu.memory_space<semaphore_mem>>) src(%dma_wait3A_114 : memref<40000x32xf32, #tpu.memory_space<hbm>>) dst(%arg12 : memref<512x32xf32, #tpu.memory_space<vmem>>)
        %dma_wait3A_115 = arith.constant 0 : i32
        %dma_wait3A_116 = arith.constant 0 : i32
        %dma_wait3A_117 = tpu.memref_slice %arg2[%dma_wait3A_115, %dma_wait3A_116] : memref<40000x32xf32, #tpu.memory_space<hbm>> -> memref<40000x32xf32, #tpu.memory_space<hbm>>
        tpu.wait_indirect_dma semaphore(%arg18 : memref<!tpu.dma_semaphore, #tpu.memory_space<semaphore_mem>>) src(%dma_wait3A_117 : memref<40000x32xf32, #tpu.memory_space<hbm>>) dst(%arg14 : memref<512x32xf32, #tpu.memory_space<vmem>>)
        %sub3A = arith.constant 1 : i32
        %sub3A_118 = arith.subi %add3A_53, %sub3A : i32
        %mul3A_119 = arith.constant 512 : i32
        %mul3A_120 = arith.muli %sub3A_118, %mul3A_119 : i32
        %add3A_121 = arith.addi %mul3A_2, %mul3A_120 : i32
        %dma_start3A_122 = arith.constant 0 : i32
        %dma_start3A_123 = tpu.memref_slice %arg5[%add3A_121, %dma_start3A_122] : memref<688128x32xf32, #tpu.memory_space<hbm>> -> memref<512x32xf32, #tpu.memory_space<hbm>>
        %dma_start3A_124 = arith.constant 0 : i32
        %dma_start3A_125 = tpu.memref_slice %arg5[%add3A_121, %dma_start3A_124] : memref<688128x32xf32, #tpu.memory_space<hbm>> -> memref<512x32xf32, #tpu.memory_space<hbm>>
        tpu.enqueue_dma source(%arg12 : memref<512x32xf32, #tpu.memory_space<vmem>>) target(%dma_start3A_125 : memref<512x32xf32, #tpu.memory_space<hbm>>) target_semaphore(%arg20 : memref<!tpu.dma_semaphore, #tpu.memory_space<semaphore_mem>>)
        %dma_start3A_126 = arith.constant 0 : i32
        %dma_start3A_127 = tpu.memref_slice %arg6[%add3A_121, %dma_start3A_126] : memref<688128x32xf32, #tpu.memory_space<hbm>> -> memref<512x32xf32, #tpu.memory_space<hbm>>
        %dma_start3A_128 = arith.constant 0 : i32
        %dma_start3A_129 = tpu.memref_slice %arg6[%add3A_121, %dma_start3A_128] : memref<688128x32xf32, #tpu.memory_space<hbm>> -> memref<512x32xf32, #tpu.memory_space<hbm>>
        tpu.enqueue_dma source(%arg14 : memref<512x32xf32, #tpu.memory_space<vmem>>) target(%dma_start3A_129 : memref<512x32xf32, #tpu.memory_space<hbm>>) target_semaphore(%arg20 : memref<!tpu.dma_semaphore, #tpu.memory_space<semaphore_mem>>)
      } else {
      }
      %add3A_74 = arith.constant 1 : i32
      %add3A_75 = arith.addi %add3A_53, %add3A_74 : i32
      %lt3A = arith.constant 42 : i32
      %lt3A_76 = arith.cmpi slt, %add3A_75, %lt3A : i32
      %convert_element_type3A_77 = arith.extui %lt3A_76 : i1 to i32
      %cond3A_78 = arith.constant 0 : i32
      %cond3A_79 = arith.cmpi ne, %convert_element_type3A_77, %cond3A_78 : i32
      scf.if %cond3A_79 {
        %add3A_112 = arith.constant 1 : i32
        %add3A_113 = arith.addi %add3A_53, %add3A_112 : i32
        %mul3A_114 = arith.constant 512 : i32
        %mul3A_115 = arith.muli %add3A_113, %mul3A_114 : i32
        %add3A_116 = arith.addi %mul3A_2, %mul3A_115 : i32
        %dma_start3A_117 = tpu.memref_slice %arg3[%add3A_116] : memref<688128xi32, #tpu.memory_space<hbm>> -> memref<512xi32, #tpu.memory_space<hbm>>
        %dma_start3A_118 = tpu.memref_slice %arg3[%add3A_116] : memref<688128xi32, #tpu.memory_space<hbm>> -> memref<512xi32, #tpu.memory_space<hbm>>
        tpu.enqueue_dma source(%dma_start3A_118 : memref<512xi32, #tpu.memory_space<hbm>>) target(%arg8 : memref<512xi32, #tpu.memory_space<vmem>>) target_semaphore(%arg16 : memref<!tpu.dma_semaphore, #tpu.memory_space<semaphore_mem>>)
        %dma_start3A_119 = tpu.memref_slice %arg4[%add3A_116] : memref<688128xi32, #tpu.memory_space<hbm>> -> memref<512xi32, #tpu.memory_space<hbm>>
        %dma_start3A_120 = tpu.memref_slice %arg4[%add3A_116] : memref<688128xi32, #tpu.memory_space<hbm>> -> memref<512xi32, #tpu.memory_space<hbm>>
        tpu.enqueue_dma source(%dma_start3A_120 : memref<512xi32, #tpu.memory_space<hbm>>) target(%arg10 : memref<512xi32, #tpu.memory_space<vmem>>) target_semaphore(%arg16 : memref<!tpu.dma_semaphore, #tpu.memory_space<semaphore_mem>>)
      } else {
      }
      %add3A_80 = arith.constant 1 : i32
      %add3A_81 = arith.addi %add3A_51, %add3A_80 : i32
      %mul3A_82 = arith.constant 512 : i32
      %mul3A_83 = arith.muli %add3A_81, %mul3A_82 : i32
      %add3A_84 = arith.addi %mul3A_2, %mul3A_83 : i32
      %dma_wait3A_85 = tpu.memref_slice %arg3[%add3A_84] : memref<688128xi32, #tpu.memory_space<hbm>> -> memref<512xi32, #tpu.memory_space<hbm>>
      %dma_wait3A_86 = tpu.memref_slice %arg3[%add3A_84] : memref<688128xi32, #tpu.memory_space<hbm>> -> memref<512xi32, #tpu.memory_space<hbm>>
      tpu.wait_dma2 semaphore(%arg16 : memref<!tpu.dma_semaphore, #tpu.memory_space<semaphore_mem>>) src(%dma_wait3A_86 : memref<512xi32, #tpu.memory_space<hbm>>) dst(%arg8 : memref<512xi32, #tpu.memory_space<vmem>>)
      %dma_wait3A_87 = tpu.memref_slice %arg4[%add3A_84] : memref<688128xi32, #tpu.memory_space<hbm>> -> memref<512xi32, #tpu.memory_space<hbm>>
      %dma_wait3A_88 = tpu.memref_slice %arg4[%add3A_84] : memref<688128xi32, #tpu.memory_space<hbm>> -> memref<512xi32, #tpu.memory_space<hbm>>
      tpu.wait_dma2 semaphore(%arg16 : memref<!tpu.dma_semaphore, #tpu.memory_space<semaphore_mem>>) src(%dma_wait3A_88 : memref<512xi32, #tpu.memory_space<hbm>>) dst(%arg10 : memref<512xi32, #tpu.memory_space<vmem>>)
      %ge3A_89 = arith.constant 2 : i32
      %ge3A_90 = arith.cmpi sge, %add3A_81, %ge3A_89 : i32
      %convert_element_type3A_91 = arith.extui %ge3A_90 : i1 to i32
      %cond3A_92 = arith.constant 0 : i32
      %cond3A_93 = arith.cmpi ne, %convert_element_type3A_91, %cond3A_92 : i32
      scf.if %cond3A_93 {
        %mul3A_112 = arith.constant 512 : i32
        %mul3A_113 = arith.muli %add3A_81, %mul3A_112 : i32
        %add3A_114 = arith.addi %mul3A_2, %mul3A_113 : i32
        %dma_wait3A_115 = arith.constant 0 : i32
        %dma_wait3A_116 = tpu.memref_slice %arg5[%add3A_114, %dma_wait3A_115] : memref<688128x32xf32, #tpu.memory_space<hbm>> -> memref<512x32xf32, #tpu.memory_space<hbm>>
        %dma_wait3A_117 = arith.constant 0 : i32
        %dma_wait3A_118 = tpu.memref_slice %arg5[%add3A_114, %dma_wait3A_117] : memref<688128x32xf32, #tpu.memory_space<hbm>> -> memref<512x32xf32, #tpu.memory_space<hbm>>
        tpu.wait_dma2 semaphore(%arg20 : memref<!tpu.dma_semaphore, #tpu.memory_space<semaphore_mem>>) src(%arg12 : memref<512x32xf32, #tpu.memory_space<vmem>>) dst(%dma_wait3A_118 : memref<512x32xf32, #tpu.memory_space<hbm>>)
        %dma_wait3A_119 = arith.constant 0 : i32
        %dma_wait3A_120 = tpu.memref_slice %arg6[%add3A_114, %dma_wait3A_119] : memref<688128x32xf32, #tpu.memory_space<hbm>> -> memref<512x32xf32, #tpu.memory_space<hbm>>
        %dma_wait3A_121 = arith.constant 0 : i32
        %dma_wait3A_122 = tpu.memref_slice %arg6[%add3A_114, %dma_wait3A_121] : memref<688128x32xf32, #tpu.memory_space<hbm>> -> memref<512x32xf32, #tpu.memory_space<hbm>>
        tpu.wait_dma2 semaphore(%arg20 : memref<!tpu.dma_semaphore, #tpu.memory_space<semaphore_mem>>) src(%arg14 : memref<512x32xf32, #tpu.memory_space<vmem>>) dst(%dma_wait3A_122 : memref<512x32xf32, #tpu.memory_space<hbm>>)
      } else {
      }
      %dma_start3A_94 = arith.constant 0 : i32
      %dma_start3A_95 = arith.constant 0 : i32
      %dma_start3A_96 = tpu.memref_slice %arg2[%dma_start3A_94, %dma_start3A_95] : memref<40000x32xf32, #tpu.memory_space<hbm>> -> memref<40000x32xf32, #tpu.memory_space<hbm>>
      tpu.enqueue_indirect_dma source(%dma_start3A_96 : memref<40000x32xf32, #tpu.memory_space<hbm>>) target(%arg12 : memref<512x32xf32, #tpu.memory_space<vmem>>) offsets(%arg8 : memref<512xi32, #tpu.memory_space<vmem>>) semaphore(%arg18 : memref<!tpu.dma_semaphore, #tpu.memory_space<semaphore_mem>>)
      %dma_start3A_97 = arith.constant 0 : i32
      %dma_start3A_98 = arith.constant 0 : i32
      %dma_start3A_99 = tpu.memref_slice %arg2[%dma_start3A_97, %dma_start3A_98] : memref<40000x32xf32, #tpu.memory_space<hbm>> -> memref<40000x32xf32, #tpu.memory_space<hbm>>
      tpu.enqueue_indirect_dma source(%dma_start3A_99 : memref<40000x32xf32, #tpu.memory_space<hbm>>) target(%arg14 : memref<512x32xf32, #tpu.memory_space<vmem>>) offsets(%arg10 : memref<512xi32, #tpu.memory_space<vmem>>) semaphore(%arg18 : memref<!tpu.dma_semaphore, #tpu.memory_space<semaphore_mem>>)
      %ge3A_100 = arith.constant 1 : i32
      %ge3A_101 = arith.cmpi sge, %add3A_81, %ge3A_100 : i32
      %convert_element_type3A_102 = arith.extui %ge3A_101 : i1 to i32
      %cond3A_103 = arith.constant 0 : i32
      %cond3A_104 = arith.cmpi ne, %convert_element_type3A_102, %cond3A_103 : i32
      scf.if %cond3A_104 {
        %dma_wait3A_112 = arith.constant 0 : i32
        %dma_wait3A_113 = arith.constant 0 : i32
        %dma_wait3A_114 = tpu.memref_slice %arg2[%dma_wait3A_112, %dma_wait3A_113] : memref<40000x32xf32, #tpu.memory_space<hbm>> -> memref<40000x32xf32, #tpu.memory_space<hbm>>
        tpu.wait_indirect_dma semaphore(%arg17 : memref<!tpu.dma_semaphore, #tpu.memory_space<semaphore_mem>>) src(%dma_wait3A_114 : memref<40000x32xf32, #tpu.memory_space<hbm>>) dst(%arg11 : memref<512x32xf32, #tpu.memory_space<vmem>>)
        %dma_wait3A_115 = arith.constant 0 : i32
        %dma_wait3A_116 = arith.constant 0 : i32
        %dma_wait3A_117 = tpu.memref_slice %arg2[%dma_wait3A_115, %dma_wait3A_116] : memref<40000x32xf32, #tpu.memory_space<hbm>> -> memref<40000x32xf32, #tpu.memory_space<hbm>>
        tpu.wait_indirect_dma semaphore(%arg17 : memref<!tpu.dma_semaphore, #tpu.memory_space<semaphore_mem>>) src(%dma_wait3A_117 : memref<40000x32xf32, #tpu.memory_space<hbm>>) dst(%arg13 : memref<512x32xf32, #tpu.memory_space<vmem>>)
        %sub3A = arith.constant 1 : i32
        %sub3A_118 = arith.subi %add3A_81, %sub3A : i32
        %mul3A_119 = arith.constant 512 : i32
        %mul3A_120 = arith.muli %sub3A_118, %mul3A_119 : i32
        %add3A_121 = arith.addi %mul3A_2, %mul3A_120 : i32
        %dma_start3A_122 = arith.constant 0 : i32
        %dma_start3A_123 = tpu.memref_slice %arg5[%add3A_121, %dma_start3A_122] : memref<688128x32xf32, #tpu.memory_space<hbm>> -> memref<512x32xf32, #tpu.memory_space<hbm>>
        %dma_start3A_124 = arith.constant 0 : i32
        %dma_start3A_125 = tpu.memref_slice %arg5[%add3A_121, %dma_start3A_124] : memref<688128x32xf32, #tpu.memory_space<hbm>> -> memref<512x32xf32, #tpu.memory_space<hbm>>
        tpu.enqueue_dma source(%arg11 : memref<512x32xf32, #tpu.memory_space<vmem>>) target(%dma_start3A_125 : memref<512x32xf32, #tpu.memory_space<hbm>>) target_semaphore(%arg19 : memref<!tpu.dma_semaphore, #tpu.memory_space<semaphore_mem>>)
        %dma_start3A_126 = arith.constant 0 : i32
        %dma_start3A_127 = tpu.memref_slice %arg6[%add3A_121, %dma_start3A_126] : memref<688128x32xf32, #tpu.memory_space<hbm>> -> memref<512x32xf32, #tpu.memory_space<hbm>>
        %dma_start3A_128 = arith.constant 0 : i32
        %dma_start3A_129 = tpu.memref_slice %arg6[%add3A_121, %dma_start3A_128] : memref<688128x32xf32, #tpu.memory_space<hbm>> -> memref<512x32xf32, #tpu.memory_space<hbm>>
        tpu.enqueue_dma source(%arg13 : memref<512x32xf32, #tpu.memory_space<vmem>>) target(%dma_start3A_129 : memref<512x32xf32, #tpu.memory_space<hbm>>) target_semaphore(%arg19 : memref<!tpu.dma_semaphore, #tpu.memory_space<semaphore_mem>>)
      } else {
      }
      %add3A_105 = arith.constant 1 : i32
      %add3A_106 = arith.addi %add3A_81, %add3A_105 : i32
      %lt3A_107 = arith.constant 42 : i32
      %lt3A_108 = arith.cmpi slt, %add3A_106, %lt3A_107 : i32
      %convert_element_type3A_109 = arith.extui %lt3A_108 : i1 to i32
      %cond3A_110 = arith.constant 0 : i32
      %cond3A_111 = arith.cmpi ne, %convert_element_type3A_109, %cond3A_110 : i32
      scf.if %cond3A_111 {
        %add3A_112 = arith.constant 1 : i32
        %add3A_113 = arith.addi %add3A_81, %add3A_112 : i32
        %mul3A_114 = arith.constant 512 : i32
        %mul3A_115 = arith.muli %add3A_113, %mul3A_114 : i32
        %add3A_116 = arith.addi %mul3A_2, %mul3A_115 : i32
        %dma_start3A_117 = tpu.memref_slice %arg3[%add3A_116] : memref<688128xi32, #tpu.memory_space<hbm>> -> memref<512xi32, #tpu.memory_space<hbm>>
        %dma_start3A_118 = tpu.memref_slice %arg3[%add3A_116] : memref<688128xi32, #tpu.memory_space<hbm>> -> memref<512xi32, #tpu.memory_space<hbm>>
        tpu.enqueue_dma source(%dma_start3A_118 : memref<512xi32, #tpu.memory_space<hbm>>) target(%arg7 : memref<512xi32, #tpu.memory_space<vmem>>) target_semaphore(%arg15 : memref<!tpu.dma_semaphore, #tpu.memory_space<semaphore_mem>>)
        %dma_start3A_119 = tpu.memref_slice %arg4[%add3A_116] : memref<688128xi32, #tpu.memory_space<hbm>> -> memref<512xi32, #tpu.memory_space<hbm>>
        %dma_start3A_120 = tpu.memref_slice %arg4[%add3A_116] : memref<688128xi32, #tpu.memory_space<hbm>> -> memref<512xi32, #tpu.memory_space<hbm>>
        tpu.enqueue_dma source(%dma_start3A_120 : memref<512xi32, #tpu.memory_space<hbm>>) target(%arg9 : memref<512xi32, #tpu.memory_space<vmem>>) target_semaphore(%arg15 : memref<!tpu.dma_semaphore, #tpu.memory_space<semaphore_mem>>)
      } else {
      }
    }
    %scan3A_11 = arith.constant 21 : i32
    %dma_wait3A = arith.constant 0 : i32
    %dma_wait3A_12 = arith.constant 0 : i32
    %dma_wait3A_13 = tpu.memref_slice %arg2[%dma_wait3A, %dma_wait3A_12] : memref<40000x32xf32, #tpu.memory_space<hbm>> -> memref<40000x32xf32, #tpu.memory_space<hbm>>
    tpu.wait_indirect_dma semaphore(%arg18 : memref<!tpu.dma_semaphore, #tpu.memory_space<semaphore_mem>>) src(%dma_wait3A_13 : memref<40000x32xf32, #tpu.memory_space<hbm>>) dst(%arg12 : memref<512x32xf32, #tpu.memory_space<vmem>>)
    %dma_wait3A_14 = arith.constant 0 : i32
    %dma_wait3A_15 = arith.constant 0 : i32
    %dma_wait3A_16 = tpu.memref_slice %arg2[%dma_wait3A_14, %dma_wait3A_15] : memref<40000x32xf32, #tpu.memory_space<hbm>> -> memref<40000x32xf32, #tpu.memory_space<hbm>>
    tpu.wait_indirect_dma semaphore(%arg18 : memref<!tpu.dma_semaphore, #tpu.memory_space<semaphore_mem>>) src(%dma_wait3A_16 : memref<40000x32xf32, #tpu.memory_space<hbm>>) dst(%arg14 : memref<512x32xf32, #tpu.memory_space<vmem>>)
    %add3A_17 = arith.constant 20992 : i32
    %add3A_18 = arith.addi %mul3A_2, %add3A_17 : i32
    %dma_start3A_19 = arith.constant 0 : i32
    %dma_start3A_20 = tpu.memref_slice %arg5[%add3A_18, %dma_start3A_19] : memref<688128x32xf32, #tpu.memory_space<hbm>> -> memref<512x32xf32, #tpu.memory_space<hbm>>
    %dma_start3A_21 = arith.constant 0 : i32
    %dma_start3A_22 = tpu.memref_slice %arg5[%add3A_18, %dma_start3A_21] : memref<688128x32xf32, #tpu.memory_space<hbm>> -> memref<512x32xf32, #tpu.memory_space<hbm>>
    tpu.enqueue_dma source(%arg12 : memref<512x32xf32, #tpu.memory_space<vmem>>) target(%dma_start3A_22 : memref<512x32xf32, #tpu.memory_space<hbm>>) target_semaphore(%arg20 : memref<!tpu.dma_semaphore, #tpu.memory_space<semaphore_mem>>)
    %dma_start3A_23 = arith.constant 0 : i32
    %dma_start3A_24 = tpu.memref_slice %arg6[%add3A_18, %dma_start3A_23] : memref<688128x32xf32, #tpu.memory_space<hbm>> -> memref<512x32xf32, #tpu.memory_space<hbm>>
    %dma_start3A_25 = arith.constant 0 : i32
    %dma_start3A_26 = tpu.memref_slice %arg6[%add3A_18, %dma_start3A_25] : memref<688128x32xf32, #tpu.memory_space<hbm>> -> memref<512x32xf32, #tpu.memory_space<hbm>>
    tpu.enqueue_dma source(%arg14 : memref<512x32xf32, #tpu.memory_space<vmem>>) target(%dma_start3A_26 : memref<512x32xf32, #tpu.memory_space<hbm>>) target_semaphore(%arg20 : memref<!tpu.dma_semaphore, #tpu.memory_space<semaphore_mem>>)
    %add3A_27 = arith.constant 20480 : i32
    %add3A_28 = arith.addi %mul3A_2, %add3A_27 : i32
    %dma_wait3A_29 = arith.constant 0 : i32
    %dma_wait3A_30 = tpu.memref_slice %arg5[%add3A_28, %dma_wait3A_29] : memref<688128x32xf32, #tpu.memory_space<hbm>> -> memref<512x32xf32, #tpu.memory_space<hbm>>
    %dma_wait3A_31 = arith.constant 0 : i32
    %dma_wait3A_32 = tpu.memref_slice %arg5[%add3A_28, %dma_wait3A_31] : memref<688128x32xf32, #tpu.memory_space<hbm>> -> memref<512x32xf32, #tpu.memory_space<hbm>>
    tpu.wait_dma2 semaphore(%arg19 : memref<!tpu.dma_semaphore, #tpu.memory_space<semaphore_mem>>) src(%arg11 : memref<512x32xf32, #tpu.memory_space<vmem>>) dst(%dma_wait3A_32 : memref<512x32xf32, #tpu.memory_space<hbm>>)
    %dma_wait3A_33 = arith.constant 0 : i32
    %dma_wait3A_34 = tpu.memref_slice %arg6[%add3A_28, %dma_wait3A_33] : memref<688128x32xf32, #tpu.memory_space<hbm>> -> memref<512x32xf32, #tpu.memory_space<hbm>>
    %dma_wait3A_35 = arith.constant 0 : i32
    %dma_wait3A_36 = tpu.memref_slice %arg6[%add3A_28, %dma_wait3A_35] : memref<688128x32xf32, #tpu.memory_space<hbm>> -> memref<512x32xf32, #tpu.memory_space<hbm>>
    tpu.wait_dma2 semaphore(%arg19 : memref<!tpu.dma_semaphore, #tpu.memory_space<semaphore_mem>>) src(%arg13 : memref<512x32xf32, #tpu.memory_space<vmem>>) dst(%dma_wait3A_36 : memref<512x32xf32, #tpu.memory_space<hbm>>)
    %add3A_37 = arith.constant 20992 : i32
    %add3A_38 = arith.addi %mul3A_2, %add3A_37 : i32
    %dma_wait3A_39 = arith.constant 0 : i32
    %dma_wait3A_40 = tpu.memref_slice %arg5[%add3A_38, %dma_wait3A_39] : memref<688128x32xf32, #tpu.memory_space<hbm>> -> memref<512x32xf32, #tpu.memory_space<hbm>>
    %dma_wait3A_41 = arith.constant 0 : i32
    %dma_wait3A_42 = tpu.memref_slice %arg5[%add3A_38, %dma_wait3A_41] : memref<688128x32xf32, #tpu.memory_space<hbm>> -> memref<512x32xf32, #tpu.memory_space<hbm>>
    tpu.wait_dma2 semaphore(%arg20 : memref<!tpu.dma_semaphore, #tpu.memory_space<semaphore_mem>>) src(%arg12 : memref<512x32xf32, #tpu.memory_space<vmem>>) dst(%dma_wait3A_42 : memref<512x32xf32, #tpu.memory_space<hbm>>)
    %dma_wait3A_43 = arith.constant 0 : i32
    %dma_wait3A_44 = tpu.memref_slice %arg6[%add3A_38, %dma_wait3A_43] : memref<688128x32xf32, #tpu.memory_space<hbm>> -> memref<512x32xf32, #tpu.memory_space<hbm>>
    %dma_wait3A_45 = arith.constant 0 : i32
    %dma_wait3A_46 = tpu.memref_slice %arg6[%add3A_38, %dma_wait3A_45] : memref<688128x32xf32, #tpu.memory_space<hbm>> -> memref<512x32xf32, #tpu.memory_space<hbm>>
    tpu.wait_dma2 semaphore(%arg20 : memref<!tpu.dma_semaphore, #tpu.memory_space<semaphore_mem>>) src(%arg14 : memref<512x32xf32, #tpu.memory_space<vmem>>) dst(%dma_wait3A_46 : memref<512x32xf32, #tpu.memory_space<hbm>>)
    return
  }
}

#map = affine_map<(d0, d1) -> (0, 0)>
#map1 = affine_map<(d0, d1) -> (0, 0, 0)>
module attributes {stable_mosaic.version = 14 : i64} {
  func.func @scatter_add(%arg0: i32, %arg1: i32, %arg2: memref<688128x32xf32, #tpu.memory_space<hbm>>, %arg3: memref<5376x128xi32, #tpu.memory_space<hbm>>, %arg4: memref<10016x32xf32, #tpu.memory_space<hbm>>, %arg5: memref<2x10016x32xf32, #tpu.memory_space<hbm>>, %arg6: memref<4x128xi32, #tpu.memory_space<vmem>>, %arg7: memref<512x32xf32, #tpu.memory_space<vmem>>, %arg8: memref<10016x32xf32, #tpu.memory_space<vmem_shared>>) attributes {dimension_semantics = [#tpu.dimension_semantics<core_parallel>, #tpu.dimension_semantics<subcore_parallel>], iteration_bounds = array<i64: 2, 16>, scalar_prefetch = 0 : i64, scratch_operands = 3 : i64, tpu.core_type = #tpu.core_type<sc_vector_subcore>, window_params = [{transform_indices = #map}, {transform_indices = #map}, {transform_indices = #map}, {transform_indices = #map1}]} {
    %mul3A = arith.constant 2 : i32
    %mul3A_0 = arith.muli %arg1, %mul3A : i32
    %add3A = arith.addi %mul3A_0, %arg0 : i32
    %mul3A_1 = arith.constant 168 : i32
    %mul3A_2 = arith.muli %add3A, %mul3A_1 : i32
    %eq3A = arith.constant 0 : i32
    %eq3A_3 = arith.cmpi eq, %arg1, %eq3A : i32
    %convert_element_type3A = arith.extui %eq3A_3 : i1 to i32
    %cond3A = arith.constant 0 : i32
    %cond3A_4 = arith.cmpi ne, %convert_element_type3A, %cond3A : i32
    scf.if %cond3A_4 {
      "tpu.region"() ({
        %run_scoped3A = tpu.sem_alloc : memref<!tpu.dma_semaphore, #tpu.memory_space<semaphore_mem>>
        tpu.enqueue_dma source(%arg4 : memref<10016x32xf32, #tpu.memory_space<hbm>>) target(%arg8 : memref<10016x32xf32, #tpu.memory_space<vmem_shared>>) target_semaphore(%run_scoped3A : memref<!tpu.dma_semaphore, #tpu.memory_space<semaphore_mem>>)
        tpu.wait_dma2 semaphore(%run_scoped3A : memref<!tpu.dma_semaphore, #tpu.memory_space<semaphore_mem>>) src(%arg4 : memref<10016x32xf32, #tpu.memory_space<hbm>>) dst(%arg8 : memref<10016x32xf32, #tpu.memory_space<vmem_shared>>)
        tpu.yield
      }) : () -> ()
    } else {
    }
    %barrier3A = arith.constant 0 : index
    tpu.barrier barrier_id(%barrier3A)
    %scan3A = arith.constant 0 : i32
    %scan3A_5 = arith.constant 42 : i32
    %scan3A_6 = arith.addi %scan3A, %scan3A_5 : i32
    %scan3A_7 = arith.constant 1 : i32
    scf.for %scan3A_14 = %scan3A to %scan3A_6 step %scan3A_7  : i32 {
      %mul3A_15 = arith.constant 1 : i32
      %mul3A_16 = arith.muli %scan3A_14, %mul3A_15 : i32
      %add3A_17 = arith.constant 0 : i32
      %add3A_18 = arith.addi %add3A_17, %mul3A_16 : i32
      %mul3A_19 = arith.constant 4 : i32
      %mul3A_20 = arith.muli %add3A_18, %mul3A_19 : i32
      %add3A_21 = arith.addi %mul3A_2, %mul3A_20 : i32
      %mul3A_22 = arith.constant 128 : i32
      %mul3A_23 = arith.muli %add3A_21, %mul3A_22 : i32
      "tpu.region"() ({
        %run_scoped3A_27 = tpu.sem_alloc : memref<!tpu.dma_semaphore, #tpu.memory_space<semaphore_mem>>
        %dma_start3A = arith.constant 0 : i32
        %dma_start3A_28 = tpu.memref_slice %arg3[%add3A_21, %dma_start3A] : memref<5376x128xi32, #tpu.memory_space<hbm>> -> memref<4x128xi32, #tpu.memory_space<hbm>>
        %dma_start3A_29 = arith.constant 0 : i32
        %dma_start3A_30 = tpu.memref_slice %arg3[%add3A_21, %dma_start3A_29] : memref<5376x128xi32, #tpu.memory_space<hbm>> -> memref<4x128xi32, #tpu.memory_space<hbm>>
        tpu.enqueue_dma source(%dma_start3A_30 : memref<4x128xi32, #tpu.memory_space<hbm>>) target(%arg6 : memref<4x128xi32, #tpu.memory_space<vmem>>) target_semaphore(%run_scoped3A_27 : memref<!tpu.dma_semaphore, #tpu.memory_space<semaphore_mem>>)
        %dma_wait3A = arith.constant 0 : i32
        %dma_wait3A_31 = tpu.memref_slice %arg3[%add3A_21, %dma_wait3A] : memref<5376x128xi32, #tpu.memory_space<hbm>> -> memref<4x128xi32, #tpu.memory_space<hbm>>
        %dma_wait3A_32 = arith.constant 0 : i32
        %dma_wait3A_33 = tpu.memref_slice %arg3[%add3A_21, %dma_wait3A_32] : memref<5376x128xi32, #tpu.memory_space<hbm>> -> memref<4x128xi32, #tpu.memory_space<hbm>>
        tpu.wait_dma2 semaphore(%run_scoped3A_27 : memref<!tpu.dma_semaphore, #tpu.memory_space<semaphore_mem>>) src(%dma_wait3A_33 : memref<4x128xi32, #tpu.memory_space<hbm>>) dst(%arg6 : memref<4x128xi32, #tpu.memory_space<vmem>>)
        tpu.yield
      }) : () -> ()
      "tpu.region"() ({
        %run_scoped3A_27 = tpu.sem_alloc : memref<!tpu.dma_semaphore, #tpu.memory_space<semaphore_mem>>
        %dma_start3A = arith.constant 0 : i32
        %dma_start3A_28 = tpu.memref_slice %arg2[%mul3A_23, %dma_start3A] : memref<688128x32xf32, #tpu.memory_space<hbm>> -> memref<512x32xf32, #tpu.memory_space<hbm>>
        %dma_start3A_29 = arith.constant 0 : i32
        %dma_start3A_30 = tpu.memref_slice %arg2[%mul3A_23, %dma_start3A_29] : memref<688128x32xf32, #tpu.memory_space<hbm>> -> memref<512x32xf32, #tpu.memory_space<hbm>>
        tpu.enqueue_dma source(%dma_start3A_30 : memref<512x32xf32, #tpu.memory_space<hbm>>) target(%arg7 : memref<512x32xf32, #tpu.memory_space<vmem>>) target_semaphore(%run_scoped3A_27 : memref<!tpu.dma_semaphore, #tpu.memory_space<semaphore_mem>>)
        %dma_wait3A = arith.constant 0 : i32
        %dma_wait3A_31 = tpu.memref_slice %arg2[%mul3A_23, %dma_wait3A] : memref<688128x32xf32, #tpu.memory_space<hbm>> -> memref<512x32xf32, #tpu.memory_space<hbm>>
        %dma_wait3A_32 = arith.constant 0 : i32
        %dma_wait3A_33 = tpu.memref_slice %arg2[%mul3A_23, %dma_wait3A_32] : memref<688128x32xf32, #tpu.memory_space<hbm>> -> memref<512x32xf32, #tpu.memory_space<hbm>>
        tpu.wait_dma2 semaphore(%run_scoped3A_27 : memref<!tpu.dma_semaphore, #tpu.memory_space<semaphore_mem>>) src(%dma_wait3A_33 : memref<512x32xf32, #tpu.memory_space<hbm>>) dst(%arg7 : memref<512x32xf32, #tpu.memory_space<vmem>>)
        tpu.yield
      }) : () -> ()
      %run_scoped3A = arith.constant 0 : i32
      "tpu.region"() ({
        %run_scoped3A_27 = tpu.sem_alloc : memref<!tpu.dma_semaphore, #tpu.memory_space<semaphore_mem>>
        %dma_start3A = arith.constant 0 : i32
        %dma_start3A_28 = arith.constant 0 : i32
        %dma_start3A_29 = tpu.memref_slice %arg7[%dma_start3A, %dma_start3A_28] : memref<512x32xf32, #tpu.memory_space<vmem>> -> memref<128x32xf32, #tpu.memory_space<vmem>>
        %dma_start3A_30 = arith.constant 0 : i32
        %dma_start3A_31 = tpu.memref_slice %arg6[%run_scoped3A, %dma_start3A_30] : memref<4x128xi32, #tpu.memory_space<vmem>> -> memref<1x128xi32, #tpu.memory_space<vmem>>
        %dma_start3A_32 = tpu.memref_squeeze %dma_start3A_31 : memref<1x128xi32, #tpu.memory_space<vmem>> -> memref<128xi32, #tpu.memory_space<vmem>>
        %dma_start3A_33 = arith.constant 0 : i32
        %dma_start3A_34 = arith.constant 0 : i32
        %dma_start3A_35 = tpu.memref_slice %arg8[%dma_start3A_33, %dma_start3A_34] : memref<10016x32xf32, #tpu.memory_space<vmem_shared>> -> memref<10016x32xf32, #tpu.memory_space<vmem_shared>>
        tpu.enqueue_indirect_dma source(%dma_start3A_29 : memref<128x32xf32, #tpu.memory_space<vmem>>) target(%dma_start3A_35 : memref<10016x32xf32, #tpu.memory_space<vmem_shared>>) offsets(%dma_start3A_32 : memref<128xi32, #tpu.memory_space<vmem>>) semaphore(%run_scoped3A_27 : memref<!tpu.dma_semaphore, #tpu.memory_space<semaphore_mem>>) {add = true}
        %dma_wait3A = arith.constant 0 : i32
        %dma_wait3A_36 = arith.constant 0 : i32
        %dma_wait3A_37 = tpu.memref_slice %arg7[%dma_wait3A, %dma_wait3A_36] : memref<512x32xf32, #tpu.memory_space<vmem>> -> memref<128x32xf32, #tpu.memory_space<vmem>>
        %dma_wait3A_38 = arith.constant 0 : i32
        %dma_wait3A_39 = tpu.memref_slice %arg6[%run_scoped3A, %dma_wait3A_38] : memref<4x128xi32, #tpu.memory_space<vmem>> -> memref<1x128xi32, #tpu.memory_space<vmem>>
        %dma_wait3A_40 = tpu.memref_squeeze %dma_wait3A_39 : memref<1x128xi32, #tpu.memory_space<vmem>> -> memref<128xi32, #tpu.memory_space<vmem>>
        %dma_wait3A_41 = arith.constant 0 : i32
        %dma_wait3A_42 = arith.constant 0 : i32
        %dma_wait3A_43 = tpu.memref_slice %arg8[%dma_wait3A_41, %dma_wait3A_42] : memref<10016x32xf32, #tpu.memory_space<vmem_shared>> -> memref<10016x32xf32, #tpu.memory_space<vmem_shared>>
        tpu.wait_indirect_dma semaphore(%run_scoped3A_27 : memref<!tpu.dma_semaphore, #tpu.memory_space<semaphore_mem>>) src(%dma_wait3A_37 : memref<128x32xf32, #tpu.memory_space<vmem>>) dst(%dma_wait3A_43 : memref<10016x32xf32, #tpu.memory_space<vmem_shared>>)
        tpu.yield
      }) : () -> ()
      %run_scoped3A_24 = arith.constant 1 : i32
      "tpu.region"() ({
        %run_scoped3A_27 = tpu.sem_alloc : memref<!tpu.dma_semaphore, #tpu.memory_space<semaphore_mem>>
        %dma_start3A = arith.constant 128 : i32
        %dma_start3A_28 = arith.constant 0 : i32
        %dma_start3A_29 = tpu.memref_slice %arg7[%dma_start3A, %dma_start3A_28] : memref<512x32xf32, #tpu.memory_space<vmem>> -> memref<128x32xf32, #tpu.memory_space<vmem>>
        %dma_start3A_30 = arith.constant 0 : i32
        %dma_start3A_31 = tpu.memref_slice %arg6[%run_scoped3A_24, %dma_start3A_30] : memref<4x128xi32, #tpu.memory_space<vmem>> -> memref<1x128xi32, #tpu.memory_space<vmem>>
        %dma_start3A_32 = tpu.memref_squeeze %dma_start3A_31 : memref<1x128xi32, #tpu.memory_space<vmem>> -> memref<128xi32, #tpu.memory_space<vmem>>
        %dma_start3A_33 = arith.constant 0 : i32
        %dma_start3A_34 = arith.constant 0 : i32
        %dma_start3A_35 = tpu.memref_slice %arg8[%dma_start3A_33, %dma_start3A_34] : memref<10016x32xf32, #tpu.memory_space<vmem_shared>> -> memref<10016x32xf32, #tpu.memory_space<vmem_shared>>
        tpu.enqueue_indirect_dma source(%dma_start3A_29 : memref<128x32xf32, #tpu.memory_space<vmem>>) target(%dma_start3A_35 : memref<10016x32xf32, #tpu.memory_space<vmem_shared>>) offsets(%dma_start3A_32 : memref<128xi32, #tpu.memory_space<vmem>>) semaphore(%run_scoped3A_27 : memref<!tpu.dma_semaphore, #tpu.memory_space<semaphore_mem>>) {add = true}
        %dma_wait3A = arith.constant 128 : i32
        %dma_wait3A_36 = arith.constant 0 : i32
        %dma_wait3A_37 = tpu.memref_slice %arg7[%dma_wait3A, %dma_wait3A_36] : memref<512x32xf32, #tpu.memory_space<vmem>> -> memref<128x32xf32, #tpu.memory_space<vmem>>
        %dma_wait3A_38 = arith.constant 0 : i32
        %dma_wait3A_39 = tpu.memref_slice %arg6[%run_scoped3A_24, %dma_wait3A_38] : memref<4x128xi32, #tpu.memory_space<vmem>> -> memref<1x128xi32, #tpu.memory_space<vmem>>
        %dma_wait3A_40 = tpu.memref_squeeze %dma_wait3A_39 : memref<1x128xi32, #tpu.memory_space<vmem>> -> memref<128xi32, #tpu.memory_space<vmem>>
        %dma_wait3A_41 = arith.constant 0 : i32
        %dma_wait3A_42 = arith.constant 0 : i32
        %dma_wait3A_43 = tpu.memref_slice %arg8[%dma_wait3A_41, %dma_wait3A_42] : memref<10016x32xf32, #tpu.memory_space<vmem_shared>> -> memref<10016x32xf32, #tpu.memory_space<vmem_shared>>
        tpu.wait_indirect_dma semaphore(%run_scoped3A_27 : memref<!tpu.dma_semaphore, #tpu.memory_space<semaphore_mem>>) src(%dma_wait3A_37 : memref<128x32xf32, #tpu.memory_space<vmem>>) dst(%dma_wait3A_43 : memref<10016x32xf32, #tpu.memory_space<vmem_shared>>)
        tpu.yield
      }) : () -> ()
      %run_scoped3A_25 = arith.constant 2 : i32
      "tpu.region"() ({
        %run_scoped3A_27 = tpu.sem_alloc : memref<!tpu.dma_semaphore, #tpu.memory_space<semaphore_mem>>
        %dma_start3A = arith.constant 256 : i32
        %dma_start3A_28 = arith.constant 0 : i32
        %dma_start3A_29 = tpu.memref_slice %arg7[%dma_start3A, %dma_start3A_28] : memref<512x32xf32, #tpu.memory_space<vmem>> -> memref<128x32xf32, #tpu.memory_space<vmem>>
        %dma_start3A_30 = arith.constant 0 : i32
        %dma_start3A_31 = tpu.memref_slice %arg6[%run_scoped3A_25, %dma_start3A_30] : memref<4x128xi32, #tpu.memory_space<vmem>> -> memref<1x128xi32, #tpu.memory_space<vmem>>
        %dma_start3A_32 = tpu.memref_squeeze %dma_start3A_31 : memref<1x128xi32, #tpu.memory_space<vmem>> -> memref<128xi32, #tpu.memory_space<vmem>>
        %dma_start3A_33 = arith.constant 0 : i32
        %dma_start3A_34 = arith.constant 0 : i32
        %dma_start3A_35 = tpu.memref_slice %arg8[%dma_start3A_33, %dma_start3A_34] : memref<10016x32xf32, #tpu.memory_space<vmem_shared>> -> memref<10016x32xf32, #tpu.memory_space<vmem_shared>>
        tpu.enqueue_indirect_dma source(%dma_start3A_29 : memref<128x32xf32, #tpu.memory_space<vmem>>) target(%dma_start3A_35 : memref<10016x32xf32, #tpu.memory_space<vmem_shared>>) offsets(%dma_start3A_32 : memref<128xi32, #tpu.memory_space<vmem>>) semaphore(%run_scoped3A_27 : memref<!tpu.dma_semaphore, #tpu.memory_space<semaphore_mem>>) {add = true}
        %dma_wait3A = arith.constant 256 : i32
        %dma_wait3A_36 = arith.constant 0 : i32
        %dma_wait3A_37 = tpu.memref_slice %arg7[%dma_wait3A, %dma_wait3A_36] : memref<512x32xf32, #tpu.memory_space<vmem>> -> memref<128x32xf32, #tpu.memory_space<vmem>>
        %dma_wait3A_38 = arith.constant 0 : i32
        %dma_wait3A_39 = tpu.memref_slice %arg6[%run_scoped3A_25, %dma_wait3A_38] : memref<4x128xi32, #tpu.memory_space<vmem>> -> memref<1x128xi32, #tpu.memory_space<vmem>>
        %dma_wait3A_40 = tpu.memref_squeeze %dma_wait3A_39 : memref<1x128xi32, #tpu.memory_space<vmem>> -> memref<128xi32, #tpu.memory_space<vmem>>
        %dma_wait3A_41 = arith.constant 0 : i32
        %dma_wait3A_42 = arith.constant 0 : i32
        %dma_wait3A_43 = tpu.memref_slice %arg8[%dma_wait3A_41, %dma_wait3A_42] : memref<10016x32xf32, #tpu.memory_space<vmem_shared>> -> memref<10016x32xf32, #tpu.memory_space<vmem_shared>>
        tpu.wait_indirect_dma semaphore(%run_scoped3A_27 : memref<!tpu.dma_semaphore, #tpu.memory_space<semaphore_mem>>) src(%dma_wait3A_37 : memref<128x32xf32, #tpu.memory_space<vmem>>) dst(%dma_wait3A_43 : memref<10016x32xf32, #tpu.memory_space<vmem_shared>>)
        tpu.yield
      }) : () -> ()
      %run_scoped3A_26 = arith.constant 3 : i32
      "tpu.region"() ({
        %run_scoped3A_27 = tpu.sem_alloc : memref<!tpu.dma_semaphore, #tpu.memory_space<semaphore_mem>>
        %dma_start3A = arith.constant 384 : i32
        %dma_start3A_28 = arith.constant 0 : i32
        %dma_start3A_29 = tpu.memref_slice %arg7[%dma_start3A, %dma_start3A_28] : memref<512x32xf32, #tpu.memory_space<vmem>> -> memref<128x32xf32, #tpu.memory_space<vmem>>
        %dma_start3A_30 = arith.constant 0 : i32
        %dma_start3A_31 = tpu.memref_slice %arg6[%run_scoped3A_26, %dma_start3A_30] : memref<4x128xi32, #tpu.memory_space<vmem>> -> memref<1x128xi32, #tpu.memory_space<vmem>>
        %dma_start3A_32 = tpu.memref_squeeze %dma_start3A_31 : memref<1x128xi32, #tpu.memory_space<vmem>> -> memref<128xi32, #tpu.memory_space<vmem>>
        %dma_start3A_33 = arith.constant 0 : i32
        %dma_start3A_34 = arith.constant 0 : i32
        %dma_start3A_35 = tpu.memref_slice %arg8[%dma_start3A_33, %dma_start3A_34] : memref<10016x32xf32, #tpu.memory_space<vmem_shared>> -> memref<10016x32xf32, #tpu.memory_space<vmem_shared>>
        tpu.enqueue_indirect_dma source(%dma_start3A_29 : memref<128x32xf32, #tpu.memory_space<vmem>>) target(%dma_start3A_35 : memref<10016x32xf32, #tpu.memory_space<vmem_shared>>) offsets(%dma_start3A_32 : memref<128xi32, #tpu.memory_space<vmem>>) semaphore(%run_scoped3A_27 : memref<!tpu.dma_semaphore, #tpu.memory_space<semaphore_mem>>) {add = true}
        %dma_wait3A = arith.constant 384 : i32
        %dma_wait3A_36 = arith.constant 0 : i32
        %dma_wait3A_37 = tpu.memref_slice %arg7[%dma_wait3A, %dma_wait3A_36] : memref<512x32xf32, #tpu.memory_space<vmem>> -> memref<128x32xf32, #tpu.memory_space<vmem>>
        %dma_wait3A_38 = arith.constant 0 : i32
        %dma_wait3A_39 = tpu.memref_slice %arg6[%run_scoped3A_26, %dma_wait3A_38] : memref<4x128xi32, #tpu.memory_space<vmem>> -> memref<1x128xi32, #tpu.memory_space<vmem>>
        %dma_wait3A_40 = tpu.memref_squeeze %dma_wait3A_39 : memref<1x128xi32, #tpu.memory_space<vmem>> -> memref<128xi32, #tpu.memory_space<vmem>>
        %dma_wait3A_41 = arith.constant 0 : i32
        %dma_wait3A_42 = arith.constant 0 : i32
        %dma_wait3A_43 = tpu.memref_slice %arg8[%dma_wait3A_41, %dma_wait3A_42] : memref<10016x32xf32, #tpu.memory_space<vmem_shared>> -> memref<10016x32xf32, #tpu.memory_space<vmem_shared>>
        tpu.wait_indirect_dma semaphore(%run_scoped3A_27 : memref<!tpu.dma_semaphore, #tpu.memory_space<semaphore_mem>>) src(%dma_wait3A_37 : memref<128x32xf32, #tpu.memory_space<vmem>>) dst(%dma_wait3A_43 : memref<10016x32xf32, #tpu.memory_space<vmem_shared>>)
        tpu.yield
      }) : () -> ()
    }
    %scan3A_8 = arith.constant 42 : i32
    %barrier3A_9 = arith.constant 0 : index
    tpu.barrier barrier_id(%barrier3A_9)
    %mul3A_10 = arith.constant 626 : i32
    %mul3A_11 = arith.muli %arg1, %mul3A_10 : i32
    %mul3A_12 = arith.constant 626 : i32
    %mul3A_13 = arith.muli %arg1, %mul3A_12 : i32
    "tpu.region"() ({
      %run_scoped3A = tpu.sem_alloc : memref<!tpu.dma_semaphore, #tpu.memory_space<semaphore_mem>>
      %dma_start3A = arith.constant 0 : i32
      %dma_start3A_14 = arith.constant 0 : i32
      %dma_start3A_15 = tpu.memref_slice %arg5[%arg0, %dma_start3A, %dma_start3A_14] : memref<2x10016x32xf32, #tpu.memory_space<hbm>> -> memref<1x10016x32xf32, #tpu.memory_space<hbm>>
      %dma_start3A_16 = tpu.memref_squeeze %dma_start3A_15 : memref<1x10016x32xf32, #tpu.memory_space<hbm>> -> memref<10016x32xf32, #tpu.memory_space<hbm>>
      %dma_start3A_17 = arith.constant 0 : i32
      %dma_start3A_18 = tpu.memref_slice %dma_start3A_16[%mul3A_13, %dma_start3A_17] : memref<10016x32xf32, #tpu.memory_space<hbm>> -> memref<626x32xf32, #tpu.memory_space<hbm>>
      %dma_start3A_19 = arith.constant 0 : i32
      %dma_start3A_20 = tpu.memref_slice %arg8[%mul3A_11, %dma_start3A_19] : memref<10016x32xf32, #tpu.memory_space<vmem_shared>> -> memref<626x32xf32, #tpu.memory_space<vmem_shared>>
      tpu.enqueue_dma source(%dma_start3A_20 : memref<626x32xf32, #tpu.memory_space<vmem_shared>>) target(%dma_start3A_18 : memref<626x32xf32, #tpu.memory_space<hbm>>) target_semaphore(%run_scoped3A : memref<!tpu.dma_semaphore, #tpu.memory_space<semaphore_mem>>)
      %dma_wait3A = arith.constant 0 : i32
      %dma_wait3A_21 = arith.constant 0 : i32
      %dma_wait3A_22 = tpu.memref_slice %arg5[%arg0, %dma_wait3A, %dma_wait3A_21] : memref<2x10016x32xf32, #tpu.memory_space<hbm>> -> memref<1x10016x32xf32, #tpu.memory_space<hbm>>
      %dma_wait3A_23 = tpu.memref_squeeze %dma_wait3A_22 : memref<1x10016x32xf32, #tpu.memory_space<hbm>> -> memref<10016x32xf32, #tpu.memory_space<hbm>>
      %dma_wait3A_24 = arith.constant 0 : i32
      %dma_wait3A_25 = tpu.memref_slice %dma_wait3A_23[%mul3A_13, %dma_wait3A_24] : memref<10016x32xf32, #tpu.memory_space<hbm>> -> memref<626x32xf32, #tpu.memory_space<hbm>>
      %dma_wait3A_26 = arith.constant 0 : i32
      %dma_wait3A_27 = tpu.memref_slice %arg8[%mul3A_11, %dma_wait3A_26] : memref<10016x32xf32, #tpu.memory_space<vmem_shared>> -> memref<626x32xf32, #tpu.memory_space<vmem_shared>>
      tpu.wait_dma2 semaphore(%run_scoped3A : memref<!tpu.dma_semaphore, #tpu.memory_space<semaphore_mem>>) src(%dma_wait3A_27 : memref<626x32xf32, #tpu.memory_space<vmem_shared>>) dst(%dma_wait3A_25 : memref<626x32xf32, #tpu.memory_space<hbm>>)
      tpu.yield
    }) : () -> ()
    return
  }
}

#map = affine_map<(d0, d1) -> (0, 0)>
#map1 = affine_map<(d0, d1) -> (0, 0, 0)>
module attributes {stable_mosaic.version = 14 : i64} {
  func.func @scatter_add(%arg0: i32, %arg1: i32, %arg2: memref<688128x32xf32, #tpu.memory_space<hbm>>, %arg3: memref<5376x128xi32, #tpu.memory_space<hbm>>, %arg4: memref<10016x32xf32, #tpu.memory_space<hbm>>, %arg5: memref<2x10016x32xf32, #tpu.memory_space<hbm>>, %arg6: memref<4x128xi32, #tpu.memory_space<vmem>>, %arg7: memref<512x32xf32, #tpu.memory_space<vmem>>, %arg8: memref<10016x32xf32, #tpu.memory_space<vmem_shared>>) attributes {dimension_semantics = [#tpu.dimension_semantics<core_parallel>, #tpu.dimension_semantics<subcore_parallel>], iteration_bounds = array<i64: 2, 16>, scalar_prefetch = 0 : i64, scratch_operands = 3 : i64, tpu.core_type = #tpu.core_type<sc_vector_subcore>, window_params = [{transform_indices = #map}, {transform_indices = #map}, {transform_indices = #map}, {transform_indices = #map1}]} {
    %mul3A = arith.constant 2 : i32
    %mul3A_0 = arith.muli %arg1, %mul3A : i32
    %add3A = arith.addi %mul3A_0, %arg0 : i32
    %mul3A_1 = arith.constant 168 : i32
    %mul3A_2 = arith.muli %add3A, %mul3A_1 : i32
    %eq3A = arith.constant 0 : i32
    %eq3A_3 = arith.cmpi eq, %arg1, %eq3A : i32
    %convert_element_type3A = arith.extui %eq3A_3 : i1 to i32
    %cond3A = arith.constant 0 : i32
    %cond3A_4 = arith.cmpi ne, %convert_element_type3A, %cond3A : i32
    scf.if %cond3A_4 {
      "tpu.region"() ({
        %run_scoped3A = tpu.sem_alloc : memref<!tpu.dma_semaphore, #tpu.memory_space<semaphore_mem>>
        tpu.enqueue_dma source(%arg4 : memref<10016x32xf32, #tpu.memory_space<hbm>>) target(%arg8 : memref<10016x32xf32, #tpu.memory_space<vmem_shared>>) target_semaphore(%run_scoped3A : memref<!tpu.dma_semaphore, #tpu.memory_space<semaphore_mem>>)
        tpu.wait_dma2 semaphore(%run_scoped3A : memref<!tpu.dma_semaphore, #tpu.memory_space<semaphore_mem>>) src(%arg4 : memref<10016x32xf32, #tpu.memory_space<hbm>>) dst(%arg8 : memref<10016x32xf32, #tpu.memory_space<vmem_shared>>)
        tpu.yield
      }) : () -> ()
    } else {
    }
    %barrier3A = arith.constant 0 : index
    tpu.barrier barrier_id(%barrier3A)
    %scan3A = arith.constant 0 : i32
    %scan3A_5 = arith.constant 42 : i32
    %scan3A_6 = arith.addi %scan3A, %scan3A_5 : i32
    %scan3A_7 = arith.constant 1 : i32
    scf.for %scan3A_14 = %scan3A to %scan3A_6 step %scan3A_7  : i32 {
      %mul3A_15 = arith.constant 1 : i32
      %mul3A_16 = arith.muli %scan3A_14, %mul3A_15 : i32
      %add3A_17 = arith.constant 0 : i32
      %add3A_18 = arith.addi %add3A_17, %mul3A_16 : i32
      %mul3A_19 = arith.constant 4 : i32
      %mul3A_20 = arith.muli %add3A_18, %mul3A_19 : i32
      %add3A_21 = arith.addi %mul3A_2, %mul3A_20 : i32
      %mul3A_22 = arith.constant 128 : i32
      %mul3A_23 = arith.muli %add3A_21, %mul3A_22 : i32
      "tpu.region"() ({
        %run_scoped3A_27 = tpu.sem_alloc : memref<!tpu.dma_semaphore, #tpu.memory_space<semaphore_mem>>
        %dma_start3A = arith.constant 0 : i32
        %dma_start3A_28 = tpu.memref_slice %arg3[%add3A_21, %dma_start3A] : memref<5376x128xi32, #tpu.memory_space<hbm>> -> memref<4x128xi32, #tpu.memory_space<hbm>>
        %dma_start3A_29 = arith.constant 0 : i32
        %dma_start3A_30 = tpu.memref_slice %arg3[%add3A_21, %dma_start3A_29] : memref<5376x128xi32, #tpu.memory_space<hbm>> -> memref<4x128xi32, #tpu.memory_space<hbm>>
        tpu.enqueue_dma source(%dma_start3A_30 : memref<4x128xi32, #tpu.memory_space<hbm>>) target(%arg6 : memref<4x128xi32, #tpu.memory_space<vmem>>) target_semaphore(%run_scoped3A_27 : memref<!tpu.dma_semaphore, #tpu.memory_space<semaphore_mem>>)
        %dma_wait3A = arith.constant 0 : i32
        %dma_wait3A_31 = tpu.memref_slice %arg3[%add3A_21, %dma_wait3A] : memref<5376x128xi32, #tpu.memory_space<hbm>> -> memref<4x128xi32, #tpu.memory_space<hbm>>
        %dma_wait3A_32 = arith.constant 0 : i32
        %dma_wait3A_33 = tpu.memref_slice %arg3[%add3A_21, %dma_wait3A_32] : memref<5376x128xi32, #tpu.memory_space<hbm>> -> memref<4x128xi32, #tpu.memory_space<hbm>>
        tpu.wait_dma2 semaphore(%run_scoped3A_27 : memref<!tpu.dma_semaphore, #tpu.memory_space<semaphore_mem>>) src(%dma_wait3A_33 : memref<4x128xi32, #tpu.memory_space<hbm>>) dst(%arg6 : memref<4x128xi32, #tpu.memory_space<vmem>>)
        tpu.yield
      }) : () -> ()
      "tpu.region"() ({
        %run_scoped3A_27 = tpu.sem_alloc : memref<!tpu.dma_semaphore, #tpu.memory_space<semaphore_mem>>
        %dma_start3A = arith.constant 0 : i32
        %dma_start3A_28 = tpu.memref_slice %arg2[%mul3A_23, %dma_start3A] : memref<688128x32xf32, #tpu.memory_space<hbm>> -> memref<512x32xf32, #tpu.memory_space<hbm>>
        %dma_start3A_29 = arith.constant 0 : i32
        %dma_start3A_30 = tpu.memref_slice %arg2[%mul3A_23, %dma_start3A_29] : memref<688128x32xf32, #tpu.memory_space<hbm>> -> memref<512x32xf32, #tpu.memory_space<hbm>>
        tpu.enqueue_dma source(%dma_start3A_30 : memref<512x32xf32, #tpu.memory_space<hbm>>) target(%arg7 : memref<512x32xf32, #tpu.memory_space<vmem>>) target_semaphore(%run_scoped3A_27 : memref<!tpu.dma_semaphore, #tpu.memory_space<semaphore_mem>>)
        %dma_wait3A = arith.constant 0 : i32
        %dma_wait3A_31 = tpu.memref_slice %arg2[%mul3A_23, %dma_wait3A] : memref<688128x32xf32, #tpu.memory_space<hbm>> -> memref<512x32xf32, #tpu.memory_space<hbm>>
        %dma_wait3A_32 = arith.constant 0 : i32
        %dma_wait3A_33 = tpu.memref_slice %arg2[%mul3A_23, %dma_wait3A_32] : memref<688128x32xf32, #tpu.memory_space<hbm>> -> memref<512x32xf32, #tpu.memory_space<hbm>>
        tpu.wait_dma2 semaphore(%run_scoped3A_27 : memref<!tpu.dma_semaphore, #tpu.memory_space<semaphore_mem>>) src(%dma_wait3A_33 : memref<512x32xf32, #tpu.memory_space<hbm>>) dst(%arg7 : memref<512x32xf32, #tpu.memory_space<vmem>>)
        tpu.yield
      }) : () -> ()
      %run_scoped3A = arith.constant 0 : i32
      "tpu.region"() ({
        %run_scoped3A_27 = tpu.sem_alloc : memref<!tpu.dma_semaphore, #tpu.memory_space<semaphore_mem>>
        %dma_start3A = arith.constant 0 : i32
        %dma_start3A_28 = arith.constant 0 : i32
        %dma_start3A_29 = tpu.memref_slice %arg7[%dma_start3A, %dma_start3A_28] : memref<512x32xf32, #tpu.memory_space<vmem>> -> memref<128x32xf32, #tpu.memory_space<vmem>>
        %dma_start3A_30 = arith.constant 0 : i32
        %dma_start3A_31 = tpu.memref_slice %arg6[%run_scoped3A, %dma_start3A_30] : memref<4x128xi32, #tpu.memory_space<vmem>> -> memref<1x128xi32, #tpu.memory_space<vmem>>
        %dma_start3A_32 = tpu.memref_squeeze %dma_start3A_31 : memref<1x128xi32, #tpu.memory_space<vmem>> -> memref<128xi32, #tpu.memory_space<vmem>>
        %dma_start3A_33 = arith.constant 0 : i32
        %dma_start3A_34 = arith.constant 0 : i32
        %dma_start3A_35 = tpu.memref_slice %arg8[%dma_start3A_33, %dma_start3A_34] : memref<10016x32xf32, #tpu.memory_space<vmem_shared>> -> memref<10016x32xf32, #tpu.memory_space<vmem_shared>>
        tpu.enqueue_indirect_dma source(%dma_start3A_29 : memref<128x32xf32, #tpu.memory_space<vmem>>) target(%dma_start3A_35 : memref<10016x32xf32, #tpu.memory_space<vmem_shared>>) offsets(%dma_start3A_32 : memref<128xi32, #tpu.memory_space<vmem>>) semaphore(%run_scoped3A_27 : memref<!tpu.dma_semaphore, #tpu.memory_space<semaphore_mem>>) {add = true}
        %dma_wait3A = arith.constant 0 : i32
        %dma_wait3A_36 = arith.constant 0 : i32
        %dma_wait3A_37 = tpu.memref_slice %arg7[%dma_wait3A, %dma_wait3A_36] : memref<512x32xf32, #tpu.memory_space<vmem>> -> memref<128x32xf32, #tpu.memory_space<vmem>>
        %dma_wait3A_38 = arith.constant 0 : i32
        %dma_wait3A_39 = tpu.memref_slice %arg6[%run_scoped3A, %dma_wait3A_38] : memref<4x128xi32, #tpu.memory_space<vmem>> -> memref<1x128xi32, #tpu.memory_space<vmem>>
        %dma_wait3A_40 = tpu.memref_squeeze %dma_wait3A_39 : memref<1x128xi32, #tpu.memory_space<vmem>> -> memref<128xi32, #tpu.memory_space<vmem>>
        %dma_wait3A_41 = arith.constant 0 : i32
        %dma_wait3A_42 = arith.constant 0 : i32
        %dma_wait3A_43 = tpu.memref_slice %arg8[%dma_wait3A_41, %dma_wait3A_42] : memref<10016x32xf32, #tpu.memory_space<vmem_shared>> -> memref<10016x32xf32, #tpu.memory_space<vmem_shared>>
        tpu.wait_indirect_dma semaphore(%run_scoped3A_27 : memref<!tpu.dma_semaphore, #tpu.memory_space<semaphore_mem>>) src(%dma_wait3A_37 : memref<128x32xf32, #tpu.memory_space<vmem>>) dst(%dma_wait3A_43 : memref<10016x32xf32, #tpu.memory_space<vmem_shared>>)
        tpu.yield
      }) : () -> ()
      %run_scoped3A_24 = arith.constant 1 : i32
      "tpu.region"() ({
        %run_scoped3A_27 = tpu.sem_alloc : memref<!tpu.dma_semaphore, #tpu.memory_space<semaphore_mem>>
        %dma_start3A = arith.constant 128 : i32
        %dma_start3A_28 = arith.constant 0 : i32
        %dma_start3A_29 = tpu.memref_slice %arg7[%dma_start3A, %dma_start3A_28] : memref<512x32xf32, #tpu.memory_space<vmem>> -> memref<128x32xf32, #tpu.memory_space<vmem>>
        %dma_start3A_30 = arith.constant 0 : i32
        %dma_start3A_31 = tpu.memref_slice %arg6[%run_scoped3A_24, %dma_start3A_30] : memref<4x128xi32, #tpu.memory_space<vmem>> -> memref<1x128xi32, #tpu.memory_space<vmem>>
        %dma_start3A_32 = tpu.memref_squeeze %dma_start3A_31 : memref<1x128xi32, #tpu.memory_space<vmem>> -> memref<128xi32, #tpu.memory_space<vmem>>
        %dma_start3A_33 = arith.constant 0 : i32
        %dma_start3A_34 = arith.constant 0 : i32
        %dma_start3A_35 = tpu.memref_slice %arg8[%dma_start3A_33, %dma_start3A_34] : memref<10016x32xf32, #tpu.memory_space<vmem_shared>> -> memref<10016x32xf32, #tpu.memory_space<vmem_shared>>
        tpu.enqueue_indirect_dma source(%dma_start3A_29 : memref<128x32xf32, #tpu.memory_space<vmem>>) target(%dma_start3A_35 : memref<10016x32xf32, #tpu.memory_space<vmem_shared>>) offsets(%dma_start3A_32 : memref<128xi32, #tpu.memory_space<vmem>>) semaphore(%run_scoped3A_27 : memref<!tpu.dma_semaphore, #tpu.memory_space<semaphore_mem>>) {add = true}
        %dma_wait3A = arith.constant 128 : i32
        %dma_wait3A_36 = arith.constant 0 : i32
        %dma_wait3A_37 = tpu.memref_slice %arg7[%dma_wait3A, %dma_wait3A_36] : memref<512x32xf32, #tpu.memory_space<vmem>> -> memref<128x32xf32, #tpu.memory_space<vmem>>
        %dma_wait3A_38 = arith.constant 0 : i32
        %dma_wait3A_39 = tpu.memref_slice %arg6[%run_scoped3A_24, %dma_wait3A_38] : memref<4x128xi32, #tpu.memory_space<vmem>> -> memref<1x128xi32, #tpu.memory_space<vmem>>
        %dma_wait3A_40 = tpu.memref_squeeze %dma_wait3A_39 : memref<1x128xi32, #tpu.memory_space<vmem>> -> memref<128xi32, #tpu.memory_space<vmem>>
        %dma_wait3A_41 = arith.constant 0 : i32
        %dma_wait3A_42 = arith.constant 0 : i32
        %dma_wait3A_43 = tpu.memref_slice %arg8[%dma_wait3A_41, %dma_wait3A_42] : memref<10016x32xf32, #tpu.memory_space<vmem_shared>> -> memref<10016x32xf32, #tpu.memory_space<vmem_shared>>
        tpu.wait_indirect_dma semaphore(%run_scoped3A_27 : memref<!tpu.dma_semaphore, #tpu.memory_space<semaphore_mem>>) src(%dma_wait3A_37 : memref<128x32xf32, #tpu.memory_space<vmem>>) dst(%dma_wait3A_43 : memref<10016x32xf32, #tpu.memory_space<vmem_shared>>)
        tpu.yield
      }) : () -> ()
      %run_scoped3A_25 = arith.constant 2 : i32
      "tpu.region"() ({
        %run_scoped3A_27 = tpu.sem_alloc : memref<!tpu.dma_semaphore, #tpu.memory_space<semaphore_mem>>
        %dma_start3A = arith.constant 256 : i32
        %dma_start3A_28 = arith.constant 0 : i32
        %dma_start3A_29 = tpu.memref_slice %arg7[%dma_start3A, %dma_start3A_28] : memref<512x32xf32, #tpu.memory_space<vmem>> -> memref<128x32xf32, #tpu.memory_space<vmem>>
        %dma_start3A_30 = arith.constant 0 : i32
        %dma_start3A_31 = tpu.memref_slice %arg6[%run_scoped3A_25, %dma_start3A_30] : memref<4x128xi32, #tpu.memory_space<vmem>> -> memref<1x128xi32, #tpu.memory_space<vmem>>
        %dma_start3A_32 = tpu.memref_squeeze %dma_start3A_31 : memref<1x128xi32, #tpu.memory_space<vmem>> -> memref<128xi32, #tpu.memory_space<vmem>>
        %dma_start3A_33 = arith.constant 0 : i32
        %dma_start3A_34 = arith.constant 0 : i32
        %dma_start3A_35 = tpu.memref_slice %arg8[%dma_start3A_33, %dma_start3A_34] : memref<10016x32xf32, #tpu.memory_space<vmem_shared>> -> memref<10016x32xf32, #tpu.memory_space<vmem_shared>>
        tpu.enqueue_indirect_dma source(%dma_start3A_29 : memref<128x32xf32, #tpu.memory_space<vmem>>) target(%dma_start3A_35 : memref<10016x32xf32, #tpu.memory_space<vmem_shared>>) offsets(%dma_start3A_32 : memref<128xi32, #tpu.memory_space<vmem>>) semaphore(%run_scoped3A_27 : memref<!tpu.dma_semaphore, #tpu.memory_space<semaphore_mem>>) {add = true}
        %dma_wait3A = arith.constant 256 : i32
        %dma_wait3A_36 = arith.constant 0 : i32
        %dma_wait3A_37 = tpu.memref_slice %arg7[%dma_wait3A, %dma_wait3A_36] : memref<512x32xf32, #tpu.memory_space<vmem>> -> memref<128x32xf32, #tpu.memory_space<vmem>>
        %dma_wait3A_38 = arith.constant 0 : i32
        %dma_wait3A_39 = tpu.memref_slice %arg6[%run_scoped3A_25, %dma_wait3A_38] : memref<4x128xi32, #tpu.memory_space<vmem>> -> memref<1x128xi32, #tpu.memory_space<vmem>>
        %dma_wait3A_40 = tpu.memref_squeeze %dma_wait3A_39 : memref<1x128xi32, #tpu.memory_space<vmem>> -> memref<128xi32, #tpu.memory_space<vmem>>
        %dma_wait3A_41 = arith.constant 0 : i32
        %dma_wait3A_42 = arith.constant 0 : i32
        %dma_wait3A_43 = tpu.memref_slice %arg8[%dma_wait3A_41, %dma_wait3A_42] : memref<10016x32xf32, #tpu.memory_space<vmem_shared>> -> memref<10016x32xf32, #tpu.memory_space<vmem_shared>>
        tpu.wait_indirect_dma semaphore(%run_scoped3A_27 : memref<!tpu.dma_semaphore, #tpu.memory_space<semaphore_mem>>) src(%dma_wait3A_37 : memref<128x32xf32, #tpu.memory_space<vmem>>) dst(%dma_wait3A_43 : memref<10016x32xf32, #tpu.memory_space<vmem_shared>>)
        tpu.yield
      }) : () -> ()
      %run_scoped3A_26 = arith.constant 3 : i32
      "tpu.region"() ({
        %run_scoped3A_27 = tpu.sem_alloc : memref<!tpu.dma_semaphore, #tpu.memory_space<semaphore_mem>>
        %dma_start3A = arith.constant 384 : i32
        %dma_start3A_28 = arith.constant 0 : i32
        %dma_start3A_29 = tpu.memref_slice %arg7[%dma_start3A, %dma_start3A_28] : memref<512x32xf32, #tpu.memory_space<vmem>> -> memref<128x32xf32, #tpu.memory_space<vmem>>
        %dma_start3A_30 = arith.constant 0 : i32
        %dma_start3A_31 = tpu.memref_slice %arg6[%run_scoped3A_26, %dma_start3A_30] : memref<4x128xi32, #tpu.memory_space<vmem>> -> memref<1x128xi32, #tpu.memory_space<vmem>>
        %dma_start3A_32 = tpu.memref_squeeze %dma_start3A_31 : memref<1x128xi32, #tpu.memory_space<vmem>> -> memref<128xi32, #tpu.memory_space<vmem>>
        %dma_start3A_33 = arith.constant 0 : i32
        %dma_start3A_34 = arith.constant 0 : i32
        %dma_start3A_35 = tpu.memref_slice %arg8[%dma_start3A_33, %dma_start3A_34] : memref<10016x32xf32, #tpu.memory_space<vmem_shared>> -> memref<10016x32xf32, #tpu.memory_space<vmem_shared>>
        tpu.enqueue_indirect_dma source(%dma_start3A_29 : memref<128x32xf32, #tpu.memory_space<vmem>>) target(%dma_start3A_35 : memref<10016x32xf32, #tpu.memory_space<vmem_shared>>) offsets(%dma_start3A_32 : memref<128xi32, #tpu.memory_space<vmem>>) semaphore(%run_scoped3A_27 : memref<!tpu.dma_semaphore, #tpu.memory_space<semaphore_mem>>) {add = true}
        %dma_wait3A = arith.constant 384 : i32
        %dma_wait3A_36 = arith.constant 0 : i32
        %dma_wait3A_37 = tpu.memref_slice %arg7[%dma_wait3A, %dma_wait3A_36] : memref<512x32xf32, #tpu.memory_space<vmem>> -> memref<128x32xf32, #tpu.memory_space<vmem>>
        %dma_wait3A_38 = arith.constant 0 : i32
        %dma_wait3A_39 = tpu.memref_slice %arg6[%run_scoped3A_26, %dma_wait3A_38] : memref<4x128xi32, #tpu.memory_space<vmem>> -> memref<1x128xi32, #tpu.memory_space<vmem>>
        %dma_wait3A_40 = tpu.memref_squeeze %dma_wait3A_39 : memref<1x128xi32, #tpu.memory_space<vmem>> -> memref<128xi32, #tpu.memory_space<vmem>>
        %dma_wait3A_41 = arith.constant 0 : i32
        %dma_wait3A_42 = arith.constant 0 : i32
        %dma_wait3A_43 = tpu.memref_slice %arg8[%dma_wait3A_41, %dma_wait3A_42] : memref<10016x32xf32, #tpu.memory_space<vmem_shared>> -> memref<10016x32xf32, #tpu.memory_space<vmem_shared>>
        tpu.wait_indirect_dma semaphore(%run_scoped3A_27 : memref<!tpu.dma_semaphore, #tpu.memory_space<semaphore_mem>>) src(%dma_wait3A_37 : memref<128x32xf32, #tpu.memory_space<vmem>>) dst(%dma_wait3A_43 : memref<10016x32xf32, #tpu.memory_space<vmem_shared>>)
        tpu.yield
      }) : () -> ()
    }
    %scan3A_8 = arith.constant 42 : i32
    %barrier3A_9 = arith.constant 0 : index
    tpu.barrier barrier_id(%barrier3A_9)
    %mul3A_10 = arith.constant 626 : i32
    %mul3A_11 = arith.muli %arg1, %mul3A_10 : i32
    %mul3A_12 = arith.constant 626 : i32
    %mul3A_13 = arith.muli %arg1, %mul3A_12 : i32
    "tpu.region"() ({
      %run_scoped3A = tpu.sem_alloc : memref<!tpu.dma_semaphore, #tpu.memory_space<semaphore_mem>>
      %dma_start3A = arith.constant 0 : i32
      %dma_start3A_14 = arith.constant 0 : i32
      %dma_start3A_15 = tpu.memref_slice %arg5[%arg0, %dma_start3A, %dma_start3A_14] : memref<2x10016x32xf32, #tpu.memory_space<hbm>> -> memref<1x10016x32xf32, #tpu.memory_space<hbm>>
      %dma_start3A_16 = tpu.memref_squeeze %dma_start3A_15 : memref<1x10016x32xf32, #tpu.memory_space<hbm>> -> memref<10016x32xf32, #tpu.memory_space<hbm>>
      %dma_start3A_17 = arith.constant 0 : i32
      %dma_start3A_18 = tpu.memref_slice %dma_start3A_16[%mul3A_13, %dma_start3A_17] : memref<10016x32xf32, #tpu.memory_space<hbm>> -> memref<626x32xf32, #tpu.memory_space<hbm>>
      %dma_start3A_19 = arith.constant 0 : i32
      %dma_start3A_20 = tpu.memref_slice %arg8[%mul3A_11, %dma_start3A_19] : memref<10016x32xf32, #tpu.memory_space<vmem_shared>> -> memref<626x32xf32, #tpu.memory_space<vmem_shared>>
      tpu.enqueue_dma source(%dma_start3A_20 : memref<626x32xf32, #tpu.memory_space<vmem_shared>>) target(%dma_start3A_18 : memref<626x32xf32, #tpu.memory_space<hbm>>) target_semaphore(%run_scoped3A : memref<!tpu.dma_semaphore, #tpu.memory_space<semaphore_mem>>)
      %dma_wait3A = arith.constant 0 : i32
      %dma_wait3A_21 = arith.constant 0 : i32
      %dma_wait3A_22 = tpu.memref_slice %arg5[%arg0, %dma_wait3A, %dma_wait3A_21] : memref<2x10016x32xf32, #tpu.memory_space<hbm>> -> memref<1x10016x32xf32, #tpu.memory_space<hbm>>
      %dma_wait3A_23 = tpu.memref_squeeze %dma_wait3A_22 : memref<1x10016x32xf32, #tpu.memory_space<hbm>> -> memref<10016x32xf32, #tpu.memory_space<hbm>>
      %dma_wait3A_24 = arith.constant 0 : i32
      %dma_wait3A_25 = tpu.memref_slice %dma_wait3A_23[%mul3A_13, %dma_wait3A_24] : memref<10016x32xf32, #tpu.memory_space<hbm>> -> memref<626x32xf32, #tpu.memory_space<hbm>>
      %dma_wait3A_26 = arith.constant 0 : i32
      %dma_wait3A_27 = tpu.memref_slice %arg8[%mul3A_11, %dma_wait3A_26] : memref<10016x32xf32, #tpu.memory_space<vmem_shared>> -> memref<626x32xf32, #tpu.memory_space<vmem_shared>>
      tpu.wait_dma2 semaphore(%run_scoped3A : memref<!tpu.dma_semaphore, #tpu.memory_space<semaphore_mem>>) src(%dma_wait3A_27 : memref<626x32xf32, #tpu.memory_space<vmem_shared>>) dst(%dma_wait3A_25 : memref<626x32xf32, #tpu.memory_space<hbm>>)
      tpu.yield
    }) : () -> ()
    return
  }
}

#map = affine_map<(d0, d1) -> (0, 0)>
#map1 = affine_map<(d0, d1) -> (0)>
module attributes {stable_mosaic.version = 14 : i64} {
  func.func @gather2(%arg0: i32, %arg1: i32, %arg2: memref<40000x32xf32, #tpu.memory_space<hbm>>, %arg3: memref<688128xi32, #tpu.memory_space<hbm>>, %arg4: memref<688128xi32, #tpu.memory_space<hbm>>, %arg5: memref<688128x32xf32, #tpu.memory_space<hbm>>, %arg6: memref<688128x32xf32, #tpu.memory_space<hbm>>, %arg7: memref<512xi32, #tpu.memory_space<vmem>>, %arg8: memref<512xi32, #tpu.memory_space<vmem>>, %arg9: memref<512xi32, #tpu.memory_space<vmem>>, %arg10: memref<512xi32, #tpu.memory_space<vmem>>, %arg11: memref<512x32xf32, #tpu.memory_space<vmem>>, %arg12: memref<512x32xf32, #tpu.memory_space<vmem>>, %arg13: memref<512x32xf32, #tpu.memory_space<vmem>>, %arg14: memref<512x32xf32, #tpu.memory_space<vmem>>, %arg15: memref<!tpu.dma_semaphore, #tpu.memory_space<semaphore_mem>>, %arg16: memref<!tpu.dma_semaphore, #tpu.memory_space<semaphore_mem>>, %arg17: memref<!tpu.dma_semaphore, #tpu.memory_space<semaphore_mem>>, %arg18: memref<!tpu.dma_semaphore, #tpu.memory_space<semaphore_mem>>, %arg19: memref<!tpu.dma_semaphore, #tpu.memory_space<semaphore_mem>>, %arg20: memref<!tpu.dma_semaphore, #tpu.memory_space<semaphore_mem>>) attributes {dimension_semantics = [#tpu.dimension_semantics<core_parallel>, #tpu.dimension_semantics<subcore_parallel>], iteration_bounds = array<i64: 2, 16>, scalar_prefetch = 0 : i64, scratch_operands = 14 : i64, tpu.core_type = #tpu.core_type<sc_vector_subcore>, window_params = [{transform_indices = #map}, {transform_indices = #map1}, {transform_indices = #map1}, {transform_indices = #map}, {transform_indices = #map}]} {
    %mul3A = arith.constant 2 : i32
    %mul3A_0 = arith.muli %arg1, %mul3A : i32
    %add3A = arith.addi %mul3A_0, %arg0 : i32
    %mul3A_1 = arith.constant 21504 : i32
    %mul3A_2 = arith.muli %add3A, %mul3A_1 : i32
    %add3A_3 = arith.constant 0 : i32
    %add3A_4 = arith.addi %mul3A_2, %add3A_3 : i32
    %dma_start3A = tpu.memref_slice %arg3[%add3A_4] : memref<688128xi32, #tpu.memory_space<hbm>> -> memref<512xi32, #tpu.memory_space<hbm>>
    %dma_start3A_5 = tpu.memref_slice %arg3[%add3A_4] : memref<688128xi32, #tpu.memory_space<hbm>> -> memref<512xi32, #tpu.memory_space<hbm>>
    tpu.enqueue_dma source(%dma_start3A_5 : memref<512xi32, #tpu.memory_space<hbm>>) target(%arg7 : memref<512xi32, #tpu.memory_space<vmem>>) target_semaphore(%arg15 : memref<!tpu.dma_semaphore, #tpu.memory_space<semaphore_mem>>)
    %dma_start3A_6 = tpu.memref_slice %arg4[%add3A_4] : memref<688128xi32, #tpu.memory_space<hbm>> -> memref<512xi32, #tpu.memory_space<hbm>>
    %dma_start3A_7 = tpu.memref_slice %arg4[%add3A_4] : memref<688128xi32, #tpu.memory_space<hbm>> -> memref<512xi32, #tpu.memory_space<hbm>>
    tpu.enqueue_dma source(%dma_start3A_7 : memref<512xi32, #tpu.memory_space<hbm>>) target(%arg9 : memref<512xi32, #tpu.memory_space<vmem>>) target_semaphore(%arg15 : memref<!tpu.dma_semaphore, #tpu.memory_space<semaphore_mem>>)
    %scan3A = arith.constant 0 : i32
    %scan3A_8 = arith.constant 21 : i32
    %scan3A_9 = arith.addi %scan3A, %scan3A_8 : i32
    %scan3A_10 = arith.constant 1 : i32
    scf.for %scan3A_47 = %scan3A to %scan3A_9 step %scan3A_10  : i32 {
      %mul3A_48 = arith.constant 2 : i32
      %mul3A_49 = arith.muli %scan3A_47, %mul3A_48 : i32
      %add3A_50 = arith.constant 0 : i32
      %add3A_51 = arith.addi %add3A_50, %mul3A_49 : i32
      %add3A_52 = arith.constant 0 : i32
      %add3A_53 = arith.addi %add3A_51, %add3A_52 : i32
      %mul3A_54 = arith.constant 512 : i32
      %mul3A_55 = arith.muli %add3A_53, %mul3A_54 : i32
      %add3A_56 = arith.addi %mul3A_2, %mul3A_55 : i32
      %dma_wait3A_57 = tpu.memref_slice %arg3[%add3A_56] : memref<688128xi32, #tpu.memory_space<hbm>> -> memref<512xi32, #tpu.memory_space<hbm>>
      %dma_wait3A_58 = tpu.memref_slice %arg3[%add3A_56] : memref<688128xi32, #tpu.memory_space<hbm>> -> memref<512xi32, #tpu.memory_space<hbm>>
      tpu.wait_dma2 semaphore(%arg15 : memref<!tpu.dma_semaphore, #tpu.memory_space<semaphore_mem>>) src(%dma_wait3A_58 : memref<512xi32, #tpu.memory_space<hbm>>) dst(%arg7 : memref<512xi32, #tpu.memory_space<vmem>>)
      %dma_wait3A_59 = tpu.memref_slice %arg4[%add3A_56] : memref<688128xi32, #tpu.memory_space<hbm>> -> memref<512xi32, #tpu.memory_space<hbm>>
      %dma_wait3A_60 = tpu.memref_slice %arg4[%add3A_56] : memref<688128xi32, #tpu.memory_space<hbm>> -> memref<512xi32, #tpu.memory_space<hbm>>
      tpu.wait_dma2 semaphore(%arg15 : memref<!tpu.dma_semaphore, #tpu.memory_space<semaphore_mem>>) src(%dma_wait3A_60 : memref<512xi32, #tpu.memory_space<hbm>>) dst(%arg9 : memref<512xi32, #tpu.memory_space<vmem>>)
      %ge3A = arith.constant 2 : i32
      %ge3A_61 = arith.cmpi sge, %add3A_53, %ge3A : i32
      %convert_element_type3A = arith.extui %ge3A_61 : i1 to i32
      %cond3A = arith.constant 0 : i32
      %cond3A_62 = arith.cmpi ne, %convert_element_type3A, %cond3A : i32
      scf.if %cond3A_62 {
        %mul3A_112 = arith.constant 512 : i32
        %mul3A_113 = arith.muli %add3A_53, %mul3A_112 : i32
        %add3A_114 = arith.addi %mul3A_2, %mul3A_113 : i32
        %dma_wait3A_115 = arith.constant 0 : i32
        %dma_wait3A_116 = tpu.memref_slice %arg5[%add3A_114, %dma_wait3A_115] : memref<688128x32xf32, #tpu.memory_space<hbm>> -> memref<512x32xf32, #tpu.memory_space<hbm>>
        %dma_wait3A_117 = arith.constant 0 : i32
        %dma_wait3A_118 = tpu.memref_slice %arg5[%add3A_114, %dma_wait3A_117] : memref<688128x32xf32, #tpu.memory_space<hbm>> -> memref<512x32xf32, #tpu.memory_space<hbm>>
        tpu.wait_dma2 semaphore(%arg19 : memref<!tpu.dma_semaphore, #tpu.memory_space<semaphore_mem>>) src(%arg11 : memref<512x32xf32, #tpu.memory_space<vmem>>) dst(%dma_wait3A_118 : memref<512x32xf32, #tpu.memory_space<hbm>>)
        %dma_wait3A_119 = arith.constant 0 : i32
        %dma_wait3A_120 = tpu.memref_slice %arg6[%add3A_114, %dma_wait3A_119] : memref<688128x32xf32, #tpu.memory_space<hbm>> -> memref<512x32xf32, #tpu.memory_space<hbm>>
        %dma_wait3A_121 = arith.constant 0 : i32
        %dma_wait3A_122 = tpu.memref_slice %arg6[%add3A_114, %dma_wait3A_121] : memref<688128x32xf32, #tpu.memory_space<hbm>> -> memref<512x32xf32, #tpu.memory_space<hbm>>
        tpu.wait_dma2 semaphore(%arg19 : memref<!tpu.dma_semaphore, #tpu.memory_space<semaphore_mem>>) src(%arg13 : memref<512x32xf32, #tpu.memory_space<vmem>>) dst(%dma_wait3A_122 : memref<512x32xf32, #tpu.memory_space<hbm>>)
      } else {
      }
      %dma_start3A_63 = arith.constant 0 : i32
      %dma_start3A_64 = arith.constant 0 : i32
      %dma_start3A_65 = tpu.memref_slice %arg2[%dma_start3A_63, %dma_start3A_64] : memref<40000x32xf32, #tpu.memory_space<hbm>> -> memref<40000x32xf32, #tpu.memory_space<hbm>>
      tpu.enqueue_indirect_dma source(%dma_start3A_65 : memref<40000x32xf32, #tpu.memory_space<hbm>>) target(%arg11 : memref<512x32xf32, #tpu.memory_space<vmem>>) offsets(%arg7 : memref<512xi32, #tpu.memory_space<vmem>>) semaphore(%arg17 : memref<!tpu.dma_semaphore, #tpu.memory_space<semaphore_mem>>)
      %dma_start3A_66 = arith.constant 0 : i32
      %dma_start3A_67 = arith.constant 0 : i32
      %dma_start3A_68 = tpu.memref_slice %arg2[%dma_start3A_66, %dma_start3A_67] : memref<40000x32xf32, #tpu.memory_space<hbm>> -> memref<40000x32xf32, #tpu.memory_space<hbm>>
      tpu.enqueue_indirect_dma source(%dma_start3A_68 : memref<40000x32xf32, #tpu.memory_space<hbm>>) target(%arg13 : memref<512x32xf32, #tpu.memory_space<vmem>>) offsets(%arg9 : memref<512xi32, #tpu.memory_space<vmem>>) semaphore(%arg17 : memref<!tpu.dma_semaphore, #tpu.memory_space<semaphore_mem>>)
      %ge3A_69 = arith.constant 1 : i32
      %ge3A_70 = arith.cmpi sge, %add3A_53, %ge3A_69 : i32
      %convert_element_type3A_71 = arith.extui %ge3A_70 : i1 to i32
      %cond3A_72 = arith.constant 0 : i32
      %cond3A_73 = arith.cmpi ne, %convert_element_type3A_71, %cond3A_72 : i32
      scf.if %cond3A_73 {
        %dma_wait3A_112 = arith.constant 0 : i32
        %dma_wait3A_113 = arith.constant 0 : i32
        %dma_wait3A_114 = tpu.memref_slice %arg2[%dma_wait3A_112, %dma_wait3A_113] : memref<40000x32xf32, #tpu.memory_space<hbm>> -> memref<40000x32xf32, #tpu.memory_space<hbm>>
        tpu.wait_indirect_dma semaphore(%arg18 : memref<!tpu.dma_semaphore, #tpu.memory_space<semaphore_mem>>) src(%dma_wait3A_114 : memref<40000x32xf32, #tpu.memory_space<hbm>>) dst(%arg12 : memref<512x32xf32, #tpu.memory_space<vmem>>)
        %dma_wait3A_115 = arith.constant 0 : i32
        %dma_wait3A_116 = arith.constant 0 : i32
        %dma_wait3A_117 = tpu.memref_slice %arg2[%dma_wait3A_115, %dma_wait3A_116] : memref<40000x32xf32, #tpu.memory_space<hbm>> -> memref<40000x32xf32, #tpu.memory_space<hbm>>
        tpu.wait_indirect_dma semaphore(%arg18 : memref<!tpu.dma_semaphore, #tpu.memory_space<semaphore_mem>>) src(%dma_wait3A_117 : memref<40000x32xf32, #tpu.memory_space<hbm>>) dst(%arg14 : memref<512x32xf32, #tpu.memory_space<vmem>>)
        %sub3A = arith.constant 1 : i32
        %sub3A_118 = arith.subi %add3A_53, %sub3A : i32
        %mul3A_119 = arith.constant 512 : i32
        %mul3A_120 = arith.muli %sub3A_118, %mul3A_119 : i32
        %add3A_121 = arith.addi %mul3A_2, %mul3A_120 : i32
        %dma_start3A_122 = arith.constant 0 : i32
        %dma_start3A_123 = tpu.memref_slice %arg5[%add3A_121, %dma_start3A_122] : memref<688128x32xf32, #tpu.memory_space<hbm>> -> memref<512x32xf32, #tpu.memory_space<hbm>>
        %dma_start3A_124 = arith.constant 0 : i32
        %dma_start3A_125 = tpu.memref_slice %arg5[%add3A_121, %dma_start3A_124] : memref<688128x32xf32, #tpu.memory_space<hbm>> -> memref<512x32xf32, #tpu.memory_space<hbm>>
        tpu.enqueue_dma source(%arg12 : memref<512x32xf32, #tpu.memory_space<vmem>>) target(%dma_start3A_125 : memref<512x32xf32, #tpu.memory_space<hbm>>) target_semaphore(%arg20 : memref<!tpu.dma_semaphore, #tpu.memory_space<semaphore_mem>>)
        %dma_start3A_126 = arith.constant 0 : i32
        %dma_start3A_127 = tpu.memref_slice %arg6[%add3A_121, %dma_start3A_126] : memref<688128x32xf32, #tpu.memory_space<hbm>> -> memref<512x32xf32, #tpu.memory_space<hbm>>
        %dma_start3A_128 = arith.constant 0 : i32
        %dma_start3A_129 = tpu.memref_slice %arg6[%add3A_121, %dma_start3A_128] : memref<688128x32xf32, #tpu.memory_space<hbm>> -> memref<512x32xf32, #tpu.memory_space<hbm>>
        tpu.enqueue_dma source(%arg14 : memref<512x32xf32, #tpu.memory_space<vmem>>) target(%dma_start3A_129 : memref<512x32xf32, #tpu.memory_space<hbm>>) target_semaphore(%arg20 : memref<!tpu.dma_semaphore, #tpu.memory_space<semaphore_mem>>)
      } else {
      }
      %add3A_74 = arith.constant 1 : i32
      %add3A_75 = arith.addi %add3A_53, %add3A_74 : i32
      %lt3A = arith.constant 42 : i32
      %lt3A_76 = arith.cmpi slt, %add3A_75, %lt3A : i32
      %convert_element_type3A_77 = arith.extui %lt3A_76 : i1 to i32
      %cond3A_78 = arith.constant 0 : i32
      %cond3A_79 = arith.cmpi ne, %convert_element_type3A_77, %cond3A_78 : i32
      scf.if %cond3A_79 {
        %add3A_112 = arith.constant 1 : i32
        %add3A_113 = arith.addi %add3A_53, %add3A_112 : i32
        %mul3A_114 = arith.constant 512 : i32
        %mul3A_115 = arith.muli %add3A_113, %mul3A_114 : i32
        %add3A_116 = arith.addi %mul3A_2, %mul3A_115 : i32
        %dma_start3A_117 = tpu.memref_slice %arg3[%add3A_116] : memref<688128xi32, #tpu.memory_space<hbm>> -> memref<512xi32, #tpu.memory_space<hbm>>
        %dma_start3A_118 = tpu.memref_slice %arg3[%add3A_116] : memref<688128xi32, #tpu.memory_space<hbm>> -> memref<512xi32, #tpu.memory_space<hbm>>
        tpu.enqueue_dma source(%dma_start3A_118 : memref<512xi32, #tpu.memory_space<hbm>>) target(%arg8 : memref<512xi32, #tpu.memory_space<vmem>>) target_semaphore(%arg16 : memref<!tpu.dma_semaphore, #tpu.memory_space<semaphore_mem>>)
        %dma_start3A_119 = tpu.memref_slice %arg4[%add3A_116] : memref<688128xi32, #tpu.memory_space<hbm>> -> memref<512xi32, #tpu.memory_space<hbm>>
        %dma_start3A_120 = tpu.memref_slice %arg4[%add3A_116] : memref<688128xi32, #tpu.memory_space<hbm>> -> memref<512xi32, #tpu.memory_space<hbm>>
        tpu.enqueue_dma source(%dma_start3A_120 : memref<512xi32, #tpu.memory_space<hbm>>) target(%arg10 : memref<512xi32, #tpu.memory_space<vmem>>) target_semaphore(%arg16 : memref<!tpu.dma_semaphore, #tpu.memory_space<semaphore_mem>>)
      } else {
      }
      %add3A_80 = arith.constant 1 : i32
      %add3A_81 = arith.addi %add3A_51, %add3A_80 : i32
      %mul3A_82 = arith.constant 512 : i32
      %mul3A_83 = arith.muli %add3A_81, %mul3A_82 : i32
      %add3A_84 = arith.addi %mul3A_2, %mul3A_83 : i32
      %dma_wait3A_85 = tpu.memref_slice %arg3[%add3A_84] : memref<688128xi32, #tpu.memory_space<hbm>> -> memref<512xi32, #tpu.memory_space<hbm>>
      %dma_wait3A_86 = tpu.memref_slice %arg3[%add3A_84] : memref<688128xi32, #tpu.memory_space<hbm>> -> memref<512xi32, #tpu.memory_space<hbm>>
      tpu.wait_dma2 semaphore(%arg16 : memref<!tpu.dma_semaphore, #tpu.memory_space<semaphore_mem>>) src(%dma_wait3A_86 : memref<512xi32, #tpu.memory_space<hbm>>) dst(%arg8 : memref<512xi32, #tpu.memory_space<vmem>>)
      %dma_wait3A_87 = tpu.memref_slice %arg4[%add3A_84] : memref<688128xi32, #tpu.memory_space<hbm>> -> memref<512xi32, #tpu.memory_space<hbm>>
      %dma_wait3A_88 = tpu.memref_slice %arg4[%add3A_84] : memref<688128xi32, #tpu.memory_space<hbm>> -> memref<512xi32, #tpu.memory_space<hbm>>
      tpu.wait_dma2 semaphore(%arg16 : memref<!tpu.dma_semaphore, #tpu.memory_space<semaphore_mem>>) src(%dma_wait3A_88 : memref<512xi32, #tpu.memory_space<hbm>>) dst(%arg10 : memref<512xi32, #tpu.memory_space<vmem>>)
      %ge3A_89 = arith.constant 2 : i32
      %ge3A_90 = arith.cmpi sge, %add3A_81, %ge3A_89 : i32
      %convert_element_type3A_91 = arith.extui %ge3A_90 : i1 to i32
      %cond3A_92 = arith.constant 0 : i32
      %cond3A_93 = arith.cmpi ne, %convert_element_type3A_91, %cond3A_92 : i32
      scf.if %cond3A_93 {
        %mul3A_112 = arith.constant 512 : i32
        %mul3A_113 = arith.muli %add3A_81, %mul3A_112 : i32
        %add3A_114 = arith.addi %mul3A_2, %mul3A_113 : i32
        %dma_wait3A_115 = arith.constant 0 : i32
        %dma_wait3A_116 = tpu.memref_slice %arg5[%add3A_114, %dma_wait3A_115] : memref<688128x32xf32, #tpu.memory_space<hbm>> -> memref<512x32xf32, #tpu.memory_space<hbm>>
        %dma_wait3A_117 = arith.constant 0 : i32
        %dma_wait3A_118 = tpu.memref_slice %arg5[%add3A_114, %dma_wait3A_117] : memref<688128x32xf32, #tpu.memory_space<hbm>> -> memref<512x32xf32, #tpu.memory_space<hbm>>
        tpu.wait_dma2 semaphore(%arg20 : memref<!tpu.dma_semaphore, #tpu.memory_space<semaphore_mem>>) src(%arg12 : memref<512x32xf32, #tpu.memory_space<vmem>>) dst(%dma_wait3A_118 : memref<512x32xf32, #tpu.memory_space<hbm>>)
        %dma_wait3A_119 = arith.constant 0 : i32
        %dma_wait3A_120 = tpu.memref_slice %arg6[%add3A_114, %dma_wait3A_119] : memref<688128x32xf32, #tpu.memory_space<hbm>> -> memref<512x32xf32, #tpu.memory_space<hbm>>
        %dma_wait3A_121 = arith.constant 0 : i32
        %dma_wait3A_122 = tpu.memref_slice %arg6[%add3A_114, %dma_wait3A_121] : memref<688128x32xf32, #tpu.memory_space<hbm>> -> memref<512x32xf32, #tpu.memory_space<hbm>>
        tpu.wait_dma2 semaphore(%arg20 : memref<!tpu.dma_semaphore, #tpu.memory_space<semaphore_mem>>) src(%arg14 : memref<512x32xf32, #tpu.memory_space<vmem>>) dst(%dma_wait3A_122 : memref<512x32xf32, #tpu.memory_space<hbm>>)
      } else {
      }
      %dma_start3A_94 = arith.constant 0 : i32
      %dma_start3A_95 = arith.constant 0 : i32
      %dma_start3A_96 = tpu.memref_slice %arg2[%dma_start3A_94, %dma_start3A_95] : memref<40000x32xf32, #tpu.memory_space<hbm>> -> memref<40000x32xf32, #tpu.memory_space<hbm>>
      tpu.enqueue_indirect_dma source(%dma_start3A_96 : memref<40000x32xf32, #tpu.memory_space<hbm>>) target(%arg12 : memref<512x32xf32, #tpu.memory_space<vmem>>) offsets(%arg8 : memref<512xi32, #tpu.memory_space<vmem>>) semaphore(%arg18 : memref<!tpu.dma_semaphore, #tpu.memory_space<semaphore_mem>>)
      %dma_start3A_97 = arith.constant 0 : i32
      %dma_start3A_98 = arith.constant 0 : i32
      %dma_start3A_99 = tpu.memref_slice %arg2[%dma_start3A_97, %dma_start3A_98] : memref<40000x32xf32, #tpu.memory_space<hbm>> -> memref<40000x32xf32, #tpu.memory_space<hbm>>
      tpu.enqueue_indirect_dma source(%dma_start3A_99 : memref<40000x32xf32, #tpu.memory_space<hbm>>) target(%arg14 : memref<512x32xf32, #tpu.memory_space<vmem>>) offsets(%arg10 : memref<512xi32, #tpu.memory_space<vmem>>) semaphore(%arg18 : memref<!tpu.dma_semaphore, #tpu.memory_space<semaphore_mem>>)
      %ge3A_100 = arith.constant 1 : i32
      %ge3A_101 = arith.cmpi sge, %add3A_81, %ge3A_100 : i32
      %convert_element_type3A_102 = arith.extui %ge3A_101 : i1 to i32
      %cond3A_103 = arith.constant 0 : i32
      %cond3A_104 = arith.cmpi ne, %convert_element_type3A_102, %cond3A_103 : i32
      scf.if %cond3A_104 {
        %dma_wait3A_112 = arith.constant 0 : i32
        %dma_wait3A_113 = arith.constant 0 : i32
        %dma_wait3A_114 = tpu.memref_slice %arg2[%dma_wait3A_112, %dma_wait3A_113] : memref<40000x32xf32, #tpu.memory_space<hbm>> -> memref<40000x32xf32, #tpu.memory_space<hbm>>
        tpu.wait_indirect_dma semaphore(%arg17 : memref<!tpu.dma_semaphore, #tpu.memory_space<semaphore_mem>>) src(%dma_wait3A_114 : memref<40000x32xf32, #tpu.memory_space<hbm>>) dst(%arg11 : memref<512x32xf32, #tpu.memory_space<vmem>>)
        %dma_wait3A_115 = arith.constant 0 : i32
        %dma_wait3A_116 = arith.constant 0 : i32
        %dma_wait3A_117 = tpu.memref_slice %arg2[%dma_wait3A_115, %dma_wait3A_116] : memref<40000x32xf32, #tpu.memory_space<hbm>> -> memref<40000x32xf32, #tpu.memory_space<hbm>>
        tpu.wait_indirect_dma semaphore(%arg17 : memref<!tpu.dma_semaphore, #tpu.memory_space<semaphore_mem>>) src(%dma_wait3A_117 : memref<40000x32xf32, #tpu.memory_space<hbm>>) dst(%arg13 : memref<512x32xf32, #tpu.memory_space<vmem>>)
        %sub3A = arith.constant 1 : i32
        %sub3A_118 = arith.subi %add3A_81, %sub3A : i32
        %mul3A_119 = arith.constant 512 : i32
        %mul3A_120 = arith.muli %sub3A_118, %mul3A_119 : i32
        %add3A_121 = arith.addi %mul3A_2, %mul3A_120 : i32
        %dma_start3A_122 = arith.constant 0 : i32
        %dma_start3A_123 = tpu.memref_slice %arg5[%add3A_121, %dma_start3A_122] : memref<688128x32xf32, #tpu.memory_space<hbm>> -> memref<512x32xf32, #tpu.memory_space<hbm>>
        %dma_start3A_124 = arith.constant 0 : i32
        %dma_start3A_125 = tpu.memref_slice %arg5[%add3A_121, %dma_start3A_124] : memref<688128x32xf32, #tpu.memory_space<hbm>> -> memref<512x32xf32, #tpu.memory_space<hbm>>
        tpu.enqueue_dma source(%arg11 : memref<512x32xf32, #tpu.memory_space<vmem>>) target(%dma_start3A_125 : memref<512x32xf32, #tpu.memory_space<hbm>>) target_semaphore(%arg19 : memref<!tpu.dma_semaphore, #tpu.memory_space<semaphore_mem>>)
        %dma_start3A_126 = arith.constant 0 : i32
        %dma_start3A_127 = tpu.memref_slice %arg6[%add3A_121, %dma_start3A_126] : memref<688128x32xf32, #tpu.memory_space<hbm>> -> memref<512x32xf32, #tpu.memory_space<hbm>>
        %dma_start3A_128 = arith.constant 0 : i32
        %dma_start3A_129 = tpu.memref_slice %arg6[%add3A_121, %dma_start3A_128] : memref<688128x32xf32, #tpu.memory_space<hbm>> -> memref<512x32xf32, #tpu.memory_space<hbm>>
        tpu.enqueue_dma source(%arg13 : memref<512x32xf32, #tpu.memory_space<vmem>>) target(%dma_start3A_129 : memref<512x32xf32, #tpu.memory_space<hbm>>) target_semaphore(%arg19 : memref<!tpu.dma_semaphore, #tpu.memory_space<semaphore_mem>>)
      } else {
      }
      %add3A_105 = arith.constant 1 : i32
      %add3A_106 = arith.addi %add3A_81, %add3A_105 : i32
      %lt3A_107 = arith.constant 42 : i32
      %lt3A_108 = arith.cmpi slt, %add3A_106, %lt3A_107 : i32
      %convert_element_type3A_109 = arith.extui %lt3A_108 : i1 to i32
      %cond3A_110 = arith.constant 0 : i32
      %cond3A_111 = arith.cmpi ne, %convert_element_type3A_109, %cond3A_110 : i32
      scf.if %cond3A_111 {
        %add3A_112 = arith.constant 1 : i32
        %add3A_113 = arith.addi %add3A_81, %add3A_112 : i32
        %mul3A_114 = arith.constant 512 : i32
        %mul3A_115 = arith.muli %add3A_113, %mul3A_114 : i32
        %add3A_116 = arith.addi %mul3A_2, %mul3A_115 : i32
        %dma_start3A_117 = tpu.memref_slice %arg3[%add3A_116] : memref<688128xi32, #tpu.memory_space<hbm>> -> memref<512xi32, #tpu.memory_space<hbm>>
        %dma_start3A_118 = tpu.memref_slice %arg3[%add3A_116] : memref<688128xi32, #tpu.memory_space<hbm>> -> memref<512xi32, #tpu.memory_space<hbm>>
        tpu.enqueue_dma source(%dma_start3A_118 : memref<512xi32, #tpu.memory_space<hbm>>) target(%arg7 : memref<512xi32, #tpu.memory_space<vmem>>) target_semaphore(%arg15 : memref<!tpu.dma_semaphore, #tpu.memory_space<semaphore_mem>>)
        %dma_start3A_119 = tpu.memref_slice %arg4[%add3A_116] : memref<688128xi32, #tpu.memory_space<hbm>> -> memref<512xi32, #tpu.memory_space<hbm>>
        %dma_start3A_120 = tpu.memref_slice %arg4[%add3A_116] : memref<688128xi32, #tpu.memory_space<hbm>> -> memref<512xi32, #tpu.memory_space<hbm>>
        tpu.enqueue_dma source(%dma_start3A_120 : memref<512xi32, #tpu.memory_space<hbm>>) target(%arg9 : memref<512xi32, #tpu.memory_space<vmem>>) target_semaphore(%arg15 : memref<!tpu.dma_semaphore, #tpu.memory_space<semaphore_mem>>)
      } else {
      }
    }
    %scan3A_11 = arith.constant 21 : i32
    %dma_wait3A = arith.constant 0 : i32
    %dma_wait3A_12 = arith.constant 0 : i32
    %dma_wait3A_13 = tpu.memref_slice %arg2[%dma_wait3A, %dma_wait3A_12] : memref<40000x32xf32, #tpu.memory_space<hbm>> -> memref<40000x32xf32, #tpu.memory_space<hbm>>
    tpu.wait_indirect_dma semaphore(%arg18 : memref<!tpu.dma_semaphore, #tpu.memory_space<semaphore_mem>>) src(%dma_wait3A_13 : memref<40000x32xf32, #tpu.memory_space<hbm>>) dst(%arg12 : memref<512x32xf32, #tpu.memory_space<vmem>>)
    %dma_wait3A_14 = arith.constant 0 : i32
    %dma_wait3A_15 = arith.constant 0 : i32
    %dma_wait3A_16 = tpu.memref_slice %arg2[%dma_wait3A_14, %dma_wait3A_15] : memref<40000x32xf32, #tpu.memory_space<hbm>> -> memref<40000x32xf32, #tpu.memory_space<hbm>>
    tpu.wait_indirect_dma semaphore(%arg18 : memref<!tpu.dma_semaphore, #tpu.memory_space<semaphore_mem>>) src(%dma_wait3A_16 : memref<40000x32xf32, #tpu.memory_space<hbm>>) dst(%arg14 : memref<512x32xf32, #tpu.memory_space<vmem>>)
    %add3A_17 = arith.constant 20992 : i32
    %add3A_18 = arith.addi %mul3A_2, %add3A_17 : i32
    %dma_start3A_19 = arith.constant 0 : i32
    %dma_start3A_20 = tpu.memref_slice %arg5[%add3A_18, %dma_start3A_19] : memref<688128x32xf32, #tpu.memory_space<hbm>> -> memref<512x32xf32, #tpu.memory_space<hbm>>
    %dma_start3A_21 = arith.constant 0 : i32
    %dma_start3A_22 = tpu.memref_slice %arg5[%add3A_18, %dma_start3A_21] : memref<688128x32xf32, #tpu.memory_space<hbm>> -> memref<512x32xf32, #tpu.memory_space<hbm>>
    tpu.enqueue_dma source(%arg12 : memref<512x32xf32, #tpu.memory_space<vmem>>) target(%dma_start3A_22 : memref<512x32xf32, #tpu.memory_space<hbm>>) target_semaphore(%arg20 : memref<!tpu.dma_semaphore, #tpu.memory_space<semaphore_mem>>)
    %dma_start3A_23 = arith.constant 0 : i32
    %dma_start3A_24 = tpu.memref_slice %arg6[%add3A_18, %dma_start3A_23] : memref<688128x32xf32, #tpu.memory_space<hbm>> -> memref<512x32xf32, #tpu.memory_space<hbm>>
    %dma_start3A_25 = arith.constant 0 : i32
    %dma_start3A_26 = tpu.memref_slice %arg6[%add3A_18, %dma_start3A_25] : memref<688128x32xf32, #tpu.memory_space<hbm>> -> memref<512x32xf32, #tpu.memory_space<hbm>>
    tpu.enqueue_dma source(%arg14 : memref<512x32xf32, #tpu.memory_space<vmem>>) target(%dma_start3A_26 : memref<512x32xf32, #tpu.memory_space<hbm>>) target_semaphore(%arg20 : memref<!tpu.dma_semaphore, #tpu.memory_space<semaphore_mem>>)
    %add3A_27 = arith.constant 20480 : i32
    %add3A_28 = arith.addi %mul3A_2, %add3A_27 : i32
    %dma_wait3A_29 = arith.constant 0 : i32
    %dma_wait3A_30 = tpu.memref_slice %arg5[%add3A_28, %dma_wait3A_29] : memref<688128x32xf32, #tpu.memory_space<hbm>> -> memref<512x32xf32, #tpu.memory_space<hbm>>
    %dma_wait3A_31 = arith.constant 0 : i32
    %dma_wait3A_32 = tpu.memref_slice %arg5[%add3A_28, %dma_wait3A_31] : memref<688128x32xf32, #tpu.memory_space<hbm>> -> memref<512x32xf32, #tpu.memory_space<hbm>>
    tpu.wait_dma2 semaphore(%arg19 : memref<!tpu.dma_semaphore, #tpu.memory_space<semaphore_mem>>) src(%arg11 : memref<512x32xf32, #tpu.memory_space<vmem>>) dst(%dma_wait3A_32 : memref<512x32xf32, #tpu.memory_space<hbm>>)
    %dma_wait3A_33 = arith.constant 0 : i32
    %dma_wait3A_34 = tpu.memref_slice %arg6[%add3A_28, %dma_wait3A_33] : memref<688128x32xf32, #tpu.memory_space<hbm>> -> memref<512x32xf32, #tpu.memory_space<hbm>>
    %dma_wait3A_35 = arith.constant 0 : i32
    %dma_wait3A_36 = tpu.memref_slice %arg6[%add3A_28, %dma_wait3A_35] : memref<688128x32xf32, #tpu.memory_space<hbm>> -> memref<512x32xf32, #tpu.memory_space<hbm>>
    tpu.wait_dma2 semaphore(%arg19 : memref<!tpu.dma_semaphore, #tpu.memory_space<semaphore_mem>>) src(%arg13 : memref<512x32xf32, #tpu.memory_space<vmem>>) dst(%dma_wait3A_36 : memref<512x32xf32, #tpu.memory_space<hbm>>)
    %add3A_37 = arith.constant 20992 : i32
    %add3A_38 = arith.addi %mul3A_2, %add3A_37 : i32
    %dma_wait3A_39 = arith.constant 0 : i32
    %dma_wait3A_40 = tpu.memref_slice %arg5[%add3A_38, %dma_wait3A_39] : memref<688128x32xf32, #tpu.memory_space<hbm>> -> memref<512x32xf32, #tpu.memory_space<hbm>>
    %dma_wait3A_41 = arith.constant 0 : i32
    %dma_wait3A_42 = tpu.memref_slice %arg5[%add3A_38, %dma_wait3A_41] : memref<688128x32xf32, #tpu.memory_space<hbm>> -> memref<512x32xf32, #tpu.memory_space<hbm>>
    tpu.wait_dma2 semaphore(%arg20 : memref<!tpu.dma_semaphore, #tpu.memory_space<semaphore_mem>>) src(%arg12 : memref<512x32xf32, #tpu.memory_space<vmem>>) dst(%dma_wait3A_42 : memref<512x32xf32, #tpu.memory_space<hbm>>)
    %dma_wait3A_43 = arith.constant 0 : i32
    %dma_wait3A_44 = tpu.memref_slice %arg6[%add3A_38, %dma_wait3A_43] : memref<688128x32xf32, #tpu.memory_space<hbm>> -> memref<512x32xf32, #tpu.memory_space<hbm>>
    %dma_wait3A_45 = arith.constant 0 : i32
    %dma_wait3A_46 = tpu.memref_slice %arg6[%add3A_38, %dma_wait3A_45] : memref<688128x32xf32, #tpu.memory_space<hbm>> -> memref<512x32xf32, #tpu.memory_space<hbm>>
    tpu.wait_dma2 semaphore(%arg20 : memref<!tpu.dma_semaphore, #tpu.memory_space<semaphore_mem>>) src(%arg14 : memref<512x32xf32, #tpu.memory_space<vmem>>) dst(%dma_wait3A_46 : memref<512x32xf32, #tpu.memory_space<hbm>>)
    return
  }
}

#map = affine_map<(d0, d1) -> (0, 0)>
#map1 = affine_map<(d0, d1) -> (0)>
module attributes {stable_mosaic.version = 14 : i64} {
  func.func @gather2(%arg0: i32, %arg1: i32, %arg2: memref<40000x32xf32, #tpu.memory_space<hbm>>, %arg3: memref<688128xi32, #tpu.memory_space<hbm>>, %arg4: memref<688128xi32, #tpu.memory_space<hbm>>, %arg5: memref<688128x32xf32, #tpu.memory_space<hbm>>, %arg6: memref<688128x32xf32, #tpu.memory_space<hbm>>, %arg7: memref<512xi32, #tpu.memory_space<vmem>>, %arg8: memref<512xi32, #tpu.memory_space<vmem>>, %arg9: memref<512xi32, #tpu.memory_space<vmem>>, %arg10: memref<512xi32, #tpu.memory_space<vmem>>, %arg11: memref<512x32xf32, #tpu.memory_space<vmem>>, %arg12: memref<512x32xf32, #tpu.memory_space<vmem>>, %arg13: memref<512x32xf32, #tpu.memory_space<vmem>>, %arg14: memref<512x32xf32, #tpu.memory_space<vmem>>, %arg15: memref<!tpu.dma_semaphore, #tpu.memory_space<semaphore_mem>>, %arg16: memref<!tpu.dma_semaphore, #tpu.memory_space<semaphore_mem>>, %arg17: memref<!tpu.dma_semaphore, #tpu.memory_space<semaphore_mem>>, %arg18: memref<!tpu.dma_semaphore, #tpu.memory_space<semaphore_mem>>, %arg19: memref<!tpu.dma_semaphore, #tpu.memory_space<semaphore_mem>>, %arg20: memref<!tpu.dma_semaphore, #tpu.memory_space<semaphore_mem>>) attributes {dimension_semantics = [#tpu.dimension_semantics<core_parallel>, #tpu.dimension_semantics<subcore_parallel>], iteration_bounds = array<i64: 2, 16>, scalar_prefetch = 0 : i64, scratch_operands = 14 : i64, tpu.core_type = #tpu.core_type<sc_vector_subcore>, window_params = [{transform_indices = #map}, {transform_indices = #map1}, {transform_indices = #map1}, {transform_indices = #map}, {transform_indices = #map}]} {
    %mul3A = arith.constant 2 : i32
    %mul3A_0 = arith.muli %arg1, %mul3A : i32
    %add3A = arith.addi %mul3A_0, %arg0 : i32
    %mul3A_1 = arith.constant 21504 : i32
    %mul3A_2 = arith.muli %add3A, %mul3A_1 : i32
    %add3A_3 = arith.constant 0 : i32
    %add3A_4 = arith.addi %mul3A_2, %add3A_3 : i32
    %dma_start3A = tpu.memref_slice %arg3[%add3A_4] : memref<688128xi32, #tpu.memory_space<hbm>> -> memref<512xi32, #tpu.memory_space<hbm>>
    %dma_start3A_5 = tpu.memref_slice %arg3[%add3A_4] : memref<688128xi32, #tpu.memory_space<hbm>> -> memref<512xi32, #tpu.memory_space<hbm>>
    tpu.enqueue_dma source(%dma_start3A_5 : memref<512xi32, #tpu.memory_space<hbm>>) target(%arg7 : memref<512xi32, #tpu.memory_space<vmem>>) target_semaphore(%arg15 : memref<!tpu.dma_semaphore, #tpu.memory_space<semaphore_mem>>)
    %dma_start3A_6 = tpu.memref_slice %arg4[%add3A_4] : memref<688128xi32, #tpu.memory_space<hbm>> -> memref<512xi32, #tpu.memory_space<hbm>>
    %dma_start3A_7 = tpu.memref_slice %arg4[%add3A_4] : memref<688128xi32, #tpu.memory_space<hbm>> -> memref<512xi32, #tpu.memory_space<hbm>>
    tpu.enqueue_dma source(%dma_start3A_7 : memref<512xi32, #tpu.memory_space<hbm>>) target(%arg9 : memref<512xi32, #tpu.memory_space<vmem>>) target_semaphore(%arg15 : memref<!tpu.dma_semaphore, #tpu.memory_space<semaphore_mem>>)
    %scan3A = arith.constant 0 : i32
    %scan3A_8 = arith.constant 21 : i32
    %scan3A_9 = arith.addi %scan3A, %scan3A_8 : i32
    %scan3A_10 = arith.constant 1 : i32
    scf.for %scan3A_47 = %scan3A to %scan3A_9 step %scan3A_10  : i32 {
      %mul3A_48 = arith.constant 2 : i32
      %mul3A_49 = arith.muli %scan3A_47, %mul3A_48 : i32
      %add3A_50 = arith.constant 0 : i32
      %add3A_51 = arith.addi %add3A_50, %mul3A_49 : i32
      %add3A_52 = arith.constant 0 : i32
      %add3A_53 = arith.addi %add3A_51, %add3A_52 : i32
      %mul3A_54 = arith.constant 512 : i32
      %mul3A_55 = arith.muli %add3A_53, %mul3A_54 : i32
      %add3A_56 = arith.addi %mul3A_2, %mul3A_55 : i32
      %dma_wait3A_57 = tpu.memref_slice %arg3[%add3A_56] : memref<688128xi32, #tpu.memory_space<hbm>> -> memref<512xi32, #tpu.memory_space<hbm>>
      %dma_wait3A_58 = tpu.memref_slice %arg3[%add3A_56] : memref<688128xi32, #tpu.memory_space<hbm>> -> memref<512xi32, #tpu.memory_space<hbm>>
      tpu.wait_dma2 semaphore(%arg15 : memref<!tpu.dma_semaphore, #tpu.memory_space<semaphore_mem>>) src(%dma_wait3A_58 : memref<512xi32, #tpu.memory_space<hbm>>) dst(%arg7 : memref<512xi32, #tpu.memory_space<vmem>>)
      %dma_wait3A_59 = tpu.memref_slice %arg4[%add3A_56] : memref<688128xi32, #tpu.memory_space<hbm>> -> memref<512xi32, #tpu.memory_space<hbm>>
      %dma_wait3A_60 = tpu.memref_slice %arg4[%add3A_56] : memref<688128xi32, #tpu.memory_space<hbm>> -> memref<512xi32, #tpu.memory_space<hbm>>
      tpu.wait_dma2 semaphore(%arg15 : memref<!tpu.dma_semaphore, #tpu.memory_space<semaphore_mem>>) src(%dma_wait3A_60 : memref<512xi32, #tpu.memory_space<hbm>>) dst(%arg9 : memref<512xi32, #tpu.memory_space<vmem>>)
      %ge3A = arith.constant 2 : i32
      %ge3A_61 = arith.cmpi sge, %add3A_53, %ge3A : i32
      %convert_element_type3A = arith.extui %ge3A_61 : i1 to i32
      %cond3A = arith.constant 0 : i32
      %cond3A_62 = arith.cmpi ne, %convert_element_type3A, %cond3A : i32
      scf.if %cond3A_62 {
        %mul3A_112 = arith.constant 512 : i32
        %mul3A_113 = arith.muli %add3A_53, %mul3A_112 : i32
        %add3A_114 = arith.addi %mul3A_2, %mul3A_113 : i32
        %dma_wait3A_115 = arith.constant 0 : i32
        %dma_wait3A_116 = tpu.memref_slice %arg5[%add3A_114, %dma_wait3A_115] : memref<688128x32xf32, #tpu.memory_space<hbm>> -> memref<512x32xf32, #tpu.memory_space<hbm>>
        %dma_wait3A_117 = arith.constant 0 : i32
        %dma_wait3A_118 = tpu.memref_slice %arg5[%add3A_114, %dma_wait3A_117] : memref<688128x32xf32, #tpu.memory_space<hbm>> -> memref<512x32xf32, #tpu.memory_space<hbm>>
        tpu.wait_dma2 semaphore(%arg19 : memref<!tpu.dma_semaphore, #tpu.memory_space<semaphore_mem>>) src(%arg11 : memref<512x32xf32, #tpu.memory_space<vmem>>) dst(%dma_wait3A_118 : memref<512x32xf32, #tpu.memory_space<hbm>>)
        %dma_wait3A_119 = arith.constant 0 : i32
        %dma_wait3A_120 = tpu.memref_slice %arg6[%add3A_114, %dma_wait3A_119] : memref<688128x32xf32, #tpu.memory_space<hbm>> -> memref<512x32xf32, #tpu.memory_space<hbm>>
        %dma_wait3A_121 = arith.constant 0 : i32
        %dma_wait3A_122 = tpu.memref_slice %arg6[%add3A_114, %dma_wait3A_121] : memref<688128x32xf32, #tpu.memory_space<hbm>> -> memref<512x32xf32, #tpu.memory_space<hbm>>
        tpu.wait_dma2 semaphore(%arg19 : memref<!tpu.dma_semaphore, #tpu.memory_space<semaphore_mem>>) src(%arg13 : memref<512x32xf32, #tpu.memory_space<vmem>>) dst(%dma_wait3A_122 : memref<512x32xf32, #tpu.memory_space<hbm>>)
      } else {
      }
      %dma_start3A_63 = arith.constant 0 : i32
      %dma_start3A_64 = arith.constant 0 : i32
      %dma_start3A_65 = tpu.memref_slice %arg2[%dma_start3A_63, %dma_start3A_64] : memref<40000x32xf32, #tpu.memory_space<hbm>> -> memref<40000x32xf32, #tpu.memory_space<hbm>>
      tpu.enqueue_indirect_dma source(%dma_start3A_65 : memref<40000x32xf32, #tpu.memory_space<hbm>>) target(%arg11 : memref<512x32xf32, #tpu.memory_space<vmem>>) offsets(%arg7 : memref<512xi32, #tpu.memory_space<vmem>>) semaphore(%arg17 : memref<!tpu.dma_semaphore, #tpu.memory_space<semaphore_mem>>)
      %dma_start3A_66 = arith.constant 0 : i32
      %dma_start3A_67 = arith.constant 0 : i32
      %dma_start3A_68 = tpu.memref_slice %arg2[%dma_start3A_66, %dma_start3A_67] : memref<40000x32xf32, #tpu.memory_space<hbm>> -> memref<40000x32xf32, #tpu.memory_space<hbm>>
      tpu.enqueue_indirect_dma source(%dma_start3A_68 : memref<40000x32xf32, #tpu.memory_space<hbm>>) target(%arg13 : memref<512x32xf32, #tpu.memory_space<vmem>>) offsets(%arg9 : memref<512xi32, #tpu.memory_space<vmem>>) semaphore(%arg17 : memref<!tpu.dma_semaphore, #tpu.memory_space<semaphore_mem>>)
      %ge3A_69 = arith.constant 1 : i32
      %ge3A_70 = arith.cmpi sge, %add3A_53, %ge3A_69 : i32
      %convert_element_type3A_71 = arith.extui %ge3A_70 : i1 to i32
      %cond3A_72 = arith.constant 0 : i32
      %cond3A_73 = arith.cmpi ne, %convert_element_type3A_71, %cond3A_72 : i32
      scf.if %cond3A_73 {
        %dma_wait3A_112 = arith.constant 0 : i32
        %dma_wait3A_113 = arith.constant 0 : i32
        %dma_wait3A_114 = tpu.memref_slice %arg2[%dma_wait3A_112, %dma_wait3A_113] : memref<40000x32xf32, #tpu.memory_space<hbm>> -> memref<40000x32xf32, #tpu.memory_space<hbm>>
        tpu.wait_indirect_dma semaphore(%arg18 : memref<!tpu.dma_semaphore, #tpu.memory_space<semaphore_mem>>) src(%dma_wait3A_114 : memref<40000x32xf32, #tpu.memory_space<hbm>>) dst(%arg12 : memref<512x32xf32, #tpu.memory_space<vmem>>)
        %dma_wait3A_115 = arith.constant 0 : i32
        %dma_wait3A_116 = arith.constant 0 : i32
        %dma_wait3A_117 = tpu.memref_slice %arg2[%dma_wait3A_115, %dma_wait3A_116] : memref<40000x32xf32, #tpu.memory_space<hbm>> -> memref<40000x32xf32, #tpu.memory_space<hbm>>
        tpu.wait_indirect_dma semaphore(%arg18 : memref<!tpu.dma_semaphore, #tpu.memory_space<semaphore_mem>>) src(%dma_wait3A_117 : memref<40000x32xf32, #tpu.memory_space<hbm>>) dst(%arg14 : memref<512x32xf32, #tpu.memory_space<vmem>>)
        %sub3A = arith.constant 1 : i32
        %sub3A_118 = arith.subi %add3A_53, %sub3A : i32
        %mul3A_119 = arith.constant 512 : i32
        %mul3A_120 = arith.muli %sub3A_118, %mul3A_119 : i32
        %add3A_121 = arith.addi %mul3A_2, %mul3A_120 : i32
        %dma_start3A_122 = arith.constant 0 : i32
        %dma_start3A_123 = tpu.memref_slice %arg5[%add3A_121, %dma_start3A_122] : memref<688128x32xf32, #tpu.memory_space<hbm>> -> memref<512x32xf32, #tpu.memory_space<hbm>>
        %dma_start3A_124 = arith.constant 0 : i32
        %dma_start3A_125 = tpu.memref_slice %arg5[%add3A_121, %dma_start3A_124] : memref<688128x32xf32, #tpu.memory_space<hbm>> -> memref<512x32xf32, #tpu.memory_space<hbm>>
        tpu.enqueue_dma source(%arg12 : memref<512x32xf32, #tpu.memory_space<vmem>>) target(%dma_start3A_125 : memref<512x32xf32, #tpu.memory_space<hbm>>) target_semaphore(%arg20 : memref<!tpu.dma_semaphore, #tpu.memory_space<semaphore_mem>>)
        %dma_start3A_126 = arith.constant 0 : i32
        %dma_start3A_127 = tpu.memref_slice %arg6[%add3A_121, %dma_start3A_126] : memref<688128x32xf32, #tpu.memory_space<hbm>> -> memref<512x32xf32, #tpu.memory_space<hbm>>
        %dma_start3A_128 = arith.constant 0 : i32
        %dma_start3A_129 = tpu.memref_slice %arg6[%add3A_121, %dma_start3A_128] : memref<688128x32xf32, #tpu.memory_space<hbm>> -> memref<512x32xf32, #tpu.memory_space<hbm>>
        tpu.enqueue_dma source(%arg14 : memref<512x32xf32, #tpu.memory_space<vmem>>) target(%dma_start3A_129 : memref<512x32xf32, #tpu.memory_space<hbm>>) target_semaphore(%arg20 : memref<!tpu.dma_semaphore, #tpu.memory_space<semaphore_mem>>)
      } else {
      }
      %add3A_74 = arith.constant 1 : i32
      %add3A_75 = arith.addi %add3A_53, %add3A_74 : i32
      %lt3A = arith.constant 42 : i32
      %lt3A_76 = arith.cmpi slt, %add3A_75, %lt3A : i32
      %convert_element_type3A_77 = arith.extui %lt3A_76 : i1 to i32
      %cond3A_78 = arith.constant 0 : i32
      %cond3A_79 = arith.cmpi ne, %convert_element_type3A_77, %cond3A_78 : i32
      scf.if %cond3A_79 {
        %add3A_112 = arith.constant 1 : i32
        %add3A_113 = arith.addi %add3A_53, %add3A_112 : i32
        %mul3A_114 = arith.constant 512 : i32
        %mul3A_115 = arith.muli %add3A_113, %mul3A_114 : i32
        %add3A_116 = arith.addi %mul3A_2, %mul3A_115 : i32
        %dma_start3A_117 = tpu.memref_slice %arg3[%add3A_116] : memref<688128xi32, #tpu.memory_space<hbm>> -> memref<512xi32, #tpu.memory_space<hbm>>
        %dma_start3A_118 = tpu.memref_slice %arg3[%add3A_116] : memref<688128xi32, #tpu.memory_space<hbm>> -> memref<512xi32, #tpu.memory_space<hbm>>
        tpu.enqueue_dma source(%dma_start3A_118 : memref<512xi32, #tpu.memory_space<hbm>>) target(%arg8 : memref<512xi32, #tpu.memory_space<vmem>>) target_semaphore(%arg16 : memref<!tpu.dma_semaphore, #tpu.memory_space<semaphore_mem>>)
        %dma_start3A_119 = tpu.memref_slice %arg4[%add3A_116] : memref<688128xi32, #tpu.memory_space<hbm>> -> memref<512xi32, #tpu.memory_space<hbm>>
        %dma_start3A_120 = tpu.memref_slice %arg4[%add3A_116] : memref<688128xi32, #tpu.memory_space<hbm>> -> memref<512xi32, #tpu.memory_space<hbm>>
        tpu.enqueue_dma source(%dma_start3A_120 : memref<512xi32, #tpu.memory_space<hbm>>) target(%arg10 : memref<512xi32, #tpu.memory_space<vmem>>) target_semaphore(%arg16 : memref<!tpu.dma_semaphore, #tpu.memory_space<semaphore_mem>>)
      } else {
      }
      %add3A_80 = arith.constant 1 : i32
      %add3A_81 = arith.addi %add3A_51, %add3A_80 : i32
      %mul3A_82 = arith.constant 512 : i32
      %mul3A_83 = arith.muli %add3A_81, %mul3A_82 : i32
      %add3A_84 = arith.addi %mul3A_2, %mul3A_83 : i32
      %dma_wait3A_85 = tpu.memref_slice %arg3[%add3A_84] : memref<688128xi32, #tpu.memory_space<hbm>> -> memref<512xi32, #tpu.memory_space<hbm>>
      %dma_wait3A_86 = tpu.memref_slice %arg3[%add3A_84] : memref<688128xi32, #tpu.memory_space<hbm>> -> memref<512xi32, #tpu.memory_space<hbm>>
      tpu.wait_dma2 semaphore(%arg16 : memref<!tpu.dma_semaphore, #tpu.memory_space<semaphore_mem>>) src(%dma_wait3A_86 : memref<512xi32, #tpu.memory_space<hbm>>) dst(%arg8 : memref<512xi32, #tpu.memory_space<vmem>>)
      %dma_wait3A_87 = tpu.memref_slice %arg4[%add3A_84] : memref<688128xi32, #tpu.memory_space<hbm>> -> memref<512xi32, #tpu.memory_space<hbm>>
      %dma_wait3A_88 = tpu.memref_slice %arg4[%add3A_84] : memref<688128xi32, #tpu.memory_space<hbm>> -> memref<512xi32, #tpu.memory_space<hbm>>
      tpu.wait_dma2 semaphore(%arg16 : memref<!tpu.dma_semaphore, #tpu.memory_space<semaphore_mem>>) src(%dma_wait3A_88 : memref<512xi32, #tpu.memory_space<hbm>>) dst(%arg10 : memref<512xi32, #tpu.memory_space<vmem>>)
      %ge3A_89 = arith.constant 2 : i32
      %ge3A_90 = arith.cmpi sge, %add3A_81, %ge3A_89 : i32
      %convert_element_type3A_91 = arith.extui %ge3A_90 : i1 to i32
      %cond3A_92 = arith.constant 0 : i32
      %cond3A_93 = arith.cmpi ne, %convert_element_type3A_91, %cond3A_92 : i32
      scf.if %cond3A_93 {
        %mul3A_112 = arith.constant 512 : i32
        %mul3A_113 = arith.muli %add3A_81, %mul3A_112 : i32
        %add3A_114 = arith.addi %mul3A_2, %mul3A_113 : i32
        %dma_wait3A_115 = arith.constant 0 : i32
        %dma_wait3A_116 = tpu.memref_slice %arg5[%add3A_114, %dma_wait3A_115] : memref<688128x32xf32, #tpu.memory_space<hbm>> -> memref<512x32xf32, #tpu.memory_space<hbm>>
        %dma_wait3A_117 = arith.constant 0 : i32
        %dma_wait3A_118 = tpu.memref_slice %arg5[%add3A_114, %dma_wait3A_117] : memref<688128x32xf32, #tpu.memory_space<hbm>> -> memref<512x32xf32, #tpu.memory_space<hbm>>
        tpu.wait_dma2 semaphore(%arg20 : memref<!tpu.dma_semaphore, #tpu.memory_space<semaphore_mem>>) src(%arg12 : memref<512x32xf32, #tpu.memory_space<vmem>>) dst(%dma_wait3A_118 : memref<512x32xf32, #tpu.memory_space<hbm>>)
        %dma_wait3A_119 = arith.constant 0 : i32
        %dma_wait3A_120 = tpu.memref_slice %arg6[%add3A_114, %dma_wait3A_119] : memref<688128x32xf32, #tpu.memory_space<hbm>> -> memref<512x32xf32, #tpu.memory_space<hbm>>
        %dma_wait3A_121 = arith.constant 0 : i32
        %dma_wait3A_122 = tpu.memref_slice %arg6[%add3A_114, %dma_wait3A_121] : memref<688128x32xf32, #tpu.memory_space<hbm>> -> memref<512x32xf32, #tpu.memory_space<hbm>>
        tpu.wait_dma2 semaphore(%arg20 : memref<!tpu.dma_semaphore, #tpu.memory_space<semaphore_mem>>) src(%arg14 : memref<512x32xf32, #tpu.memory_space<vmem>>) dst(%dma_wait3A_122 : memref<512x32xf32, #tpu.memory_space<hbm>>)
      } else {
      }
      %dma_start3A_94 = arith.constant 0 : i32
      %dma_start3A_95 = arith.constant 0 : i32
      %dma_start3A_96 = tpu.memref_slice %arg2[%dma_start3A_94, %dma_start3A_95] : memref<40000x32xf32, #tpu.memory_space<hbm>> -> memref<40000x32xf32, #tpu.memory_space<hbm>>
      tpu.enqueue_indirect_dma source(%dma_start3A_96 : memref<40000x32xf32, #tpu.memory_space<hbm>>) target(%arg12 : memref<512x32xf32, #tpu.memory_space<vmem>>) offsets(%arg8 : memref<512xi32, #tpu.memory_space<vmem>>) semaphore(%arg18 : memref<!tpu.dma_semaphore, #tpu.memory_space<semaphore_mem>>)
      %dma_start3A_97 = arith.constant 0 : i32
      %dma_start3A_98 = arith.constant 0 : i32
      %dma_start3A_99 = tpu.memref_slice %arg2[%dma_start3A_97, %dma_start3A_98] : memref<40000x32xf32, #tpu.memory_space<hbm>> -> memref<40000x32xf32, #tpu.memory_space<hbm>>
      tpu.enqueue_indirect_dma source(%dma_start3A_99 : memref<40000x32xf32, #tpu.memory_space<hbm>>) target(%arg14 : memref<512x32xf32, #tpu.memory_space<vmem>>) offsets(%arg10 : memref<512xi32, #tpu.memory_space<vmem>>) semaphore(%arg18 : memref<!tpu.dma_semaphore, #tpu.memory_space<semaphore_mem>>)
      %ge3A_100 = arith.constant 1 : i32
      %ge3A_101 = arith.cmpi sge, %add3A_81, %ge3A_100 : i32
      %convert_element_type3A_102 = arith.extui %ge3A_101 : i1 to i32
      %cond3A_103 = arith.constant 0 : i32
      %cond3A_104 = arith.cmpi ne, %convert_element_type3A_102, %cond3A_103 : i32
      scf.if %cond3A_104 {
        %dma_wait3A_112 = arith.constant 0 : i32
        %dma_wait3A_113 = arith.constant 0 : i32
        %dma_wait3A_114 = tpu.memref_slice %arg2[%dma_wait3A_112, %dma_wait3A_113] : memref<40000x32xf32, #tpu.memory_space<hbm>> -> memref<40000x32xf32, #tpu.memory_space<hbm>>
        tpu.wait_indirect_dma semaphore(%arg17 : memref<!tpu.dma_semaphore, #tpu.memory_space<semaphore_mem>>) src(%dma_wait3A_114 : memref<40000x32xf32, #tpu.memory_space<hbm>>) dst(%arg11 : memref<512x32xf32, #tpu.memory_space<vmem>>)
        %dma_wait3A_115 = arith.constant 0 : i32
        %dma_wait3A_116 = arith.constant 0 : i32
        %dma_wait3A_117 = tpu.memref_slice %arg2[%dma_wait3A_115, %dma_wait3A_116] : memref<40000x32xf32, #tpu.memory_space<hbm>> -> memref<40000x32xf32, #tpu.memory_space<hbm>>
        tpu.wait_indirect_dma semaphore(%arg17 : memref<!tpu.dma_semaphore, #tpu.memory_space<semaphore_mem>>) src(%dma_wait3A_117 : memref<40000x32xf32, #tpu.memory_space<hbm>>) dst(%arg13 : memref<512x32xf32, #tpu.memory_space<vmem>>)
        %sub3A = arith.constant 1 : i32
        %sub3A_118 = arith.subi %add3A_81, %sub3A : i32
        %mul3A_119 = arith.constant 512 : i32
        %mul3A_120 = arith.muli %sub3A_118, %mul3A_119 : i32
        %add3A_121 = arith.addi %mul3A_2, %mul3A_120 : i32
        %dma_start3A_122 = arith.constant 0 : i32
        %dma_start3A_123 = tpu.memref_slice %arg5[%add3A_121, %dma_start3A_122] : memref<688128x32xf32, #tpu.memory_space<hbm>> -> memref<512x32xf32, #tpu.memory_space<hbm>>
        %dma_start3A_124 = arith.constant 0 : i32
        %dma_start3A_125 = tpu.memref_slice %arg5[%add3A_121, %dma_start3A_124] : memref<688128x32xf32, #tpu.memory_space<hbm>> -> memref<512x32xf32, #tpu.memory_space<hbm>>
        tpu.enqueue_dma source(%arg11 : memref<512x32xf32, #tpu.memory_space<vmem>>) target(%dma_start3A_125 : memref<512x32xf32, #tpu.memory_space<hbm>>) target_semaphore(%arg19 : memref<!tpu.dma_semaphore, #tpu.memory_space<semaphore_mem>>)
        %dma_start3A_126 = arith.constant 0 : i32
        %dma_start3A_127 = tpu.memref_slice %arg6[%add3A_121, %dma_start3A_126] : memref<688128x32xf32, #tpu.memory_space<hbm>> -> memref<512x32xf32, #tpu.memory_space<hbm>>
        %dma_start3A_128 = arith.constant 0 : i32
        %dma_start3A_129 = tpu.memref_slice %arg6[%add3A_121, %dma_start3A_128] : memref<688128x32xf32, #tpu.memory_space<hbm>> -> memref<512x32xf32, #tpu.memory_space<hbm>>
        tpu.enqueue_dma source(%arg13 : memref<512x32xf32, #tpu.memory_space<vmem>>) target(%dma_start3A_129 : memref<512x32xf32, #tpu.memory_space<hbm>>) target_semaphore(%arg19 : memref<!tpu.dma_semaphore, #tpu.memory_space<semaphore_mem>>)
      } else {
      }
      %add3A_105 = arith.constant 1 : i32
      %add3A_106 = arith.addi %add3A_81, %add3A_105 : i32
      %lt3A_107 = arith.constant 42 : i32
      %lt3A_108 = arith.cmpi slt, %add3A_106, %lt3A_107 : i32
      %convert_element_type3A_109 = arith.extui %lt3A_108 : i1 to i32
      %cond3A_110 = arith.constant 0 : i32
      %cond3A_111 = arith.cmpi ne, %convert_element_type3A_109, %cond3A_110 : i32
      scf.if %cond3A_111 {
        %add3A_112 = arith.constant 1 : i32
        %add3A_113 = arith.addi %add3A_81, %add3A_112 : i32
        %mul3A_114 = arith.constant 512 : i32
        %mul3A_115 = arith.muli %add3A_113, %mul3A_114 : i32
        %add3A_116 = arith.addi %mul3A_2, %mul3A_115 : i32
        %dma_start3A_117 = tpu.memref_slice %arg3[%add3A_116] : memref<688128xi32, #tpu.memory_space<hbm>> -> memref<512xi32, #tpu.memory_space<hbm>>
        %dma_start3A_118 = tpu.memref_slice %arg3[%add3A_116] : memref<688128xi32, #tpu.memory_space<hbm>> -> memref<512xi32, #tpu.memory_space<hbm>>
        tpu.enqueue_dma source(%dma_start3A_118 : memref<512xi32, #tpu.memory_space<hbm>>) target(%arg7 : memref<512xi32, #tpu.memory_space<vmem>>) target_semaphore(%arg15 : memref<!tpu.dma_semaphore, #tpu.memory_space<semaphore_mem>>)
        %dma_start3A_119 = tpu.memref_slice %arg4[%add3A_116] : memref<688128xi32, #tpu.memory_space<hbm>> -> memref<512xi32, #tpu.memory_space<hbm>>
        %dma_start3A_120 = tpu.memref_slice %arg4[%add3A_116] : memref<688128xi32, #tpu.memory_space<hbm>> -> memref<512xi32, #tpu.memory_space<hbm>>
        tpu.enqueue_dma source(%dma_start3A_120 : memref<512xi32, #tpu.memory_space<hbm>>) target(%arg9 : memref<512xi32, #tpu.memory_space<vmem>>) target_semaphore(%arg15 : memref<!tpu.dma_semaphore, #tpu.memory_space<semaphore_mem>>)
      } else {
      }
    }
    %scan3A_11 = arith.constant 21 : i32
    %dma_wait3A = arith.constant 0 : i32
    %dma_wait3A_12 = arith.constant 0 : i32
    %dma_wait3A_13 = tpu.memref_slice %arg2[%dma_wait3A, %dma_wait3A_12] : memref<40000x32xf32, #tpu.memory_space<hbm>> -> memref<40000x32xf32, #tpu.memory_space<hbm>>
    tpu.wait_indirect_dma semaphore(%arg18 : memref<!tpu.dma_semaphore, #tpu.memory_space<semaphore_mem>>) src(%dma_wait3A_13 : memref<40000x32xf32, #tpu.memory_space<hbm>>) dst(%arg12 : memref<512x32xf32, #tpu.memory_space<vmem>>)
    %dma_wait3A_14 = arith.constant 0 : i32
    %dma_wait3A_15 = arith.constant 0 : i32
    %dma_wait3A_16 = tpu.memref_slice %arg2[%dma_wait3A_14, %dma_wait3A_15] : memref<40000x32xf32, #tpu.memory_space<hbm>> -> memref<40000x32xf32, #tpu.memory_space<hbm>>
    tpu.wait_indirect_dma semaphore(%arg18 : memref<!tpu.dma_semaphore, #tpu.memory_space<semaphore_mem>>) src(%dma_wait3A_16 : memref<40000x32xf32, #tpu.memory_space<hbm>>) dst(%arg14 : memref<512x32xf32, #tpu.memory_space<vmem>>)
    %add3A_17 = arith.constant 20992 : i32
    %add3A_18 = arith.addi %mul3A_2, %add3A_17 : i32
    %dma_start3A_19 = arith.constant 0 : i32
    %dma_start3A_20 = tpu.memref_slice %arg5[%add3A_18, %dma_start3A_19] : memref<688128x32xf32, #tpu.memory_space<hbm>> -> memref<512x32xf32, #tpu.memory_space<hbm>>
    %dma_start3A_21 = arith.constant 0 : i32
    %dma_start3A_22 = tpu.memref_slice %arg5[%add3A_18, %dma_start3A_21] : memref<688128x32xf32, #tpu.memory_space<hbm>> -> memref<512x32xf32, #tpu.memory_space<hbm>>
    tpu.enqueue_dma source(%arg12 : memref<512x32xf32, #tpu.memory_space<vmem>>) target(%dma_start3A_22 : memref<512x32xf32, #tpu.memory_space<hbm>>) target_semaphore(%arg20 : memref<!tpu.dma_semaphore, #tpu.memory_space<semaphore_mem>>)
    %dma_start3A_23 = arith.constant 0 : i32
    %dma_start3A_24 = tpu.memref_slice %arg6[%add3A_18, %dma_start3A_23] : memref<688128x32xf32, #tpu.memory_space<hbm>> -> memref<512x32xf32, #tpu.memory_space<hbm>>
    %dma_start3A_25 = arith.constant 0 : i32
    %dma_start3A_26 = tpu.memref_slice %arg6[%add3A_18, %dma_start3A_25] : memref<688128x32xf32, #tpu.memory_space<hbm>> -> memref<512x32xf32, #tpu.memory_space<hbm>>
    tpu.enqueue_dma source(%arg14 : memref<512x32xf32, #tpu.memory_space<vmem>>) target(%dma_start3A_26 : memref<512x32xf32, #tpu.memory_space<hbm>>) target_semaphore(%arg20 : memref<!tpu.dma_semaphore, #tpu.memory_space<semaphore_mem>>)
    %add3A_27 = arith.constant 20480 : i32
    %add3A_28 = arith.addi %mul3A_2, %add3A_27 : i32
    %dma_wait3A_29 = arith.constant 0 : i32
    %dma_wait3A_30 = tpu.memref_slice %arg5[%add3A_28, %dma_wait3A_29] : memref<688128x32xf32, #tpu.memory_space<hbm>> -> memref<512x32xf32, #tpu.memory_space<hbm>>
    %dma_wait3A_31 = arith.constant 0 : i32
    %dma_wait3A_32 = tpu.memref_slice %arg5[%add3A_28, %dma_wait3A_31] : memref<688128x32xf32, #tpu.memory_space<hbm>> -> memref<512x32xf32, #tpu.memory_space<hbm>>
    tpu.wait_dma2 semaphore(%arg19 : memref<!tpu.dma_semaphore, #tpu.memory_space<semaphore_mem>>) src(%arg11 : memref<512x32xf32, #tpu.memory_space<vmem>>) dst(%dma_wait3A_32 : memref<512x32xf32, #tpu.memory_space<hbm>>)
    %dma_wait3A_33 = arith.constant 0 : i32
    %dma_wait3A_34 = tpu.memref_slice %arg6[%add3A_28, %dma_wait3A_33] : memref<688128x32xf32, #tpu.memory_space<hbm>> -> memref<512x32xf32, #tpu.memory_space<hbm>>
    %dma_wait3A_35 = arith.constant 0 : i32
    %dma_wait3A_36 = tpu.memref_slice %arg6[%add3A_28, %dma_wait3A_35] : memref<688128x32xf32, #tpu.memory_space<hbm>> -> memref<512x32xf32, #tpu.memory_space<hbm>>
    tpu.wait_dma2 semaphore(%arg19 : memref<!tpu.dma_semaphore, #tpu.memory_space<semaphore_mem>>) src(%arg13 : memref<512x32xf32, #tpu.memory_space<vmem>>) dst(%dma_wait3A_36 : memref<512x32xf32, #tpu.memory_space<hbm>>)
    %add3A_37 = arith.constant 20992 : i32
    %add3A_38 = arith.addi %mul3A_2, %add3A_37 : i32
    %dma_wait3A_39 = arith.constant 0 : i32
    %dma_wait3A_40 = tpu.memref_slice %arg5[%add3A_38, %dma_wait3A_39] : memref<688128x32xf32, #tpu.memory_space<hbm>> -> memref<512x32xf32, #tpu.memory_space<hbm>>
    %dma_wait3A_41 = arith.constant 0 : i32
    %dma_wait3A_42 = tpu.memref_slice %arg5[%add3A_38, %dma_wait3A_41] : memref<688128x32xf32, #tpu.memory_space<hbm>> -> memref<512x32xf32, #tpu.memory_space<hbm>>
    tpu.wait_dma2 semaphore(%arg20 : memref<!tpu.dma_semaphore, #tpu.memory_space<semaphore_mem>>) src(%arg12 : memref<512x32xf32, #tpu.memory_space<vmem>>) dst(%dma_wait3A_42 : memref<512x32xf32, #tpu.memory_space<hbm>>)
    %dma_wait3A_43 = arith.constant 0 : i32
    %dma_wait3A_44 = tpu.memref_slice %arg6[%add3A_38, %dma_wait3A_43] : memref<688128x32xf32, #tpu.memory_space<hbm>> -> memref<512x32xf32, #tpu.memory_space<hbm>>
    %dma_wait3A_45 = arith.constant 0 : i32
    %dma_wait3A_46 = tpu.memref_slice %arg6[%add3A_38, %dma_wait3A_45] : memref<688128x32xf32, #tpu.memory_space<hbm>> -> memref<512x32xf32, #tpu.memory_space<hbm>>
    tpu.wait_dma2 semaphore(%arg20 : memref<!tpu.dma_semaphore, #tpu.memory_space<semaphore_mem>>) src(%arg14 : memref<512x32xf32, #tpu.memory_space<vmem>>) dst(%dma_wait3A_46 : memref<512x32xf32, #tpu.memory_space<hbm>>)
    return
  }
}

#map = affine_map<(d0, d1) -> (0, 0)>
#map1 = affine_map<(d0, d1) -> (0, 0, 0)>
module attributes {stable_mosaic.version = 14 : i64} {
  func.func @scatter_add(%arg0: i32, %arg1: i32, %arg2: memref<688128x32xf32, #tpu.memory_space<hbm>>, %arg3: memref<5376x128xi32, #tpu.memory_space<hbm>>, %arg4: memref<10016x32xf32, #tpu.memory_space<hbm>>, %arg5: memref<2x10016x32xf32, #tpu.memory_space<hbm>>, %arg6: memref<4x128xi32, #tpu.memory_space<vmem>>, %arg7: memref<512x32xf32, #tpu.memory_space<vmem>>, %arg8: memref<10016x32xf32, #tpu.memory_space<vmem_shared>>) attributes {dimension_semantics = [#tpu.dimension_semantics<core_parallel>, #tpu.dimension_semantics<subcore_parallel>], iteration_bounds = array<i64: 2, 16>, scalar_prefetch = 0 : i64, scratch_operands = 3 : i64, tpu.core_type = #tpu.core_type<sc_vector_subcore>, window_params = [{transform_indices = #map}, {transform_indices = #map}, {transform_indices = #map}, {transform_indices = #map1}]} {
    %mul3A = arith.constant 2 : i32
    %mul3A_0 = arith.muli %arg1, %mul3A : i32
    %add3A = arith.addi %mul3A_0, %arg0 : i32
    %mul3A_1 = arith.constant 168 : i32
    %mul3A_2 = arith.muli %add3A, %mul3A_1 : i32
    %eq3A = arith.constant 0 : i32
    %eq3A_3 = arith.cmpi eq, %arg1, %eq3A : i32
    %convert_element_type3A = arith.extui %eq3A_3 : i1 to i32
    %cond3A = arith.constant 0 : i32
    %cond3A_4 = arith.cmpi ne, %convert_element_type3A, %cond3A : i32
    scf.if %cond3A_4 {
      "tpu.region"() ({
        %run_scoped3A = tpu.sem_alloc : memref<!tpu.dma_semaphore, #tpu.memory_space<semaphore_mem>>
        tpu.enqueue_dma source(%arg4 : memref<10016x32xf32, #tpu.memory_space<hbm>>) target(%arg8 : memref<10016x32xf32, #tpu.memory_space<vmem_shared>>) target_semaphore(%run_scoped3A : memref<!tpu.dma_semaphore, #tpu.memory_space<semaphore_mem>>)
        tpu.wait_dma2 semaphore(%run_scoped3A : memref<!tpu.dma_semaphore, #tpu.memory_space<semaphore_mem>>) src(%arg4 : memref<10016x32xf32, #tpu.memory_space<hbm>>) dst(%arg8 : memref<10016x32xf32, #tpu.memory_space<vmem_shared>>)
        tpu.yield
      }) : () -> ()
    } else {
    }
    %barrier3A = arith.constant 0 : index
    tpu.barrier barrier_id(%barrier3A)
    %scan3A = arith.constant 0 : i32
    %scan3A_5 = arith.constant 42 : i32
    %scan3A_6 = arith.addi %scan3A, %scan3A_5 : i32
    %scan3A_7 = arith.constant 1 : i32
    scf.for %scan3A_14 = %scan3A to %scan3A_6 step %scan3A_7  : i32 {
      %mul3A_15 = arith.constant 1 : i32
      %mul3A_16 = arith.muli %scan3A_14, %mul3A_15 : i32
      %add3A_17 = arith.constant 0 : i32
      %add3A_18 = arith.addi %add3A_17, %mul3A_16 : i32
      %mul3A_19 = arith.constant 4 : i32
      %mul3A_20 = arith.muli %add3A_18, %mul3A_19 : i32
      %add3A_21 = arith.addi %mul3A_2, %mul3A_20 : i32
      %mul3A_22 = arith.constant 128 : i32
      %mul3A_23 = arith.muli %add3A_21, %mul3A_22 : i32
      "tpu.region"() ({
        %run_scoped3A_27 = tpu.sem_alloc : memref<!tpu.dma_semaphore, #tpu.memory_space<semaphore_mem>>
        %dma_start3A = arith.constant 0 : i32
        %dma_start3A_28 = tpu.memref_slice %arg3[%add3A_21, %dma_start3A] : memref<5376x128xi32, #tpu.memory_space<hbm>> -> memref<4x128xi32, #tpu.memory_space<hbm>>
        %dma_start3A_29 = arith.constant 0 : i32
        %dma_start3A_30 = tpu.memref_slice %arg3[%add3A_21, %dma_start3A_29] : memref<5376x128xi32, #tpu.memory_space<hbm>> -> memref<4x128xi32, #tpu.memory_space<hbm>>
        tpu.enqueue_dma source(%dma_start3A_30 : memref<4x128xi32, #tpu.memory_space<hbm>>) target(%arg6 : memref<4x128xi32, #tpu.memory_space<vmem>>) target_semaphore(%run_scoped3A_27 : memref<!tpu.dma_semaphore, #tpu.memory_space<semaphore_mem>>)
        %dma_wait3A = arith.constant 0 : i32
        %dma_wait3A_31 = tpu.memref_slice %arg3[%add3A_21, %dma_wait3A] : memref<5376x128xi32, #tpu.memory_space<hbm>> -> memref<4x128xi32, #tpu.memory_space<hbm>>
        %dma_wait3A_32 = arith.constant 0 : i32
        %dma_wait3A_33 = tpu.memref_slice %arg3[%add3A_21, %dma_wait3A_32] : memref<5376x128xi32, #tpu.memory_space<hbm>> -> memref<4x128xi32, #tpu.memory_space<hbm>>
        tpu.wait_dma2 semaphore(%run_scoped3A_27 : memref<!tpu.dma_semaphore, #tpu.memory_space<semaphore_mem>>) src(%dma_wait3A_33 : memref<4x128xi32, #tpu.memory_space<hbm>>) dst(%arg6 : memref<4x128xi32, #tpu.memory_space<vmem>>)
        tpu.yield
      }) : () -> ()
      "tpu.region"() ({
        %run_scoped3A_27 = tpu.sem_alloc : memref<!tpu.dma_semaphore, #tpu.memory_space<semaphore_mem>>
        %dma_start3A = arith.constant 0 : i32
        %dma_start3A_28 = tpu.memref_slice %arg2[%mul3A_23, %dma_start3A] : memref<688128x32xf32, #tpu.memory_space<hbm>> -> memref<512x32xf32, #tpu.memory_space<hbm>>
        %dma_start3A_29 = arith.constant 0 : i32
        %dma_start3A_30 = tpu.memref_slice %arg2[%mul3A_23, %dma_start3A_29] : memref<688128x32xf32, #tpu.memory_space<hbm>> -> memref<512x32xf32, #tpu.memory_space<hbm>>
        tpu.enqueue_dma source(%dma_start3A_30 : memref<512x32xf32, #tpu.memory_space<hbm>>) target(%arg7 : memref<512x32xf32, #tpu.memory_space<vmem>>) target_semaphore(%run_scoped3A_27 : memref<!tpu.dma_semaphore, #tpu.memory_space<semaphore_mem>>)
        %dma_wait3A = arith.constant 0 : i32
        %dma_wait3A_31 = tpu.memref_slice %arg2[%mul3A_23, %dma_wait3A] : memref<688128x32xf32, #tpu.memory_space<hbm>> -> memref<512x32xf32, #tpu.memory_space<hbm>>
        %dma_wait3A_32 = arith.constant 0 : i32
        %dma_wait3A_33 = tpu.memref_slice %arg2[%mul3A_23, %dma_wait3A_32] : memref<688128x32xf32, #tpu.memory_space<hbm>> -> memref<512x32xf32, #tpu.memory_space<hbm>>
        tpu.wait_dma2 semaphore(%run_scoped3A_27 : memref<!tpu.dma_semaphore, #tpu.memory_space<semaphore_mem>>) src(%dma_wait3A_33 : memref<512x32xf32, #tpu.memory_space<hbm>>) dst(%arg7 : memref<512x32xf32, #tpu.memory_space<vmem>>)
        tpu.yield
      }) : () -> ()
      %run_scoped3A = arith.constant 0 : i32
      "tpu.region"() ({
        %run_scoped3A_27 = tpu.sem_alloc : memref<!tpu.dma_semaphore, #tpu.memory_space<semaphore_mem>>
        %dma_start3A = arith.constant 0 : i32
        %dma_start3A_28 = arith.constant 0 : i32
        %dma_start3A_29 = tpu.memref_slice %arg7[%dma_start3A, %dma_start3A_28] : memref<512x32xf32, #tpu.memory_space<vmem>> -> memref<128x32xf32, #tpu.memory_space<vmem>>
        %dma_start3A_30 = arith.constant 0 : i32
        %dma_start3A_31 = tpu.memref_slice %arg6[%run_scoped3A, %dma_start3A_30] : memref<4x128xi32, #tpu.memory_space<vmem>> -> memref<1x128xi32, #tpu.memory_space<vmem>>
        %dma_start3A_32 = tpu.memref_squeeze %dma_start3A_31 : memref<1x128xi32, #tpu.memory_space<vmem>> -> memref<128xi32, #tpu.memory_space<vmem>>
        %dma_start3A_33 = arith.constant 0 : i32
        %dma_start3A_34 = arith.constant 0 : i32
        %dma_start3A_35 = tpu.memref_slice %arg8[%dma_start3A_33, %dma_start3A_34] : memref<10016x32xf32, #tpu.memory_space<vmem_shared>> -> memref<10016x32xf32, #tpu.memory_space<vmem_shared>>
        tpu.enqueue_indirect_dma source(%dma_start3A_29 : memref<128x32xf32, #tpu.memory_space<vmem>>) target(%dma_start3A_35 : memref<10016x32xf32, #tpu.memory_space<vmem_shared>>) offsets(%dma_start3A_32 : memref<128xi32, #tpu.memory_space<vmem>>) semaphore(%run_scoped3A_27 : memref<!tpu.dma_semaphore, #tpu.memory_space<semaphore_mem>>) {add = true}
        %dma_wait3A = arith.constant 0 : i32
        %dma_wait3A_36 = arith.constant 0 : i32
        %dma_wait3A_37 = tpu.memref_slice %arg7[%dma_wait3A, %dma_wait3A_36] : memref<512x32xf32, #tpu.memory_space<vmem>> -> memref<128x32xf32, #tpu.memory_space<vmem>>
        %dma_wait3A_38 = arith.constant 0 : i32
        %dma_wait3A_39 = tpu.memref_slice %arg6[%run_scoped3A, %dma_wait3A_38] : memref<4x128xi32, #tpu.memory_space<vmem>> -> memref<1x128xi32, #tpu.memory_space<vmem>>
        %dma_wait3A_40 = tpu.memref_squeeze %dma_wait3A_39 : memref<1x128xi32, #tpu.memory_space<vmem>> -> memref<128xi32, #tpu.memory_space<vmem>>
        %dma_wait3A_41 = arith.constant 0 : i32
        %dma_wait3A_42 = arith.constant 0 : i32
        %dma_wait3A_43 = tpu.memref_slice %arg8[%dma_wait3A_41, %dma_wait3A_42] : memref<10016x32xf32, #tpu.memory_space<vmem_shared>> -> memref<10016x32xf32, #tpu.memory_space<vmem_shared>>
        tpu.wait_indirect_dma semaphore(%run_scoped3A_27 : memref<!tpu.dma_semaphore, #tpu.memory_space<semaphore_mem>>) src(%dma_wait3A_37 : memref<128x32xf32, #tpu.memory_space<vmem>>) dst(%dma_wait3A_43 : memref<10016x32xf32, #tpu.memory_space<vmem_shared>>)
        tpu.yield
      }) : () -> ()
      %run_scoped3A_24 = arith.constant 1 : i32
      "tpu.region"() ({
        %run_scoped3A_27 = tpu.sem_alloc : memref<!tpu.dma_semaphore, #tpu.memory_space<semaphore_mem>>
        %dma_start3A = arith.constant 128 : i32
        %dma_start3A_28 = arith.constant 0 : i32
        %dma_start3A_29 = tpu.memref_slice %arg7[%dma_start3A, %dma_start3A_28] : memref<512x32xf32, #tpu.memory_space<vmem>> -> memref<128x32xf32, #tpu.memory_space<vmem>>
        %dma_start3A_30 = arith.constant 0 : i32
        %dma_start3A_31 = tpu.memref_slice %arg6[%run_scoped3A_24, %dma_start3A_30] : memref<4x128xi32, #tpu.memory_space<vmem>> -> memref<1x128xi32, #tpu.memory_space<vmem>>
        %dma_start3A_32 = tpu.memref_squeeze %dma_start3A_31 : memref<1x128xi32, #tpu.memory_space<vmem>> -> memref<128xi32, #tpu.memory_space<vmem>>
        %dma_start3A_33 = arith.constant 0 : i32
        %dma_start3A_34 = arith.constant 0 : i32
        %dma_start3A_35 = tpu.memref_slice %arg8[%dma_start3A_33, %dma_start3A_34] : memref<10016x32xf32, #tpu.memory_space<vmem_shared>> -> memref<10016x32xf32, #tpu.memory_space<vmem_shared>>
        tpu.enqueue_indirect_dma source(%dma_start3A_29 : memref<128x32xf32, #tpu.memory_space<vmem>>) target(%dma_start3A_35 : memref<10016x32xf32, #tpu.memory_space<vmem_shared>>) offsets(%dma_start3A_32 : memref<128xi32, #tpu.memory_space<vmem>>) semaphore(%run_scoped3A_27 : memref<!tpu.dma_semaphore, #tpu.memory_space<semaphore_mem>>) {add = true}
        %dma_wait3A = arith.constant 128 : i32
        %dma_wait3A_36 = arith.constant 0 : i32
        %dma_wait3A_37 = tpu.memref_slice %arg7[%dma_wait3A, %dma_wait3A_36] : memref<512x32xf32, #tpu.memory_space<vmem>> -> memref<128x32xf32, #tpu.memory_space<vmem>>
        %dma_wait3A_38 = arith.constant 0 : i32
        %dma_wait3A_39 = tpu.memref_slice %arg6[%run_scoped3A_24, %dma_wait3A_38] : memref<4x128xi32, #tpu.memory_space<vmem>> -> memref<1x128xi32, #tpu.memory_space<vmem>>
        %dma_wait3A_40 = tpu.memref_squeeze %dma_wait3A_39 : memref<1x128xi32, #tpu.memory_space<vmem>> -> memref<128xi32, #tpu.memory_space<vmem>>
        %dma_wait3A_41 = arith.constant 0 : i32
        %dma_wait3A_42 = arith.constant 0 : i32
        %dma_wait3A_43 = tpu.memref_slice %arg8[%dma_wait3A_41, %dma_wait3A_42] : memref<10016x32xf32, #tpu.memory_space<vmem_shared>> -> memref<10016x32xf32, #tpu.memory_space<vmem_shared>>
        tpu.wait_indirect_dma semaphore(%run_scoped3A_27 : memref<!tpu.dma_semaphore, #tpu.memory_space<semaphore_mem>>) src(%dma_wait3A_37 : memref<128x32xf32, #tpu.memory_space<vmem>>) dst(%dma_wait3A_43 : memref<10016x32xf32, #tpu.memory_space<vmem_shared>>)
        tpu.yield
      }) : () -> ()
      %run_scoped3A_25 = arith.constant 2 : i32
      "tpu.region"() ({
        %run_scoped3A_27 = tpu.sem_alloc : memref<!tpu.dma_semaphore, #tpu.memory_space<semaphore_mem>>
        %dma_start3A = arith.constant 256 : i32
        %dma_start3A_28 = arith.constant 0 : i32
        %dma_start3A_29 = tpu.memref_slice %arg7[%dma_start3A, %dma_start3A_28] : memref<512x32xf32, #tpu.memory_space<vmem>> -> memref<128x32xf32, #tpu.memory_space<vmem>>
        %dma_start3A_30 = arith.constant 0 : i32
        %dma_start3A_31 = tpu.memref_slice %arg6[%run_scoped3A_25, %dma_start3A_30] : memref<4x128xi32, #tpu.memory_space<vmem>> -> memref<1x128xi32, #tpu.memory_space<vmem>>
        %dma_start3A_32 = tpu.memref_squeeze %dma_start3A_31 : memref<1x128xi32, #tpu.memory_space<vmem>> -> memref<128xi32, #tpu.memory_space<vmem>>
        %dma_start3A_33 = arith.constant 0 : i32
        %dma_start3A_34 = arith.constant 0 : i32
        %dma_start3A_35 = tpu.memref_slice %arg8[%dma_start3A_33, %dma_start3A_34] : memref<10016x32xf32, #tpu.memory_space<vmem_shared>> -> memref<10016x32xf32, #tpu.memory_space<vmem_shared>>
        tpu.enqueue_indirect_dma source(%dma_start3A_29 : memref<128x32xf32, #tpu.memory_space<vmem>>) target(%dma_start3A_35 : memref<10016x32xf32, #tpu.memory_space<vmem_shared>>) offsets(%dma_start3A_32 : memref<128xi32, #tpu.memory_space<vmem>>) semaphore(%run_scoped3A_27 : memref<!tpu.dma_semaphore, #tpu.memory_space<semaphore_mem>>) {add = true}
        %dma_wait3A = arith.constant 256 : i32
        %dma_wait3A_36 = arith.constant 0 : i32
        %dma_wait3A_37 = tpu.memref_slice %arg7[%dma_wait3A, %dma_wait3A_36] : memref<512x32xf32, #tpu.memory_space<vmem>> -> memref<128x32xf32, #tpu.memory_space<vmem>>
        %dma_wait3A_38 = arith.constant 0 : i32
        %dma_wait3A_39 = tpu.memref_slice %arg6[%run_scoped3A_25, %dma_wait3A_38] : memref<4x128xi32, #tpu.memory_space<vmem>> -> memref<1x128xi32, #tpu.memory_space<vmem>>
        %dma_wait3A_40 = tpu.memref_squeeze %dma_wait3A_39 : memref<1x128xi32, #tpu.memory_space<vmem>> -> memref<128xi32, #tpu.memory_space<vmem>>
        %dma_wait3A_41 = arith.constant 0 : i32
        %dma_wait3A_42 = arith.constant 0 : i32
        %dma_wait3A_43 = tpu.memref_slice %arg8[%dma_wait3A_41, %dma_wait3A_42] : memref<10016x32xf32, #tpu.memory_space<vmem_shared>> -> memref<10016x32xf32, #tpu.memory_space<vmem_shared>>
        tpu.wait_indirect_dma semaphore(%run_scoped3A_27 : memref<!tpu.dma_semaphore, #tpu.memory_space<semaphore_mem>>) src(%dma_wait3A_37 : memref<128x32xf32, #tpu.memory_space<vmem>>) dst(%dma_wait3A_43 : memref<10016x32xf32, #tpu.memory_space<vmem_shared>>)
        tpu.yield
      }) : () -> ()
      %run_scoped3A_26 = arith.constant 3 : i32
      "tpu.region"() ({
        %run_scoped3A_27 = tpu.sem_alloc : memref<!tpu.dma_semaphore, #tpu.memory_space<semaphore_mem>>
        %dma_start3A = arith.constant 384 : i32
        %dma_start3A_28 = arith.constant 0 : i32
        %dma_start3A_29 = tpu.memref_slice %arg7[%dma_start3A, %dma_start3A_28] : memref<512x32xf32, #tpu.memory_space<vmem>> -> memref<128x32xf32, #tpu.memory_space<vmem>>
        %dma_start3A_30 = arith.constant 0 : i32
        %dma_start3A_31 = tpu.memref_slice %arg6[%run_scoped3A_26, %dma_start3A_30] : memref<4x128xi32, #tpu.memory_space<vmem>> -> memref<1x128xi32, #tpu.memory_space<vmem>>
        %dma_start3A_32 = tpu.memref_squeeze %dma_start3A_31 : memref<1x128xi32, #tpu.memory_space<vmem>> -> memref<128xi32, #tpu.memory_space<vmem>>
        %dma_start3A_33 = arith.constant 0 : i32
        %dma_start3A_34 = arith.constant 0 : i32
        %dma_start3A_35 = tpu.memref_slice %arg8[%dma_start3A_33, %dma_start3A_34] : memref<10016x32xf32, #tpu.memory_space<vmem_shared>> -> memref<10016x32xf32, #tpu.memory_space<vmem_shared>>
        tpu.enqueue_indirect_dma source(%dma_start3A_29 : memref<128x32xf32, #tpu.memory_space<vmem>>) target(%dma_start3A_35 : memref<10016x32xf32, #tpu.memory_space<vmem_shared>>) offsets(%dma_start3A_32 : memref<128xi32, #tpu.memory_space<vmem>>) semaphore(%run_scoped3A_27 : memref<!tpu.dma_semaphore, #tpu.memory_space<semaphore_mem>>) {add = true}
        %dma_wait3A = arith.constant 384 : i32
        %dma_wait3A_36 = arith.constant 0 : i32
        %dma_wait3A_37 = tpu.memref_slice %arg7[%dma_wait3A, %dma_wait3A_36] : memref<512x32xf32, #tpu.memory_space<vmem>> -> memref<128x32xf32, #tpu.memory_space<vmem>>
        %dma_wait3A_38 = arith.constant 0 : i32
        %dma_wait3A_39 = tpu.memref_slice %arg6[%run_scoped3A_26, %dma_wait3A_38] : memref<4x128xi32, #tpu.memory_space<vmem>> -> memref<1x128xi32, #tpu.memory_space<vmem>>
        %dma_wait3A_40 = tpu.memref_squeeze %dma_wait3A_39 : memref<1x128xi32, #tpu.memory_space<vmem>> -> memref<128xi32, #tpu.memory_space<vmem>>
        %dma_wait3A_41 = arith.constant 0 : i32
        %dma_wait3A_42 = arith.constant 0 : i32
        %dma_wait3A_43 = tpu.memref_slice %arg8[%dma_wait3A_41, %dma_wait3A_42] : memref<10016x32xf32, #tpu.memory_space<vmem_shared>> -> memref<10016x32xf32, #tpu.memory_space<vmem_shared>>
        tpu.wait_indirect_dma semaphore(%run_scoped3A_27 : memref<!tpu.dma_semaphore, #tpu.memory_space<semaphore_mem>>) src(%dma_wait3A_37 : memref<128x32xf32, #tpu.memory_space<vmem>>) dst(%dma_wait3A_43 : memref<10016x32xf32, #tpu.memory_space<vmem_shared>>)
        tpu.yield
      }) : () -> ()
    }
    %scan3A_8 = arith.constant 42 : i32
    %barrier3A_9 = arith.constant 0 : index
    tpu.barrier barrier_id(%barrier3A_9)
    %mul3A_10 = arith.constant 626 : i32
    %mul3A_11 = arith.muli %arg1, %mul3A_10 : i32
    %mul3A_12 = arith.constant 626 : i32
    %mul3A_13 = arith.muli %arg1, %mul3A_12 : i32
    "tpu.region"() ({
      %run_scoped3A = tpu.sem_alloc : memref<!tpu.dma_semaphore, #tpu.memory_space<semaphore_mem>>
      %dma_start3A = arith.constant 0 : i32
      %dma_start3A_14 = arith.constant 0 : i32
      %dma_start3A_15 = tpu.memref_slice %arg5[%arg0, %dma_start3A, %dma_start3A_14] : memref<2x10016x32xf32, #tpu.memory_space<hbm>> -> memref<1x10016x32xf32, #tpu.memory_space<hbm>>
      %dma_start3A_16 = tpu.memref_squeeze %dma_start3A_15 : memref<1x10016x32xf32, #tpu.memory_space<hbm>> -> memref<10016x32xf32, #tpu.memory_space<hbm>>
      %dma_start3A_17 = arith.constant 0 : i32
      %dma_start3A_18 = tpu.memref_slice %dma_start3A_16[%mul3A_13, %dma_start3A_17] : memref<10016x32xf32, #tpu.memory_space<hbm>> -> memref<626x32xf32, #tpu.memory_space<hbm>>
      %dma_start3A_19 = arith.constant 0 : i32
      %dma_start3A_20 = tpu.memref_slice %arg8[%mul3A_11, %dma_start3A_19] : memref<10016x32xf32, #tpu.memory_space<vmem_shared>> -> memref<626x32xf32, #tpu.memory_space<vmem_shared>>
      tpu.enqueue_dma source(%dma_start3A_20 : memref<626x32xf32, #tpu.memory_space<vmem_shared>>) target(%dma_start3A_18 : memref<626x32xf32, #tpu.memory_space<hbm>>) target_semaphore(%run_scoped3A : memref<!tpu.dma_semaphore, #tpu.memory_space<semaphore_mem>>)
      %dma_wait3A = arith.constant 0 : i32
      %dma_wait3A_21 = arith.constant 0 : i32
      %dma_wait3A_22 = tpu.memref_slice %arg5[%arg0, %dma_wait3A, %dma_wait3A_21] : memref<2x10016x32xf32, #tpu.memory_space<hbm>> -> memref<1x10016x32xf32, #tpu.memory_space<hbm>>
      %dma_wait3A_23 = tpu.memref_squeeze %dma_wait3A_22 : memref<1x10016x32xf32, #tpu.memory_space<hbm>> -> memref<10016x32xf32, #tpu.memory_space<hbm>>
      %dma_wait3A_24 = arith.constant 0 : i32
      %dma_wait3A_25 = tpu.memref_slice %dma_wait3A_23[%mul3A_13, %dma_wait3A_24] : memref<10016x32xf32, #tpu.memory_space<hbm>> -> memref<626x32xf32, #tpu.memory_space<hbm>>
      %dma_wait3A_26 = arith.constant 0 : i32
      %dma_wait3A_27 = tpu.memref_slice %arg8[%mul3A_11, %dma_wait3A_26] : memref<10016x32xf32, #tpu.memory_space<vmem_shared>> -> memref<626x32xf32, #tpu.memory_space<vmem_shared>>
      tpu.wait_dma2 semaphore(%run_scoped3A : memref<!tpu.dma_semaphore, #tpu.memory_space<semaphore_mem>>) src(%dma_wait3A_27 : memref<626x32xf32, #tpu.memory_space<vmem_shared>>) dst(%dma_wait3A_25 : memref<626x32xf32, #tpu.memory_space<hbm>>)
      tpu.yield
    }) : () -> ()
    return
  }
}

#map = affine_map<(d0, d1) -> (0, 0)>
#map1 = affine_map<(d0, d1) -> (0)>
module attributes {stable_mosaic.version = 14 : i64} {
  func.func @gather2(%arg0: i32, %arg1: i32, %arg2: memref<40000x32xf32, #tpu.memory_space<hbm>>, %arg3: memref<327680xi32, #tpu.memory_space<hbm>>, %arg4: memref<327680xi32, #tpu.memory_space<hbm>>, %arg5: memref<327680x32xf32, #tpu.memory_space<hbm>>, %arg6: memref<327680x32xf32, #tpu.memory_space<hbm>>, %arg7: memref<512xi32, #tpu.memory_space<vmem>>, %arg8: memref<512xi32, #tpu.memory_space<vmem>>, %arg9: memref<512xi32, #tpu.memory_space<vmem>>, %arg10: memref<512xi32, #tpu.memory_space<vmem>>, %arg11: memref<512x32xf32, #tpu.memory_space<vmem>>, %arg12: memref<512x32xf32, #tpu.memory_space<vmem>>, %arg13: memref<512x32xf32, #tpu.memory_space<vmem>>, %arg14: memref<512x32xf32, #tpu.memory_space<vmem>>, %arg15: memref<!tpu.dma_semaphore, #tpu.memory_space<semaphore_mem>>, %arg16: memref<!tpu.dma_semaphore, #tpu.memory_space<semaphore_mem>>, %arg17: memref<!tpu.dma_semaphore, #tpu.memory_space<semaphore_mem>>, %arg18: memref<!tpu.dma_semaphore, #tpu.memory_space<semaphore_mem>>, %arg19: memref<!tpu.dma_semaphore, #tpu.memory_space<semaphore_mem>>, %arg20: memref<!tpu.dma_semaphore, #tpu.memory_space<semaphore_mem>>) attributes {dimension_semantics = [#tpu.dimension_semantics<core_parallel>, #tpu.dimension_semantics<subcore_parallel>], iteration_bounds = array<i64: 2, 16>, scalar_prefetch = 0 : i64, scratch_operands = 14 : i64, tpu.core_type = #tpu.core_type<sc_vector_subcore>, window_params = [{transform_indices = #map}, {transform_indices = #map1}, {transform_indices = #map1}, {transform_indices = #map}, {transform_indices = #map}]} {
    %mul3A = arith.constant 2 : i32
    %mul3A_0 = arith.muli %arg1, %mul3A : i32
    %add3A = arith.addi %mul3A_0, %arg0 : i32
    %mul3A_1 = arith.constant 10240 : i32
    %mul3A_2 = arith.muli %add3A, %mul3A_1 : i32
    %add3A_3 = arith.constant 0 : i32
    %add3A_4 = arith.addi %mul3A_2, %add3A_3 : i32
    %dma_start3A = tpu.memref_slice %arg3[%add3A_4] : memref<327680xi32, #tpu.memory_space<hbm>> -> memref<512xi32, #tpu.memory_space<hbm>>
    %dma_start3A_5 = tpu.memref_slice %arg3[%add3A_4] : memref<327680xi32, #tpu.memory_space<hbm>> -> memref<512xi32, #tpu.memory_space<hbm>>
    tpu.enqueue_dma source(%dma_start3A_5 : memref<512xi32, #tpu.memory_space<hbm>>) target(%arg7 : memref<512xi32, #tpu.memory_space<vmem>>) target_semaphore(%arg15 : memref<!tpu.dma_semaphore, #tpu.memory_space<semaphore_mem>>)
    %dma_start3A_6 = tpu.memref_slice %arg4[%add3A_4] : memref<327680xi32, #tpu.memory_space<hbm>> -> memref<512xi32, #tpu.memory_space<hbm>>
    %dma_start3A_7 = tpu.memref_slice %arg4[%add3A_4] : memref<327680xi32, #tpu.memory_space<hbm>> -> memref<512xi32, #tpu.memory_space<hbm>>
    tpu.enqueue_dma source(%dma_start3A_7 : memref<512xi32, #tpu.memory_space<hbm>>) target(%arg9 : memref<512xi32, #tpu.memory_space<vmem>>) target_semaphore(%arg15 : memref<!tpu.dma_semaphore, #tpu.memory_space<semaphore_mem>>)
    %scan3A = arith.constant 0 : i32
    %scan3A_8 = arith.constant 10 : i32
    %scan3A_9 = arith.addi %scan3A, %scan3A_8 : i32
    %scan3A_10 = arith.constant 1 : i32
    scf.for %scan3A_47 = %scan3A to %scan3A_9 step %scan3A_10  : i32 {
      %mul3A_48 = arith.constant 2 : i32
      %mul3A_49 = arith.muli %scan3A_47, %mul3A_48 : i32
      %add3A_50 = arith.constant 0 : i32
      %add3A_51 = arith.addi %add3A_50, %mul3A_49 : i32
      %add3A_52 = arith.constant 0 : i32
      %add3A_53 = arith.addi %add3A_51, %add3A_52 : i32
      %mul3A_54 = arith.constant 512 : i32
      %mul3A_55 = arith.muli %add3A_53, %mul3A_54 : i32
      %add3A_56 = arith.addi %mul3A_2, %mul3A_55 : i32
      %dma_wait3A_57 = tpu.memref_slice %arg3[%add3A_56] : memref<327680xi32, #tpu.memory_space<hbm>> -> memref<512xi32, #tpu.memory_space<hbm>>
      %dma_wait3A_58 = tpu.memref_slice %arg3[%add3A_56] : memref<327680xi32, #tpu.memory_space<hbm>> -> memref<512xi32, #tpu.memory_space<hbm>>
      tpu.wait_dma2 semaphore(%arg15 : memref<!tpu.dma_semaphore, #tpu.memory_space<semaphore_mem>>) src(%dma_wait3A_58 : memref<512xi32, #tpu.memory_space<hbm>>) dst(%arg7 : memref<512xi32, #tpu.memory_space<vmem>>)
      %dma_wait3A_59 = tpu.memref_slice %arg4[%add3A_56] : memref<327680xi32, #tpu.memory_space<hbm>> -> memref<512xi32, #tpu.memory_space<hbm>>
      %dma_wait3A_60 = tpu.memref_slice %arg4[%add3A_56] : memref<327680xi32, #tpu.memory_space<hbm>> -> memref<512xi32, #tpu.memory_space<hbm>>
      tpu.wait_dma2 semaphore(%arg15 : memref<!tpu.dma_semaphore, #tpu.memory_space<semaphore_mem>>) src(%dma_wait3A_60 : memref<512xi32, #tpu.memory_space<hbm>>) dst(%arg9 : memref<512xi32, #tpu.memory_space<vmem>>)
      %ge3A = arith.constant 2 : i32
      %ge3A_61 = arith.cmpi sge, %add3A_53, %ge3A : i32
      %convert_element_type3A = arith.extui %ge3A_61 : i1 to i32
      %cond3A = arith.constant 0 : i32
      %cond3A_62 = arith.cmpi ne, %convert_element_type3A, %cond3A : i32
      scf.if %cond3A_62 {
        %mul3A_112 = arith.constant 512 : i32
        %mul3A_113 = arith.muli %add3A_53, %mul3A_112 : i32
        %add3A_114 = arith.addi %mul3A_2, %mul3A_113 : i32
        %dma_wait3A_115 = arith.constant 0 : i32
        %dma_wait3A_116 = tpu.memref_slice %arg5[%add3A_114, %dma_wait3A_115] : memref<327680x32xf32, #tpu.memory_space<hbm>> -> memref<512x32xf32, #tpu.memory_space<hbm>>
        %dma_wait3A_117 = arith.constant 0 : i32
        %dma_wait3A_118 = tpu.memref_slice %arg5[%add3A_114, %dma_wait3A_117] : memref<327680x32xf32, #tpu.memory_space<hbm>> -> memref<512x32xf32, #tpu.memory_space<hbm>>
        tpu.wait_dma2 semaphore(%arg19 : memref<!tpu.dma_semaphore, #tpu.memory_space<semaphore_mem>>) src(%arg11 : memref<512x32xf32, #tpu.memory_space<vmem>>) dst(%dma_wait3A_118 : memref<512x32xf32, #tpu.memory_space<hbm>>)
        %dma_wait3A_119 = arith.constant 0 : i32
        %dma_wait3A_120 = tpu.memref_slice %arg6[%add3A_114, %dma_wait3A_119] : memref<327680x32xf32, #tpu.memory_space<hbm>> -> memref<512x32xf32, #tpu.memory_space<hbm>>
        %dma_wait3A_121 = arith.constant 0 : i32
        %dma_wait3A_122 = tpu.memref_slice %arg6[%add3A_114, %dma_wait3A_121] : memref<327680x32xf32, #tpu.memory_space<hbm>> -> memref<512x32xf32, #tpu.memory_space<hbm>>
        tpu.wait_dma2 semaphore(%arg19 : memref<!tpu.dma_semaphore, #tpu.memory_space<semaphore_mem>>) src(%arg13 : memref<512x32xf32, #tpu.memory_space<vmem>>) dst(%dma_wait3A_122 : memref<512x32xf32, #tpu.memory_space<hbm>>)
      } else {
      }
      %dma_start3A_63 = arith.constant 0 : i32
      %dma_start3A_64 = arith.constant 0 : i32
      %dma_start3A_65 = tpu.memref_slice %arg2[%dma_start3A_63, %dma_start3A_64] : memref<40000x32xf32, #tpu.memory_space<hbm>> -> memref<40000x32xf32, #tpu.memory_space<hbm>>
      tpu.enqueue_indirect_dma source(%dma_start3A_65 : memref<40000x32xf32, #tpu.memory_space<hbm>>) target(%arg11 : memref<512x32xf32, #tpu.memory_space<vmem>>) offsets(%arg7 : memref<512xi32, #tpu.memory_space<vmem>>) semaphore(%arg17 : memref<!tpu.dma_semaphore, #tpu.memory_space<semaphore_mem>>)
      %dma_start3A_66 = arith.constant 0 : i32
      %dma_start3A_67 = arith.constant 0 : i32
      %dma_start3A_68 = tpu.memref_slice %arg2[%dma_start3A_66, %dma_start3A_67] : memref<40000x32xf32, #tpu.memory_space<hbm>> -> memref<40000x32xf32, #tpu.memory_space<hbm>>
      tpu.enqueue_indirect_dma source(%dma_start3A_68 : memref<40000x32xf32, #tpu.memory_space<hbm>>) target(%arg13 : memref<512x32xf32, #tpu.memory_space<vmem>>) offsets(%arg9 : memref<512xi32, #tpu.memory_space<vmem>>) semaphore(%arg17 : memref<!tpu.dma_semaphore, #tpu.memory_space<semaphore_mem>>)
      %ge3A_69 = arith.constant 1 : i32
      %ge3A_70 = arith.cmpi sge, %add3A_53, %ge3A_69 : i32
      %convert_element_type3A_71 = arith.extui %ge3A_70 : i1 to i32
      %cond3A_72 = arith.constant 0 : i32
      %cond3A_73 = arith.cmpi ne, %convert_element_type3A_71, %cond3A_72 : i32
      scf.if %cond3A_73 {
        %dma_wait3A_112 = arith.constant 0 : i32
        %dma_wait3A_113 = arith.constant 0 : i32
        %dma_wait3A_114 = tpu.memref_slice %arg2[%dma_wait3A_112, %dma_wait3A_113] : memref<40000x32xf32, #tpu.memory_space<hbm>> -> memref<40000x32xf32, #tpu.memory_space<hbm>>
        tpu.wait_indirect_dma semaphore(%arg18 : memref<!tpu.dma_semaphore, #tpu.memory_space<semaphore_mem>>) src(%dma_wait3A_114 : memref<40000x32xf32, #tpu.memory_space<hbm>>) dst(%arg12 : memref<512x32xf32, #tpu.memory_space<vmem>>)
        %dma_wait3A_115 = arith.constant 0 : i32
        %dma_wait3A_116 = arith.constant 0 : i32
        %dma_wait3A_117 = tpu.memref_slice %arg2[%dma_wait3A_115, %dma_wait3A_116] : memref<40000x32xf32, #tpu.memory_space<hbm>> -> memref<40000x32xf32, #tpu.memory_space<hbm>>
        tpu.wait_indirect_dma semaphore(%arg18 : memref<!tpu.dma_semaphore, #tpu.memory_space<semaphore_mem>>) src(%dma_wait3A_117 : memref<40000x32xf32, #tpu.memory_space<hbm>>) dst(%arg14 : memref<512x32xf32, #tpu.memory_space<vmem>>)
        %sub3A = arith.constant 1 : i32
        %sub3A_118 = arith.subi %add3A_53, %sub3A : i32
        %mul3A_119 = arith.constant 512 : i32
        %mul3A_120 = arith.muli %sub3A_118, %mul3A_119 : i32
        %add3A_121 = arith.addi %mul3A_2, %mul3A_120 : i32
        %dma_start3A_122 = arith.constant 0 : i32
        %dma_start3A_123 = tpu.memref_slice %arg5[%add3A_121, %dma_start3A_122] : memref<327680x32xf32, #tpu.memory_space<hbm>> -> memref<512x32xf32, #tpu.memory_space<hbm>>
        %dma_start3A_124 = arith.constant 0 : i32
        %dma_start3A_125 = tpu.memref_slice %arg5[%add3A_121, %dma_start3A_124] : memref<327680x32xf32, #tpu.memory_space<hbm>> -> memref<512x32xf32, #tpu.memory_space<hbm>>
        tpu.enqueue_dma source(%arg12 : memref<512x32xf32, #tpu.memory_space<vmem>>) target(%dma_start3A_125 : memref<512x32xf32, #tpu.memory_space<hbm>>) target_semaphore(%arg20 : memref<!tpu.dma_semaphore, #tpu.memory_space<semaphore_mem>>)
        %dma_start3A_126 = arith.constant 0 : i32
        %dma_start3A_127 = tpu.memref_slice %arg6[%add3A_121, %dma_start3A_126] : memref<327680x32xf32, #tpu.memory_space<hbm>> -> memref<512x32xf32, #tpu.memory_space<hbm>>
        %dma_start3A_128 = arith.constant 0 : i32
        %dma_start3A_129 = tpu.memref_slice %arg6[%add3A_121, %dma_start3A_128] : memref<327680x32xf32, #tpu.memory_space<hbm>> -> memref<512x32xf32, #tpu.memory_space<hbm>>
        tpu.enqueue_dma source(%arg14 : memref<512x32xf32, #tpu.memory_space<vmem>>) target(%dma_start3A_129 : memref<512x32xf32, #tpu.memory_space<hbm>>) target_semaphore(%arg20 : memref<!tpu.dma_semaphore, #tpu.memory_space<semaphore_mem>>)
      } else {
      }
      %add3A_74 = arith.constant 1 : i32
      %add3A_75 = arith.addi %add3A_53, %add3A_74 : i32
      %lt3A = arith.constant 20 : i32
      %lt3A_76 = arith.cmpi slt, %add3A_75, %lt3A : i32
      %convert_element_type3A_77 = arith.extui %lt3A_76 : i1 to i32
      %cond3A_78 = arith.constant 0 : i32
      %cond3A_79 = arith.cmpi ne, %convert_element_type3A_77, %cond3A_78 : i32
      scf.if %cond3A_79 {
        %add3A_112 = arith.constant 1 : i32
        %add3A_113 = arith.addi %add3A_53, %add3A_112 : i32
        %mul3A_114 = arith.constant 512 : i32
        %mul3A_115 = arith.muli %add3A_113, %mul3A_114 : i32
        %add3A_116 = arith.addi %mul3A_2, %mul3A_115 : i32
        %dma_start3A_117 = tpu.memref_slice %arg3[%add3A_116] : memref<327680xi32, #tpu.memory_space<hbm>> -> memref<512xi32, #tpu.memory_space<hbm>>
        %dma_start3A_118 = tpu.memref_slice %arg3[%add3A_116] : memref<327680xi32, #tpu.memory_space<hbm>> -> memref<512xi32, #tpu.memory_space<hbm>>
        tpu.enqueue_dma source(%dma_start3A_118 : memref<512xi32, #tpu.memory_space<hbm>>) target(%arg8 : memref<512xi32, #tpu.memory_space<vmem>>) target_semaphore(%arg16 : memref<!tpu.dma_semaphore, #tpu.memory_space<semaphore_mem>>)
        %dma_start3A_119 = tpu.memref_slice %arg4[%add3A_116] : memref<327680xi32, #tpu.memory_space<hbm>> -> memref<512xi32, #tpu.memory_space<hbm>>
        %dma_start3A_120 = tpu.memref_slice %arg4[%add3A_116] : memref<327680xi32, #tpu.memory_space<hbm>> -> memref<512xi32, #tpu.memory_space<hbm>>
        tpu.enqueue_dma source(%dma_start3A_120 : memref<512xi32, #tpu.memory_space<hbm>>) target(%arg10 : memref<512xi32, #tpu.memory_space<vmem>>) target_semaphore(%arg16 : memref<!tpu.dma_semaphore, #tpu.memory_space<semaphore_mem>>)
      } else {
      }
      %add3A_80 = arith.constant 1 : i32
      %add3A_81 = arith.addi %add3A_51, %add3A_80 : i32
      %mul3A_82 = arith.constant 512 : i32
      %mul3A_83 = arith.muli %add3A_81, %mul3A_82 : i32
      %add3A_84 = arith.addi %mul3A_2, %mul3A_83 : i32
      %dma_wait3A_85 = tpu.memref_slice %arg3[%add3A_84] : memref<327680xi32, #tpu.memory_space<hbm>> -> memref<512xi32, #tpu.memory_space<hbm>>
      %dma_wait3A_86 = tpu.memref_slice %arg3[%add3A_84] : memref<327680xi32, #tpu.memory_space<hbm>> -> memref<512xi32, #tpu.memory_space<hbm>>
      tpu.wait_dma2 semaphore(%arg16 : memref<!tpu.dma_semaphore, #tpu.memory_space<semaphore_mem>>) src(%dma_wait3A_86 : memref<512xi32, #tpu.memory_space<hbm>>) dst(%arg8 : memref<512xi32, #tpu.memory_space<vmem>>)
      %dma_wait3A_87 = tpu.memref_slice %arg4[%add3A_84] : memref<327680xi32, #tpu.memory_space<hbm>> -> memref<512xi32, #tpu.memory_space<hbm>>
      %dma_wait3A_88 = tpu.memref_slice %arg4[%add3A_84] : memref<327680xi32, #tpu.memory_space<hbm>> -> memref<512xi32, #tpu.memory_space<hbm>>
      tpu.wait_dma2 semaphore(%arg16 : memref<!tpu.dma_semaphore, #tpu.memory_space<semaphore_mem>>) src(%dma_wait3A_88 : memref<512xi32, #tpu.memory_space<hbm>>) dst(%arg10 : memref<512xi32, #tpu.memory_space<vmem>>)
      %ge3A_89 = arith.constant 2 : i32
      %ge3A_90 = arith.cmpi sge, %add3A_81, %ge3A_89 : i32
      %convert_element_type3A_91 = arith.extui %ge3A_90 : i1 to i32
      %cond3A_92 = arith.constant 0 : i32
      %cond3A_93 = arith.cmpi ne, %convert_element_type3A_91, %cond3A_92 : i32
      scf.if %cond3A_93 {
        %mul3A_112 = arith.constant 512 : i32
        %mul3A_113 = arith.muli %add3A_81, %mul3A_112 : i32
        %add3A_114 = arith.addi %mul3A_2, %mul3A_113 : i32
        %dma_wait3A_115 = arith.constant 0 : i32
        %dma_wait3A_116 = tpu.memref_slice %arg5[%add3A_114, %dma_wait3A_115] : memref<327680x32xf32, #tpu.memory_space<hbm>> -> memref<512x32xf32, #tpu.memory_space<hbm>>
        %dma_wait3A_117 = arith.constant 0 : i32
        %dma_wait3A_118 = tpu.memref_slice %arg5[%add3A_114, %dma_wait3A_117] : memref<327680x32xf32, #tpu.memory_space<hbm>> -> memref<512x32xf32, #tpu.memory_space<hbm>>
        tpu.wait_dma2 semaphore(%arg20 : memref<!tpu.dma_semaphore, #tpu.memory_space<semaphore_mem>>) src(%arg12 : memref<512x32xf32, #tpu.memory_space<vmem>>) dst(%dma_wait3A_118 : memref<512x32xf32, #tpu.memory_space<hbm>>)
        %dma_wait3A_119 = arith.constant 0 : i32
        %dma_wait3A_120 = tpu.memref_slice %arg6[%add3A_114, %dma_wait3A_119] : memref<327680x32xf32, #tpu.memory_space<hbm>> -> memref<512x32xf32, #tpu.memory_space<hbm>>
        %dma_wait3A_121 = arith.constant 0 : i32
        %dma_wait3A_122 = tpu.memref_slice %arg6[%add3A_114, %dma_wait3A_121] : memref<327680x32xf32, #tpu.memory_space<hbm>> -> memref<512x32xf32, #tpu.memory_space<hbm>>
        tpu.wait_dma2 semaphore(%arg20 : memref<!tpu.dma_semaphore, #tpu.memory_space<semaphore_mem>>) src(%arg14 : memref<512x32xf32, #tpu.memory_space<vmem>>) dst(%dma_wait3A_122 : memref<512x32xf32, #tpu.memory_space<hbm>>)
      } else {
      }
      %dma_start3A_94 = arith.constant 0 : i32
      %dma_start3A_95 = arith.constant 0 : i32
      %dma_start3A_96 = tpu.memref_slice %arg2[%dma_start3A_94, %dma_start3A_95] : memref<40000x32xf32, #tpu.memory_space<hbm>> -> memref<40000x32xf32, #tpu.memory_space<hbm>>
      tpu.enqueue_indirect_dma source(%dma_start3A_96 : memref<40000x32xf32, #tpu.memory_space<hbm>>) target(%arg12 : memref<512x32xf32, #tpu.memory_space<vmem>>) offsets(%arg8 : memref<512xi32, #tpu.memory_space<vmem>>) semaphore(%arg18 : memref<!tpu.dma_semaphore, #tpu.memory_space<semaphore_mem>>)
      %dma_start3A_97 = arith.constant 0 : i32
      %dma_start3A_98 = arith.constant 0 : i32
      %dma_start3A_99 = tpu.memref_slice %arg2[%dma_start3A_97, %dma_start3A_98] : memref<40000x32xf32, #tpu.memory_space<hbm>> -> memref<40000x32xf32, #tpu.memory_space<hbm>>
      tpu.enqueue_indirect_dma source(%dma_start3A_99 : memref<40000x32xf32, #tpu.memory_space<hbm>>) target(%arg14 : memref<512x32xf32, #tpu.memory_space<vmem>>) offsets(%arg10 : memref<512xi32, #tpu.memory_space<vmem>>) semaphore(%arg18 : memref<!tpu.dma_semaphore, #tpu.memory_space<semaphore_mem>>)
      %ge3A_100 = arith.constant 1 : i32
      %ge3A_101 = arith.cmpi sge, %add3A_81, %ge3A_100 : i32
      %convert_element_type3A_102 = arith.extui %ge3A_101 : i1 to i32
      %cond3A_103 = arith.constant 0 : i32
      %cond3A_104 = arith.cmpi ne, %convert_element_type3A_102, %cond3A_103 : i32
      scf.if %cond3A_104 {
        %dma_wait3A_112 = arith.constant 0 : i32
        %dma_wait3A_113 = arith.constant 0 : i32
        %dma_wait3A_114 = tpu.memref_slice %arg2[%dma_wait3A_112, %dma_wait3A_113] : memref<40000x32xf32, #tpu.memory_space<hbm>> -> memref<40000x32xf32, #tpu.memory_space<hbm>>
        tpu.wait_indirect_dma semaphore(%arg17 : memref<!tpu.dma_semaphore, #tpu.memory_space<semaphore_mem>>) src(%dma_wait3A_114 : memref<40000x32xf32, #tpu.memory_space<hbm>>) dst(%arg11 : memref<512x32xf32, #tpu.memory_space<vmem>>)
        %dma_wait3A_115 = arith.constant 0 : i32
        %dma_wait3A_116 = arith.constant 0 : i32
        %dma_wait3A_117 = tpu.memref_slice %arg2[%dma_wait3A_115, %dma_wait3A_116] : memref<40000x32xf32, #tpu.memory_space<hbm>> -> memref<40000x32xf32, #tpu.memory_space<hbm>>
        tpu.wait_indirect_dma semaphore(%arg17 : memref<!tpu.dma_semaphore, #tpu.memory_space<semaphore_mem>>) src(%dma_wait3A_117 : memref<40000x32xf32, #tpu.memory_space<hbm>>) dst(%arg13 : memref<512x32xf32, #tpu.memory_space<vmem>>)
        %sub3A = arith.constant 1 : i32
        %sub3A_118 = arith.subi %add3A_81, %sub3A : i32
        %mul3A_119 = arith.constant 512 : i32
        %mul3A_120 = arith.muli %sub3A_118, %mul3A_119 : i32
        %add3A_121 = arith.addi %mul3A_2, %mul3A_120 : i32
        %dma_start3A_122 = arith.constant 0 : i32
        %dma_start3A_123 = tpu.memref_slice %arg5[%add3A_121, %dma_start3A_122] : memref<327680x32xf32, #tpu.memory_space<hbm>> -> memref<512x32xf32, #tpu.memory_space<hbm>>
        %dma_start3A_124 = arith.constant 0 : i32
        %dma_start3A_125 = tpu.memref_slice %arg5[%add3A_121, %dma_start3A_124] : memref<327680x32xf32, #tpu.memory_space<hbm>> -> memref<512x32xf32, #tpu.memory_space<hbm>>
        tpu.enqueue_dma source(%arg11 : memref<512x32xf32, #tpu.memory_space<vmem>>) target(%dma_start3A_125 : memref<512x32xf32, #tpu.memory_space<hbm>>) target_semaphore(%arg19 : memref<!tpu.dma_semaphore, #tpu.memory_space<semaphore_mem>>)
        %dma_start3A_126 = arith.constant 0 : i32
        %dma_start3A_127 = tpu.memref_slice %arg6[%add3A_121, %dma_start3A_126] : memref<327680x32xf32, #tpu.memory_space<hbm>> -> memref<512x32xf32, #tpu.memory_space<hbm>>
        %dma_start3A_128 = arith.constant 0 : i32
        %dma_start3A_129 = tpu.memref_slice %arg6[%add3A_121, %dma_start3A_128] : memref<327680x32xf32, #tpu.memory_space<hbm>> -> memref<512x32xf32, #tpu.memory_space<hbm>>
        tpu.enqueue_dma source(%arg13 : memref<512x32xf32, #tpu.memory_space<vmem>>) target(%dma_start3A_129 : memref<512x32xf32, #tpu.memory_space<hbm>>) target_semaphore(%arg19 : memref<!tpu.dma_semaphore, #tpu.memory_space<semaphore_mem>>)
      } else {
      }
      %add3A_105 = arith.constant 1 : i32
      %add3A_106 = arith.addi %add3A_81, %add3A_105 : i32
      %lt3A_107 = arith.constant 20 : i32
      %lt3A_108 = arith.cmpi slt, %add3A_106, %lt3A_107 : i32
      %convert_element_type3A_109 = arith.extui %lt3A_108 : i1 to i32
      %cond3A_110 = arith.constant 0 : i32
      %cond3A_111 = arith.cmpi ne, %convert_element_type3A_109, %cond3A_110 : i32
      scf.if %cond3A_111 {
        %add3A_112 = arith.constant 1 : i32
        %add3A_113 = arith.addi %add3A_81, %add3A_112 : i32
        %mul3A_114 = arith.constant 512 : i32
        %mul3A_115 = arith.muli %add3A_113, %mul3A_114 : i32
        %add3A_116 = arith.addi %mul3A_2, %mul3A_115 : i32
        %dma_start3A_117 = tpu.memref_slice %arg3[%add3A_116] : memref<327680xi32, #tpu.memory_space<hbm>> -> memref<512xi32, #tpu.memory_space<hbm>>
        %dma_start3A_118 = tpu.memref_slice %arg3[%add3A_116] : memref<327680xi32, #tpu.memory_space<hbm>> -> memref<512xi32, #tpu.memory_space<hbm>>
        tpu.enqueue_dma source(%dma_start3A_118 : memref<512xi32, #tpu.memory_space<hbm>>) target(%arg7 : memref<512xi32, #tpu.memory_space<vmem>>) target_semaphore(%arg15 : memref<!tpu.dma_semaphore, #tpu.memory_space<semaphore_mem>>)
        %dma_start3A_119 = tpu.memref_slice %arg4[%add3A_116] : memref<327680xi32, #tpu.memory_space<hbm>> -> memref<512xi32, #tpu.memory_space<hbm>>
        %dma_start3A_120 = tpu.memref_slice %arg4[%add3A_116] : memref<327680xi32, #tpu.memory_space<hbm>> -> memref<512xi32, #tpu.memory_space<hbm>>
        tpu.enqueue_dma source(%dma_start3A_120 : memref<512xi32, #tpu.memory_space<hbm>>) target(%arg9 : memref<512xi32, #tpu.memory_space<vmem>>) target_semaphore(%arg15 : memref<!tpu.dma_semaphore, #tpu.memory_space<semaphore_mem>>)
      } else {
      }
    }
    %scan3A_11 = arith.constant 10 : i32
    %dma_wait3A = arith.constant 0 : i32
    %dma_wait3A_12 = arith.constant 0 : i32
    %dma_wait3A_13 = tpu.memref_slice %arg2[%dma_wait3A, %dma_wait3A_12] : memref<40000x32xf32, #tpu.memory_space<hbm>> -> memref<40000x32xf32, #tpu.memory_space<hbm>>
    tpu.wait_indirect_dma semaphore(%arg18 : memref<!tpu.dma_semaphore, #tpu.memory_space<semaphore_mem>>) src(%dma_wait3A_13 : memref<40000x32xf32, #tpu.memory_space<hbm>>) dst(%arg12 : memref<512x32xf32, #tpu.memory_space<vmem>>)
    %dma_wait3A_14 = arith.constant 0 : i32
    %dma_wait3A_15 = arith.constant 0 : i32
    %dma_wait3A_16 = tpu.memref_slice %arg2[%dma_wait3A_14, %dma_wait3A_15] : memref<40000x32xf32, #tpu.memory_space<hbm>> -> memref<40000x32xf32, #tpu.memory_space<hbm>>
    tpu.wait_indirect_dma semaphore(%arg18 : memref<!tpu.dma_semaphore, #tpu.memory_space<semaphore_mem>>) src(%dma_wait3A_16 : memref<40000x32xf32, #tpu.memory_space<hbm>>) dst(%arg14 : memref<512x32xf32, #tpu.memory_space<vmem>>)
    %add3A_17 = arith.constant 9728 : i32
    %add3A_18 = arith.addi %mul3A_2, %add3A_17 : i32
    %dma_start3A_19 = arith.constant 0 : i32
    %dma_start3A_20 = tpu.memref_slice %arg5[%add3A_18, %dma_start3A_19] : memref<327680x32xf32, #tpu.memory_space<hbm>> -> memref<512x32xf32, #tpu.memory_space<hbm>>
    %dma_start3A_21 = arith.constant 0 : i32
    %dma_start3A_22 = tpu.memref_slice %arg5[%add3A_18, %dma_start3A_21] : memref<327680x32xf32, #tpu.memory_space<hbm>> -> memref<512x32xf32, #tpu.memory_space<hbm>>
    tpu.enqueue_dma source(%arg12 : memref<512x32xf32, #tpu.memory_space<vmem>>) target(%dma_start3A_22 : memref<512x32xf32, #tpu.memory_space<hbm>>) target_semaphore(%arg20 : memref<!tpu.dma_semaphore, #tpu.memory_space<semaphore_mem>>)
    %dma_start3A_23 = arith.constant 0 : i32
    %dma_start3A_24 = tpu.memref_slice %arg6[%add3A_18, %dma_start3A_23] : memref<327680x32xf32, #tpu.memory_space<hbm>> -> memref<512x32xf32, #tpu.memory_space<hbm>>
    %dma_start3A_25 = arith.constant 0 : i32
    %dma_start3A_26 = tpu.memref_slice %arg6[%add3A_18, %dma_start3A_25] : memref<327680x32xf32, #tpu.memory_space<hbm>> -> memref<512x32xf32, #tpu.memory_space<hbm>>
    tpu.enqueue_dma source(%arg14 : memref<512x32xf32, #tpu.memory_space<vmem>>) target(%dma_start3A_26 : memref<512x32xf32, #tpu.memory_space<hbm>>) target_semaphore(%arg20 : memref<!tpu.dma_semaphore, #tpu.memory_space<semaphore_mem>>)
    %add3A_27 = arith.constant 9216 : i32
    %add3A_28 = arith.addi %mul3A_2, %add3A_27 : i32
    %dma_wait3A_29 = arith.constant 0 : i32
    %dma_wait3A_30 = tpu.memref_slice %arg5[%add3A_28, %dma_wait3A_29] : memref<327680x32xf32, #tpu.memory_space<hbm>> -> memref<512x32xf32, #tpu.memory_space<hbm>>
    %dma_wait3A_31 = arith.constant 0 : i32
    %dma_wait3A_32 = tpu.memref_slice %arg5[%add3A_28, %dma_wait3A_31] : memref<327680x32xf32, #tpu.memory_space<hbm>> -> memref<512x32xf32, #tpu.memory_space<hbm>>
    tpu.wait_dma2 semaphore(%arg19 : memref<!tpu.dma_semaphore, #tpu.memory_space<semaphore_mem>>) src(%arg11 : memref<512x32xf32, #tpu.memory_space<vmem>>) dst(%dma_wait3A_32 : memref<512x32xf32, #tpu.memory_space<hbm>>)
    %dma_wait3A_33 = arith.constant 0 : i32
    %dma_wait3A_34 = tpu.memref_slice %arg6[%add3A_28, %dma_wait3A_33] : memref<327680x32xf32, #tpu.memory_space<hbm>> -> memref<512x32xf32, #tpu.memory_space<hbm>>
    %dma_wait3A_35 = arith.constant 0 : i32
    %dma_wait3A_36 = tpu.memref_slice %arg6[%add3A_28, %dma_wait3A_35] : memref<327680x32xf32, #tpu.memory_space<hbm>> -> memref<512x32xf32, #tpu.memory_space<hbm>>
    tpu.wait_dma2 semaphore(%arg19 : memref<!tpu.dma_semaphore, #tpu.memory_space<semaphore_mem>>) src(%arg13 : memref<512x32xf32, #tpu.memory_space<vmem>>) dst(%dma_wait3A_36 : memref<512x32xf32, #tpu.memory_space<hbm>>)
    %add3A_37 = arith.constant 9728 : i32
    %add3A_38 = arith.addi %mul3A_2, %add3A_37 : i32
    %dma_wait3A_39 = arith.constant 0 : i32
    %dma_wait3A_40 = tpu.memref_slice %arg5[%add3A_38, %dma_wait3A_39] : memref<327680x32xf32, #tpu.memory_space<hbm>> -> memref<512x32xf32, #tpu.memory_space<hbm>>
    %dma_wait3A_41 = arith.constant 0 : i32
    %dma_wait3A_42 = tpu.memref_slice %arg5[%add3A_38, %dma_wait3A_41] : memref<327680x32xf32, #tpu.memory_space<hbm>> -> memref<512x32xf32, #tpu.memory_space<hbm>>
    tpu.wait_dma2 semaphore(%arg20 : memref<!tpu.dma_semaphore, #tpu.memory_space<semaphore_mem>>) src(%arg12 : memref<512x32xf32, #tpu.memory_space<vmem>>) dst(%dma_wait3A_42 : memref<512x32xf32, #tpu.memory_space<hbm>>)
    %dma_wait3A_43 = arith.constant 0 : i32
    %dma_wait3A_44 = tpu.memref_slice %arg6[%add3A_38, %dma_wait3A_43] : memref<327680x32xf32, #tpu.memory_space<hbm>> -> memref<512x32xf32, #tpu.memory_space<hbm>>
    %dma_wait3A_45 = arith.constant 0 : i32
    %dma_wait3A_46 = tpu.memref_slice %arg6[%add3A_38, %dma_wait3A_45] : memref<327680x32xf32, #tpu.memory_space<hbm>> -> memref<512x32xf32, #tpu.memory_space<hbm>>
    tpu.wait_dma2 semaphore(%arg20 : memref<!tpu.dma_semaphore, #tpu.memory_space<semaphore_mem>>) src(%arg14 : memref<512x32xf32, #tpu.memory_space<vmem>>) dst(%dma_wait3A_46 : memref<512x32xf32, #tpu.memory_space<hbm>>)
    return
  }
}

module attributes {stable_mosaic.version = 14 : i64} {
  func.func @_input_net_kernel(%arg0: i32, %arg1: memref<10000x128xf32, #tpu.memory_space<vmem>>, %arg2: memref<128x32xf32, #tpu.memory_space<vmem>>, %arg3: memref<1x32xf32, #tpu.memory_space<vmem>>, %arg4: memref<1x32xf32, #tpu.memory_space<vmem>>, %arg5: memref<32x32xf32, #tpu.memory_space<vmem>>, %arg6: memref<1x32xf32, #tpu.memory_space<vmem>>, %arg7: memref<10000x32xf32, #tpu.memory_space<vmem>>) attributes {dimension_semantics = [#tpu.dimension_semantics<arbitrary>], iteration_bounds = array<i64: 1>, scalar_prefetch = 0 : i64, scratch_operands = 0 : i64, tpu.core_type = #tpu.core_type<tc>, window_params = [{pipeline_mode = #tpu.pipeline_mode<synchronous>, transform_indices = @transform_0, window_bounds = array<i64: 10000, 128>}, {pipeline_mode = #tpu.pipeline_mode<synchronous>, transform_indices = @transform_1, window_bounds = array<i64: 128, 32>}, {pipeline_mode = #tpu.pipeline_mode<synchronous>, transform_indices = @transform_2, window_bounds = array<i64: 1, 32>}, {pipeline_mode = #tpu.pipeline_mode<synchronous>, transform_indices = @transform_3, window_bounds = array<i64: 1, 32>}, {pipeline_mode = #tpu.pipeline_mode<synchronous>, transform_indices = @transform_4, window_bounds = array<i64: 32, 32>}, {pipeline_mode = #tpu.pipeline_mode<synchronous>, transform_indices = @transform_5, window_bounds = array<i64: 1, 32>}, {pipeline_mode = #tpu.pipeline_mode<synchronous>, transform_indices = @transform_6, window_bounds = array<i64: 10000, 32>}]} {
    %get3A = arith.constant 0 : index
    %get3A_0 = arith.constant 0 : index
    %get3A_1 = vector.load %arg1[%get3A, %get3A_0] : memref<10000x128xf32, #tpu.memory_space<vmem>>, vector<10000x128xf32>
    %get3A_2 = arith.constant 0 : index
    %get3A_3 = arith.constant 0 : index
    %get3A_4 = vector.load %arg2[%get3A_2, %get3A_3] : memref<128x32xf32, #tpu.memory_space<vmem>>, vector<128x32xf32>
    %dot_general3A = arith.constant dense<0.000000e+00> : vector<10000x32xf32>
    %dot_general3A_5 = tpu.matmul %get3A_1, %get3A_4, %dot_general3A {dimension_numbers = #tpu.dot_dimension_numbers<[1], [0], [0], [1], [0, 0, 1, 1], [], []>, transpose_lhs_hint = false} : vector<10000x128xf32>, vector<128x32xf32>, vector<10000x32xf32> -> vector<10000x32xf32>
    %get3A_6 = arith.constant 0 : index
    %get3A_7 = arith.constant 0 : index
    %get3A_8 = vector.load %arg3[%get3A_6, %get3A_7] : memref<1x32xf32, #tpu.memory_space<vmem>>, vector<1x32xf32>
    %mul3A = vector.broadcast %get3A_8 : vector<1x32xf32> to vector<10000x32xf32>
    %mul3A_9 = arith.mulf %dot_general3A_5, %mul3A : vector<10000x32xf32>
    %get3A_10 = arith.constant 0 : index
    %get3A_11 = arith.constant 0 : index
    %get3A_12 = vector.load %arg4[%get3A_10, %get3A_11] : memref<1x32xf32, #tpu.memory_space<vmem>>, vector<1x32xf32>
    %add3A = vector.broadcast %get3A_12 : vector<1x32xf32> to vector<10000x32xf32>
    %add3A_13 = arith.addf %mul3A_9, %add3A : vector<10000x32xf32>
    %tanh3A = math.tanh %add3A_13 : vector<10000x32xf32>
    %get3A_14 = arith.constant 0 : index
    %get3A_15 = arith.constant 0 : index
    %get3A_16 = vector.load %arg5[%get3A_14, %get3A_15] : memref<32x32xf32, #tpu.memory_space<vmem>>, vector<32x32xf32>
    %dot_general3A_17 = arith.constant dense<0.000000e+00> : vector<10000x32xf32>
    %dot_general3A_18 = tpu.matmul %tanh3A, %get3A_16, %dot_general3A_17 {dimension_numbers = #tpu.dot_dimension_numbers<[1], [0], [0], [1], [0, 0, 1, 1], [], []>, transpose_lhs_hint = false} : vector<10000x32xf32>, vector<32x32xf32>, vector<10000x32xf32> -> vector<10000x32xf32>
    %get3A_19 = arith.constant 0 : index
    %get3A_20 = arith.constant 0 : index
    %get3A_21 = vector.load %arg6[%get3A_19, %get3A_20] : memref<1x32xf32, #tpu.memory_space<vmem>>, vector<1x32xf32>
    %add3A_22 = vector.broadcast %get3A_21 : vector<1x32xf32> to vector<10000x32xf32>
    %add3A_23 = arith.addf %dot_general3A_18, %add3A_22 : vector<10000x32xf32>
    %max3A = arith.constant 0.000000e+00 : f32
    %max3A_24 = vector.broadcast %max3A : f32 to vector<10000x32xf32>
    %max3A_25 = arith.maximumf %add3A_23, %max3A_24 : vector<10000x32xf32>
    %swap3A = arith.constant 0 : index
    %swap3A_26 = arith.constant 0 : index
    %swap3A_27 = vector.load %arg7[%swap3A, %swap3A_26] : memref<10000x32xf32, #tpu.memory_space<vmem>>, vector<10000x32xf32>
    tpu.vector_store %arg7[%swap3A, %swap3A_26], %max3A_25 {strides = array<i32>} : memref<10000x32xf32, #tpu.memory_space<vmem>>, vector<10000x32xf32>,
    return
  }
  func.func @transform_0(%arg0: i32) -> (i32, i32) {
    %c0_i32 = arith.constant 0 : i32
    %c0_i32_0 = arith.constant 0 : i32
    %c0_i32_1 = arith.constant 0 : i32
    return %c0_i32, %c0_i32_0 : i32, i32
  }
  func.func @transform_1(%arg0: i32) -> (i32, i32) {
    %c0_i32 = arith.constant 0 : i32
    %c0_i32_0 = arith.constant 0 : i32
    %c0_i32_1 = arith.constant 0 : i32
    return %c0_i32, %c0_i32_0 : i32, i32
  }
  func.func @transform_2(%arg0: i32) -> (i32, i32) {
    %c0_i32 = arith.constant 0 : i32
    %c0_i32_0 = arith.constant 0 : i32
    %c0_i32_1 = arith.constant 0 : i32
    return %c0_i32, %c0_i32_0 : i32, i32
  }
  func.func @transform_3(%arg0: i32) -> (i32, i32) {
    %c0_i32 = arith.constant 0 : i32
    %c0_i32_0 = arith.constant 0 : i32
    %c0_i32_1 = arith.constant 0 : i32
    return %c0_i32, %c0_i32_0 : i32, i32
  }
  func.func @transform_4(%arg0: i32) -> (i32, i32) {
    %c0_i32 = arith.constant 0 : i32
    %c0_i32_0 = arith.constant 0 : i32
    %c0_i32_1 = arith.constant 0 : i32
    return %c0_i32, %c0_i32_0 : i32, i32
  }
  func.func @transform_5(%arg0: i32) -> (i32, i32) {
    %c0_i32 = arith.constant 0 : i32
    %c0_i32_0 = arith.constant 0 : i32
    %c0_i32_1 = arith.constant 0 : i32
    return %c0_i32, %c0_i32_0 : i32, i32
  }
  func.func @transform_6(%arg0: i32) -> (i32, i32) {
    %c0_i32 = arith.constant 0 : i32
    %c0_i32_0 = arith.constant 0 : i32
    %c0_i32_1 = arith.constant 0 : i32
    return %c0_i32, %c0_i32_0 : i32, i32
  }
}

module attributes {stable_mosaic.version = 14 : i64} {
  func.func @_edge_mlp_kernel(%arg0: i32, %arg1: memref<2048x128xf32, #tpu.memory_space<vmem>>, %arg2: memref<2048x128xf32, #tpu.memory_space<vmem>>, %arg3: memref<128x256xf32, #tpu.memory_space<vmem>>, %arg4: memref<128x256xf32, #tpu.memory_space<vmem>>, %arg5: memref<1x256xf32, #tpu.memory_space<vmem>>, %arg6: memref<256x128xf32, #tpu.memory_space<vmem>>, %arg7: memref<1x128xf32, #tpu.memory_space<vmem>>, %arg8: memref<2048x128xf32, #tpu.memory_space<vmem>>) attributes {dimension_semantics = [#tpu.dimension_semantics<arbitrary>], iteration_bounds = array<i64: 84>, scalar_prefetch = 0 : i64, scratch_operands = 0 : i64, tpu.core_type = #tpu.core_type<tc>, window_params = [{transform_indices = @transform_0, window_bounds = array<i64: 2048, 128>}, {transform_indices = @transform_1, window_bounds = array<i64: 2048, 128>}, {pipeline_mode = #tpu.pipeline_mode<synchronous>, transform_indices = @transform_2, window_bounds = array<i64: 128, 256>}, {pipeline_mode = #tpu.pipeline_mode<synchronous>, transform_indices = @transform_3, window_bounds = array<i64: 128, 256>}, {pipeline_mode = #tpu.pipeline_mode<synchronous>, transform_indices = @transform_4, window_bounds = array<i64: 1, 256>}, {pipeline_mode = #tpu.pipeline_mode<synchronous>, transform_indices = @transform_5, window_bounds = array<i64: 256, 128>}, {pipeline_mode = #tpu.pipeline_mode<synchronous>, transform_indices = @transform_6, window_bounds = array<i64: 1, 128>}, {transform_indices = @transform_7, window_bounds = array<i64: 2048, 128>}]} {
    %get3A = arith.constant 0 : index
    %get3A_0 = arith.constant 0 : index
    %get3A_1 = vector.load %arg1[%get3A, %get3A_0] : memref<2048x128xf32, #tpu.memory_space<vmem>>, vector<2048x128xf32>
    %get3A_2 = arith.constant 0 : index
    %get3A_3 = arith.constant 0 : index
    %get3A_4 = vector.load %arg3[%get3A_2, %get3A_3] : memref<128x256xf32, #tpu.memory_space<vmem>>, vector<128x256xf32>
    %dot_general3A = arith.constant dense<0.000000e+00> : vector<2048x256xf32>
    %dot_general3A_5 = tpu.matmul %get3A_1, %get3A_4, %dot_general3A {dimension_numbers = #tpu.dot_dimension_numbers<[1], [0], [0], [1], [0, 0, 1, 1], [], []>, transpose_lhs_hint = false} : vector<2048x128xf32>, vector<128x256xf32>, vector<2048x256xf32> -> vector<2048x256xf32>
    %get3A_6 = arith.constant 0 : index
    %get3A_7 = arith.constant 0 : index
    %get3A_8 = vector.load %arg2[%get3A_6, %get3A_7] : memref<2048x128xf32, #tpu.memory_space<vmem>>, vector<2048x128xf32>
    %get3A_9 = arith.constant 0 : index
    %get3A_10 = arith.constant 0 : index
    %get3A_11 = vector.load %arg4[%get3A_9, %get3A_10] : memref<128x256xf32, #tpu.memory_space<vmem>>, vector<128x256xf32>
    %dot_general3A_12 = arith.constant dense<0.000000e+00> : vector<2048x256xf32>
    %dot_general3A_13 = tpu.matmul %get3A_8, %get3A_11, %dot_general3A_12 {dimension_numbers = #tpu.dot_dimension_numbers<[1], [0], [0], [1], [0, 0, 1, 1], [], []>, transpose_lhs_hint = false} : vector<2048x128xf32>, vector<128x256xf32>, vector<2048x256xf32> -> vector<2048x256xf32>
    %add3A = arith.addf %dot_general3A_5, %dot_general3A_13 : vector<2048x256xf32>
    %get3A_14 = arith.constant 0 : index
    %get3A_15 = arith.constant 0 : index
    %get3A_16 = vector.load %arg5[%get3A_14, %get3A_15] : memref<1x256xf32, #tpu.memory_space<vmem>>, vector<1x256xf32>
    %add3A_17 = vector.broadcast %get3A_16 : vector<1x256xf32> to vector<2048x256xf32>
    %add3A_18 = arith.addf %add3A, %add3A_17 : vector<2048x256xf32>
    %max3A = arith.constant 0.000000e+00 : f32
    %max3A_19 = vector.broadcast %max3A : f32 to vector<2048x256xf32>
    %max3A_20 = arith.maximumf %add3A_18, %max3A_19 : vector<2048x256xf32>
    %get3A_21 = arith.constant 0 : index
    %get3A_22 = arith.constant 0 : index
    %get3A_23 = vector.load %arg6[%get3A_21, %get3A_22] : memref<256x128xf32, #tpu.memory_space<vmem>>, vector<256x128xf32>
    %dot_general3A_24 = arith.constant dense<0.000000e+00> : vector<2048x128xf32>
    %dot_general3A_25 = tpu.matmul %max3A_20, %get3A_23, %dot_general3A_24 {dimension_numbers = #tpu.dot_dimension_numbers<[1], [0], [0], [1], [0, 0, 1, 1], [], []>, transpose_lhs_hint = false} : vector<2048x256xf32>, vector<256x128xf32>, vector<2048x128xf32> -> vector<2048x128xf32>
    %get3A_26 = arith.constant 0 : index
    %get3A_27 = arith.constant 0 : index
    %get3A_28 = vector.load %arg7[%get3A_26, %get3A_27] : memref<1x128xf32, #tpu.memory_space<vmem>>, vector<1x128xf32>
    %add3A_29 = vector.broadcast %get3A_28 : vector<1x128xf32> to vector<2048x128xf32>
    %add3A_30 = arith.addf %dot_general3A_25, %add3A_29 : vector<2048x128xf32>
    %max3A_31 = arith.constant 0.000000e+00 : f32
    %max3A_32 = vector.broadcast %max3A_31 : f32 to vector<2048x128xf32>
    %max3A_33 = arith.maximumf %add3A_30, %max3A_32 : vector<2048x128xf32>
    %swap3A = arith.constant 0 : index
    %swap3A_34 = arith.constant 0 : index
    %swap3A_35 = vector.load %arg8[%swap3A, %swap3A_34] : memref<2048x128xf32, #tpu.memory_space<vmem>>, vector<2048x128xf32>
    tpu.vector_store %arg8[%swap3A, %swap3A_34], %max3A_33 {strides = array<i32>} : memref<2048x128xf32, #tpu.memory_space<vmem>>, vector<2048x128xf32>,
    return
  }
  func.func @transform_0(%arg0: i32) -> (i32, i32) {
    %c0_i32 = arith.constant 0 : i32
    %c0_i32_0 = arith.constant 0 : i32
    return %arg0, %c0_i32 : i32, i32
  }
  func.func @transform_1(%arg0: i32) -> (i32, i32) {
    %c0_i32 = arith.constant 0 : i32
    %c0_i32_0 = arith.constant 0 : i32
    return %arg0, %c0_i32 : i32, i32
  }
  func.func @transform_2(%arg0: i32) -> (i32, i32) {
    %c0_i32 = arith.constant 0 : i32
    %c0_i32_0 = arith.constant 0 : i32
    %c0_i32_1 = arith.constant 0 : i32
    return %c0_i32, %c0_i32_0 : i32, i32
  }
  func.func @transform_3(%arg0: i32) -> (i32, i32) {
    %c0_i32 = arith.constant 0 : i32
    %c0_i32_0 = arith.constant 0 : i32
    %c0_i32_1 = arith.constant 0 : i32
    return %c0_i32, %c0_i32_0 : i32, i32
  }
  func.func @transform_4(%arg0: i32) -> (i32, i32) {
    %c0_i32 = arith.constant 0 : i32
    %c0_i32_0 = arith.constant 0 : i32
    %c0_i32_1 = arith.constant 0 : i32
    return %c0_i32, %c0_i32_0 : i32, i32
  }
  func.func @transform_5(%arg0: i32) -> (i32, i32) {
    %c0_i32 = arith.constant 0 : i32
    %c0_i32_0 = arith.constant 0 : i32
    %c0_i32_1 = arith.constant 0 : i32
    return %c0_i32, %c0_i32_0 : i32, i32
  }
  func.func @transform_6(%arg0: i32) -> (i32, i32) {
    %c0_i32 = arith.constant 0 : i32
    %c0_i32_0 = arith.constant 0 : i32
    %c0_i32_1 = arith.constant 0 : i32
    return %c0_i32, %c0_i32_0 : i32, i32
  }
  func.func @transform_7(%arg0: i32) -> (i32, i32) {
    %c0_i32 = arith.constant 0 : i32
    %c0_i32_0 = arith.constant 0 : i32
    return %arg0, %c0_i32 : i32, i32
  }
}

module attributes {stable_mosaic.version = 14 : i64} {
  func.func @_edge_score_kernel(%arg0: i32, %arg1: memref<2048x128xf32, #tpu.memory_space<vmem>>, %arg2: memref<2048x128xf32, #tpu.memory_space<vmem>>, %arg3: memref<128x128xf32, #tpu.memory_space<vmem>>, %arg4: memref<128x128xf32, #tpu.memory_space<vmem>>, %arg5: memref<1x128xf32, #tpu.memory_space<vmem>>, %arg6: memref<128x4xf32, #tpu.memory_space<vmem>>, %arg7: memref<1x4xf32, #tpu.memory_space<vmem>>, %arg8: memref<2048x4xf32, #tpu.memory_space<vmem>>) attributes {dimension_semantics = [#tpu.dimension_semantics<arbitrary>], iteration_bounds = array<i64: 40>, scalar_prefetch = 0 : i64, scratch_operands = 0 : i64, tpu.core_type = #tpu.core_type<tc>, window_params = [{transform_indices = @transform_0, window_bounds = array<i64: 2048, 128>}, {transform_indices = @transform_1, window_bounds = array<i64: 2048, 128>}, {pipeline_mode = #tpu.pipeline_mode<synchronous>, transform_indices = @transform_2, window_bounds = array<i64: 128, 128>}, {pipeline_mode = #tpu.pipeline_mode<synchronous>, transform_indices = @transform_3, window_bounds = array<i64: 128, 128>}, {pipeline_mode = #tpu.pipeline_mode<synchronous>, transform_indices = @transform_4, window_bounds = array<i64: 1, 128>}, {pipeline_mode = #tpu.pipeline_mode<synchronous>, transform_indices = @transform_5, window_bounds = array<i64: 128, 4>}, {pipeline_mode = #tpu.pipeline_mode<synchronous>, transform_indices = @transform_6, window_bounds = array<i64: 1, 4>}, {transform_indices = @transform_7, window_bounds = array<i64: 2048, 4>}]} {
    %get3A = arith.constant 0 : index
    %get3A_0 = arith.constant 0 : index
    %get3A_1 = vector.load %arg1[%get3A, %get3A_0] : memref<2048x128xf32, #tpu.memory_space<vmem>>, vector<2048x128xf32>
    %get3A_2 = arith.constant 0 : index
    %get3A_3 = arith.constant 0 : index
    %get3A_4 = vector.load %arg3[%get3A_2, %get3A_3] : memref<128x128xf32, #tpu.memory_space<vmem>>, vector<128x128xf32>
    %dot_general3A = arith.constant dense<0.000000e+00> : vector<2048x128xf32>
    %dot_general3A_5 = tpu.matmul %get3A_1, %get3A_4, %dot_general3A {dimension_numbers = #tpu.dot_dimension_numbers<[1], [0], [0], [1], [0, 0, 1, 1], [], []>, transpose_lhs_hint = false} : vector<2048x128xf32>, vector<128x128xf32>, vector<2048x128xf32> -> vector<2048x128xf32>
    %get3A_6 = arith.constant 0 : index
    %get3A_7 = arith.constant 0 : index
    %get3A_8 = vector.load %arg2[%get3A_6, %get3A_7] : memref<2048x128xf32, #tpu.memory_space<vmem>>, vector<2048x128xf32>
    %get3A_9 = arith.constant 0 : index
    %get3A_10 = arith.constant 0 : index
    %get3A_11 = vector.load %arg4[%get3A_9, %get3A_10] : memref<128x128xf32, #tpu.memory_space<vmem>>, vector<128x128xf32>
    %dot_general3A_12 = arith.constant dense<0.000000e+00> : vector<2048x128xf32>
    %dot_general3A_13 = tpu.matmul %get3A_8, %get3A_11, %dot_general3A_12 {dimension_numbers = #tpu.dot_dimension_numbers<[1], [0], [0], [1], [0, 0, 1, 1], [], []>, transpose_lhs_hint = false} : vector<2048x128xf32>, vector<128x128xf32>, vector<2048x128xf32> -> vector<2048x128xf32>
    %add3A = arith.addf %dot_general3A_5, %dot_general3A_13 : vector<2048x128xf32>
    %get3A_14 = arith.constant 0 : index
    %get3A_15 = arith.constant 0 : index
    %get3A_16 = vector.load %arg5[%get3A_14, %get3A_15] : memref<1x128xf32, #tpu.memory_space<vmem>>, vector<1x128xf32>
    %add3A_17 = vector.broadcast %get3A_16 : vector<1x128xf32> to vector<2048x128xf32>
    %add3A_18 = arith.addf %add3A, %add3A_17 : vector<2048x128xf32>
    %max3A = arith.constant 0.000000e+00 : f32
    %max3A_19 = vector.broadcast %max3A : f32 to vector<2048x128xf32>
    %max3A_20 = arith.maximumf %add3A_18, %max3A_19 : vector<2048x128xf32>
    %get3A_21 = arith.constant 0 : index
    %get3A_22 = arith.constant 0 : index
    %get3A_23 = vector.load %arg6[%get3A_21, %get3A_22] : memref<128x4xf32, #tpu.memory_space<vmem>>, vector<128x4xf32>
    %dot_general3A_24 = arith.constant dense<0.000000e+00> : vector<2048x4xf32>
    %dot_general3A_25 = tpu.matmul %max3A_20, %get3A_23, %dot_general3A_24 {dimension_numbers = #tpu.dot_dimension_numbers<[1], [0], [0], [1], [0, 0, 1, 1], [], []>, transpose_lhs_hint = false} : vector<2048x128xf32>, vector<128x4xf32>, vector<2048x4xf32> -> vector<2048x4xf32>
    %get3A_26 = arith.constant 0 : index
    %get3A_27 = arith.constant 0 : index
    %get3A_28 = vector.load %arg7[%get3A_26, %get3A_27] : memref<1x4xf32, #tpu.memory_space<vmem>>, vector<1x4xf32>
    %add3A_29 = vector.broadcast %get3A_28 : vector<1x4xf32> to vector<2048x4xf32>
    %add3A_30 = arith.addf %dot_general3A_25, %add3A_29 : vector<2048x4xf32>
    %logistic3A = arith.negf %add3A_30 : vector<2048x4xf32>
    %logistic3A_31 = math.exp %logistic3A : vector<2048x4xf32>
    %logistic3A_32 = arith.constant 1.000000e+00 : f32
    %logistic3A_33 = vector.broadcast %logistic3A_32 : f32 to vector<2048x4xf32>
    %logistic3A_34 = arith.addf %logistic3A_33, %logistic3A_31 : vector<2048x4xf32>
    %logistic3A_35 = arith.divf %logistic3A_33, %logistic3A_34 : vector<2048x4xf32>
    %swap3A = arith.constant 0 : index
    %swap3A_36 = arith.constant 0 : index
    %swap3A_37 = vector.load %arg8[%swap3A, %swap3A_36] : memref<2048x4xf32, #tpu.memory_space<vmem>>, vector<2048x4xf32>
    tpu.vector_store %arg8[%swap3A, %swap3A_36], %logistic3A_35 {strides = array<i32>} : memref<2048x4xf32, #tpu.memory_space<vmem>>, vector<2048x4xf32>,
    return
  }
  func.func @transform_0(%arg0: i32) -> (i32, i32) {
    %c0_i32 = arith.constant 0 : i32
    %c0_i32_0 = arith.constant 0 : i32
    return %arg0, %c0_i32 : i32, i32
  }
  func.func @transform_1(%arg0: i32) -> (i32, i32) {
    %c0_i32 = arith.constant 0 : i32
    %c0_i32_0 = arith.constant 0 : i32
    return %arg0, %c0_i32 : i32, i32
  }
  func.func @transform_2(%arg0: i32) -> (i32, i32) {
    %c0_i32 = arith.constant 0 : i32
    %c0_i32_0 = arith.constant 0 : i32
    %c0_i32_1 = arith.constant 0 : i32
    return %c0_i32, %c0_i32_0 : i32, i32
  }
  func.func @transform_3(%arg0: i32) -> (i32, i32) {
    %c0_i32 = arith.constant 0 : i32
    %c0_i32_0 = arith.constant 0 : i32
    %c0_i32_1 = arith.constant 0 : i32
    return %c0_i32, %c0_i32_0 : i32, i32
  }
  func.func @transform_4(%arg0: i32) -> (i32, i32) {
    %c0_i32 = arith.constant 0 : i32
    %c0_i32_0 = arith.constant 0 : i32
    %c0_i32_1 = arith.constant 0 : i32
    return %c0_i32, %c0_i32_0 : i32, i32
  }
  func.func @transform_5(%arg0: i32) -> (i32, i32) {
    %c0_i32 = arith.constant 0 : i32
    %c0_i32_0 = arith.constant 0 : i32
    %c0_i32_1 = arith.constant 0 : i32
    return %c0_i32, %c0_i32_0 : i32, i32
  }
  func.func @transform_6(%arg0: i32) -> (i32, i32) {
    %c0_i32 = arith.constant 0 : i32
    %c0_i32_0 = arith.constant 0 : i32
    %c0_i32_1 = arith.constant 0 : i32
    return %c0_i32, %c0_i32_0 : i32, i32
  }
  func.func @transform_7(%arg0: i32) -> (i32, i32) {
    %c0_i32 = arith.constant 0 : i32
    %c0_i32_0 = arith.constant 0 : i32
    return %arg0, %c0_i32 : i32, i32
  }
}

</mosaic_0001>

<sc_bundles>
// kernel: kernel.14.cloned.1.call-start
scs
__scs_entry_jumppad:
0x0: {  	(pc) =	sbr.rel $0x88, $3  }
0x1: {  	(tag) =	ssettag $0x0;
	lr =	simm.s32 $0x1  }
0x2: {  	[smem:$0x3F8F] =	sst lr;
	_ =	strace $0xD0000000  }
0x3: {  	_ = 	snop  }
0x4: {  	_ = 	snop  }
0x5: {  	_ = 	snop  }
0x6: {  	_ = 	snop  }
0x7: {  	_ = 	snop  }
__scs_overlays_trampoline_lowered:
0x8: {  	[smem:$0x3F9E] =	sst s0  }
0x9: {  	[smem:$0x3F9F] =	sst s1  }
0xa: {  	[smem:$0x3FA0] =	sst s2  }
0xb: {  	[smem:$0x3FA1] =	sst s3  }
0xc: {  	[smem:$0x3FA2] =	sst s4  }
0xd: {  	[smem:$0x3FA3] =	sst s5  }
0xe: {  	[smem:$0x3FA4] =	sst s6  }
0xf: {  	[smem:$0x3FA5] =	sst s7  }
0x10: {  	[smem:$0x3FA6] =	sst s8  }
0x11: {  	[smem:$0x3FA7] =	sst s9;
	s0 =	simm.s32 @!p0 $0x0  }
0x12: {  	s1 =	sld [smem:$0x3F8D];
	s0 =	simm.s32 @p0 $0x1  }
0x13: {  	[smem:$0x3FA8] =	sst s0;
	s0 =	simm.s32 @!p1 $0x0  }
0x14: {  	s2 =	sld [smem:$0x3F8C];
	s0 =	simm.s32 @p1 $0x1  }
0x15: {  	[smem:$0x3FA9] =	sst s0;
	s0 =	simm.s32 @!p2 $0x0  }
0x16: {  	s3 =	sld [smem:$0x3FDB];
	s0 =	simm.s32 @p2 $0x1  }
0x17: {  	s4 =	simm.s32 $0x1BF5;
	[smem:$0x3FAB] =	sst s0  }
0x18: {  	s0 =	sld [smem:$0x3F8E];
	_ =	swait.ge [sflag:s4], $0x0  }
0x19: {  	s7 =	sld [smem:$0x3F8F]  }
0x1a: {  	s8 =	sadd.s32 $0xFFFFE003, lr  }
0x1b: {  	s9 =	sadd.s32 $0xFFFFFEF7, lr;
	s5 =	simm.s32 $0xFFFFFFFF;
	p2 =	slt.u32 s8, $0xFFFFF086  }
0x1c: {  	p1 =	slt.u32 s9, $0xF7A;
	s5 =	simm.s32 @!p2 $0x0  }
0x1d: {  	s5 =	simm.s32 @p1 $0x1;
	p0 =	seq.s32 s7, s2  }
0x1e: {  	s7 =	smul.u32 @!p0 $0xF7A, s2;
	p2 =	seq.s32 @!p0 s5, $0x0  }
0x1f: {  	s9 =	smul.u32 $0xF7A, s1;
	s8 =	simm.s32 @!p0 $0x1BF5;
	p2 =	por !p2, p0  }
0x20: {  	[sflag:s8] =	ssyncset.s32 @!p0 $0xFFFFF086;
	s6 =	sadd.s32 @!p0 s3, s7;
	s7 =	simm.s32 @!p0 $0x108  }
0x21: {  	s3 =	sadd.s32 s3, s9;
	s6 =	sadd.s32 @!p0 $0x88, s6;
	s7 =	simm.s32 @p2 $0x1082  }
0x22: {  	[simem:s7], [sflag:s8] =	dma.local @!p0 [hbm:s6], $0xF7A  }
0x23: {  	s9 =	sor.u32 $0xD0000000, s2;
	s6 =	simm.s32 $0x108;
	_ =	swait.ge @!p0 [sflag:s8], $0x0  }
0x24: {  	s3 =	sadd.s32 $0x88, s3;
	s6 =	simm.s32 @!p1 $0x1082;
	[sflag:s4] =	ssyncset.s32 $0xFFFFF086  }
0x25: {  	[simem:s6], [sflag:s4] =	dma.local [hbm:s3], $0xF7A  }
0x26: {  	[smem:$0x3F8F] =	sst s1;
	(tag) =	ssettag s2;
	_ =	strace s9  }
0x27: {  	s1 =	sld [smem:$0x3F9F]  }
0x28: {  	s2 =	sld [smem:$0x3FA0]  }
0x29: {  	s4 =	sld [smem:$0x3FA2]  }
0x2a: {  	p0 =	seq.s32 s5, $0x0;
	s5 =	sld [smem:$0x3FA3]  }
0x2b: {  	s6 =	sld [smem:$0x3FA4]  }
0x2c: {  	s7 =	sld [smem:$0x3FA5]  }
0x2d: {  	s3 =	simm.s32 $0x108;
	s8 =	sld [smem:$0x3FA6]  }
0x2e: {  	s3 =	simm.s32 @!p0 $0x1082;
	s9 =	sld [smem:$0x3FA7]  }
0x2f: {  	lr =	sadd.s32 s0, s3;
	s0 =	sld [smem:$0x3F9E]  }
0x30: {  	s3 =	sld [smem:$0x3FA1]  }
0x31: {  	[smem:$0x3FAA] =	sst s10  }
0x32: {  	s10 =	sld [smem:$0x3FA8];
	_ =	sdelay $0x3  }
0x33: {  	p0 =	seq.s32 s10, $0x1;
	s10 =	sld [smem:$0x3FAA];
	_ =	sdelay $0x3  }
0x34: {  	[smem:$0x3FAA] =	sst s10  }
0x35: {  	s10 =	sld [smem:$0x3FA9];
	_ =	sdelay $0x3  }
0x36: {  	p1 =	seq.s32 s10, $0x1;
	s10 =	sld [smem:$0x3FAA];
	_ =	sdelay $0x3  }
0x37: {  	[smem:$0x3FAA] =	sst s10  }
0x38: {  	s10 =	sld [smem:$0x3FAB]  }
0x39: {  	_ = 	snop;
	(pc) =	sbr.ind lr, $3  }
0x3a: {  	_ = 	snop  }
0x3b: {  	_ = 	snop  }
0x3c: {  	p2 =	seq.s32 s10, $0x1;
	s10 =	sld [smem:$0x3FAA]  }
0x3d: {  	_ =	shalt  }
0x3e: {  	_ =	shalt  }
0x3f: {  	_ =	shalt  }
0x40: {  	_ =	shalt  }
0x41: {  	_ =	shalt  }
0x42: {  	_ =	shalt  }
0x43: {  	_ =	shalt  }
0x44: {  	_ =	shalt  }
0x45: {  	_ =	shalt  }
0x46: {  	_ =	shalt  }
0x47: {  	_ =	shalt  }
0x48: {  	_ =	shalt  }
0x49: {  	_ =	shalt  }
0x4a: {  	_ =	shalt  }
0x4b: {  	_ =	shalt  }
0x4c: {  	_ =	shalt  }
0x4d: {  	_ =	shalt  }
0x4e: {  	_ =	shalt  }
0x4f: {  	_ =	shalt  }
0x50: {  	_ =	shalt  }
0x51: {  	_ =	shalt  }
0x52: {  	_ =	shalt  }
0x53: {  	_ =	shalt  }
0x54: {  	_ =	shalt  }
0x55: {  	_ =	shalt  }
0x56: {  	_ =	shalt  }
0x57: {  	_ =	shalt  }
0x58: {  	_ =	shalt  }
0x59: {  	_ =	shalt  }
0x5a: {  	_ =	shalt  }
0x5b: {  	_ =	shalt  }
0x5c: {  	_ =	shalt  }
0x5d: {  	_ =	shalt  }
0x5e: {  	_ =	shalt  }
0x5f: {  	_ =	shalt  }
0x60: {  	_ =	shalt  }
0x61: {  	_ =	shalt  }
0x62: {  	_ =	shalt  }
0x63: {  	_ =	shalt  }
0x64: {  	_ =	shalt  }
0x65: {  	_ =	shalt  }
0x66: {  	_ =	shalt  }
0x67: {  	_ =	shalt  }
0x68: {  	_ =	shalt  }
0x69: {  	_ =	shalt  }
0x6a: {  	_ =	shalt  }
0x6b: {  	_ =	shalt  }
0x6c: {  	_ =	shalt  }
0x6d: {  	_ =	shalt  }
0x6e: {  	_ =	shalt  }
0x6f: {  	_ =	shalt  }
0x70: {  	_ =	shalt  }
0x71: {  	_ =	shalt  }
0x72: {  	_ =	shalt  }
0x73: {  	_ =	shalt  }
0x74: {  	_ =	shalt  }
0x75: {  	_ =	shalt  }
0x76: {  	_ =	shalt  }
0x77: {  	_ =	shalt  }
0x78: {  	_ =	shalt  }
0x79: {  	_ =	shalt  }
0x7a: {  	_ =	shalt  }
0x7b: {  	_ =	shalt  }
0x7c: {  	_ =	shalt  }
0x7d: {  	_ =	shalt  }
0x7e: {  	_ =	shalt  }
0x7f: {  	_ =	shalt  }
0x80: {  	_ =	shalt  }
0x81: {  	_ =	shalt  }
0x82: {  	_ =	shalt  }
0x83: {  	_ =	shalt  }
0x84: {  	_ =	shalt  }
0x85: {  	_ =	shalt  }
0x86: {  	_ =	shalt  }
0x87: {  	_ =	shalt  }
.Lfunc_end0:
.L_simem_size_0:
called_computation_lowered:
.L_overlay_start_0:
0x88: {  	s2 =	sld [smem:$0x3FD9]  }
0x89: {  	s3 =	sld [smem:$0x3FFE];
	_ =	sdelay $0x1  }
0x8a: {  	s1 =	srdreg.scid  }
0x8b: {  	s0 =	sand.u32 $0x1, s1  }
0x8c: {  	s16 =	sshll.u32 s0, $0xA;
	s2 =	sadd.s32 s3, s2  }
0x8d: {  	s2 =	sadd.s32 s2, s16  }
0x8e: {  	[smem:$0x3FB6] =	sst s2  }
0x8f: {  	_ = 	snop  }
0x90: {  	(tm) =	ssettm $0x1  }
0x91: {  	s17 =	sld [smem:$0x3FFB];
	_ =	sdelay $0x3  }
0x92: {  	_ =	strace s17  }
0x93: {  	s2 =	sld [smem:$0x3FFC];
	_ =	sdelay $0x3  }
0x94: {  	_ =	strace s2  }
0x95: {  	s2 =	sld [smem:$0x3FFD];
	_ =	sdelay $0x3  }
0x96: {  	_ =	strace s2  }
0x97: {  	_ =	strace $0x8FFFFFFF  }
0x98: {  	s18 =	sld [smem:$0x3FDB];
	_ =	sdelay $0x1  }
0x99: {  	s19 =	simm.s32 $_scs_section_size  }
0x9a: {  	s4 =	simm.s32 $_size__tile_overlayer_lowered;
	s5 =	simm.s32 $_tile_overlayer_lowered  }
0x9b: {  	s22 =	simm.s32 $0x1BFF;
	s21 =	sshll.u32 s5, $0x1;
	s2 =	sadd.s32 s19, s18  }
0x9c: {  	s6 =	simm.s32 $0x0;
	s20 =	sshll.u32 s4, $0x1;
	s4 =	sadd.s32 s21, s2  }
0x9d: {  	[timem:s6], [sflag:s22] =	dma.local [hbm:s4], s20  }
0x9e: {  	_ =	swait.ge [sflag:s22], s20  }
0x9f: {  	s3 =	ssub.s32 $0x0, s20;
	[sflag:s22] =	ssyncset.done $0x0  }
0xa0: {  	[sflag:s22] =	ssyncadd.s32 s3;
	_ =	sdelay $0x1  }
0xa1: {  	s23 =	simm.s32 $0x1B8B  }
0xa2: {  	_ =	swait.ge [sflag:s23], $0x1  }
0xa3: {  	[sflag:s23] =	ssyncset.done $0x0  }
0xa4: {  	s25 =	simm.s32 $0x1B8E;
	s24 =	sld [smem:$0x3FFE];
	[sflag:s23] =	ssyncadd.s32 $0xFFFFFFFF  }
0xa5: {  	s26 =	simm.s32 $execute0_lowered;
	[smem:$0x3FD2] =	sst s25  }
0xa6: {  	s4 =	sshll.u32 s26, $0x1;
	_ =	strace $0x80000046;
	[dreg:$0x1] =	wrdreg $0xFFFFFFFF  }
0xa7: {  	s28 =	simm.s32 $_size_execute0_lowered;
	s2 =	sadd.s32 s2, s4;
	[dreg:$0x0] =	wrdreg $0x0  }
0xa8: {  	s4 =	sshll.u32 s28, $0x1;
	[dreg:$0x2] =	wrdreg s2  }
0xa9: {  	[dreg:$0x3] =	wrdreg s4  }
0xaa: {  	[dreg:$0x4] =	wrdreg $0xC0  }
0xab: {  	_ =	task [dreg:s6], $0x5FFFF  }
0xac: {  	[dreg:$0x1] =	wrdreg $0xFFFFFFFF  }
0xad: {  	[dreg:$0x0] =	wrdreg $0x60  }
0xae: {  	[dreg:$0x2] =	wrdreg s24  }
0xaf: {  	[dreg:$0x3] =	wrdreg $0x9  }
0xb0: {  	_ =	task.clear_ibuf [dreg:s6], $0x4FFFF;
	_ =	strace $0x90000046  }
0xb1: {  	s29 =	simm.s32 $0x9;
	_ =	strace $0x80000048  }
0xb2: {  	_ =	swait.ge [sflag:s29], $0x1  }
0xb3: {  	[sflag:s29] =	ssyncadd.s32 $0xFFFFFFFF  }
0xb4: {  	_ =	strace $0x90000048  }
0xb5: {  	_ =	sfence  }
0xb6: {  	s30 =	sld [smem:$0x0];
	_ =	sdelay $0x2  }
0xb7: {  	s31 =	sshll.u32 s1, $0xD;
	s1 =	sshrl.u32 s1, $0x2  }
0xb8: {  	s3 =	sand.u32 $0x4000, s31;
	s1 =	sadd.s32 s1, s30  }
0xb9: {  	s0 =	sor.u32 s3, s0;
	s1 =	sshll.u32 s1, $0x11  }
0xba: {  	s0 =	sor.u32 s1, s0  }
0xbb: {  	s0 =	sadd.s32 $0x8F2B, s0  }
0xbc: {  	[sflag:s0] =	ssyncadd.remote.s32 $0x1  }
0xbd: {  	_ =	sfence.sel $0xFFFF  }
0xbe: {  	[dreg:$0x0] =	wrdreg $0xFFFFFFFF;
	(pc) =	sbr.abs _section_cstart, $3  }
0xbf: {  	[dreg:$0x1] =	wrdreg $0xFFFFFFFF  }
0xc0: {  	_ =	task.clear_ibuf [dreg:s6], $0x2FFFF;
	_ =	strace $0x9FFFFFFF  }
0xc1: {  	(tm) =	ssettm $0x7FFFFFFF  }
tec
execute0_lowered:
.L_overlay_start_1:
0x0: {  	(tag) =	ssettag $0x1  }
0x1: {  	s0 =	rddreg [dreg:$0x0];
	s2 =	simm.s32 $0x0  }
0x2: {  	s1 =	srdreg.scid;
	s12 =	stileid.u32;
	s28 =	simm.s32 $0x800  }
0x3: {  	s29 =	simm.s32 $0x8800;
	s30 =	simm.s32 $0x4;
	s14 =	smul.u32 $0x150000, s12  }
0x4: {  	s31 =	simm.s32 $0x5;
	[smem:$0x7FF] =	sst s2;
	s17 =	smul.u32 $0xA800, s12  }
0x5: {  	s1 =	sand.u32 $0x1, s1;
	s5 =	sshll.u32 s12, $0x1;
	s22 =	smul.u32 $0x2A000, s12  }
0x6: {  	s3 =	sadd.s32 $0x4E00, s0;
	s4 =	sadd.s32 $0x41000, s0;
	s16 =	smul.u32 $0xA8000, s1  }
0x7: {  	s6 =	sadd.s32 $0x56000, s0;
	_ =	strace $0x80000047;
	s19 =	smul.u32 $0x5400, s1  }
0x8: {  	s7 =	sor.u32 s1, s5;
	s8 =	ssub.s32 $0x2, s1;
	s1 =	smul.u32 $0x15000, s1  }
0x9: {  	s5 =	sadd.s32 $0x2C000, s0;
	s9 =	smul.u32 $0x5400, s7;
	s10 =	sshrl.u32 s8, $0x1  }
0xa: {  	s11 =	smul.u32 $0xA8000, s7;
	s7 =	sadd.s32 $0x2F6000, s0;
	s8 =	ssub.s32 s8, s10  }
0xb: {  	s20 =	sadd.s32 s16, s14;
	s21 =	sadd.s32 s19, s17;
	s26 =	sadd.s32 s1, s22  }
0xc: {  	s19 =	simm.s32 $0x400;
	s22 =	simm.s32 $0x600;
	s1 =	simm.s32 $0x0  }
0xd: {  	s9 =	sshrl.u32 s9, $0x3;
	s15 =	sshrl.u32 s11, $0x3;
	s0 =	smax.u32 s8, $0x1  }
0xe: {  	s23 =	sadd.s32 $0x400, s21;
	s13 =	sadd.s32 s4, s9;
	[dreg:$0x6] =	wrdreg s0  }
0xf: {  	s10 =	sadd.s32 $0x14800, s15;
	s9 =	sadd.s32 s5, s9;
	[dreg:$0x7] =	wrdreg s23  }
0x10: {  	s0 =	sshrl.u32 s20, $0x3;
	s20 =	simm.s32 $0x1;
	[dreg:$0x2] =	wrdreg s13  }
0x11: {  	s23 =	simm.s32 $0x2;
	[dreg:$0x3] =	wrdreg s9;
	s18 =	sadd.s32 s6, s10  }
0x12: {  	s10 =	sadd.s32 s7, s10;
	s13 =	sadd.s32 s0, s7;
	s9 =	sor.u32 $0x200, s21  }
.Ltmp0:
0x13: {  	s14 =	sadd.s32 s0, s6;
	[dreg:$0x4] =	wrdreg s18;
	(pc) =	sbr.rel .LBB2_1-.Ltmp0, $4  }
0x14: {  	s21 =	simm.s32 $0x200;
	[dreg:$0x5] =	wrdreg s10;
	s24 =	sshrl.u32 s9, $0x3  }
0x15: {  	s18 =	sadd.s32 $0x1FFFF800, s26;
	s26 =	simm.s32 $0x3;
	s25 =	sadd.s32 s24, s5  }
0x16: {  	s0 =	sadd.s32 s24, s4;
	s24 =	simm.s32 $0x4800;
	[dreg:$0x8] =	wrdreg s25  }
0x17: {  	[dreg:$0x9] =	wrdreg s0;
	s25 =	simm.s32 $0xC800;
	s0 =	simm.s32 $0x6  }
.LBB2_4:
0x18: {  	_ =	swait.ge [sflag:s30], $0x4000  }
0x19: {  	[sflag:s30] =	ssyncset.done $0x0  }
0x1a: {  	[sflag:s30] =	ssyncadd.s32 $0xFFFFC000  }
0x1b: {  	_ =	swait.ge [sflag:s30], $0x4000  }
0x1c: {  	[sflag:s30] =	ssyncset.done $0x0  }
0x1d: {  	s8 =	rddreg [dreg:$0x4];
	[sflag:s30] =	ssyncadd.s32 $0xFFFFC000  }
0x1e: {  	[hbm4b:s8+s2] =	stream.linear.scatter [tilespmem:s24], [sflag:$0x6], $0x4000, $0x38;
	[tilespmem:$0x10800] =	vst v63  }
0x1f: {  	s16 =	rddreg [dreg:$0x5]  }
0x20: {  	[hbm4b:s16+s2] =	stream.linear.scatter [tilespmem:s25], [sflag:$0x6], $0x4000, $0x38;
	[tilespmem:$0x10800] =	vst v63  }
0x21: {  	_ =	swait.ge [sflag:s31], $0x4000  }
0x22: {  	[sflag:s31] =	ssyncset.done $0x0  }
0x23: {  	[sflag:s31] =	ssyncadd.s32 $0xFFFFC000  }
0x24: {  	_ =	swait.ge [sflag:s31], $0x4000  }
0x25: {  	[sflag:s31] =	ssyncset.done $0x0  }
0x26: {  	[sflag:s31] =	ssyncadd.s32 $0xFFFFC000  }
0x27: {  	_ =	swait.ge [sflag:s0], $0x4000  }
0x28: {  	[sflag:s0] =	ssyncset.done $0x0  }
0x29: {  	[sflag:s0] =	ssyncadd.s32 $0xFFFFC000  }
0x2a: {  	_ =	swait.ge [sflag:s0], $0x4000  }
0x2b: {  	s1 =	sadd.s32 $0x1, s1;
	s17 =	rddreg [dreg:$0x6]  }
0x2c: {  	p0 =	sne.s32 s1, s17  }
.Ltmp1:
0x2d: {  	_ = 	snop;
	(pc) =	sbr.rel @!p0 .LBB2_5-.Ltmp1, $3  }
0x2e: {  	_ =	sdelay $0x1  }
0x2f: {  	[sflag:s0] =	ssyncset.done $0x0  }
0x30: {  	[sflag:s0] =	ssyncadd.s32 $0xFFFFC000  }
.LBB2_1:
0x31: {  	s8 =	rddreg [dreg:$0x2]  }
0x32: {  	s17 =	rddreg [dreg:$0x3]  }
0x33: {  	s16 =	rddreg [dreg:$0x8]  }
0x34: {  	[tilespmem:s2], [sflag:$0x1] =	stream.linear.gather [hbm4b:s8+s2], $0x200, $0x38;
	[tilespmem:$0x10800] =	vst v63  }
0x35: {  	s15 =	rddreg [dreg:$0x7]  }
0x36: {  	[tilespmem:s19], [sflag:$0x1] =	stream.linear.gather [hbm4b:s17+s2], $0x200, $0x38;
	[tilespmem:$0x10800] =	vst v63  }
0x37: {  	s11 =	simm.s32 $0x0;
	s17 =	rddreg [dreg:$0x9]  }
.LBB2_2:
0x38: {  	_ =	swait.ge [sflag:s20], $0x200  }
0x39: {  	[sflag:s20] =	ssyncset.done $0x0  }
0x3a: {  	[sflag:s20] =	ssyncadd.s32 $0xFFFFFE00  }
0x3b: {  	_ =	swait.ge [sflag:s20], $0x200  }
0x3c: {  	p0 =	sne.s32 s11, $0x0;
	[sflag:s20] =	ssyncset.done $0x0  }
0x3d: {  	s12 =	simm.s32 @p0 $0x5;
	[sflag:s20] =	ssyncadd.s32 $0xFFFFFE00  }
0x3e: {  	_ =	swait.ge @p0 [sflag:s12], $0x4000  }
0x3f: {  	[sflag:s12] =	ssyncset.done @p0 $0x0  }
0x40: {  	[sflag:s12] =	ssyncadd.s32 @p0 $0xFFFFC000  }
0x41: {  	_ =	swait.ge @p0 [sflag:s12], $0x4000  }
0x42: {  	s10 =	simm.s32 @p0 $0x0;
	[sflag:s12] =	ssyncset.done @p0 $0x0  }
0x43: {  	s9 =	simm.s32 @p0 $0x800;
	[sflag:s12] =	ssyncadd.s32 @p0 $0xFFFFC000;
	s12 =	simm.s32 @p0 $0x200  }
0x44: {  	[tilespmem:s9], [sflag:$0x3] =	stream.indirect.gather @p0 [hbm4b:s3+s12], $0x20, s10, s12, $0xb8;
	[tilespmem:$0x10800] =	vst v63  }
0x45: {  	s8 =	simm.s32 @p0 $0x8800;
	s9 =	simm.s32 @p0 $0x400  }
0x46: {  	[tilespmem:s8], [sflag:$0x3] =	stream.indirect.gather @p0 [hbm4b:s3+s12], $0x20, s9, s12, $0xb8;
	[tilespmem:$0x10800] =	vst v63  }
0x47: {  	s8 =	simm.s32 @p0 $0x4  }
0x48: {  	_ =	swait.ge @p0 [sflag:s8], $0x4000  }
0x49: {  	[sflag:s8] =	ssyncset.done @p0 $0x0  }
0x4a: {  	[sflag:s8] =	ssyncadd.s32 @p0 $0xFFFFC000  }
0x4b: {  	s9 =	sadd.s32 @p0 s11, s18;
	_ =	swait.ge @p0 [sflag:s8], $0x4000  }
0x4c: {  	s9 =	sand.u32 @p0 $0x1FFFF800, s9;
	[sflag:s8] =	ssyncset.done @p0 $0x0  }
0x4d: {  	s12 =	simm.s32 @p0 $0x4800;
	[sflag:s8] =	ssyncadd.s32 @p0 $0xFFFFC000;
	s8 =	sadd.s32 @p0 s6, s9  }
0x4e: {  	[hbm4b:s8+s10] =	stream.linear.scatter @p0 [tilespmem:s12], [sflag:$0x6], $0x4000, $0x38;
	[tilespmem:$0x10800] =	vst v63  }
0x4f: {  	s8 =	sadd.s32 @p0 s7, s9;
	s9 =	simm.s32 @p0 $0xC800  }
0x50: {  	[hbm4b:s8+s10] =	stream.linear.scatter @p0 [tilespmem:s9], [sflag:$0x6], $0x4000, $0x38;
	[tilespmem:$0x10800] =	vst v63  }
0x51: {  	s8 =	simm.s32 @!p0 $0x200;
	s9 =	simm.s32 @!p0 $0x0;
	s10 =	simm.s32 @!p0 $0x800  }
0x52: {  	[tilespmem:s10], [sflag:$0x3] =	stream.indirect.gather @!p0 [hbm4b:s3+s8], $0x20, s9, s8, $0xb8;
	[tilespmem:$0x10800] =	vst v63  }
0x53: {  	s9 =	simm.s32 @!p0 $0x400;
	s10 =	simm.s32 @!p0 $0x8800  }
0x54: {  	[tilespmem:s10], [sflag:$0x3] =	stream.indirect.gather @!p0 [hbm4b:s3+s8], $0x20, s9, s8, $0xb8;
	[tilespmem:$0x10800] =	vst v63  }
0x55: {  	_ = 	snop  }
0x56: {  	[tilespmem:s21], [sflag:$0x2] =	stream.linear.gather [hbm4b:s17+s2], $0x200, $0x38;
	[tilespmem:$0x10800] =	vst v63  }
0x57: {  	_ = 	snop  }
0x58: {  	[tilespmem:s22], [sflag:$0x2] =	stream.linear.gather [hbm4b:s16+s2], $0x200, $0x38;
	[tilespmem:$0x10800] =	vst v63  }
0x59: {  	_ =	swait.ge [sflag:s23], $0x200  }
0x5a: {  	[sflag:s23] =	ssyncset.done $0x0  }
0x5b: {  	[sflag:s23] =	ssyncadd.s32 $0xFFFFFE00  }
0x5c: {  	_ =	swait.ge [sflag:s23], $0x200  }
0x5d: {  	p0 =	seq.s32 s11, $0x0;
	[sflag:s23] =	ssyncset.done $0x0  }
0x5e: {  	s8 =	simm.s32 @!p0 $0x6;
	[sflag:s23] =	ssyncadd.s32 $0xFFFFFE00  }
0x5f: {  	_ =	swait.ge @!p0 [sflag:s8], $0x4000  }
0x60: {  	[sflag:s8] =	ssyncset.done @!p0 $0x0  }
0x61: {  	[sflag:s8] =	ssyncadd.s32 @!p0 $0xFFFFC000  }
0x62: {  	_ =	swait.ge @!p0 [sflag:s8], $0x4000  }
0x63: {  	[sflag:s8] =	ssyncset.done @!p0 $0x0  }
0x64: {  	[sflag:s8] =	ssyncadd.s32 @!p0 $0xFFFFC000  }
0x65: {  	[tilespmem:s24], [sflag:$0x4] =	stream.indirect.gather [hbm4b:s3+s21], $0x20, s21, s21, $0xb8;
	[tilespmem:$0x10800] =	vst v63  }
0x66: {  	_ = 	snop  }
0x67: {  	[tilespmem:s25], [sflag:$0x4] =	stream.indirect.gather [hbm4b:s3+s21], $0x20, s22, s21, $0xb8;
	[tilespmem:$0x10800] =	vst v63  }
0x68: {  	_ =	swait.ge [sflag:s26], $0x4000  }
0x69: {  	[sflag:s26] =	ssyncset.done $0x0  }
0x6a: {  	[sflag:s26] =	ssyncadd.s32 $0xFFFFC000  }
0x6b: {  	p0 =	seq.s32 s11, $0x14000;
	_ =	swait.ge [sflag:s26], $0x4000  }
.Ltmp2:
0x6c: {  	[sflag:s26] =	ssyncset.done $0x0;
	(pc) =	sbr.rel @p0 .LBB2_4-.Ltmp2, $4  }
0x6d: {  	s10 =	sadd.s32 s11, s14;
	[sflag:s26] =	ssyncadd.s32 $0xFFFFC000  }
0x6e: {  	[hbm4b:s10+s2] =	stream.linear.scatter [tilespmem:s28], [sflag:$0x5], $0x4000, $0x38;
	[tilespmem:$0x10800] =	vst v63  }
0x6f: {  	s12 =	sadd.s32 s11, s13  }
0x70: {  	[hbm4b:s12+s2] =	stream.linear.scatter [tilespmem:s29], [sflag:$0x5], $0x4000, $0x38;
	[tilespmem:$0x10800] =	vst v63  }
.Ltmp3:
0x71: {  	s8 =	sshrl.u32 s15, $0x3;
	(pc) =	sbr.rel .LBB2_2-.Ltmp3, $4  }
0x72: {  	s11 =	sadd.s32 $0x1000, s11;
	s15 =	sadd.s32 $0x400, s15;
	s9 =	sadd.s32 s4, s8  }
0x73: {  	[tilespmem:s2], [sflag:$0x1] =	stream.linear.gather [hbm4b:s9+s2], $0x200, $0x38;
	[tilespmem:$0x10800] =	vst v63  }
0x74: {  	s16 =	sadd.s32 $0x80, s16;
	s17 =	sadd.s32 $0x80, s17;
	s8 =	sadd.s32 s5, s8  }
0x75: {  	[tilespmem:s19], [sflag:$0x1] =	stream.linear.gather [hbm4b:s8+s2], $0x200, $0x38;
	[tilespmem:$0x10800] =	vst v63  }
.LBB2_5:
0x76: {  	_ =	sfence.sel $0x180000  }
0x77: {  	[bflag:$0x0] =	sbarrier.arrive $0xFFFF  }
0x78: {  	_ =	strace $0x90000047  }
0x79: {  	s0 =	stileid.u32;
	[bflag:$0x2] =	sbarrier.arrive $0xFFFF  }
0x7a: {  	p0 =	sne.s32 s0, $0x0;
	s0 =	rddreg [dreg:$0x1]  }
0x7b: {  	s0 =	sadd.s32 @!p0 $0x100000, s0  }
0x7c: {  	[sflag:s0] =	ssyncadd.tile.s32 @!p0 $0x1;
	_ =	shalt  }
.Lfunc_end2:
_tile_overlayer_lowered:
.L_overlay_start_2:
0x7d: {  	(tag) =	ssettag $0x2  }
0x7e: {  	s0 =	rddreg [dreg:$0x0];
	s2 =	stileid.u32  }
0x7f: {  	s1 =	rddreg [dreg:$0x1];
	p0 =	sne.s32 s2, $0x0  }
0x80: {  	s3 =	rddreg [dreg:$0x2];
	[bflag:$0x3] =	sbarrier.arrive $0xFFFF;
	s2 =	simm.s32 @!p0 $0x1C07  }
0x81: {  	[timem:s3], [sflag:s2] =	dma.local @!p0 [hbm:s0], s1  }
0x82: {  	s0 =	simm.s32 @!p0 $0x7  }
0x83: {  	_ =	swait.ge @!p0 [sflag:s0], s1  }
0x84: {  	s1 =	ssub.s32 @!p0 $0x0, s1;
	[sflag:s0] =	ssyncset.done @!p0 $0x0  }
0x85: {  	[sflag:s0] =	ssyncadd.s32 @!p0 s1  }
0x86: {  	[bflag:$0x3] =	sbarrier.arrive $0xFFFF  }
0x87: {  	_ =	shalt  }

// kernel: kernel.17.cloned.1.call-start
scs
__scs_entry_jumppad:
0x0: {  	(pc) =	sbr.rel $0x88, $3  }
0x1: {  	(tag) =	ssettag $0x0;
	lr =	simm.s32 $0x1  }
0x2: {  	[smem:$0x3F8F] =	sst lr;
	_ =	strace $0xD0000000  }
0x3: {  	_ = 	snop  }
0x4: {  	_ = 	snop  }
0x5: {  	_ = 	snop  }
0x6: {  	_ = 	snop  }
0x7: {  	_ = 	snop  }
__scs_overlays_trampoline_lowered:
0x8: {  	[smem:$0x3F9E] =	sst s0  }
0x9: {  	[smem:$0x3F9F] =	sst s1  }
0xa: {  	[smem:$0x3FA0] =	sst s2  }
0xb: {  	[smem:$0x3FA1] =	sst s3  }
0xc: {  	[smem:$0x3FA2] =	sst s4  }
0xd: {  	[smem:$0x3FA3] =	sst s5  }
0xe: {  	[smem:$0x3FA4] =	sst s6  }
0xf: {  	[smem:$0x3FA5] =	sst s7  }
0x10: {  	[smem:$0x3FA6] =	sst s8  }
0x11: {  	[smem:$0x3FA7] =	sst s9;
	s0 =	simm.s32 @!p0 $0x0  }
0x12: {  	s1 =	sld [smem:$0x3F8D];
	s0 =	simm.s32 @p0 $0x1  }
0x13: {  	[smem:$0x3FA8] =	sst s0;
	s0 =	simm.s32 @!p1 $0x0  }
0x14: {  	s2 =	sld [smem:$0x3F8C];
	s0 =	simm.s32 @p1 $0x1  }
0x15: {  	[smem:$0x3FA9] =	sst s0;
	s0 =	simm.s32 @!p2 $0x0  }
0x16: {  	s3 =	sld [smem:$0x3FDB];
	s0 =	simm.s32 @p2 $0x1  }
0x17: {  	s4 =	simm.s32 $0x1BF5;
	[smem:$0x3FAB] =	sst s0  }
0x18: {  	s0 =	sld [smem:$0x3F8E];
	_ =	swait.ge [sflag:s4], $0x0  }
0x19: {  	s7 =	sld [smem:$0x3F8F]  }
0x1a: {  	s8 =	sadd.s32 $0xFFFFE003, lr  }
0x1b: {  	s9 =	sadd.s32 $0xFFFFFEF7, lr;
	s5 =	simm.s32 $0xFFFFFFFF;
	p2 =	slt.u32 s8, $0xFFFFF086  }
0x1c: {  	p1 =	slt.u32 s9, $0xF7A;
	s5 =	simm.s32 @!p2 $0x0  }
0x1d: {  	s5 =	simm.s32 @p1 $0x1;
	p0 =	seq.s32 s7, s2  }
0x1e: {  	s7 =	smul.u32 @!p0 $0xF7A, s2;
	p2 =	seq.s32 @!p0 s5, $0x0  }
0x1f: {  	s9 =	smul.u32 $0xF7A, s1;
	s8 =	simm.s32 @!p0 $0x1BF5;
	p2 =	por !p2, p0  }
0x20: {  	[sflag:s8] =	ssyncset.s32 @!p0 $0xFFFFF086;
	s6 =	sadd.s32 @!p0 s3, s7;
	s7 =	simm.s32 @!p0 $0x108  }
0x21: {  	s3 =	sadd.s32 s3, s9;
	s6 =	sadd.s32 @!p0 $0x88, s6;
	s7 =	simm.s32 @p2 $0x1082  }
0x22: {  	[simem:s7], [sflag:s8] =	dma.local @!p0 [hbm:s6], $0xF7A  }
0x23: {  	s9 =	sor.u32 $0xD0000000, s2;
	s6 =	simm.s32 $0x108;
	_ =	swait.ge @!p0 [sflag:s8], $0x0  }
0x24: {  	s3 =	sadd.s32 $0x88, s3;
	s6 =	simm.s32 @!p1 $0x1082;
	[sflag:s4] =	ssyncset.s32 $0xFFFFF086  }
0x25: {  	[simem:s6], [sflag:s4] =	dma.local [hbm:s3], $0xF7A  }
0x26: {  	[smem:$0x3F8F] =	sst s1;
	(tag) =	ssettag s2;
	_ =	strace s9  }
0x27: {  	s1 =	sld [smem:$0x3F9F]  }
0x28: {  	s2 =	sld [smem:$0x3FA0]  }
0x29: {  	s4 =	sld [smem:$0x3FA2]  }
0x2a: {  	p0 =	seq.s32 s5, $0x0;
	s5 =	sld [smem:$0x3FA3]  }
0x2b: {  	s6 =	sld [smem:$0x3FA4]  }
0x2c: {  	s7 =	sld [smem:$0x3FA5]  }
0x2d: {  	s3 =	simm.s32 $0x108;
	s8 =	sld [smem:$0x3FA6]  }
0x2e: {  	s3 =	simm.s32 @!p0 $0x1082;
	s9 =	sld [smem:$0x3FA7]  }
0x2f: {  	lr =	sadd.s32 s0, s3;
	s0 =	sld [smem:$0x3F9E]  }
0x30: {  	s3 =	sld [smem:$0x3FA1]  }
0x31: {  	[smem:$0x3FAA] =	sst s10  }
0x32: {  	s10 =	sld [smem:$0x3FA8];
	_ =	sdelay $0x3  }
0x33: {  	p0 =	seq.s32 s10, $0x1;
	s10 =	sld [smem:$0x3FAA];
	_ =	sdelay $0x3  }
0x34: {  	[smem:$0x3FAA] =	sst s10  }
0x35: {  	s10 =	sld [smem:$0x3FA9];
	_ =	sdelay $0x3  }
0x36: {  	p1 =	seq.s32 s10, $0x1;
	s10 =	sld [smem:$0x3FAA];
	_ =	sdelay $0x3  }
0x37: {  	[smem:$0x3FAA] =	sst s10  }
0x38: {  	s10 =	sld [smem:$0x3FAB]  }
0x39: {  	_ = 	snop;
	(pc) =	sbr.ind lr, $3  }
0x3a: {  	_ = 	snop  }
0x3b: {  	_ = 	snop  }
0x3c: {  	p2 =	seq.s32 s10, $0x1;
	s10 =	sld [smem:$0x3FAA]  }
0x3d: {  	_ =	shalt  }
0x3e: {  	_ =	shalt  }
0x3f: {  	_ =	shalt  }
0x40: {  	_ =	shalt  }
0x41: {  	_ =	shalt  }
0x42: {  	_ =	shalt  }
0x43: {  	_ =	shalt  }
0x44: {  	_ =	shalt  }
0x45: {  	_ =	shalt  }
0x46: {  	_ =	shalt  }
0x47: {  	_ =	shalt  }
0x48: {  	_ =	shalt  }
0x49: {  	_ =	shalt  }
0x4a: {  	_ =	shalt  }
0x4b: {  	_ =	shalt  }
0x4c: {  	_ =	shalt  }
0x4d: {  	_ =	shalt  }
0x4e: {  	_ =	shalt  }
0x4f: {  	_ =	shalt  }
0x50: {  	_ =	shalt  }
0x51: {  	_ =	shalt  }
0x52: {  	_ =	shalt  }
0x53: {  	_ =	shalt  }
0x54: {  	_ =	shalt  }
0x55: {  	_ =	shalt  }
0x56: {  	_ =	shalt  }
0x57: {  	_ =	shalt  }
0x58: {  	_ =	shalt  }
0x59: {  	_ =	shalt  }
0x5a: {  	_ =	shalt  }
0x5b: {  	_ =	shalt  }
0x5c: {  	_ =	shalt  }
0x5d: {  	_ =	shalt  }
0x5e: {  	_ =	shalt  }
0x5f: {  	_ =	shalt  }
0x60: {  	_ =	shalt  }
0x61: {  	_ =	shalt  }
0x62: {  	_ =	shalt  }
0x63: {  	_ =	shalt  }
0x64: {  	_ =	shalt  }
0x65: {  	_ =	shalt  }
0x66: {  	_ =	shalt  }
0x67: {  	_ =	shalt  }
0x68: {  	_ =	shalt  }
0x69: {  	_ =	shalt  }
0x6a: {  	_ =	shalt  }
0x6b: {  	_ =	shalt  }
0x6c: {  	_ =	shalt  }
0x6d: {  	_ =	shalt  }
0x6e: {  	_ =	shalt  }
0x6f: {  	_ =	shalt  }
0x70: {  	_ =	shalt  }
0x71: {  	_ =	shalt  }
0x72: {  	_ =	shalt  }
0x73: {  	_ =	shalt  }
0x74: {  	_ =	shalt  }
0x75: {  	_ =	shalt  }
0x76: {  	_ =	shalt  }
0x77: {  	_ =	shalt  }
0x78: {  	_ =	shalt  }
0x79: {  	_ =	shalt  }
0x7a: {  	_ =	shalt  }
0x7b: {  	_ =	shalt  }
0x7c: {  	_ =	shalt  }
0x7d: {  	_ =	shalt  }
0x7e: {  	_ =	shalt  }
0x7f: {  	_ =	shalt  }
0x80: {  	_ =	shalt  }
0x81: {  	_ =	shalt  }
0x82: {  	_ =	shalt  }
0x83: {  	_ =	shalt  }
0x84: {  	_ =	shalt  }
0x85: {  	_ =	shalt  }
0x86: {  	_ =	shalt  }
0x87: {  	_ =	shalt  }
.Lfunc_end0:
.L_simem_size_0:
called_computation.1_lowered:
.L_overlay_start_0:
0x88: {  	s2 =	sld [smem:$0x3FD9]  }
0x89: {  	s3 =	sld [smem:$0x3FFE];
	_ =	sdelay $0x1  }
0x8a: {  	s1 =	srdreg.scid  }
0x8b: {  	s0 =	sand.u32 $0x1, s1  }
0x8c: {  	s17 =	sshll.u32 s0, $0xA;
	s2 =	sadd.s32 s3, s2  }
0x8d: {  	s2 =	sadd.s32 s2, s17  }
0x8e: {  	[smem:$0x3FB6] =	sst s2  }
0x8f: {  	_ = 	snop  }
0x90: {  	s2 =	sld [smem:$0x3FD0];
	(tm) =	ssettm $0x1  }
0x91: {  	s18 =	sld [smem:$0x3FFB];
	_ =	sdelay $0x3  }
0x92: {  	_ =	strace s18  }
0x93: {  	s3 =	sld [smem:$0x3FFC];
	_ =	sdelay $0x3  }
0x94: {  	_ =	strace s3  }
0x95: {  	s3 =	sld [smem:$0x3FFD];
	_ =	sdelay $0x3  }
0x96: {  	_ =	strace s3  }
0x97: {  	_ =	strace $0x8FFFFFFF  }
0x98: {  	s19 =	sld [smem:$0x3FDB];
	_ =	sdelay $0x1  }
0x99: {  	s4 =	simm.s32 $_scs_section_size  }
0x9a: {  	s5 =	simm.s32 $_size__tile_overlayer_lowered;
	s6 =	simm.s32 $_tile_overlayer_lowered  }
0x9b: {  	s22 =	simm.s32 $0x1BFF;
	s21 =	sshll.u32 s6, $0x1;
	s3 =	sadd.s32 s4, s19  }
0x9c: {  	s7 =	simm.s32 $0x0;
	s20 =	sshll.u32 s5, $0x1;
	s5 =	sadd.s32 s21, s3  }
0x9d: {  	[timem:s7], [sflag:s22] =	dma.local [hbm:s5], s20  }
0x9e: {  	_ =	swait.ge [sflag:s22], s20  }
0x9f: {  	s4 =	ssub.s32 $0x0, s20;
	[sflag:s22] =	ssyncset.done $0x0  }
0xa0: {  	[sflag:s22] =	ssyncadd.s32 s4;
	_ =	sdelay $0x1  }
0xa1: {  	s23 =	simm.s32 $0x1B8B  }
0xa2: {  	_ =	swait.ge [sflag:s23], $0x1  }
0xa3: {  	[sflag:s23] =	ssyncset.done $0x0  }
0xa4: {  	s25 =	simm.s32 $0x1B8E;
	s24 =	sld [smem:$0x3FFE];
	[sflag:s23] =	ssyncadd.s32 $0xFFFFFFFF  }
0xa5: {  	s26 =	simm.s32 $execute0_lowered;
	[smem:$0x3FD2] =	sst s25  }
0xa6: {  	s5 =	sshll.u32 s26, $0x1;
	_ =	strace $0x80000049;
	[dreg:$0x1] =	wrdreg $0xFFFFFFFF  }
0xa7: {  	s28 =	simm.s32 $_size_execute0_lowered;
	s3 =	sadd.s32 s3, s5;
	[dreg:$0x0] =	wrdreg $0x0  }
0xa8: {  	s5 =	sshll.u32 s28, $0x1;
	[dreg:$0x2] =	wrdreg s3  }
0xa9: {  	[dreg:$0x3] =	wrdreg s5  }
0xaa: {  	[dreg:$0x4] =	wrdreg $0xC0  }
0xab: {  	_ =	task [dreg:s7], $0x5FFFF  }
0xac: {  	[dreg:$0x1] =	wrdreg $0xFFFFFFFF  }
0xad: {  	[dreg:$0x0] =	wrdreg $0x60  }
0xae: {  	[dreg:$0x2] =	wrdreg s24  }
0xaf: {  	[dreg:$0x3] =	wrdreg s2  }
0xb0: {  	[dreg:$0x4] =	wrdreg $0x42000  }
0xb1: {  	[dreg:$0x5] =	wrdreg $0x9  }
0xb2: {  	_ =	task.clear_ibuf [dreg:s7], $0x6FFFF;
	_ =	strace $0x90000049  }
0xb3: {  	s29 =	simm.s32 $0x9;
	_ =	strace $0x8000004B  }
0xb4: {  	_ =	swait.ge [sflag:s29], $0x1  }
0xb5: {  	[sflag:s29] =	ssyncadd.s32 $0xFFFFFFFF  }
0xb6: {  	_ =	strace $0x9000004B  }
0xb7: {  	_ =	sfence  }
0xb8: {  	s30 =	sld [smem:$0x0];
	_ =	sdelay $0x2  }
0xb9: {  	s31 =	sshll.u32 s1, $0xD;
	s1 =	sshrl.u32 s1, $0x2  }
0xba: {  	s3 =	sand.u32 $0x4000, s31;
	s1 =	sadd.s32 s1, s30  }
0xbb: {  	s0 =	sor.u32 s3, s0;
	s1 =	sshll.u32 s1, $0x11  }
0xbc: {  	s0 =	sor.u32 s1, s0  }
0xbd: {  	s0 =	sadd.s32 $0x8F2B, s0  }
0xbe: {  	[sflag:s0] =	ssyncadd.remote.s32 $0x1  }
0xbf: {  	_ =	sfence.sel $0xFFFF  }
0xc0: {  	[dreg:$0x0] =	wrdreg $0xFFFFFFFF;
	(pc) =	sbr.abs _section_cstart, $3  }
0xc1: {  	[dreg:$0x1] =	wrdreg $0xFFFFFFFF  }
0xc2: {  	_ =	task.clear_ibuf [dreg:s7], $0x2FFFF;
	_ =	strace $0x9FFFFFFF  }
0xc3: {  	(tm) =	ssettm $0x7FFFFFFF  }
tec
execute0_lowered:
.L_overlay_start_1:
0x0: {  	(tag) =	ssettag $0x1  }
0x1: {  	s4 =	rddreg [dreg:$0x0]  }
0x2: {  	s1 =	rddreg [dreg:$0x1]  }
0x3: {  	s2 =	rddreg [dreg:$0x2]  }
0x4: {  	s0 =	rddreg [dreg:$0x3]  }
0x5: {  	s17 =	stileid.u32;
	s6 =	srdreg.scid;
	s3 =	simm.s32 $0x0  }
0x6: {  	s12 =	simm.s32 $0x100;
	s13 =	simm.s32 $0x2200;
	s5 =	smul.u32 $0x2A000, s17  }
0x7: {  	s14 =	simm.s32 $0x180;
	s15 =	simm.s32 $0x3200;
	s7 =	smul.u32 $0xA800, s17  }
0x8: {  	s6 =	sand.u32 $0x1, s6;
	[smem:$0x7FF] =	sst s3;
	s10 =	smul.u32 $0x4E40, s17  }
0x9: {  	p0 =	sne.s32 s17, $0x0;
	s17 =	sshll.u32 s17, $0x6;
	s8 =	smul.u32 $0x5400, s6  }
0xa: {  	_ =	strace $0x8000004A;
	s30 =	smul.u32 $0x9C80, s6;
	s9 =	ssub.s32 $0x2, s6  }
0xb: {  	s6 =	smul.u32 $0x15000, s6;
	s17 =	sor.u32 $0x1C01, s17;
	s5 =	sadd.s32 s5, s4  }
0xc: {  	s11 =	sshrl.u32 s9, $0x1;
	s18 =	sshrl.u32 s10, $0x3;
	s19 =	sadd.s32 s10, s2  }
0xd: {  	s10 =	simm.s32 $0x80;
	s7 =	sadd.s32 s8, s7;
	s8 =	sadd.s32 s30, s4  }
0xe: {  	s31 =	ssub.s32 s9, s11;
	s5 =	sadd.s32 s6, s5;
	s9 =	simm.s32 $0x200  }
0xf: {  	s11 =	simm.s32 $0x1200;
	s7 =	sshrl.u32 s7, $0x3;
	s16 =	sadd.s32 $0x4E00, s8  }
0x10: {  	s5 =	sadd.s32 $0x5AB200, s5;
	s8 =	simm.s32 $0x1;
	s7 =	sadd.s32 s7, s4  }
0x11: {  	s4 =	smax.u32 s31, $0x1;
	s16 =	sadd.s32 s18, s16;
	s18 =	sshrl.u32 s19, $0x3  }
0x12: {  	s19 =	simm.s32 $0x0;
	s6 =	sadd.s32 $0x596200, s7;
	s7 =	sshrl.u32 @!p0 s2, $0x3  }
.LBB2_1:
0x13: {  	s20 =	simm.s32 @!p0 $0x1C01  }
0x14: {  	[spmem:s7], [sflag:s20] =	dma.local @!p0 [hbm:s1], $0x9C80  }
0x15: {  	s20 =	simm.s32 @!p0 $0x1  }
0x16: {  	_ =	swait.ge @!p0 [sflag:s20], $0x9C80  }
0x17: {  	[sflag:s20] =	ssyncset.done @!p0 $0x0  }
0x18: {  	[sflag:s20] =	ssyncadd.s32 @!p0 $0xFFFF6380  }
0x19: {  	s31 =	sadd.s32 $0x0, s6;
	[bflag:$0x0] =	sbarrier.arrive $0xFFFF  }
0x1a: {  	[tilespmem:s3], [sflag:$0x1] =	stream.linear.gather [hbm4b:s31+s3], $0x200, $0x38;
	[tilespmem:$0x9040] =	vst v63  }
0x1b: {  	_ =	swait.ge [sflag:s8], $0x200  }
0x1c: {  	[sflag:s8] =	ssyncset.done $0x0  }
0x1d: {  	[sflag:s8] =	ssyncadd.s32 $0xFFFFFE00  }
0x1e: {  	[tilespmem:s9], [sflag:$0x1] =	stream.linear.gather [hbm4b:s5+s3], $0x4000, $0x38;
	[tilespmem:$0x9040] =	vst v63  }
0x1f: {  	_ =	swait.ge [sflag:s8], $0x4000  }
0x20: {  	[sflag:s8] =	ssyncset.done $0x0  }
0x21: {  	[sflag:s8] =	ssyncadd.s32 $0xFFFFC000  }
0x22: {  	[spmem:s2] =	stream.indirect.scatter.add.f32 [tilespmem:s9], [sflag:$0x1], $0x20, s3, s10, $0xb8;
	[tilespmem:$0x9040] =	vst v63  }
0x23: {  	_ =	swait.ge [sflag:s8], $0x1000  }
0x24: {  	[sflag:s8] =	ssyncset.done $0x0  }
0x25: {  	[sflag:s8] =	ssyncadd.s32 $0xFFFFF000  }
0x26: {  	[spmem:s2] =	stream.indirect.scatter.add.f32 [tilespmem:s11], [sflag:$0x1], $0x20, s10, s10, $0xb8;
	[tilespmem:$0x9040] =	vst v63  }
0x27: {  	_ =	swait.ge [sflag:s8], $0x1000  }
0x28: {  	[sflag:s8] =	ssyncset.done $0x0  }
0x29: {  	[sflag:s8] =	ssyncadd.s32 $0xFFFFF000  }
0x2a: {  	[spmem:s2] =	stream.indirect.scatter.add.f32 [tilespmem:s13], [sflag:$0x1], $0x20, s12, s10, $0xb8;
	[tilespmem:$0x9040] =	vst v63  }
0x2b: {  	_ =	swait.ge [sflag:s8], $0x1000  }
0x2c: {  	[sflag:s8] =	ssyncset.done $0x0  }
0x2d: {  	[sflag:s8] =	ssyncadd.s32 $0xFFFFF000  }
0x2e: {  	[spmem:s2] =	stream.indirect.scatter.add.f32 [tilespmem:s15], [sflag:$0x1], $0x20, s14, s10, $0xb8;
	[tilespmem:$0x9040] =	vst v63  }
0x2f: {  	s21 =	simm.s32 $0x40;
	_ =	swait.ge [sflag:s8], $0x1000  }
0x30: {  	s22 =	simm.s32 $0x80;
	s20 =	sadd.s32 $0x800, s5;
	[sflag:s8] =	ssyncset.done $0x0  }
.LBB2_2:
0x31: {  	s23 =	sadd.s32 s21, s6  }
0x32: {  	[sflag:s8] =	ssyncadd.s32 $0xFFFFF000;
	s21 =	smov.u32 s22;
	s24 =	sadd.s32 $0x40, s22  }
0x33: {  	[tilespmem:s3], [sflag:$0x1] =	stream.linear.gather [hbm4b:s23+s3], $0x200, $0x38;
	[tilespmem:$0x9040] =	vst v63  }
0x34: {  	p1 =	sne.s32 s22, $0xA40;
	_ =	swait.ge [sflag:s8], $0x200  }
0x35: {  	[sflag:s8] =	ssyncset.done $0x0  }
0x36: {  	[sflag:s8] =	ssyncadd.s32 $0xFFFFFE00  }
0x37: {  	[tilespmem:s9], [sflag:$0x1] =	stream.linear.gather [hbm4b:s20+s3], $0x4000, $0x38;
	[tilespmem:$0x9040] =	vst v63  }
0x38: {  	_ =	swait.ge [sflag:s8], $0x4000  }
0x39: {  	[sflag:s8] =	ssyncset.done $0x0  }
0x3a: {  	[sflag:s8] =	ssyncadd.s32 $0xFFFFC000  }
0x3b: {  	[spmem:s2] =	stream.indirect.scatter.add.f32 [tilespmem:s9], [sflag:$0x1], $0x20, s3, s10, $0xb8;
	[tilespmem:$0x9040] =	vst v63  }
0x3c: {  	_ =	swait.ge [sflag:s8], $0x1000  }
0x3d: {  	[sflag:s8] =	ssyncset.done $0x0  }
0x3e: {  	[sflag:s8] =	ssyncadd.s32 $0xFFFFF000  }
0x3f: {  	[spmem:s2] =	stream.indirect.scatter.add.f32 [tilespmem:s11], [sflag:$0x1], $0x20, s10, s10, $0xb8;
	[tilespmem:$0x9040] =	vst v63  }
0x40: {  	_ =	swait.ge [sflag:s8], $0x1000  }
0x41: {  	[sflag:s8] =	ssyncset.done $0x0  }
0x42: {  	[sflag:s8] =	ssyncadd.s32 $0xFFFFF000  }
0x43: {  	[spmem:s2] =	stream.indirect.scatter.add.f32 [tilespmem:s13], [sflag:$0x1], $0x20, s12, s10, $0xb8;
	[tilespmem:$0x9040] =	vst v63  }
0x44: {  	_ =	swait.ge [sflag:s8], $0x1000  }
.Ltmp0:
0x45: {  	[sflag:s8] =	ssyncset.done $0x0;
	(pc) =	sbr.rel @p1 .LBB2_2-.Ltmp0, $4  }
0x46: {  	[sflag:s8] =	ssyncadd.s32 $0xFFFFF000  }
0x47: {  	[spmem:s2] =	stream.indirect.scatter.add.f32 [tilespmem:s15], [sflag:$0x1], $0x20, s14, s10, $0xb8;
	[tilespmem:$0x9040] =	vst v63  }
0x48: {  	_ =	swait.ge [sflag:s8], $0x1000  }
0x49: {  	s22 =	smov.u32 s24;
	s20 =	sadd.s32 $0x800, s20;
	[sflag:s8] =	ssyncset.done $0x0  }
0x4a: {  	s21 =	sadd.s32 s21, s6;
	[sflag:s8] =	ssyncadd.s32 $0xFFFFF000  }
0x4b: {  	[tilespmem:s3], [sflag:$0x1] =	stream.linear.gather [hbm4b:s21+s3], $0x200, $0x38;
	[tilespmem:$0x9040] =	vst v63  }
0x4c: {  	_ =	swait.ge [sflag:s8], $0x200  }
0x4d: {  	[sflag:s8] =	ssyncset.done $0x0  }
0x4e: {  	[sflag:s8] =	ssyncadd.s32 $0xFFFFFE00  }
0x4f: {  	[tilespmem:s9], [sflag:$0x1] =	stream.linear.gather [hbm4b:s20+s3], $0x4000, $0x38;
	[tilespmem:$0x9040] =	vst v63  }
0x50: {  	_ =	swait.ge [sflag:s8], $0x4000  }
0x51: {  	[sflag:s8] =	ssyncset.done $0x0  }
0x52: {  	[sflag:s8] =	ssyncadd.s32 $0xFFFFC000  }
0x53: {  	[spmem:s2] =	stream.indirect.scatter.add.f32 [tilespmem:s9], [sflag:$0x1], $0x20, s3, s10, $0xb8;
	[tilespmem:$0x9040] =	vst v63  }
0x54: {  	_ =	swait.ge [sflag:s8], $0x1000  }
0x55: {  	[sflag:s8] =	ssyncset.done $0x0  }
0x56: {  	[sflag:s8] =	ssyncadd.s32 $0xFFFFF000  }
0x57: {  	[spmem:s2] =	stream.indirect.scatter.add.f32 [tilespmem:s11], [sflag:$0x1], $0x20, s10, s10, $0xb8;
	[tilespmem:$0x9040] =	vst v63  }
0x58: {  	_ =	swait.ge [sflag:s8], $0x1000  }
0x59: {  	[sflag:s8] =	ssyncset.done $0x0  }
0x5a: {  	[sflag:s8] =	ssyncadd.s32 $0xFFFFF000  }
0x5b: {  	[spmem:s2] =	stream.indirect.scatter.add.f32 [tilespmem:s13], [sflag:$0x1], $0x20, s12, s10, $0xb8;
	[tilespmem:$0x9040] =	vst v63  }
0x5c: {  	_ =	swait.ge [sflag:s8], $0x1000  }
0x5d: {  	[sflag:s8] =	ssyncset.done $0x0  }
0x5e: {  	[sflag:s8] =	ssyncadd.s32 $0xFFFFF000  }
0x5f: {  	[spmem:s2] =	stream.indirect.scatter.add.f32 [tilespmem:s15], [sflag:$0x1], $0x20, s14, s10, $0xb8;
	[tilespmem:$0x9040] =	vst v63  }
0x60: {  	_ =	swait.ge [sflag:s8], $0x1000  }
0x61: {  	s19 =	sadd.s32 $0x1, s19;
	[sflag:s8] =	ssyncset.done $0x0  }
0x62: {  	p1 =	sne.s32 s19, s4;
	[sflag:s8] =	ssyncadd.s32 $0xFFFFF000  }
.Ltmp1:
0x63: {  	[bflag:$0x0] =	sbarrier.arrive $0xFFFF;
	(pc) =	sbr.rel @p1 .LBB2_1-.Ltmp1, $4  }
0x64: {  	[hbm:s16], [sflag:s17] =	dma.local [spmem:s18], $0x9C8  }
0x65: {  	_ =	swait.ge [sflag:s8], $0x9C8  }
0x66: {  	[sflag:s8] =	ssyncset.done $0x0  }
0x67: {  	[sflag:s8] =	ssyncadd.s32 $0xFFFFF638  }
0x68: {  	_ =	sfence.sel $0x180000  }
0x69: {  	[bflag:$0x0] =	sbarrier.arrive $0xFFFF  }
0x6a: {  	_ =	strace $0x9000004A  }
0x6b: {  	s0 =	sadd.s32 @!p0 $0x100000, s0;
	[bflag:$0x2] =	sbarrier.arrive $0xFFFF  }
0x6c: {  	[sflag:s0] =	ssyncadd.tile.s32 @!p0 $0x1;
	_ =	shalt  }
.Lfunc_end2:
_tile_overlayer_lowered:
.L_overlay_start_2:
0x6d: {  	(tag) =	ssettag $0x2  }
0x6e: {  	s0 =	rddreg [dreg:$0x0];
	s2 =	stileid.u32  }
0x6f: {  	s1 =	rddreg [dreg:$0x1];
	p0 =	sne.s32 s2, $0x0  }
0x70: {  	s3 =	rddreg [dreg:$0x2];
	[bflag:$0x3] =	sbarrier.arrive $0xFFFF;
	s2 =	simm.s32 @!p0 $0x1C01  }
0x71: {  	[timem:s3], [sflag:s2] =	dma.local @!p0 [hbm:s0], s1  }
0x72: {  	s0 =	simm.s32 @!p0 $0x1  }
0x73: {  	_ =	swait.ge @!p0 [sflag:s0], s1  }
0x74: {  	s1 =	ssub.s32 @!p0 $0x0, s1;
	[sflag:s0] =	ssyncset.done @!p0 $0x0  }
0x75: {  	[sflag:s0] =	ssyncadd.s32 @!p0 s1  }
0x76: {  	[bflag:$0x3] =	sbarrier.arrive $0xFFFF  }
0x77: {  	_ =	shalt  }

// kernel: kernel.20.cloned.1.call-start
scs
__scs_entry_jumppad:
0x0: {  	(pc) =	sbr.rel $0x88, $3  }
0x1: {  	(tag) =	ssettag $0x0;
	lr =	simm.s32 $0x1  }
0x2: {  	[smem:$0x3F8F] =	sst lr;
	_ =	strace $0xD0000000  }
0x3: {  	_ = 	snop  }
0x4: {  	_ = 	snop  }
0x5: {  	_ = 	snop  }
0x6: {  	_ = 	snop  }
0x7: {  	_ = 	snop  }
__scs_overlays_trampoline_lowered:
0x8: {  	[smem:$0x3F9E] =	sst s0  }
0x9: {  	[smem:$0x3F9F] =	sst s1  }
0xa: {  	[smem:$0x3FA0] =	sst s2  }
0xb: {  	[smem:$0x3FA1] =	sst s3  }
0xc: {  	[smem:$0x3FA2] =	sst s4  }
0xd: {  	[smem:$0x3FA3] =	sst s5  }
0xe: {  	[smem:$0x3FA4] =	sst s6  }
0xf: {  	[smem:$0x3FA5] =	sst s7  }
0x10: {  	[smem:$0x3FA6] =	sst s8  }
0x11: {  	[smem:$0x3FA7] =	sst s9;
	s0 =	simm.s32 @!p0 $0x0  }
0x12: {  	s1 =	sld [smem:$0x3F8D];
	s0 =	simm.s32 @p0 $0x1  }
0x13: {  	[smem:$0x3FA8] =	sst s0;
	s0 =	simm.s32 @!p1 $0x0  }
0x14: {  	s2 =	sld [smem:$0x3F8C];
	s0 =	simm.s32 @p1 $0x1  }
0x15: {  	[smem:$0x3FA9] =	sst s0;
	s0 =	simm.s32 @!p2 $0x0  }
0x16: {  	s3 =	sld [smem:$0x3FDB];
	s0 =	simm.s32 @p2 $0x1  }
0x17: {  	s4 =	simm.s32 $0x1BF5;
	[smem:$0x3FAB] =	sst s0  }
0x18: {  	s0 =	sld [smem:$0x3F8E];
	_ =	swait.ge [sflag:s4], $0x0  }
0x19: {  	s7 =	sld [smem:$0x3F8F]  }
0x1a: {  	s8 =	sadd.s32 $0xFFFFE003, lr  }
0x1b: {  	s9 =	sadd.s32 $0xFFFFFEF7, lr;
	s5 =	simm.s32 $0xFFFFFFFF;
	p2 =	slt.u32 s8, $0xFFFFF086  }
0x1c: {  	p1 =	slt.u32 s9, $0xF7A;
	s5 =	simm.s32 @!p2 $0x0  }
0x1d: {  	s5 =	simm.s32 @p1 $0x1;
	p0 =	seq.s32 s7, s2  }
0x1e: {  	s7 =	smul.u32 @!p0 $0xF7A, s2;
	p2 =	seq.s32 @!p0 s5, $0x0  }
0x1f: {  	s9 =	smul.u32 $0xF7A, s1;
	s8 =	simm.s32 @!p0 $0x1BF5;
	p2 =	por !p2, p0  }
0x20: {  	[sflag:s8] =	ssyncset.s32 @!p0 $0xFFFFF086;
	s6 =	sadd.s32 @!p0 s3, s7;
	s7 =	simm.s32 @!p0 $0x108  }
0x21: {  	s3 =	sadd.s32 s3, s9;
	s6 =	sadd.s32 @!p0 $0x88, s6;
	s7 =	simm.s32 @p2 $0x1082  }
0x22: {  	[simem:s7], [sflag:s8] =	dma.local @!p0 [hbm:s6], $0xF7A  }
0x23: {  	s9 =	sor.u32 $0xD0000000, s2;
	s6 =	simm.s32 $0x108;
	_ =	swait.ge @!p0 [sflag:s8], $0x0  }
0x24: {  	s3 =	sadd.s32 $0x88, s3;
	s6 =	simm.s32 @!p1 $0x1082;
	[sflag:s4] =	ssyncset.s32 $0xFFFFF086  }
0x25: {  	[simem:s6], [sflag:s4] =	dma.local [hbm:s3], $0xF7A  }
0x26: {  	[smem:$0x3F8F] =	sst s1;
	(tag) =	ssettag s2;
	_ =	strace s9  }
0x27: {  	s1 =	sld [smem:$0x3F9F]  }
0x28: {  	s2 =	sld [smem:$0x3FA0]  }
0x29: {  	s4 =	sld [smem:$0x3FA2]  }
0x2a: {  	p0 =	seq.s32 s5, $0x0;
	s5 =	sld [smem:$0x3FA3]  }
0x2b: {  	s6 =	sld [smem:$0x3FA4]  }
0x2c: {  	s7 =	sld [smem:$0x3FA5]  }
0x2d: {  	s3 =	simm.s32 $0x108;
	s8 =	sld [smem:$0x3FA6]  }
0x2e: {  	s3 =	simm.s32 @!p0 $0x1082;
	s9 =	sld [smem:$0x3FA7]  }
0x2f: {  	lr =	sadd.s32 s0, s3;
	s0 =	sld [smem:$0x3F9E]  }
0x30: {  	s3 =	sld [smem:$0x3FA1]  }
0x31: {  	[smem:$0x3FAA] =	sst s10  }
0x32: {  	s10 =	sld [smem:$0x3FA8];
	_ =	sdelay $0x3  }
0x33: {  	p0 =	seq.s32 s10, $0x1;
	s10 =	sld [smem:$0x3FAA];
	_ =	sdelay $0x3  }
0x34: {  	[smem:$0x3FAA] =	sst s10  }
0x35: {  	s10 =	sld [smem:$0x3FA9];
	_ =	sdelay $0x3  }
0x36: {  	p1 =	seq.s32 s10, $0x1;
	s10 =	sld [smem:$0x3FAA];
	_ =	sdelay $0x3  }
0x37: {  	[smem:$0x3FAA] =	sst s10  }
0x38: {  	s10 =	sld [smem:$0x3FAB]  }
0x39: {  	_ = 	snop;
	(pc) =	sbr.ind lr, $3  }
0x3a: {  	_ = 	snop  }
0x3b: {  	_ = 	snop  }
0x3c: {  	p2 =	seq.s32 s10, $0x1;
	s10 =	sld [smem:$0x3FAA]  }
0x3d: {  	_ =	shalt  }
0x3e: {  	_ =	shalt  }
0x3f: {  	_ =	shalt  }
0x40: {  	_ =	shalt  }
0x41: {  	_ =	shalt  }
0x42: {  	_ =	shalt  }
0x43: {  	_ =	shalt  }
0x44: {  	_ =	shalt  }
0x45: {  	_ =	shalt  }
0x46: {  	_ =	shalt  }
0x47: {  	_ =	shalt  }
0x48: {  	_ =	shalt  }
0x49: {  	_ =	shalt  }
0x4a: {  	_ =	shalt  }
0x4b: {  	_ =	shalt  }
0x4c: {  	_ =	shalt  }
0x4d: {  	_ =	shalt  }
0x4e: {  	_ =	shalt  }
0x4f: {  	_ =	shalt  }
0x50: {  	_ =	shalt  }
0x51: {  	_ =	shalt  }
0x52: {  	_ =	shalt  }
0x53: {  	_ =	shalt  }
0x54: {  	_ =	shalt  }
0x55: {  	_ =	shalt  }
0x56: {  	_ =	shalt  }
0x57: {  	_ =	shalt  }
0x58: {  	_ =	shalt  }
0x59: {  	_ =	shalt  }
0x5a: {  	_ =	shalt  }
0x5b: {  	_ =	shalt  }
0x5c: {  	_ =	shalt  }
0x5d: {  	_ =	shalt  }
0x5e: {  	_ =	shalt  }
0x5f: {  	_ =	shalt  }
0x60: {  	_ =	shalt  }
0x61: {  	_ =	shalt  }
0x62: {  	_ =	shalt  }
0x63: {  	_ =	shalt  }
0x64: {  	_ =	shalt  }
0x65: {  	_ =	shalt  }
0x66: {  	_ =	shalt  }
0x67: {  	_ =	shalt  }
0x68: {  	_ =	shalt  }
0x69: {  	_ =	shalt  }
0x6a: {  	_ =	shalt  }
0x6b: {  	_ =	shalt  }
0x6c: {  	_ =	shalt  }
0x6d: {  	_ =	shalt  }
0x6e: {  	_ =	shalt  }
0x6f: {  	_ =	shalt  }
0x70: {  	_ =	shalt  }
0x71: {  	_ =	shalt  }
0x72: {  	_ =	shalt  }
0x73: {  	_ =	shalt  }
0x74: {  	_ =	shalt  }
0x75: {  	_ =	shalt  }
0x76: {  	_ =	shalt  }
0x77: {  	_ =	shalt  }
0x78: {  	_ =	shalt  }
0x79: {  	_ =	shalt  }
0x7a: {  	_ =	shalt  }
0x7b: {  	_ =	shalt  }
0x7c: {  	_ =	shalt  }
0x7d: {  	_ =	shalt  }
0x7e: {  	_ =	shalt  }
0x7f: {  	_ =	shalt  }
0x80: {  	_ =	shalt  }
0x81: {  	_ =	shalt  }
0x82: {  	_ =	shalt  }
0x83: {  	_ =	shalt  }
0x84: {  	_ =	shalt  }
0x85: {  	_ =	shalt  }
0x86: {  	_ =	shalt  }
0x87: {  	_ =	shalt  }
.Lfunc_end0:
.L_simem_size_0:
called_computation.2_lowered:
.L_overlay_start_0:
0x88: {  	s2 =	sld [smem:$0x3FD9]  }
0x89: {  	s3 =	sld [smem:$0x3FFE];
	_ =	sdelay $0x1  }
0x8a: {  	s1 =	srdreg.scid  }
0x8b: {  	s0 =	sand.u32 $0x1, s1  }
0x8c: {  	s16 =	sshll.u32 s0, $0xA;
	s2 =	sadd.s32 s3, s2  }
0x8d: {  	s2 =	sadd.s32 s2, s16  }
0x8e: {  	[smem:$0x3FB6] =	sst s2  }
0x8f: {  	_ = 	snop  }
0x90: {  	(tm) =	ssettm $0x1  }
0x91: {  	s17 =	sld [smem:$0x3FFB];
	_ =	sdelay $0x3  }
0x92: {  	_ =	strace s17  }
0x93: {  	s2 =	sld [smem:$0x3FFC];
	_ =	sdelay $0x3  }
0x94: {  	_ =	strace s2  }
0x95: {  	s2 =	sld [smem:$0x3FFD];
	_ =	sdelay $0x3  }
0x96: {  	_ =	strace s2  }
0x97: {  	_ =	strace $0x8FFFFFFF  }
0x98: {  	s18 =	sld [smem:$0x3FDB];
	_ =	sdelay $0x1  }
0x99: {  	s19 =	simm.s32 $_scs_section_size  }
0x9a: {  	s4 =	simm.s32 $_size__tile_overlayer_lowered;
	s5 =	simm.s32 $_tile_overlayer_lowered  }
0x9b: {  	s22 =	simm.s32 $0x1BFF;
	s21 =	sshll.u32 s5, $0x1;
	s2 =	sadd.s32 s19, s18  }
0x9c: {  	s6 =	simm.s32 $0x0;
	s20 =	sshll.u32 s4, $0x1;
	s4 =	sadd.s32 s21, s2  }
0x9d: {  	[timem:s6], [sflag:s22] =	dma.local [hbm:s4], s20  }
0x9e: {  	_ =	swait.ge [sflag:s22], s20  }
0x9f: {  	s3 =	ssub.s32 $0x0, s20;
	[sflag:s22] =	ssyncset.done $0x0  }
0xa0: {  	[sflag:s22] =	ssyncadd.s32 s3;
	_ =	sdelay $0x1  }
0xa1: {  	s23 =	simm.s32 $0x1B8B  }
0xa2: {  	_ =	swait.ge [sflag:s23], $0x1  }
0xa3: {  	[sflag:s23] =	ssyncset.done $0x0  }
0xa4: {  	s25 =	simm.s32 $0x1B8E;
	s24 =	sld [smem:$0x3FFE];
	[sflag:s23] =	ssyncadd.s32 $0xFFFFFFFF  }
0xa5: {  	s26 =	simm.s32 $execute0_lowered;
	[smem:$0x3FD2] =	sst s25  }
0xa6: {  	s4 =	sshll.u32 s26, $0x1;
	_ =	strace $0x8000004C;
	[dreg:$0x1] =	wrdreg $0xFFFFFFFF  }
0xa7: {  	s28 =	simm.s32 $_size_execute0_lowered;
	s2 =	sadd.s32 s2, s4;
	[dreg:$0x0] =	wrdreg $0x0  }
0xa8: {  	s4 =	sshll.u32 s28, $0x1;
	[dreg:$0x2] =	wrdreg s2  }
0xa9: {  	[dreg:$0x3] =	wrdreg s4  }
0xaa: {  	[dreg:$0x4] =	wrdreg $0xC0  }
0xab: {  	_ =	task [dreg:s6], $0x5FFFF  }
0xac: {  	[dreg:$0x1] =	wrdreg $0xFFFFFFFF  }
0xad: {  	[dreg:$0x0] =	wrdreg $0x60  }
0xae: {  	[dreg:$0x2] =	wrdreg s24  }
0xaf: {  	[dreg:$0x3] =	wrdreg $0x9  }
0xb0: {  	_ =	task.clear_ibuf [dreg:s6], $0x4FFFF;
	_ =	strace $0x9000004C  }
0xb1: {  	s29 =	simm.s32 $0x9;
	_ =	strace $0x8000004E  }
0xb2: {  	_ =	swait.ge [sflag:s29], $0x1  }
0xb3: {  	[sflag:s29] =	ssyncadd.s32 $0xFFFFFFFF  }
0xb4: {  	_ =	strace $0x9000004E  }
0xb5: {  	_ =	sfence  }
0xb6: {  	s30 =	sld [smem:$0x0];
	_ =	sdelay $0x2  }
0xb7: {  	s31 =	sshll.u32 s1, $0xD;
	s1 =	sshrl.u32 s1, $0x2  }
0xb8: {  	s3 =	sand.u32 $0x4000, s31;
	s1 =	sadd.s32 s1, s30  }
0xb9: {  	s0 =	sor.u32 s3, s0;
	s1 =	sshll.u32 s1, $0x11  }
0xba: {  	s0 =	sor.u32 s1, s0  }
0xbb: {  	s0 =	sadd.s32 $0x8F2B, s0  }
0xbc: {  	[sflag:s0] =	ssyncadd.remote.s32 $0x1  }
0xbd: {  	_ =	sfence.sel $0xFFFF  }
0xbe: {  	[dreg:$0x0] =	wrdreg $0xFFFFFFFF;
	(pc) =	sbr.abs _section_cstart, $3  }
0xbf: {  	[dreg:$0x1] =	wrdreg $0xFFFFFFFF  }
0xc0: {  	_ =	task.clear_ibuf [dreg:s6], $0x2FFFF;
	_ =	strace $0x9FFFFFFF  }
0xc1: {  	(tm) =	ssettm $0x7FFFFFFF  }
tec
execute0_lowered:
.L_overlay_start_1:
0x0: {  	(tag) =	ssettag $0x1  }
0x1: {  	s0 =	rddreg [dreg:$0x0];
	s2 =	simm.s32 $0x0  }
0x2: {  	s1 =	srdreg.scid;
	s12 =	stileid.u32;
	s28 =	simm.s32 $0x800  }
0x3: {  	s29 =	simm.s32 $0x8800;
	s30 =	simm.s32 $0x4;
	s14 =	smul.u32 $0x150000, s12  }
0x4: {  	s31 =	simm.s32 $0x5;
	[smem:$0x7FF] =	sst s2;
	s17 =	smul.u32 $0xA800, s12  }
0x5: {  	s1 =	sand.u32 $0x1, s1;
	s5 =	sshll.u32 s12, $0x1;
	s22 =	smul.u32 $0x2A000, s12  }
0x6: {  	s3 =	sadd.s32 $0x4E00, s0;
	s4 =	sadd.s32 $0x41000, s0;
	s16 =	smul.u32 $0xA8000, s1  }
0x7: {  	s6 =	sadd.s32 $0x56000, s0;
	_ =	strace $0x8000004D;
	s19 =	smul.u32 $0x5400, s1  }
0x8: {  	s7 =	sor.u32 s1, s5;
	s8 =	ssub.s32 $0x2, s1;
	s1 =	smul.u32 $0x15000, s1  }
0x9: {  	s5 =	sadd.s32 $0x2C000, s0;
	s9 =	smul.u32 $0x5400, s7;
	s10 =	sshrl.u32 s8, $0x1  }
0xa: {  	s11 =	smul.u32 $0xA8000, s7;
	s7 =	sadd.s32 $0x2F6000, s0;
	s8 =	ssub.s32 s8, s10  }
0xb: {  	s20 =	sadd.s32 s16, s14;
	s21 =	sadd.s32 s19, s17;
	s26 =	sadd.s32 s1, s22  }
0xc: {  	s19 =	simm.s32 $0x400;
	s22 =	simm.s32 $0x600;
	s1 =	simm.s32 $0x0  }
0xd: {  	s9 =	sshrl.u32 s9, $0x3;
	s15 =	sshrl.u32 s11, $0x3;
	s0 =	smax.u32 s8, $0x1  }
0xe: {  	s23 =	sadd.s32 $0x400, s21;
	s13 =	sadd.s32 s4, s9;
	[dreg:$0x6] =	wrdreg s0  }
0xf: {  	s10 =	sadd.s32 $0x14800, s15;
	s9 =	sadd.s32 s5, s9;
	[dreg:$0x7] =	wrdreg s23  }
0x10: {  	s0 =	sshrl.u32 s20, $0x3;
	s20 =	simm.s32 $0x1;
	[dreg:$0x2] =	wrdreg s13  }
0x11: {  	s23 =	simm.s32 $0x2;
	[dreg:$0x3] =	wrdreg s9;
	s18 =	sadd.s32 s6, s10  }
0x12: {  	s10 =	sadd.s32 s7, s10;
	s13 =	sadd.s32 s0, s7;
	s9 =	sor.u32 $0x200, s21  }
.Ltmp0:
0x13: {  	s14 =	sadd.s32 s0, s6;
	[dreg:$0x4] =	wrdreg s18;
	(pc) =	sbr.rel .LBB2_1-.Ltmp0, $4  }
0x14: {  	s21 =	simm.s32 $0x200;
	[dreg:$0x5] =	wrdreg s10;
	s24 =	sshrl.u32 s9, $0x3  }
0x15: {  	s18 =	sadd.s32 $0x1FFFF800, s26;
	s26 =	simm.s32 $0x3;
	s25 =	sadd.s32 s24, s5  }
0x16: {  	s0 =	sadd.s32 s24, s4;
	s24 =	simm.s32 $0x4800;
	[dreg:$0x8] =	wrdreg s25  }
0x17: {  	[dreg:$0x9] =	wrdreg s0;
	s25 =	simm.s32 $0xC800;
	s0 =	simm.s32 $0x6  }
.LBB2_4:
0x18: {  	_ =	swait.ge [sflag:s30], $0x4000  }
0x19: {  	[sflag:s30] =	ssyncset.done $0x0  }
0x1a: {  	[sflag:s30] =	ssyncadd.s32 $0xFFFFC000  }
0x1b: {  	_ =	swait.ge [sflag:s30], $0x4000  }
0x1c: {  	[sflag:s30] =	ssyncset.done $0x0  }
0x1d: {  	s8 =	rddreg [dreg:$0x4];
	[sflag:s30] =	ssyncadd.s32 $0xFFFFC000  }
0x1e: {  	[hbm4b:s8+s2] =	stream.linear.scatter [tilespmem:s24], [sflag:$0x6], $0x4000, $0x38;
	[tilespmem:$0x10800] =	vst v63  }
0x1f: {  	s16 =	rddreg [dreg:$0x5]  }
0x20: {  	[hbm4b:s16+s2] =	stream.linear.scatter [tilespmem:s25], [sflag:$0x6], $0x4000, $0x38;
	[tilespmem:$0x10800] =	vst v63  }
0x21: {  	_ =	swait.ge [sflag:s31], $0x4000  }
0x22: {  	[sflag:s31] =	ssyncset.done $0x0  }
0x23: {  	[sflag:s31] =	ssyncadd.s32 $0xFFFFC000  }
0x24: {  	_ =	swait.ge [sflag:s31], $0x4000  }
0x25: {  	[sflag:s31] =	ssyncset.done $0x0  }
0x26: {  	[sflag:s31] =	ssyncadd.s32 $0xFFFFC000  }
0x27: {  	_ =	swait.ge [sflag:s0], $0x4000  }
0x28: {  	[sflag:s0] =	ssyncset.done $0x0  }
0x29: {  	[sflag:s0] =	ssyncadd.s32 $0xFFFFC000  }
0x2a: {  	_ =	swait.ge [sflag:s0], $0x4000  }
0x2b: {  	s1 =	sadd.s32 $0x1, s1;
	s17 =	rddreg [dreg:$0x6]  }
0x2c: {  	p0 =	sne.s32 s1, s17  }
.Ltmp1:
0x2d: {  	_ = 	snop;
	(pc) =	sbr.rel @!p0 .LBB2_5-.Ltmp1, $3  }
0x2e: {  	_ =	sdelay $0x1  }
0x2f: {  	[sflag:s0] =	ssyncset.done $0x0  }
0x30: {  	[sflag:s0] =	ssyncadd.s32 $0xFFFFC000  }
.LBB2_1:
0x31: {  	s8 =	rddreg [dreg:$0x2]  }
0x32: {  	s17 =	rddreg [dreg:$0x3]  }
0x33: {  	s16 =	rddreg [dreg:$0x8]  }
0x34: {  	[tilespmem:s2], [sflag:$0x1] =	stream.linear.gather [hbm4b:s8+s2], $0x200, $0x38;
	[tilespmem:$0x10800] =	vst v63  }
0x35: {  	s15 =	rddreg [dreg:$0x7]  }
0x36: {  	[tilespmem:s19], [sflag:$0x1] =	stream.linear.gather [hbm4b:s17+s2], $0x200, $0x38;
	[tilespmem:$0x10800] =	vst v63  }
0x37: {  	s11 =	simm.s32 $0x0;
	s17 =	rddreg [dreg:$0x9]  }
.LBB2_2:
0x38: {  	_ =	swait.ge [sflag:s20], $0x200  }
0x39: {  	[sflag:s20] =	ssyncset.done $0x0  }
0x3a: {  	[sflag:s20] =	ssyncadd.s32 $0xFFFFFE00  }
0x3b: {  	_ =	swait.ge [sflag:s20], $0x200  }
0x3c: {  	p0 =	sne.s32 s11, $0x0;
	[sflag:s20] =	ssyncset.done $0x0  }
0x3d: {  	s12 =	simm.s32 @p0 $0x5;
	[sflag:s20] =	ssyncadd.s32 $0xFFFFFE00  }
0x3e: {  	_ =	swait.ge @p0 [sflag:s12], $0x4000  }
0x3f: {  	[sflag:s12] =	ssyncset.done @p0 $0x0  }
0x40: {  	[sflag:s12] =	ssyncadd.s32 @p0 $0xFFFFC000  }
0x41: {  	_ =	swait.ge @p0 [sflag:s12], $0x4000  }
0x42: {  	s10 =	simm.s32 @p0 $0x0;
	[sflag:s12] =	ssyncset.done @p0 $0x0  }
0x43: {  	s9 =	simm.s32 @p0 $0x800;
	[sflag:s12] =	ssyncadd.s32 @p0 $0xFFFFC000;
	s12 =	simm.s32 @p0 $0x200  }
0x44: {  	[tilespmem:s9], [sflag:$0x3] =	stream.indirect.gather @p0 [hbm4b:s3+s12], $0x20, s10, s12, $0xb8;
	[tilespmem:$0x10800] =	vst v63  }
0x45: {  	s8 =	simm.s32 @p0 $0x8800;
	s9 =	simm.s32 @p0 $0x400  }
0x46: {  	[tilespmem:s8], [sflag:$0x3] =	stream.indirect.gather @p0 [hbm4b:s3+s12], $0x20, s9, s12, $0xb8;
	[tilespmem:$0x10800] =	vst v63  }
0x47: {  	s8 =	simm.s32 @p0 $0x4  }
0x48: {  	_ =	swait.ge @p0 [sflag:s8], $0x4000  }
0x49: {  	[sflag:s8] =	ssyncset.done @p0 $0x0  }
0x4a: {  	[sflag:s8] =	ssyncadd.s32 @p0 $0xFFFFC000  }
0x4b: {  	s9 =	sadd.s32 @p0 s11, s18;
	_ =	swait.ge @p0 [sflag:s8], $0x4000  }
0x4c: {  	s9 =	sand.u32 @p0 $0x1FFFF800, s9;
	[sflag:s8] =	ssyncset.done @p0 $0x0  }
0x4d: {  	s12 =	simm.s32 @p0 $0x4800;
	[sflag:s8] =	ssyncadd.s32 @p0 $0xFFFFC000;
	s8 =	sadd.s32 @p0 s6, s9  }
0x4e: {  	[hbm4b:s8+s10] =	stream.linear.scatter @p0 [tilespmem:s12], [sflag:$0x6], $0x4000, $0x38;
	[tilespmem:$0x10800] =	vst v63  }
0x4f: {  	s8 =	sadd.s32 @p0 s7, s9;
	s9 =	simm.s32 @p0 $0xC800  }
0x50: {  	[hbm4b:s8+s10] =	stream.linear.scatter @p0 [tilespmem:s9], [sflag:$0x6], $0x4000, $0x38;
	[tilespmem:$0x10800] =	vst v63  }
0x51: {  	s8 =	simm.s32 @!p0 $0x200;
	s9 =	simm.s32 @!p0 $0x0;
	s10 =	simm.s32 @!p0 $0x800  }
0x52: {  	[tilespmem:s10], [sflag:$0x3] =	stream.indirect.gather @!p0 [hbm4b:s3+s8], $0x20, s9, s8, $0xb8;
	[tilespmem:$0x10800] =	vst v63  }
0x53: {  	s9 =	simm.s32 @!p0 $0x400;
	s10 =	simm.s32 @!p0 $0x8800  }
0x54: {  	[tilespmem:s10], [sflag:$0x3] =	stream.indirect.gather @!p0 [hbm4b:s3+s8], $0x20, s9, s8, $0xb8;
	[tilespmem:$0x10800] =	vst v63  }
0x55: {  	_ = 	snop  }
0x56: {  	[tilespmem:s21], [sflag:$0x2] =	stream.linear.gather [hbm4b:s17+s2], $0x200, $0x38;
	[tilespmem:$0x10800] =	vst v63  }
0x57: {  	_ = 	snop  }
0x58: {  	[tilespmem:s22], [sflag:$0x2] =	stream.linear.gather [hbm4b:s16+s2], $0x200, $0x38;
	[tilespmem:$0x10800] =	vst v63  }
0x59: {  	_ =	swait.ge [sflag:s23], $0x200  }
0x5a: {  	[sflag:s23] =	ssyncset.done $0x0  }
0x5b: {  	[sflag:s23] =	ssyncadd.s32 $0xFFFFFE00  }
0x5c: {  	_ =	swait.ge [sflag:s23], $0x200  }
0x5d: {  	p0 =	seq.s32 s11, $0x0;
	[sflag:s23] =	ssyncset.done $0x0  }
0x5e: {  	s8 =	simm.s32 @!p0 $0x6;
	[sflag:s23] =	ssyncadd.s32 $0xFFFFFE00  }
0x5f: {  	_ =	swait.ge @!p0 [sflag:s8], $0x4000  }
0x60: {  	[sflag:s8] =	ssyncset.done @!p0 $0x0  }
0x61: {  	[sflag:s8] =	ssyncadd.s32 @!p0 $0xFFFFC000  }
0x62: {  	_ =	swait.ge @!p0 [sflag:s8], $0x4000  }
0x63: {  	[sflag:s8] =	ssyncset.done @!p0 $0x0  }
0x64: {  	[sflag:s8] =	ssyncadd.s32 @!p0 $0xFFFFC000  }
0x65: {  	[tilespmem:s24], [sflag:$0x4] =	stream.indirect.gather [hbm4b:s3+s21], $0x20, s21, s21, $0xb8;
	[tilespmem:$0x10800] =	vst v63  }
0x66: {  	_ = 	snop  }
0x67: {  	[tilespmem:s25], [sflag:$0x4] =	stream.indirect.gather [hbm4b:s3+s21], $0x20, s22, s21, $0xb8;
	[tilespmem:$0x10800] =	vst v63  }
0x68: {  	_ =	swait.ge [sflag:s26], $0x4000  }
0x69: {  	[sflag:s26] =	ssyncset.done $0x0  }
0x6a: {  	[sflag:s26] =	ssyncadd.s32 $0xFFFFC000  }
0x6b: {  	p0 =	seq.s32 s11, $0x14000;
	_ =	swait.ge [sflag:s26], $0x4000  }
.Ltmp2:
0x6c: {  	[sflag:s26] =	ssyncset.done $0x0;
	(pc) =	sbr.rel @p0 .LBB2_4-.Ltmp2, $4  }
0x6d: {  	s10 =	sadd.s32 s11, s14;
	[sflag:s26] =	ssyncadd.s32 $0xFFFFC000  }
0x6e: {  	[hbm4b:s10+s2] =	stream.linear.scatter [tilespmem:s28], [sflag:$0x5], $0x4000, $0x38;
	[tilespmem:$0x10800] =	vst v63  }
0x6f: {  	s12 =	sadd.s32 s11, s13  }
0x70: {  	[hbm4b:s12+s2] =	stream.linear.scatter [tilespmem:s29], [sflag:$0x5], $0x4000, $0x38;
	[tilespmem:$0x10800] =	vst v63  }
.Ltmp3:
0x71: {  	s8 =	sshrl.u32 s15, $0x3;
	(pc) =	sbr.rel .LBB2_2-.Ltmp3, $4  }
0x72: {  	s11 =	sadd.s32 $0x1000, s11;
	s15 =	sadd.s32 $0x400, s15;
	s9 =	sadd.s32 s4, s8  }
0x73: {  	[tilespmem:s2], [sflag:$0x1] =	stream.linear.gather [hbm4b:s9+s2], $0x200, $0x38;
	[tilespmem:$0x10800] =	vst v63  }
0x74: {  	s16 =	sadd.s32 $0x80, s16;
	s17 =	sadd.s32 $0x80, s17;
	s8 =	sadd.s32 s5, s8  }
0x75: {  	[tilespmem:s19], [sflag:$0x1] =	stream.linear.gather [hbm4b:s8+s2], $0x200, $0x38;
	[tilespmem:$0x10800] =	vst v63  }
.LBB2_5:
0x76: {  	_ =	sfence.sel $0x180000  }
0x77: {  	[bflag:$0x0] =	sbarrier.arrive $0xFFFF  }
0x78: {  	_ =	strace $0x9000004D  }
0x79: {  	s0 =	stileid.u32;
	[bflag:$0x2] =	sbarrier.arrive $0xFFFF  }
0x7a: {  	p0 =	sne.s32 s0, $0x0;
	s0 =	rddreg [dreg:$0x1]  }
0x7b: {  	s0 =	sadd.s32 @!p0 $0x100000, s0  }
0x7c: {  	[sflag:s0] =	ssyncadd.tile.s32 @!p0 $0x1;
	_ =	shalt  }
.Lfunc_end2:
_tile_overlayer_lowered:
.L_overlay_start_2:
0x7d: {  	(tag) =	ssettag $0x2  }
0x7e: {  	s0 =	rddreg [dreg:$0x0];
	s2 =	stileid.u32  }
0x7f: {  	s1 =	rddreg [dreg:$0x1];
	p0 =	sne.s32 s2, $0x0  }
0x80: {  	s3 =	rddreg [dreg:$0x2];
	[bflag:$0x3] =	sbarrier.arrive $0xFFFF;
	s2 =	simm.s32 @!p0 $0x1C07  }
0x81: {  	[timem:s3], [sflag:s2] =	dma.local @!p0 [hbm:s0], s1  }
0x82: {  	s0 =	simm.s32 @!p0 $0x7  }
0x83: {  	_ =	swait.ge @!p0 [sflag:s0], s1  }
0x84: {  	s1 =	ssub.s32 @!p0 $0x0, s1;
	[sflag:s0] =	ssyncset.done @!p0 $0x0  }
0x85: {  	[sflag:s0] =	ssyncadd.s32 @!p0 s1  }
0x86: {  	[bflag:$0x3] =	sbarrier.arrive $0xFFFF  }
0x87: {  	_ =	shalt  }

// kernel: kernel.23.cloned.1.call-start
scs
__scs_entry_jumppad:
0x0: {  	(pc) =	sbr.rel $0x88, $3  }
0x1: {  	(tag) =	ssettag $0x0;
	lr =	simm.s32 $0x1  }
0x2: {  	[smem:$0x3F8F] =	sst lr;
	_ =	strace $0xD0000000  }
0x3: {  	_ = 	snop  }
0x4: {  	_ = 	snop  }
0x5: {  	_ = 	snop  }
0x6: {  	_ = 	snop  }
0x7: {  	_ = 	snop  }
__scs_overlays_trampoline_lowered:
0x8: {  	[smem:$0x3F9E] =	sst s0  }
0x9: {  	[smem:$0x3F9F] =	sst s1  }
0xa: {  	[smem:$0x3FA0] =	sst s2  }
0xb: {  	[smem:$0x3FA1] =	sst s3  }
0xc: {  	[smem:$0x3FA2] =	sst s4  }
0xd: {  	[smem:$0x3FA3] =	sst s5  }
0xe: {  	[smem:$0x3FA4] =	sst s6  }
0xf: {  	[smem:$0x3FA5] =	sst s7  }
0x10: {  	[smem:$0x3FA6] =	sst s8  }
0x11: {  	[smem:$0x3FA7] =	sst s9;
	s0 =	simm.s32 @!p0 $0x0  }
0x12: {  	s1 =	sld [smem:$0x3F8D];
	s0 =	simm.s32 @p0 $0x1  }
0x13: {  	[smem:$0x3FA8] =	sst s0;
	s0 =	simm.s32 @!p1 $0x0  }
0x14: {  	s2 =	sld [smem:$0x3F8C];
	s0 =	simm.s32 @p1 $0x1  }
0x15: {  	[smem:$0x3FA9] =	sst s0;
	s0 =	simm.s32 @!p2 $0x0  }
0x16: {  	s3 =	sld [smem:$0x3FDB];
	s0 =	simm.s32 @p2 $0x1  }
0x17: {  	s4 =	simm.s32 $0x1BF5;
	[smem:$0x3FAB] =	sst s0  }
0x18: {  	s0 =	sld [smem:$0x3F8E];
	_ =	swait.ge [sflag:s4], $0x0  }
0x19: {  	s7 =	sld [smem:$0x3F8F]  }
0x1a: {  	s8 =	sadd.s32 $0xFFFFE003, lr  }
0x1b: {  	s9 =	sadd.s32 $0xFFFFFEF7, lr;
	s5 =	simm.s32 $0xFFFFFFFF;
	p2 =	slt.u32 s8, $0xFFFFF086  }
0x1c: {  	p1 =	slt.u32 s9, $0xF7A;
	s5 =	simm.s32 @!p2 $0x0  }
0x1d: {  	s5 =	simm.s32 @p1 $0x1;
	p0 =	seq.s32 s7, s2  }
0x1e: {  	s7 =	smul.u32 @!p0 $0xF7A, s2;
	p2 =	seq.s32 @!p0 s5, $0x0  }
0x1f: {  	s9 =	smul.u32 $0xF7A, s1;
	s8 =	simm.s32 @!p0 $0x1BF5;
	p2 =	por !p2, p0  }
0x20: {  	[sflag:s8] =	ssyncset.s32 @!p0 $0xFFFFF086;
	s6 =	sadd.s32 @!p0 s3, s7;
	s7 =	simm.s32 @!p0 $0x108  }
0x21: {  	s3 =	sadd.s32 s3, s9;
	s6 =	sadd.s32 @!p0 $0x88, s6;
	s7 =	simm.s32 @p2 $0x1082  }
0x22: {  	[simem:s7], [sflag:s8] =	dma.local @!p0 [hbm:s6], $0xF7A  }
0x23: {  	s9 =	sor.u32 $0xD0000000, s2;
	s6 =	simm.s32 $0x108;
	_ =	swait.ge @!p0 [sflag:s8], $0x0  }
0x24: {  	s3 =	sadd.s32 $0x88, s3;
	s6 =	simm.s32 @!p1 $0x1082;
	[sflag:s4] =	ssyncset.s32 $0xFFFFF086  }
0x25: {  	[simem:s6], [sflag:s4] =	dma.local [hbm:s3], $0xF7A  }
0x26: {  	[smem:$0x3F8F] =	sst s1;
	(tag) =	ssettag s2;
	_ =	strace s9  }
0x27: {  	s1 =	sld [smem:$0x3F9F]  }
0x28: {  	s2 =	sld [smem:$0x3FA0]  }
0x29: {  	s4 =	sld [smem:$0x3FA2]  }
0x2a: {  	p0 =	seq.s32 s5, $0x0;
	s5 =	sld [smem:$0x3FA3]  }
0x2b: {  	s6 =	sld [smem:$0x3FA4]  }
0x2c: {  	s7 =	sld [smem:$0x3FA5]  }
0x2d: {  	s3 =	simm.s32 $0x108;
	s8 =	sld [smem:$0x3FA6]  }
0x2e: {  	s3 =	simm.s32 @!p0 $0x1082;
	s9 =	sld [smem:$0x3FA7]  }
0x2f: {  	lr =	sadd.s32 s0, s3;
	s0 =	sld [smem:$0x3F9E]  }
0x30: {  	s3 =	sld [smem:$0x3FA1]  }
0x31: {  	[smem:$0x3FAA] =	sst s10  }
0x32: {  	s10 =	sld [smem:$0x3FA8];
	_ =	sdelay $0x3  }
0x33: {  	p0 =	seq.s32 s10, $0x1;
	s10 =	sld [smem:$0x3FAA];
	_ =	sdelay $0x3  }
0x34: {  	[smem:$0x3FAA] =	sst s10  }
0x35: {  	s10 =	sld [smem:$0x3FA9];
	_ =	sdelay $0x3  }
0x36: {  	p1 =	seq.s32 s10, $0x1;
	s10 =	sld [smem:$0x3FAA];
	_ =	sdelay $0x3  }
0x37: {  	[smem:$0x3FAA] =	sst s10  }
0x38: {  	s10 =	sld [smem:$0x3FAB]  }
0x39: {  	_ = 	snop;
	(pc) =	sbr.ind lr, $3  }
0x3a: {  	_ = 	snop  }
0x3b: {  	_ = 	snop  }
0x3c: {  	p2 =	seq.s32 s10, $0x1;
	s10 =	sld [smem:$0x3FAA]  }
0x3d: {  	_ =	shalt  }
0x3e: {  	_ =	shalt  }
0x3f: {  	_ =	shalt  }
0x40: {  	_ =	shalt  }
0x41: {  	_ =	shalt  }
0x42: {  	_ =	shalt  }
0x43: {  	_ =	shalt  }
0x44: {  	_ =	shalt  }
0x45: {  	_ =	shalt  }
0x46: {  	_ =	shalt  }
0x47: {  	_ =	shalt  }
0x48: {  	_ =	shalt  }
0x49: {  	_ =	shalt  }
0x4a: {  	_ =	shalt  }
0x4b: {  	_ =	shalt  }
0x4c: {  	_ =	shalt  }
0x4d: {  	_ =	shalt  }
0x4e: {  	_ =	shalt  }
0x4f: {  	_ =	shalt  }
0x50: {  	_ =	shalt  }
0x51: {  	_ =	shalt  }
0x52: {  	_ =	shalt  }
0x53: {  	_ =	shalt  }
0x54: {  	_ =	shalt  }
0x55: {  	_ =	shalt  }
0x56: {  	_ =	shalt  }
0x57: {  	_ =	shalt  }
0x58: {  	_ =	shalt  }
0x59: {  	_ =	shalt  }
0x5a: {  	_ =	shalt  }
0x5b: {  	_ =	shalt  }
0x5c: {  	_ =	shalt  }
0x5d: {  	_ =	shalt  }
0x5e: {  	_ =	shalt  }
0x5f: {  	_ =	shalt  }
0x60: {  	_ =	shalt  }
0x61: {  	_ =	shalt  }
0x62: {  	_ =	shalt  }
0x63: {  	_ =	shalt  }
0x64: {  	_ =	shalt  }
0x65: {  	_ =	shalt  }
0x66: {  	_ =	shalt  }
0x67: {  	_ =	shalt  }
0x68: {  	_ =	shalt  }
0x69: {  	_ =	shalt  }
0x6a: {  	_ =	shalt  }
0x6b: {  	_ =	shalt  }
0x6c: {  	_ =	shalt  }
0x6d: {  	_ =	shalt  }
0x6e: {  	_ =	shalt  }
0x6f: {  	_ =	shalt  }
0x70: {  	_ =	shalt  }
0x71: {  	_ =	shalt  }
0x72: {  	_ =	shalt  }
0x73: {  	_ =	shalt  }
0x74: {  	_ =	shalt  }
0x75: {  	_ =	shalt  }
0x76: {  	_ =	shalt  }
0x77: {  	_ =	shalt  }
0x78: {  	_ =	shalt  }
0x79: {  	_ =	shalt  }
0x7a: {  	_ =	shalt  }
0x7b: {  	_ =	shalt  }
0x7c: {  	_ =	shalt  }
0x7d: {  	_ =	shalt  }
0x7e: {  	_ =	shalt  }
0x7f: {  	_ =	shalt  }
0x80: {  	_ =	shalt  }
0x81: {  	_ =	shalt  }
0x82: {  	_ =	shalt  }
0x83: {  	_ =	shalt  }
0x84: {  	_ =	shalt  }
0x85: {  	_ =	shalt  }
0x86: {  	_ =	shalt  }
0x87: {  	_ =	shalt  }
.Lfunc_end0:
.L_simem_size_0:
called_computation.3_lowered:
.L_overlay_start_0:
0x88: {  	s2 =	sld [smem:$0x3FD9]  }
0x89: {  	s3 =	sld [smem:$0x3FFE];
	_ =	sdelay $0x1  }
0x8a: {  	s1 =	srdreg.scid  }
0x8b: {  	s0 =	sand.u32 $0x1, s1  }
0x8c: {  	s17 =	sshll.u32 s0, $0xA;
	s2 =	sadd.s32 s3, s2  }
0x8d: {  	s2 =	sadd.s32 s2, s17  }
0x8e: {  	[smem:$0x3FB6] =	sst s2  }
0x8f: {  	_ = 	snop  }
0x90: {  	s2 =	sld [smem:$0x3FD0];
	(tm) =	ssettm $0x1  }
0x91: {  	s18 =	sld [smem:$0x3FFB];
	_ =	sdelay $0x3  }
0x92: {  	_ =	strace s18  }
0x93: {  	s3 =	sld [smem:$0x3FFC];
	_ =	sdelay $0x3  }
0x94: {  	_ =	strace s3  }
0x95: {  	s3 =	sld [smem:$0x3FFD];
	_ =	sdelay $0x3  }
0x96: {  	_ =	strace s3  }
0x97: {  	_ =	strace $0x8FFFFFFF  }
0x98: {  	s19 =	sld [smem:$0x3FDB];
	_ =	sdelay $0x1  }
0x99: {  	s4 =	simm.s32 $_scs_section_size  }
0x9a: {  	s5 =	simm.s32 $_size__tile_overlayer_lowered;
	s6 =	simm.s32 $_tile_overlayer_lowered  }
0x9b: {  	s22 =	simm.s32 $0x1BFF;
	s21 =	sshll.u32 s6, $0x1;
	s3 =	sadd.s32 s4, s19  }
0x9c: {  	s7 =	simm.s32 $0x0;
	s20 =	sshll.u32 s5, $0x1;
	s5 =	sadd.s32 s21, s3  }
0x9d: {  	[timem:s7], [sflag:s22] =	dma.local [hbm:s5], s20  }
0x9e: {  	_ =	swait.ge [sflag:s22], s20  }
0x9f: {  	s4 =	ssub.s32 $0x0, s20;
	[sflag:s22] =	ssyncset.done $0x0  }
0xa0: {  	[sflag:s22] =	ssyncadd.s32 s4;
	_ =	sdelay $0x1  }
0xa1: {  	s23 =	simm.s32 $0x1B8B  }
0xa2: {  	_ =	swait.ge [sflag:s23], $0x1  }
0xa3: {  	[sflag:s23] =	ssyncset.done $0x0  }
0xa4: {  	s25 =	simm.s32 $0x1B8E;
	s24 =	sld [smem:$0x3FFE];
	[sflag:s23] =	ssyncadd.s32 $0xFFFFFFFF  }
0xa5: {  	s26 =	simm.s32 $execute0_lowered;
	[smem:$0x3FD2] =	sst s25  }
0xa6: {  	s5 =	sshll.u32 s26, $0x1;
	_ =	strace $0x8000004F;
	[dreg:$0x1] =	wrdreg $0xFFFFFFFF  }
0xa7: {  	s28 =	simm.s32 $_size_execute0_lowered;
	s3 =	sadd.s32 s3, s5;
	[dreg:$0x0] =	wrdreg $0x0  }
0xa8: {  	s5 =	sshll.u32 s28, $0x1;
	[dreg:$0x2] =	wrdreg s3  }
0xa9: {  	[dreg:$0x3] =	wrdreg s5  }
0xaa: {  	[dreg:$0x4] =	wrdreg $0xC0  }
0xab: {  	_ =	task [dreg:s7], $0x5FFFF  }
0xac: {  	[dreg:$0x1] =	wrdreg $0xFFFFFFFF  }
0xad: {  	[dreg:$0x0] =	wrdreg $0x60  }
0xae: {  	[dreg:$0x2] =	wrdreg s24  }
0xaf: {  	[dreg:$0x3] =	wrdreg s2  }
0xb0: {  	[dreg:$0x4] =	wrdreg $0x42000  }
0xb1: {  	[dreg:$0x5] =	wrdreg $0x9  }
0xb2: {  	_ =	task.clear_ibuf [dreg:s7], $0x6FFFF;
	_ =	strace $0x9000004F  }
0xb3: {  	s29 =	simm.s32 $0x9;
	_ =	strace $0x80000051  }
0xb4: {  	_ =	swait.ge [sflag:s29], $0x1  }
0xb5: {  	[sflag:s29] =	ssyncadd.s32 $0xFFFFFFFF  }
0xb6: {  	_ =	strace $0x90000051  }
0xb7: {  	_ =	sfence  }
0xb8: {  	s30 =	sld [smem:$0x0];
	_ =	sdelay $0x2  }
0xb9: {  	s31 =	sshll.u32 s1, $0xD;
	s1 =	sshrl.u32 s1, $0x2  }
0xba: {  	s3 =	sand.u32 $0x4000, s31;
	s1 =	sadd.s32 s1, s30  }
0xbb: {  	s0 =	sor.u32 s3, s0;
	s1 =	sshll.u32 s1, $0x11  }
0xbc: {  	s0 =	sor.u32 s1, s0  }
0xbd: {  	s0 =	sadd.s32 $0x8F2B, s0  }
0xbe: {  	[sflag:s0] =	ssyncadd.remote.s32 $0x1  }
0xbf: {  	_ =	sfence.sel $0xFFFF  }
0xc0: {  	[dreg:$0x0] =	wrdreg $0xFFFFFFFF;
	(pc) =	sbr.abs _section_cstart, $3  }
0xc1: {  	[dreg:$0x1] =	wrdreg $0xFFFFFFFF  }
0xc2: {  	_ =	task.clear_ibuf [dreg:s7], $0x2FFFF;
	_ =	strace $0x9FFFFFFF  }
0xc3: {  	(tm) =	ssettm $0x7FFFFFFF  }
tec
execute0_lowered:
.L_overlay_start_1:
0x0: {  	(tag) =	ssettag $0x1  }
0x1: {  	s4 =	rddreg [dreg:$0x0]  }
0x2: {  	s1 =	rddreg [dreg:$0x1]  }
0x3: {  	s2 =	rddreg [dreg:$0x2]  }
0x4: {  	s0 =	rddreg [dreg:$0x3]  }
0x5: {  	s17 =	stileid.u32;
	s6 =	srdreg.scid;
	s3 =	simm.s32 $0x0  }
0x6: {  	s12 =	simm.s32 $0x100;
	s13 =	simm.s32 $0x2200;
	s5 =	smul.u32 $0x2A000, s17  }
0x7: {  	s14 =	simm.s32 $0x180;
	s15 =	simm.s32 $0x3200;
	s7 =	smul.u32 $0xA800, s17  }
0x8: {  	s6 =	sand.u32 $0x1, s6;
	[smem:$0x7FF] =	sst s3;
	s10 =	smul.u32 $0x4E40, s17  }
0x9: {  	p0 =	sne.s32 s17, $0x0;
	s17 =	sshll.u32 s17, $0x6;
	s8 =	smul.u32 $0x5400, s6  }
0xa: {  	_ =	strace $0x80000050;
	s30 =	smul.u32 $0x9C80, s6;
	s9 =	ssub.s32 $0x2, s6  }
0xb: {  	s6 =	smul.u32 $0x15000, s6;
	s17 =	sor.u32 $0x1C01, s17;
	s5 =	sadd.s32 s5, s4  }
0xc: {  	s11 =	sshrl.u32 s9, $0x1;
	s18 =	sshrl.u32 s10, $0x3;
	s19 =	sadd.s32 s10, s2  }
0xd: {  	s10 =	simm.s32 $0x80;
	s7 =	sadd.s32 s8, s7;
	s8 =	sadd.s32 s30, s4  }
0xe: {  	s31 =	ssub.s32 s9, s11;
	s5 =	sadd.s32 s6, s5;
	s9 =	simm.s32 $0x200  }
0xf: {  	s11 =	simm.s32 $0x1200;
	s7 =	sshrl.u32 s7, $0x3;
	s16 =	sadd.s32 $0x4E00, s8  }
0x10: {  	s5 =	sadd.s32 $0x5AB200, s5;
	s8 =	simm.s32 $0x1;
	s7 =	sadd.s32 s7, s4  }
0x11: {  	s4 =	smax.u32 s31, $0x1;
	s16 =	sadd.s32 s18, s16;
	s18 =	sshrl.u32 s19, $0x3  }
0x12: {  	s19 =	simm.s32 $0x0;
	s6 =	sadd.s32 $0x596200, s7;
	s7 =	sshrl.u32 @!p0 s2, $0x3  }
.LBB2_1:
0x13: {  	s20 =	simm.s32 @!p0 $0x1C01  }
0x14: {  	[spmem:s7], [sflag:s20] =	dma.local @!p0 [hbm:s1], $0x9C80  }
0x15: {  	s20 =	simm.s32 @!p0 $0x1  }
0x16: {  	_ =	swait.ge @!p0 [sflag:s20], $0x9C80  }
0x17: {  	[sflag:s20] =	ssyncset.done @!p0 $0x0  }
0x18: {  	[sflag:s20] =	ssyncadd.s32 @!p0 $0xFFFF6380  }
0x19: {  	s31 =	sadd.s32 $0x0, s6;
	[bflag:$0x0] =	sbarrier.arrive $0xFFFF  }
0x1a: {  	[tilespmem:s3], [sflag:$0x1] =	stream.linear.gather [hbm4b:s31+s3], $0x200, $0x38;
	[tilespmem:$0x9040] =	vst v63  }
0x1b: {  	_ =	swait.ge [sflag:s8], $0x200  }
0x1c: {  	[sflag:s8] =	ssyncset.done $0x0  }
0x1d: {  	[sflag:s8] =	ssyncadd.s32 $0xFFFFFE00  }
0x1e: {  	[tilespmem:s9], [sflag:$0x1] =	stream.linear.gather [hbm4b:s5+s3], $0x4000, $0x38;
	[tilespmem:$0x9040] =	vst v63  }
0x1f: {  	_ =	swait.ge [sflag:s8], $0x4000  }
0x20: {  	[sflag:s8] =	ssyncset.done $0x0  }
0x21: {  	[sflag:s8] =	ssyncadd.s32 $0xFFFFC000  }
0x22: {  	[spmem:s2] =	stream.indirect.scatter.add.f32 [tilespmem:s9], [sflag:$0x1], $0x20, s3, s10, $0xb8;
	[tilespmem:$0x9040] =	vst v63  }
0x23: {  	_ =	swait.ge [sflag:s8], $0x1000  }
0x24: {  	[sflag:s8] =	ssyncset.done $0x0  }
0x25: {  	[sflag:s8] =	ssyncadd.s32 $0xFFFFF000  }
0x26: {  	[spmem:s2] =	stream.indirect.scatter.add.f32 [tilespmem:s11], [sflag:$0x1], $0x20, s10, s10, $0xb8;
	[tilespmem:$0x9040] =	vst v63  }
0x27: {  	_ =	swait.ge [sflag:s8], $0x1000  }
0x28: {  	[sflag:s8] =	ssyncset.done $0x0  }
0x29: {  	[sflag:s8] =	ssyncadd.s32 $0xFFFFF000  }
0x2a: {  	[spmem:s2] =	stream.indirect.scatter.add.f32 [tilespmem:s13], [sflag:$0x1], $0x20, s12, s10, $0xb8;
	[tilespmem:$0x9040] =	vst v63  }
0x2b: {  	_ =	swait.ge [sflag:s8], $0x1000  }
0x2c: {  	[sflag:s8] =	ssyncset.done $0x0  }
0x2d: {  	[sflag:s8] =	ssyncadd.s32 $0xFFFFF000  }
0x2e: {  	[spmem:s2] =	stream.indirect.scatter.add.f32 [tilespmem:s15], [sflag:$0x1], $0x20, s14, s10, $0xb8;
	[tilespmem:$0x9040] =	vst v63  }
0x2f: {  	s21 =	simm.s32 $0x40;
	_ =	swait.ge [sflag:s8], $0x1000  }
0x30: {  	s22 =	simm.s32 $0x80;
	s20 =	sadd.s32 $0x800, s5;
	[sflag:s8] =	ssyncset.done $0x0  }
.LBB2_2:
0x31: {  	s23 =	sadd.s32 s21, s6  }
0x32: {  	[sflag:s8] =	ssyncadd.s32 $0xFFFFF000;
	s21 =	smov.u32 s22;
	s24 =	sadd.s32 $0x40, s22  }
0x33: {  	[tilespmem:s3], [sflag:$0x1] =	stream.linear.gather [hbm4b:s23+s3], $0x200, $0x38;
	[tilespmem:$0x9040] =	vst v63  }
0x34: {  	p1 =	sne.s32 s22, $0xA40;
	_ =	swait.ge [sflag:s8], $0x200  }
0x35: {  	[sflag:s8] =	ssyncset.done $0x0  }
0x36: {  	[sflag:s8] =	ssyncadd.s32 $0xFFFFFE00  }
0x37: {  	[tilespmem:s9], [sflag:$0x1] =	stream.linear.gather [hbm4b:s20+s3], $0x4000, $0x38;
	[tilespmem:$0x9040] =	vst v63  }
0x38: {  	_ =	swait.ge [sflag:s8], $0x4000  }
0x39: {  	[sflag:s8] =	ssyncset.done $0x0  }
0x3a: {  	[sflag:s8] =	ssyncadd.s32 $0xFFFFC000  }
0x3b: {  	[spmem:s2] =	stream.indirect.scatter.add.f32 [tilespmem:s9], [sflag:$0x1], $0x20, s3, s10, $0xb8;
	[tilespmem:$0x9040] =	vst v63  }
0x3c: {  	_ =	swait.ge [sflag:s8], $0x1000  }
0x3d: {  	[sflag:s8] =	ssyncset.done $0x0  }
0x3e: {  	[sflag:s8] =	ssyncadd.s32 $0xFFFFF000  }
0x3f: {  	[spmem:s2] =	stream.indirect.scatter.add.f32 [tilespmem:s11], [sflag:$0x1], $0x20, s10, s10, $0xb8;
	[tilespmem:$0x9040] =	vst v63  }
0x40: {  	_ =	swait.ge [sflag:s8], $0x1000  }
0x41: {  	[sflag:s8] =	ssyncset.done $0x0  }
0x42: {  	[sflag:s8] =	ssyncadd.s32 $0xFFFFF000  }
0x43: {  	[spmem:s2] =	stream.indirect.scatter.add.f32 [tilespmem:s13], [sflag:$0x1], $0x20, s12, s10, $0xb8;
	[tilespmem:$0x9040] =	vst v63  }
0x44: {  	_ =	swait.ge [sflag:s8], $0x1000  }
.Ltmp0:
0x45: {  	[sflag:s8] =	ssyncset.done $0x0;
	(pc) =	sbr.rel @p1 .LBB2_2-.Ltmp0, $4  }
0x46: {  	[sflag:s8] =	ssyncadd.s32 $0xFFFFF000  }
0x47: {  	[spmem:s2] =	stream.indirect.scatter.add.f32 [tilespmem:s15], [sflag:$0x1], $0x20, s14, s10, $0xb8;
	[tilespmem:$0x9040] =	vst v63  }
0x48: {  	_ =	swait.ge [sflag:s8], $0x1000  }
0x49: {  	s22 =	smov.u32 s24;
	s20 =	sadd.s32 $0x800, s20;
	[sflag:s8] =	ssyncset.done $0x0  }
0x4a: {  	s21 =	sadd.s32 s21, s6;
	[sflag:s8] =	ssyncadd.s32 $0xFFFFF000  }
0x4b: {  	[tilespmem:s3], [sflag:$0x1] =	stream.linear.gather [hbm4b:s21+s3], $0x200, $0x38;
	[tilespmem:$0x9040] =	vst v63  }
0x4c: {  	_ =	swait.ge [sflag:s8], $0x200  }
0x4d: {  	[sflag:s8] =	ssyncset.done $0x0  }
0x4e: {  	[sflag:s8] =	ssyncadd.s32 $0xFFFFFE00  }
0x4f: {  	[tilespmem:s9], [sflag:$0x1] =	stream.linear.gather [hbm4b:s20+s3], $0x4000, $0x38;
	[tilespmem:$0x9040] =	vst v63  }
0x50: {  	_ =	swait.ge [sflag:s8], $0x4000  }
0x51: {  	[sflag:s8] =	ssyncset.done $0x0  }
0x52: {  	[sflag:s8] =	ssyncadd.s32 $0xFFFFC000  }
0x53: {  	[spmem:s2] =	stream.indirect.scatter.add.f32 [tilespmem:s9], [sflag:$0x1], $0x20, s3, s10, $0xb8;
	[tilespmem:$0x9040] =	vst v63  }
0x54: {  	_ =	swait.ge [sflag:s8], $0x1000  }
0x55: {  	[sflag:s8] =	ssyncset.done $0x0  }
0x56: {  	[sflag:s8] =	ssyncadd.s32 $0xFFFFF000  }
0x57: {  	[spmem:s2] =	stream.indirect.scatter.add.f32 [tilespmem:s11], [sflag:$0x1], $0x20, s10, s10, $0xb8;
	[tilespmem:$0x9040] =	vst v63  }
0x58: {  	_ =	swait.ge [sflag:s8], $0x1000  }
0x59: {  	[sflag:s8] =	ssyncset.done $0x0  }
0x5a: {  	[sflag:s8] =	ssyncadd.s32 $0xFFFFF000  }
0x5b: {  	[spmem:s2] =	stream.indirect.scatter.add.f32 [tilespmem:s13], [sflag:$0x1], $0x20, s12, s10, $0xb8;
	[tilespmem:$0x9040] =	vst v63  }
0x5c: {  	_ =	swait.ge [sflag:s8], $0x1000  }
0x5d: {  	[sflag:s8] =	ssyncset.done $0x0  }
0x5e: {  	[sflag:s8] =	ssyncadd.s32 $0xFFFFF000  }
0x5f: {  	[spmem:s2] =	stream.indirect.scatter.add.f32 [tilespmem:s15], [sflag:$0x1], $0x20, s14, s10, $0xb8;
	[tilespmem:$0x9040] =	vst v63  }
0x60: {  	_ =	swait.ge [sflag:s8], $0x1000  }
0x61: {  	s19 =	sadd.s32 $0x1, s19;
	[sflag:s8] =	ssyncset.done $0x0  }
0x62: {  	p1 =	sne.s32 s19, s4;
	[sflag:s8] =	ssyncadd.s32 $0xFFFFF000  }
.Ltmp1:
0x63: {  	[bflag:$0x0] =	sbarrier.arrive $0xFFFF;
	(pc) =	sbr.rel @p1 .LBB2_1-.Ltmp1, $4  }
0x64: {  	[hbm:s16], [sflag:s17] =	dma.local [spmem:s18], $0x9C8  }
0x65: {  	_ =	swait.ge [sflag:s8], $0x9C8  }
0x66: {  	[sflag:s8] =	ssyncset.done $0x0  }
0x67: {  	[sflag:s8] =	ssyncadd.s32 $0xFFFFF638  }
0x68: {  	_ =	sfence.sel $0x180000  }
0x69: {  	[bflag:$0x0] =	sbarrier.arrive $0xFFFF  }
0x6a: {  	_ =	strace $0x90000050  }
0x6b: {  	s0 =	sadd.s32 @!p0 $0x100000, s0;
	[bflag:$0x2] =	sbarrier.arrive $0xFFFF  }
0x6c: {  	[sflag:s0] =	ssyncadd.tile.s32 @!p0 $0x1;
	_ =	shalt  }
.Lfunc_end2:
_tile_overlayer_lowered:
.L_overlay_start_2:
0x6d: {  	(tag) =	ssettag $0x2  }
0x6e: {  	s0 =	rddreg [dreg:$0x0];
	s2 =	stileid.u32  }
0x6f: {  	s1 =	rddreg [dreg:$0x1];
	p0 =	sne.s32 s2, $0x0  }
0x70: {  	s3 =	rddreg [dreg:$0x2];
	[bflag:$0x3] =	sbarrier.arrive $0xFFFF;
	s2 =	simm.s32 @!p0 $0x1C01  }
0x71: {  	[timem:s3], [sflag:s2] =	dma.local @!p0 [hbm:s0], s1  }
0x72: {  	s0 =	simm.s32 @!p0 $0x1  }
0x73: {  	_ =	swait.ge @!p0 [sflag:s0], s1  }
0x74: {  	s1 =	ssub.s32 @!p0 $0x0, s1;
	[sflag:s0] =	ssyncset.done @!p0 $0x0  }
0x75: {  	[sflag:s0] =	ssyncadd.s32 @!p0 s1  }
0x76: {  	[bflag:$0x3] =	sbarrier.arrive $0xFFFF  }
0x77: {  	_ =	shalt  }

// kernel: kernel.26.cloned.1.call-start
scs
__scs_entry_jumppad:
0x0: {  	(pc) =	sbr.rel $0x88, $3  }
0x1: {  	(tag) =	ssettag $0x0;
	lr =	simm.s32 $0x1  }
0x2: {  	[smem:$0x3F8F] =	sst lr;
	_ =	strace $0xD0000000  }
0x3: {  	_ = 	snop  }
0x4: {  	_ = 	snop  }
0x5: {  	_ = 	snop  }
0x6: {  	_ = 	snop  }
0x7: {  	_ = 	snop  }
__scs_overlays_trampoline_lowered:
0x8: {  	[smem:$0x3F9E] =	sst s0  }
0x9: {  	[smem:$0x3F9F] =	sst s1  }
0xa: {  	[smem:$0x3FA0] =	sst s2  }
0xb: {  	[smem:$0x3FA1] =	sst s3  }
0xc: {  	[smem:$0x3FA2] =	sst s4  }
0xd: {  	[smem:$0x3FA3] =	sst s5  }
0xe: {  	[smem:$0x3FA4] =	sst s6  }
0xf: {  	[smem:$0x3FA5] =	sst s7  }
0x10: {  	[smem:$0x3FA6] =	sst s8  }
0x11: {  	[smem:$0x3FA7] =	sst s9;
	s0 =	simm.s32 @!p0 $0x0  }
0x12: {  	s1 =	sld [smem:$0x3F8D];
	s0 =	simm.s32 @p0 $0x1  }
0x13: {  	[smem:$0x3FA8] =	sst s0;
	s0 =	simm.s32 @!p1 $0x0  }
0x14: {  	s2 =	sld [smem:$0x3F8C];
	s0 =	simm.s32 @p1 $0x1  }
0x15: {  	[smem:$0x3FA9] =	sst s0;
	s0 =	simm.s32 @!p2 $0x0  }
0x16: {  	s3 =	sld [smem:$0x3FDB];
	s0 =	simm.s32 @p2 $0x1  }
0x17: {  	s4 =	simm.s32 $0x1BF5;
	[smem:$0x3FAB] =	sst s0  }
0x18: {  	s0 =	sld [smem:$0x3F8E];
	_ =	swait.ge [sflag:s4], $0x0  }
0x19: {  	s7 =	sld [smem:$0x3F8F]  }
0x1a: {  	s8 =	sadd.s32 $0xFFFFE003, lr  }
0x1b: {  	s9 =	sadd.s32 $0xFFFFFEF7, lr;
	s5 =	simm.s32 $0xFFFFFFFF;
	p2 =	slt.u32 s8, $0xFFFFF086  }
0x1c: {  	p1 =	slt.u32 s9, $0xF7A;
	s5 =	simm.s32 @!p2 $0x0  }
0x1d: {  	s5 =	simm.s32 @p1 $0x1;
	p0 =	seq.s32 s7, s2  }
0x1e: {  	s7 =	smul.u32 @!p0 $0xF7A, s2;
	p2 =	seq.s32 @!p0 s5, $0x0  }
0x1f: {  	s9 =	smul.u32 $0xF7A, s1;
	s8 =	simm.s32 @!p0 $0x1BF5;
	p2 =	por !p2, p0  }
0x20: {  	[sflag:s8] =	ssyncset.s32 @!p0 $0xFFFFF086;
	s6 =	sadd.s32 @!p0 s3, s7;
	s7 =	simm.s32 @!p0 $0x108  }
0x21: {  	s3 =	sadd.s32 s3, s9;
	s6 =	sadd.s32 @!p0 $0x88, s6;
	s7 =	simm.s32 @p2 $0x1082  }
0x22: {  	[simem:s7], [sflag:s8] =	dma.local @!p0 [hbm:s6], $0xF7A  }
0x23: {  	s9 =	sor.u32 $0xD0000000, s2;
	s6 =	simm.s32 $0x108;
	_ =	swait.ge @!p0 [sflag:s8], $0x0  }
0x24: {  	s3 =	sadd.s32 $0x88, s3;
	s6 =	simm.s32 @!p1 $0x1082;
	[sflag:s4] =	ssyncset.s32 $0xFFFFF086  }
0x25: {  	[simem:s6], [sflag:s4] =	dma.local [hbm:s3], $0xF7A  }
0x26: {  	[smem:$0x3F8F] =	sst s1;
	(tag) =	ssettag s2;
	_ =	strace s9  }
0x27: {  	s1 =	sld [smem:$0x3F9F]  }
0x28: {  	s2 =	sld [smem:$0x3FA0]  }
0x29: {  	s4 =	sld [smem:$0x3FA2]  }
0x2a: {  	p0 =	seq.s32 s5, $0x0;
	s5 =	sld [smem:$0x3FA3]  }
0x2b: {  	s6 =	sld [smem:$0x3FA4]  }
0x2c: {  	s7 =	sld [smem:$0x3FA5]  }
0x2d: {  	s3 =	simm.s32 $0x108;
	s8 =	sld [smem:$0x3FA6]  }
0x2e: {  	s3 =	simm.s32 @!p0 $0x1082;
	s9 =	sld [smem:$0x3FA7]  }
0x2f: {  	lr =	sadd.s32 s0, s3;
	s0 =	sld [smem:$0x3F9E]  }
0x30: {  	s3 =	sld [smem:$0x3FA1]  }
0x31: {  	[smem:$0x3FAA] =	sst s10  }
0x32: {  	s10 =	sld [smem:$0x3FA8];
	_ =	sdelay $0x3  }
0x33: {  	p0 =	seq.s32 s10, $0x1;
	s10 =	sld [smem:$0x3FAA];
	_ =	sdelay $0x3  }
0x34: {  	[smem:$0x3FAA] =	sst s10  }
0x35: {  	s10 =	sld [smem:$0x3FA9];
	_ =	sdelay $0x3  }
0x36: {  	p1 =	seq.s32 s10, $0x1;
	s10 =	sld [smem:$0x3FAA];
	_ =	sdelay $0x3  }
0x37: {  	[smem:$0x3FAA] =	sst s10  }
0x38: {  	s10 =	sld [smem:$0x3FAB]  }
0x39: {  	_ = 	snop;
	(pc) =	sbr.ind lr, $3  }
0x3a: {  	_ = 	snop  }
0x3b: {  	_ = 	snop  }
0x3c: {  	p2 =	seq.s32 s10, $0x1;
	s10 =	sld [smem:$0x3FAA]  }
0x3d: {  	_ =	shalt  }
0x3e: {  	_ =	shalt  }
0x3f: {  	_ =	shalt  }
0x40: {  	_ =	shalt  }
0x41: {  	_ =	shalt  }
0x42: {  	_ =	shalt  }
0x43: {  	_ =	shalt  }
0x44: {  	_ =	shalt  }
0x45: {  	_ =	shalt  }
0x46: {  	_ =	shalt  }
0x47: {  	_ =	shalt  }
0x48: {  	_ =	shalt  }
0x49: {  	_ =	shalt  }
0x4a: {  	_ =	shalt  }
0x4b: {  	_ =	shalt  }
0x4c: {  	_ =	shalt  }
0x4d: {  	_ =	shalt  }
0x4e: {  	_ =	shalt  }
0x4f: {  	_ =	shalt  }
0x50: {  	_ =	shalt  }
0x51: {  	_ =	shalt  }
0x52: {  	_ =	shalt  }
0x53: {  	_ =	shalt  }
0x54: {  	_ =	shalt  }
0x55: {  	_ =	shalt  }
0x56: {  	_ =	shalt  }
0x57: {  	_ =	shalt  }
0x58: {  	_ =	shalt  }
0x59: {  	_ =	shalt  }
0x5a: {  	_ =	shalt  }
0x5b: {  	_ =	shalt  }
0x5c: {  	_ =	shalt  }
0x5d: {  	_ =	shalt  }
0x5e: {  	_ =	shalt  }
0x5f: {  	_ =	shalt  }
0x60: {  	_ =	shalt  }
0x61: {  	_ =	shalt  }
0x62: {  	_ =	shalt  }
0x63: {  	_ =	shalt  }
0x64: {  	_ =	shalt  }
0x65: {  	_ =	shalt  }
0x66: {  	_ =	shalt  }
0x67: {  	_ =	shalt  }
0x68: {  	_ =	shalt  }
0x69: {  	_ =	shalt  }
0x6a: {  	_ =	shalt  }
0x6b: {  	_ =	shalt  }
0x6c: {  	_ =	shalt  }
0x6d: {  	_ =	shalt  }
0x6e: {  	_ =	shalt  }
0x6f: {  	_ =	shalt  }
0x70: {  	_ =	shalt  }
0x71: {  	_ =	shalt  }
0x72: {  	_ =	shalt  }
0x73: {  	_ =	shalt  }
0x74: {  	_ =	shalt  }
0x75: {  	_ =	shalt  }
0x76: {  	_ =	shalt  }
0x77: {  	_ =	shalt  }
0x78: {  	_ =	shalt  }
0x79: {  	_ =	shalt  }
0x7a: {  	_ =	shalt  }
0x7b: {  	_ =	shalt  }
0x7c: {  	_ =	shalt  }
0x7d: {  	_ =	shalt  }
0x7e: {  	_ =	shalt  }
0x7f: {  	_ =	shalt  }
0x80: {  	_ =	shalt  }
0x81: {  	_ =	shalt  }
0x82: {  	_ =	shalt  }
0x83: {  	_ =	shalt  }
0x84: {  	_ =	shalt  }
0x85: {  	_ =	shalt  }
0x86: {  	_ =	shalt  }
0x87: {  	_ =	shalt  }
.Lfunc_end0:
.L_simem_size_0:
called_computation.4_lowered:
.L_overlay_start_0:
0x88: {  	s2 =	sld [smem:$0x3FD9]  }
0x89: {  	s3 =	sld [smem:$0x3FFE];
	_ =	sdelay $0x1  }
0x8a: {  	s1 =	srdreg.scid  }
0x8b: {  	s0 =	sand.u32 $0x1, s1  }
0x8c: {  	s16 =	sshll.u32 s0, $0xA;
	s2 =	sadd.s32 s3, s2  }
0x8d: {  	s2 =	sadd.s32 s2, s16  }
0x8e: {  	[smem:$0x3FB6] =	sst s2  }
0x8f: {  	_ = 	snop  }
0x90: {  	(tm) =	ssettm $0x1  }
0x91: {  	s17 =	sld [smem:$0x3FFB];
	_ =	sdelay $0x3  }
0x92: {  	_ =	strace s17  }
0x93: {  	s2 =	sld [smem:$0x3FFC];
	_ =	sdelay $0x3  }
0x94: {  	_ =	strace s2  }
0x95: {  	s2 =	sld [smem:$0x3FFD];
	_ =	sdelay $0x3  }
0x96: {  	_ =	strace s2  }
0x97: {  	_ =	strace $0x8FFFFFFF  }
0x98: {  	s18 =	sld [smem:$0x3FDB];
	_ =	sdelay $0x1  }
0x99: {  	s19 =	simm.s32 $_scs_section_size  }
0x9a: {  	s4 =	simm.s32 $_size__tile_overlayer_lowered;
	s5 =	simm.s32 $_tile_overlayer_lowered  }
0x9b: {  	s22 =	simm.s32 $0x1BFF;
	s21 =	sshll.u32 s5, $0x1;
	s2 =	sadd.s32 s19, s18  }
0x9c: {  	s6 =	simm.s32 $0x0;
	s20 =	sshll.u32 s4, $0x1;
	s4 =	sadd.s32 s21, s2  }
0x9d: {  	[timem:s6], [sflag:s22] =	dma.local [hbm:s4], s20  }
0x9e: {  	_ =	swait.ge [sflag:s22], s20  }
0x9f: {  	s3 =	ssub.s32 $0x0, s20;
	[sflag:s22] =	ssyncset.done $0x0  }
0xa0: {  	[sflag:s22] =	ssyncadd.s32 s3;
	_ =	sdelay $0x1  }
0xa1: {  	s23 =	simm.s32 $0x1B8B  }
0xa2: {  	_ =	swait.ge [sflag:s23], $0x1  }
0xa3: {  	[sflag:s23] =	ssyncset.done $0x0  }
0xa4: {  	s25 =	simm.s32 $0x1B8E;
	s24 =	sld [smem:$0x3FFE];
	[sflag:s23] =	ssyncadd.s32 $0xFFFFFFFF  }
0xa5: {  	s26 =	simm.s32 $execute0_lowered;
	[smem:$0x3FD2] =	sst s25  }
0xa6: {  	s4 =	sshll.u32 s26, $0x1;
	_ =	strace $0x80000052;
	[dreg:$0x1] =	wrdreg $0xFFFFFFFF  }
0xa7: {  	s28 =	simm.s32 $_size_execute0_lowered;
	s2 =	sadd.s32 s2, s4;
	[dreg:$0x0] =	wrdreg $0x0  }
0xa8: {  	s4 =	sshll.u32 s28, $0x1;
	[dreg:$0x2] =	wrdreg s2  }
0xa9: {  	[dreg:$0x3] =	wrdreg s4  }
0xaa: {  	[dreg:$0x4] =	wrdreg $0xC0  }
0xab: {  	_ =	task [dreg:s6], $0x5FFFF  }
0xac: {  	[dreg:$0x1] =	wrdreg $0xFFFFFFFF  }
0xad: {  	[dreg:$0x0] =	wrdreg $0x60  }
0xae: {  	[dreg:$0x2] =	wrdreg s24  }
0xaf: {  	[dreg:$0x3] =	wrdreg $0x9  }
0xb0: {  	_ =	task.clear_ibuf [dreg:s6], $0x4FFFF;
	_ =	strace $0x90000052  }
0xb1: {  	s29 =	simm.s32 $0x9;
	_ =	strace $0x80000054  }
0xb2: {  	_ =	swait.ge [sflag:s29], $0x1  }
0xb3: {  	[sflag:s29] =	ssyncadd.s32 $0xFFFFFFFF  }
0xb4: {  	_ =	strace $0x90000054  }
0xb5: {  	_ =	sfence  }
0xb6: {  	s30 =	sld [smem:$0x0];
	_ =	sdelay $0x2  }
0xb7: {  	s31 =	sshll.u32 s1, $0xD;
	s1 =	sshrl.u32 s1, $0x2  }
0xb8: {  	s3 =	sand.u32 $0x4000, s31;
	s1 =	sadd.s32 s1, s30  }
0xb9: {  	s0 =	sor.u32 s3, s0;
	s1 =	sshll.u32 s1, $0x11  }
0xba: {  	s0 =	sor.u32 s1, s0  }
0xbb: {  	s0 =	sadd.s32 $0x8F2B, s0  }
0xbc: {  	[sflag:s0] =	ssyncadd.remote.s32 $0x1  }
0xbd: {  	_ =	sfence.sel $0xFFFF  }
0xbe: {  	[dreg:$0x0] =	wrdreg $0xFFFFFFFF;
	(pc) =	sbr.abs _section_cstart, $3  }
0xbf: {  	[dreg:$0x1] =	wrdreg $0xFFFFFFFF  }
0xc0: {  	_ =	task.clear_ibuf [dreg:s6], $0x2FFFF;
	_ =	strace $0x9FFFFFFF  }
0xc1: {  	(tm) =	ssettm $0x7FFFFFFF  }
tec
execute0_lowered:
.L_overlay_start_1:
0x0: {  	(tag) =	ssettag $0x1  }
0x1: {  	s0 =	rddreg [dreg:$0x0];
	s2 =	simm.s32 $0x0  }
0x2: {  	s1 =	srdreg.scid;
	s12 =	stileid.u32;
	s28 =	simm.s32 $0x800  }
0x3: {  	s29 =	simm.s32 $0x8800;
	s30 =	simm.s32 $0x4;
	s14 =	smul.u32 $0x150000, s12  }
0x4: {  	s31 =	simm.s32 $0x5;
	[smem:$0x7FF] =	sst s2;
	s17 =	smul.u32 $0xA800, s12  }
0x5: {  	s1 =	sand.u32 $0x1, s1;
	s5 =	sshll.u32 s12, $0x1;
	s22 =	smul.u32 $0x2A000, s12  }
0x6: {  	s3 =	sadd.s32 $0x4E00, s0;
	s4 =	sadd.s32 $0x41000, s0;
	s16 =	smul.u32 $0xA8000, s1  }
0x7: {  	s6 =	sadd.s32 $0x56000, s0;
	_ =	strace $0x80000053;
	s19 =	smul.u32 $0x5400, s1  }
0x8: {  	s7 =	sor.u32 s1, s5;
	s8 =	ssub.s32 $0x2, s1;
	s1 =	smul.u32 $0x15000, s1  }
0x9: {  	s5 =	sadd.s32 $0x2C000, s0;
	s9 =	smul.u32 $0x5400, s7;
	s10 =	sshrl.u32 s8, $0x1  }
0xa: {  	s11 =	smul.u32 $0xA8000, s7;
	s7 =	sadd.s32 $0x2F6000, s0;
	s8 =	ssub.s32 s8, s10  }
0xb: {  	s20 =	sadd.s32 s16, s14;
	s21 =	sadd.s32 s19, s17;
	s26 =	sadd.s32 s1, s22  }
0xc: {  	s19 =	simm.s32 $0x400;
	s22 =	simm.s32 $0x600;
	s1 =	simm.s32 $0x0  }
0xd: {  	s9 =	sshrl.u32 s9, $0x3;
	s15 =	sshrl.u32 s11, $0x3;
	s0 =	smax.u32 s8, $0x1  }
0xe: {  	s23 =	sadd.s32 $0x400, s21;
	s13 =	sadd.s32 s4, s9;
	[dreg:$0x6] =	wrdreg s0  }
0xf: {  	s10 =	sadd.s32 $0x14800, s15;
	s9 =	sadd.s32 s5, s9;
	[dreg:$0x7] =	wrdreg s23  }
0x10: {  	s0 =	sshrl.u32 s20, $0x3;
	s20 =	simm.s32 $0x1;
	[dreg:$0x2] =	wrdreg s13  }
0x11: {  	s23 =	simm.s32 $0x2;
	[dreg:$0x3] =	wrdreg s9;
	s18 =	sadd.s32 s6, s10  }
0x12: {  	s10 =	sadd.s32 s7, s10;
	s13 =	sadd.s32 s0, s7;
	s9 =	sor.u32 $0x200, s21  }
.Ltmp0:
0x13: {  	s14 =	sadd.s32 s0, s6;
	[dreg:$0x4] =	wrdreg s18;
	(pc) =	sbr.rel .LBB2_1-.Ltmp0, $4  }
0x14: {  	s21 =	simm.s32 $0x200;
	[dreg:$0x5] =	wrdreg s10;
	s24 =	sshrl.u32 s9, $0x3  }
0x15: {  	s18 =	sadd.s32 $0x1FFFF800, s26;
	s26 =	simm.s32 $0x3;
	s25 =	sadd.s32 s24, s5  }
0x16: {  	s0 =	sadd.s32 s24, s4;
	s24 =	simm.s32 $0x4800;
	[dreg:$0x8] =	wrdreg s25  }
0x17: {  	[dreg:$0x9] =	wrdreg s0;
	s25 =	simm.s32 $0xC800;
	s0 =	simm.s32 $0x6  }
.LBB2_4:
0x18: {  	_ =	swait.ge [sflag:s30], $0x4000  }
0x19: {  	[sflag:s30] =	ssyncset.done $0x0  }
0x1a: {  	[sflag:s30] =	ssyncadd.s32 $0xFFFFC000  }
0x1b: {  	_ =	swait.ge [sflag:s30], $0x4000  }
0x1c: {  	[sflag:s30] =	ssyncset.done $0x0  }
0x1d: {  	s8 =	rddreg [dreg:$0x4];
	[sflag:s30] =	ssyncadd.s32 $0xFFFFC000  }
0x1e: {  	[hbm4b:s8+s2] =	stream.linear.scatter [tilespmem:s24], [sflag:$0x6], $0x4000, $0x38;
	[tilespmem:$0x10800] =	vst v63  }
0x1f: {  	s16 =	rddreg [dreg:$0x5]  }
0x20: {  	[hbm4b:s16+s2] =	stream.linear.scatter [tilespmem:s25], [sflag:$0x6], $0x4000, $0x38;
	[tilespmem:$0x10800] =	vst v63  }
0x21: {  	_ =	swait.ge [sflag:s31], $0x4000  }
0x22: {  	[sflag:s31] =	ssyncset.done $0x0  }
0x23: {  	[sflag:s31] =	ssyncadd.s32 $0xFFFFC000  }
0x24: {  	_ =	swait.ge [sflag:s31], $0x4000  }
0x25: {  	[sflag:s31] =	ssyncset.done $0x0  }
0x26: {  	[sflag:s31] =	ssyncadd.s32 $0xFFFFC000  }
0x27: {  	_ =	swait.ge [sflag:s0], $0x4000  }
0x28: {  	[sflag:s0] =	ssyncset.done $0x0  }
0x29: {  	[sflag:s0] =	ssyncadd.s32 $0xFFFFC000  }
0x2a: {  	_ =	swait.ge [sflag:s0], $0x4000  }
0x2b: {  	s1 =	sadd.s32 $0x1, s1;
	s17 =	rddreg [dreg:$0x6]  }
0x2c: {  	p0 =	sne.s32 s1, s17  }
.Ltmp1:
0x2d: {  	_ = 	snop;
	(pc) =	sbr.rel @!p0 .LBB2_5-.Ltmp1, $3  }
0x2e: {  	_ =	sdelay $0x1  }
0x2f: {  	[sflag:s0] =	ssyncset.done $0x0  }
0x30: {  	[sflag:s0] =	ssyncadd.s32 $0xFFFFC000  }
.LBB2_1:
0x31: {  	s8 =	rddreg [dreg:$0x2]  }
0x32: {  	s17 =	rddreg [dreg:$0x3]  }
0x33: {  	s16 =	rddreg [dreg:$0x8]  }
0x34: {  	[tilespmem:s2], [sflag:$0x1] =	stream.linear.gather [hbm4b:s8+s2], $0x200, $0x38;
	[tilespmem:$0x10800] =	vst v63  }
0x35: {  	s15 =	rddreg [dreg:$0x7]  }
0x36: {  	[tilespmem:s19], [sflag:$0x1] =	stream.linear.gather [hbm4b:s17+s2], $0x200, $0x38;
	[tilespmem:$0x10800] =	vst v63  }
0x37: {  	s11 =	simm.s32 $0x0;
	s17 =	rddreg [dreg:$0x9]  }
.LBB2_2:
0x38: {  	_ =	swait.ge [sflag:s20], $0x200  }
0x39: {  	[sflag:s20] =	ssyncset.done $0x0  }
0x3a: {  	[sflag:s20] =	ssyncadd.s32 $0xFFFFFE00  }
0x3b: {  	_ =	swait.ge [sflag:s20], $0x200  }
0x3c: {  	p0 =	sne.s32 s11, $0x0;
	[sflag:s20] =	ssyncset.done $0x0  }
0x3d: {  	s12 =	simm.s32 @p0 $0x5;
	[sflag:s20] =	ssyncadd.s32 $0xFFFFFE00  }
0x3e: {  	_ =	swait.ge @p0 [sflag:s12], $0x4000  }
0x3f: {  	[sflag:s12] =	ssyncset.done @p0 $0x0  }
0x40: {  	[sflag:s12] =	ssyncadd.s32 @p0 $0xFFFFC000  }
0x41: {  	_ =	swait.ge @p0 [sflag:s12], $0x4000  }
0x42: {  	s10 =	simm.s32 @p0 $0x0;
	[sflag:s12] =	ssyncset.done @p0 $0x0  }
0x43: {  	s9 =	simm.s32 @p0 $0x800;
	[sflag:s12] =	ssyncadd.s32 @p0 $0xFFFFC000;
	s12 =	simm.s32 @p0 $0x200  }
0x44: {  	[tilespmem:s9], [sflag:$0x3] =	stream.indirect.gather @p0 [hbm4b:s3+s12], $0x20, s10, s12, $0xb8;
	[tilespmem:$0x10800] =	vst v63  }
0x45: {  	s8 =	simm.s32 @p0 $0x8800;
	s9 =	simm.s32 @p0 $0x400  }
0x46: {  	[tilespmem:s8], [sflag:$0x3] =	stream.indirect.gather @p0 [hbm4b:s3+s12], $0x20, s9, s12, $0xb8;
	[tilespmem:$0x10800] =	vst v63  }
0x47: {  	s8 =	simm.s32 @p0 $0x4  }
0x48: {  	_ =	swait.ge @p0 [sflag:s8], $0x4000  }
0x49: {  	[sflag:s8] =	ssyncset.done @p0 $0x0  }
0x4a: {  	[sflag:s8] =	ssyncadd.s32 @p0 $0xFFFFC000  }
0x4b: {  	s9 =	sadd.s32 @p0 s11, s18;
	_ =	swait.ge @p0 [sflag:s8], $0x4000  }
0x4c: {  	s9 =	sand.u32 @p0 $0x1FFFF800, s9;
	[sflag:s8] =	ssyncset.done @p0 $0x0  }
0x4d: {  	s12 =	simm.s32 @p0 $0x4800;
	[sflag:s8] =	ssyncadd.s32 @p0 $0xFFFFC000;
	s8 =	sadd.s32 @p0 s6, s9  }
0x4e: {  	[hbm4b:s8+s10] =	stream.linear.scatter @p0 [tilespmem:s12], [sflag:$0x6], $0x4000, $0x38;
	[tilespmem:$0x10800] =	vst v63  }
0x4f: {  	s8 =	sadd.s32 @p0 s7, s9;
	s9 =	simm.s32 @p0 $0xC800  }
0x50: {  	[hbm4b:s8+s10] =	stream.linear.scatter @p0 [tilespmem:s9], [sflag:$0x6], $0x4000, $0x38;
	[tilespmem:$0x10800] =	vst v63  }
0x51: {  	s8 =	simm.s32 @!p0 $0x200;
	s9 =	simm.s32 @!p0 $0x0;
	s10 =	simm.s32 @!p0 $0x800  }
0x52: {  	[tilespmem:s10], [sflag:$0x3] =	stream.indirect.gather @!p0 [hbm4b:s3+s8], $0x20, s9, s8, $0xb8;
	[tilespmem:$0x10800] =	vst v63  }
0x53: {  	s9 =	simm.s32 @!p0 $0x400;
	s10 =	simm.s32 @!p0 $0x8800  }
0x54: {  	[tilespmem:s10], [sflag:$0x3] =	stream.indirect.gather @!p0 [hbm4b:s3+s8], $0x20, s9, s8, $0xb8;
	[tilespmem:$0x10800] =	vst v63  }
0x55: {  	_ = 	snop  }
0x56: {  	[tilespmem:s21], [sflag:$0x2] =	stream.linear.gather [hbm4b:s17+s2], $0x200, $0x38;
	[tilespmem:$0x10800] =	vst v63  }
0x57: {  	_ = 	snop  }
0x58: {  	[tilespmem:s22], [sflag:$0x2] =	stream.linear.gather [hbm4b:s16+s2], $0x200, $0x38;
	[tilespmem:$0x10800] =	vst v63  }
0x59: {  	_ =	swait.ge [sflag:s23], $0x200  }
0x5a: {  	[sflag:s23] =	ssyncset.done $0x0  }
0x5b: {  	[sflag:s23] =	ssyncadd.s32 $0xFFFFFE00  }
0x5c: {  	_ =	swait.ge [sflag:s23], $0x200  }
0x5d: {  	p0 =	seq.s32 s11, $0x0;
	[sflag:s23] =	ssyncset.done $0x0  }
0x5e: {  	s8 =	simm.s32 @!p0 $0x6;
	[sflag:s23] =	ssyncadd.s32 $0xFFFFFE00  }
0x5f: {  	_ =	swait.ge @!p0 [sflag:s8], $0x4000  }
0x60: {  	[sflag:s8] =	ssyncset.done @!p0 $0x0  }
0x61: {  	[sflag:s8] =	ssyncadd.s32 @!p0 $0xFFFFC000  }
0x62: {  	_ =	swait.ge @!p0 [sflag:s8], $0x4000  }
0x63: {  	[sflag:s8] =	ssyncset.done @!p0 $0x0  }
0x64: {  	[sflag:s8] =	ssyncadd.s32 @!p0 $0xFFFFC000  }
0x65: {  	[tilespmem:s24], [sflag:$0x4] =	stream.indirect.gather [hbm4b:s3+s21], $0x20, s21, s21, $0xb8;
	[tilespmem:$0x10800] =	vst v63  }
0x66: {  	_ = 	snop  }
0x67: {  	[tilespmem:s25], [sflag:$0x4] =	stream.indirect.gather [hbm4b:s3+s21], $0x20, s22, s21, $0xb8;
	[tilespmem:$0x10800] =	vst v63  }
0x68: {  	_ =	swait.ge [sflag:s26], $0x4000  }
0x69: {  	[sflag:s26] =	ssyncset.done $0x0  }
0x6a: {  	[sflag:s26] =	ssyncadd.s32 $0xFFFFC000  }
0x6b: {  	p0 =	seq.s32 s11, $0x14000;
	_ =	swait.ge [sflag:s26], $0x4000  }
.Ltmp2:
0x6c: {  	[sflag:s26] =	ssyncset.done $0x0;
	(pc) =	sbr.rel @p0 .LBB2_4-.Ltmp2, $4  }
0x6d: {  	s10 =	sadd.s32 s11, s14;
	[sflag:s26] =	ssyncadd.s32 $0xFFFFC000  }
0x6e: {  	[hbm4b:s10+s2] =	stream.linear.scatter [tilespmem:s28], [sflag:$0x5], $0x4000, $0x38;
	[tilespmem:$0x10800] =	vst v63  }
0x6f: {  	s12 =	sadd.s32 s11, s13  }
0x70: {  	[hbm4b:s12+s2] =	stream.linear.scatter [tilespmem:s29], [sflag:$0x5], $0x4000, $0x38;
	[tilespmem:$0x10800] =	vst v63  }
.Ltmp3:
0x71: {  	s8 =	sshrl.u32 s15, $0x3;
	(pc) =	sbr.rel .LBB2_2-.Ltmp3, $4  }
0x72: {  	s11 =	sadd.s32 $0x1000, s11;
	s15 =	sadd.s32 $0x400, s15;
	s9 =	sadd.s32 s4, s8  }
0x73: {  	[tilespmem:s2], [sflag:$0x1] =	stream.linear.gather [hbm4b:s9+s2], $0x200, $0x38;
	[tilespmem:$0x10800] =	vst v63  }
0x74: {  	s16 =	sadd.s32 $0x80, s16;
	s17 =	sadd.s32 $0x80, s17;
	s8 =	sadd.s32 s5, s8  }
0x75: {  	[tilespmem:s19], [sflag:$0x1] =	stream.linear.gather [hbm4b:s8+s2], $0x200, $0x38;
	[tilespmem:$0x10800] =	vst v63  }
.LBB2_5:
0x76: {  	_ =	sfence.sel $0x180000  }
0x77: {  	[bflag:$0x0] =	sbarrier.arrive $0xFFFF  }
0x78: {  	_ =	strace $0x90000053  }
0x79: {  	s0 =	stileid.u32;
	[bflag:$0x2] =	sbarrier.arrive $0xFFFF  }
0x7a: {  	p0 =	sne.s32 s0, $0x0;
	s0 =	rddreg [dreg:$0x1]  }
0x7b: {  	s0 =	sadd.s32 @!p0 $0x100000, s0  }
0x7c: {  	[sflag:s0] =	ssyncadd.tile.s32 @!p0 $0x1;
	_ =	shalt  }
.Lfunc_end2:
_tile_overlayer_lowered:
.L_overlay_start_2:
0x7d: {  	(tag) =	ssettag $0x2  }
0x7e: {  	s0 =	rddreg [dreg:$0x0];
	s2 =	stileid.u32  }
0x7f: {  	s1 =	rddreg [dreg:$0x1];
	p0 =	sne.s32 s2, $0x0  }
0x80: {  	s3 =	rddreg [dreg:$0x2];
	[bflag:$0x3] =	sbarrier.arrive $0xFFFF;
	s2 =	simm.s32 @!p0 $0x1C07  }
0x81: {  	[timem:s3], [sflag:s2] =	dma.local @!p0 [hbm:s0], s1  }
0x82: {  	s0 =	simm.s32 @!p0 $0x7  }
0x83: {  	_ =	swait.ge @!p0 [sflag:s0], s1  }
0x84: {  	s1 =	ssub.s32 @!p0 $0x0, s1;
	[sflag:s0] =	ssyncset.done @!p0 $0x0  }
0x85: {  	[sflag:s0] =	ssyncadd.s32 @!p0 s1  }
0x86: {  	[bflag:$0x3] =	sbarrier.arrive $0xFFFF  }
0x87: {  	_ =	shalt  }

// kernel: kernel.29.cloned.1.call-start
scs
__scs_entry_jumppad:
0x0: {  	(pc) =	sbr.rel $0x88, $3  }
0x1: {  	(tag) =	ssettag $0x0;
	lr =	simm.s32 $0x1  }
0x2: {  	[smem:$0x3F8F] =	sst lr;
	_ =	strace $0xD0000000  }
0x3: {  	_ = 	snop  }
0x4: {  	_ = 	snop  }
0x5: {  	_ = 	snop  }
0x6: {  	_ = 	snop  }
0x7: {  	_ = 	snop  }
__scs_overlays_trampoline_lowered:
0x8: {  	[smem:$0x3F9E] =	sst s0  }
0x9: {  	[smem:$0x3F9F] =	sst s1  }
0xa: {  	[smem:$0x3FA0] =	sst s2  }
0xb: {  	[smem:$0x3FA1] =	sst s3  }
0xc: {  	[smem:$0x3FA2] =	sst s4  }
0xd: {  	[smem:$0x3FA3] =	sst s5  }
0xe: {  	[smem:$0x3FA4] =	sst s6  }
0xf: {  	[smem:$0x3FA5] =	sst s7  }
0x10: {  	[smem:$0x3FA6] =	sst s8  }
0x11: {  	[smem:$0x3FA7] =	sst s9;
	s0 =	simm.s32 @!p0 $0x0  }
0x12: {  	s1 =	sld [smem:$0x3F8D];
	s0 =	simm.s32 @p0 $0x1  }
0x13: {  	[smem:$0x3FA8] =	sst s0;
	s0 =	simm.s32 @!p1 $0x0  }
0x14: {  	s2 =	sld [smem:$0x3F8C];
	s0 =	simm.s32 @p1 $0x1  }
0x15: {  	[smem:$0x3FA9] =	sst s0;
	s0 =	simm.s32 @!p2 $0x0  }
0x16: {  	s3 =	sld [smem:$0x3FDB];
	s0 =	simm.s32 @p2 $0x1  }
0x17: {  	s4 =	simm.s32 $0x1BF5;
	[smem:$0x3FAB] =	sst s0  }
0x18: {  	s0 =	sld [smem:$0x3F8E];
	_ =	swait.ge [sflag:s4], $0x0  }
0x19: {  	s7 =	sld [smem:$0x3F8F]  }
0x1a: {  	s8 =	sadd.s32 $0xFFFFE003, lr  }
0x1b: {  	s9 =	sadd.s32 $0xFFFFFEF7, lr;
	s5 =	simm.s32 $0xFFFFFFFF;
	p2 =	slt.u32 s8, $0xFFFFF086  }
0x1c: {  	p1 =	slt.u32 s9, $0xF7A;
	s5 =	simm.s32 @!p2 $0x0  }
0x1d: {  	s5 =	simm.s32 @p1 $0x1;
	p0 =	seq.s32 s7, s2  }
0x1e: {  	s7 =	smul.u32 @!p0 $0xF7A, s2;
	p2 =	seq.s32 @!p0 s5, $0x0  }
0x1f: {  	s9 =	smul.u32 $0xF7A, s1;
	s8 =	simm.s32 @!p0 $0x1BF5;
	p2 =	por !p2, p0  }
0x20: {  	[sflag:s8] =	ssyncset.s32 @!p0 $0xFFFFF086;
	s6 =	sadd.s32 @!p0 s3, s7;
	s7 =	simm.s32 @!p0 $0x108  }
0x21: {  	s3 =	sadd.s32 s3, s9;
	s6 =	sadd.s32 @!p0 $0x88, s6;
	s7 =	simm.s32 @p2 $0x1082  }
0x22: {  	[simem:s7], [sflag:s8] =	dma.local @!p0 [hbm:s6], $0xF7A  }
0x23: {  	s9 =	sor.u32 $0xD0000000, s2;
	s6 =	simm.s32 $0x108;
	_ =	swait.ge @!p0 [sflag:s8], $0x0  }
0x24: {  	s3 =	sadd.s32 $0x88, s3;
	s6 =	simm.s32 @!p1 $0x1082;
	[sflag:s4] =	ssyncset.s32 $0xFFFFF086  }
0x25: {  	[simem:s6], [sflag:s4] =	dma.local [hbm:s3], $0xF7A  }
0x26: {  	[smem:$0x3F8F] =	sst s1;
	(tag) =	ssettag s2;
	_ =	strace s9  }
0x27: {  	s1 =	sld [smem:$0x3F9F]  }
0x28: {  	s2 =	sld [smem:$0x3FA0]  }
0x29: {  	s4 =	sld [smem:$0x3FA2]  }
0x2a: {  	p0 =	seq.s32 s5, $0x0;
	s5 =	sld [smem:$0x3FA3]  }
0x2b: {  	s6 =	sld [smem:$0x3FA4]  }
0x2c: {  	s7 =	sld [smem:$0x3FA5]  }
0x2d: {  	s3 =	simm.s32 $0x108;
	s8 =	sld [smem:$0x3FA6]  }
0x2e: {  	s3 =	simm.s32 @!p0 $0x1082;
	s9 =	sld [smem:$0x3FA7]  }
0x2f: {  	lr =	sadd.s32 s0, s3;
	s0 =	sld [smem:$0x3F9E]  }
0x30: {  	s3 =	sld [smem:$0x3FA1]  }
0x31: {  	[smem:$0x3FAA] =	sst s10  }
0x32: {  	s10 =	sld [smem:$0x3FA8];
	_ =	sdelay $0x3  }
0x33: {  	p0 =	seq.s32 s10, $0x1;
	s10 =	sld [smem:$0x3FAA];
	_ =	sdelay $0x3  }
0x34: {  	[smem:$0x3FAA] =	sst s10  }
0x35: {  	s10 =	sld [smem:$0x3FA9];
	_ =	sdelay $0x3  }
0x36: {  	p1 =	seq.s32 s10, $0x1;
	s10 =	sld [smem:$0x3FAA];
	_ =	sdelay $0x3  }
0x37: {  	[smem:$0x3FAA] =	sst s10  }
0x38: {  	s10 =	sld [smem:$0x3FAB]  }
0x39: {  	_ = 	snop;
	(pc) =	sbr.ind lr, $3  }
0x3a: {  	_ = 	snop  }
0x3b: {  	_ = 	snop  }
0x3c: {  	p2 =	seq.s32 s10, $0x1;
	s10 =	sld [smem:$0x3FAA]  }
0x3d: {  	_ =	shalt  }
0x3e: {  	_ =	shalt  }
0x3f: {  	_ =	shalt  }
0x40: {  	_ =	shalt  }
0x41: {  	_ =	shalt  }
0x42: {  	_ =	shalt  }
0x43: {  	_ =	shalt  }
0x44: {  	_ =	shalt  }
0x45: {  	_ =	shalt  }
0x46: {  	_ =	shalt  }
0x47: {  	_ =	shalt  }
0x48: {  	_ =	shalt  }
0x49: {  	_ =	shalt  }
0x4a: {  	_ =	shalt  }
0x4b: {  	_ =	shalt  }
0x4c: {  	_ =	shalt  }
0x4d: {  	_ =	shalt  }
0x4e: {  	_ =	shalt  }
0x4f: {  	_ =	shalt  }
0x50: {  	_ =	shalt  }
0x51: {  	_ =	shalt  }
0x52: {  	_ =	shalt  }
0x53: {  	_ =	shalt  }
0x54: {  	_ =	shalt  }
0x55: {  	_ =	shalt  }
0x56: {  	_ =	shalt  }
0x57: {  	_ =	shalt  }
0x58: {  	_ =	shalt  }
0x59: {  	_ =	shalt  }
0x5a: {  	_ =	shalt  }
0x5b: {  	_ =	shalt  }
0x5c: {  	_ =	shalt  }
0x5d: {  	_ =	shalt  }
0x5e: {  	_ =	shalt  }
0x5f: {  	_ =	shalt  }
0x60: {  	_ =	shalt  }
0x61: {  	_ =	shalt  }
0x62: {  	_ =	shalt  }
0x63: {  	_ =	shalt  }
0x64: {  	_ =	shalt  }
0x65: {  	_ =	shalt  }
0x66: {  	_ =	shalt  }
0x67: {  	_ =	shalt  }
0x68: {  	_ =	shalt  }
0x69: {  	_ =	shalt  }
0x6a: {  	_ =	shalt  }
0x6b: {  	_ =	shalt  }
0x6c: {  	_ =	shalt  }
0x6d: {  	_ =	shalt  }
0x6e: {  	_ =	shalt  }
0x6f: {  	_ =	shalt  }
0x70: {  	_ =	shalt  }
0x71: {  	_ =	shalt  }
0x72: {  	_ =	shalt  }
0x73: {  	_ =	shalt  }
0x74: {  	_ =	shalt  }
0x75: {  	_ =	shalt  }
0x76: {  	_ =	shalt  }
0x77: {  	_ =	shalt  }
0x78: {  	_ =	shalt  }
0x79: {  	_ =	shalt  }
0x7a: {  	_ =	shalt  }
0x7b: {  	_ =	shalt  }
0x7c: {  	_ =	shalt  }
0x7d: {  	_ =	shalt  }
0x7e: {  	_ =	shalt  }
0x7f: {  	_ =	shalt  }
0x80: {  	_ =	shalt  }
0x81: {  	_ =	shalt  }
0x82: {  	_ =	shalt  }
0x83: {  	_ =	shalt  }
0x84: {  	_ =	shalt  }
0x85: {  	_ =	shalt  }
0x86: {  	_ =	shalt  }
0x87: {  	_ =	shalt  }
.Lfunc_end0:
.L_simem_size_0:
called_computation.5_lowered:
.L_overlay_start_0:
0x88: {  	s2 =	sld [smem:$0x3FD9]  }
0x89: {  	s3 =	sld [smem:$0x3FFE];
	_ =	sdelay $0x1  }
0x8a: {  	s1 =	srdreg.scid  }
0x8b: {  	s0 =	sand.u32 $0x1, s1  }
0x8c: {  	s17 =	sshll.u32 s0, $0xA;
	s2 =	sadd.s32 s3, s2  }
0x8d: {  	s2 =	sadd.s32 s2, s17  }
0x8e: {  	[smem:$0x3FB6] =	sst s2  }
0x8f: {  	_ = 	snop  }
0x90: {  	s2 =	sld [smem:$0x3FD0];
	(tm) =	ssettm $0x1  }
0x91: {  	s18 =	sld [smem:$0x3FFB];
	_ =	sdelay $0x3  }
0x92: {  	_ =	strace s18  }
0x93: {  	s3 =	sld [smem:$0x3FFC];
	_ =	sdelay $0x3  }
0x94: {  	_ =	strace s3  }
0x95: {  	s3 =	sld [smem:$0x3FFD];
	_ =	sdelay $0x3  }
0x96: {  	_ =	strace s3  }
0x97: {  	_ =	strace $0x8FFFFFFF  }
0x98: {  	s19 =	sld [smem:$0x3FDB];
	_ =	sdelay $0x1  }
0x99: {  	s4 =	simm.s32 $_scs_section_size  }
0x9a: {  	s5 =	simm.s32 $_size__tile_overlayer_lowered;
	s6 =	simm.s32 $_tile_overlayer_lowered  }
0x9b: {  	s22 =	simm.s32 $0x1BFF;
	s21 =	sshll.u32 s6, $0x1;
	s3 =	sadd.s32 s4, s19  }
0x9c: {  	s7 =	simm.s32 $0x0;
	s20 =	sshll.u32 s5, $0x1;
	s5 =	sadd.s32 s21, s3  }
0x9d: {  	[timem:s7], [sflag:s22] =	dma.local [hbm:s5], s20  }
0x9e: {  	_ =	swait.ge [sflag:s22], s20  }
0x9f: {  	s4 =	ssub.s32 $0x0, s20;
	[sflag:s22] =	ssyncset.done $0x0  }
0xa0: {  	[sflag:s22] =	ssyncadd.s32 s4;
	_ =	sdelay $0x1  }
0xa1: {  	s23 =	simm.s32 $0x1B8B  }
0xa2: {  	_ =	swait.ge [sflag:s23], $0x1  }
0xa3: {  	[sflag:s23] =	ssyncset.done $0x0  }
0xa4: {  	s25 =	simm.s32 $0x1B8E;
	s24 =	sld [smem:$0x3FFE];
	[sflag:s23] =	ssyncadd.s32 $0xFFFFFFFF  }
0xa5: {  	s26 =	simm.s32 $execute0_lowered;
	[smem:$0x3FD2] =	sst s25  }
0xa6: {  	s5 =	sshll.u32 s26, $0x1;
	_ =	strace $0x80000055;
	[dreg:$0x1] =	wrdreg $0xFFFFFFFF  }
0xa7: {  	s28 =	simm.s32 $_size_execute0_lowered;
	s3 =	sadd.s32 s3, s5;
	[dreg:$0x0] =	wrdreg $0x0  }
0xa8: {  	s5 =	sshll.u32 s28, $0x1;
	[dreg:$0x2] =	wrdreg s3  }
0xa9: {  	[dreg:$0x3] =	wrdreg s5  }
0xaa: {  	[dreg:$0x4] =	wrdreg $0xC0  }
0xab: {  	_ =	task [dreg:s7], $0x5FFFF  }
0xac: {  	[dreg:$0x1] =	wrdreg $0xFFFFFFFF  }
0xad: {  	[dreg:$0x0] =	wrdreg $0x60  }
0xae: {  	[dreg:$0x2] =	wrdreg s24  }
0xaf: {  	[dreg:$0x3] =	wrdreg s2  }
0xb0: {  	[dreg:$0x4] =	wrdreg $0x42000  }
0xb1: {  	[dreg:$0x5] =	wrdreg $0x9  }
0xb2: {  	_ =	task.clear_ibuf [dreg:s7], $0x6FFFF;
	_ =	strace $0x90000055  }
0xb3: {  	s29 =	simm.s32 $0x9;
	_ =	strace $0x80000057  }
0xb4: {  	_ =	swait.ge [sflag:s29], $0x1  }
0xb5: {  	[sflag:s29] =	ssyncadd.s32 $0xFFFFFFFF  }
0xb6: {  	_ =	strace $0x90000057  }
0xb7: {  	_ =	sfence  }
0xb8: {  	s30 =	sld [smem:$0x0];
	_ =	sdelay $0x2  }
0xb9: {  	s31 =	sshll.u32 s1, $0xD;
	s1 =	sshrl.u32 s1, $0x2  }
0xba: {  	s3 =	sand.u32 $0x4000, s31;
	s1 =	sadd.s32 s1, s30  }
0xbb: {  	s0 =	sor.u32 s3, s0;
	s1 =	sshll.u32 s1, $0x11  }
0xbc: {  	s0 =	sor.u32 s1, s0  }
0xbd: {  	s0 =	sadd.s32 $0x8F2B, s0  }
0xbe: {  	[sflag:s0] =	ssyncadd.remote.s32 $0x1  }
0xbf: {  	_ =	sfence.sel $0xFFFF  }
0xc0: {  	[dreg:$0x0] =	wrdreg $0xFFFFFFFF;
	(pc) =	sbr.abs _section_cstart, $3  }
0xc1: {  	[dreg:$0x1] =	wrdreg $0xFFFFFFFF  }
0xc2: {  	_ =	task.clear_ibuf [dreg:s7], $0x2FFFF;
	_ =	strace $0x9FFFFFFF  }
0xc3: {  	(tm) =	ssettm $0x7FFFFFFF  }
tec
execute0_lowered:
.L_overlay_start_1:
0x0: {  	(tag) =	ssettag $0x1  }
0x1: {  	s4 =	rddreg [dreg:$0x0]  }
0x2: {  	s1 =	rddreg [dreg:$0x1]  }
0x3: {  	s2 =	rddreg [dreg:$0x2]  }
0x4: {  	s0 =	rddreg [dreg:$0x3]  }
0x5: {  	s17 =	stileid.u32;
	s6 =	srdreg.scid;
	s3 =	simm.s32 $0x0  }
0x6: {  	s12 =	simm.s32 $0x100;
	s13 =	simm.s32 $0x2200;
	s5 =	smul.u32 $0x2A000, s17  }
0x7: {  	s14 =	simm.s32 $0x180;
	s15 =	simm.s32 $0x3200;
	s7 =	smul.u32 $0xA800, s17  }
0x8: {  	s6 =	sand.u32 $0x1, s6;
	[smem:$0x7FF] =	sst s3;
	s10 =	smul.u32 $0x4E40, s17  }
0x9: {  	p0 =	sne.s32 s17, $0x0;
	s17 =	sshll.u32 s17, $0x6;
	s8 =	smul.u32 $0x5400, s6  }
0xa: {  	_ =	strace $0x80000056;
	s30 =	smul.u32 $0x9C80, s6;
	s9 =	ssub.s32 $0x2, s6  }
0xb: {  	s6 =	smul.u32 $0x15000, s6;
	s17 =	sor.u32 $0x1C01, s17;
	s5 =	sadd.s32 s5, s4  }
0xc: {  	s11 =	sshrl.u32 s9, $0x1;
	s18 =	sshrl.u32 s10, $0x3;
	s19 =	sadd.s32 s10, s2  }
0xd: {  	s10 =	simm.s32 $0x80;
	s7 =	sadd.s32 s8, s7;
	s8 =	sadd.s32 s30, s4  }
0xe: {  	s31 =	ssub.s32 s9, s11;
	s5 =	sadd.s32 s6, s5;
	s9 =	simm.s32 $0x200  }
0xf: {  	s11 =	simm.s32 $0x1200;
	s7 =	sshrl.u32 s7, $0x3;
	s16 =	sadd.s32 $0x4E00, s8  }
0x10: {  	s5 =	sadd.s32 $0x5AB200, s5;
	s8 =	simm.s32 $0x1;
	s7 =	sadd.s32 s7, s4  }
0x11: {  	s4 =	smax.u32 s31, $0x1;
	s16 =	sadd.s32 s18, s16;
	s18 =	sshrl.u32 s19, $0x3  }
0x12: {  	s19 =	simm.s32 $0x0;
	s6 =	sadd.s32 $0x596200, s7;
	s7 =	sshrl.u32 @!p0 s2, $0x3  }
.LBB2_1:
0x13: {  	s20 =	simm.s32 @!p0 $0x1C01  }
0x14: {  	[spmem:s7], [sflag:s20] =	dma.local @!p0 [hbm:s1], $0x9C80  }
0x15: {  	s20 =	simm.s32 @!p0 $0x1  }
0x16: {  	_ =	swait.ge @!p0 [sflag:s20], $0x9C80  }
0x17: {  	[sflag:s20] =	ssyncset.done @!p0 $0x0  }
0x18: {  	[sflag:s20] =	ssyncadd.s32 @!p0 $0xFFFF6380  }
0x19: {  	s31 =	sadd.s32 $0x0, s6;
	[bflag:$0x0] =	sbarrier.arrive $0xFFFF  }
0x1a: {  	[tilespmem:s3], [sflag:$0x1] =	stream.linear.gather [hbm4b:s31+s3], $0x200, $0x38;
	[tilespmem:$0x9040] =	vst v63  }
0x1b: {  	_ =	swait.ge [sflag:s8], $0x200  }
0x1c: {  	[sflag:s8] =	ssyncset.done $0x0  }
0x1d: {  	[sflag:s8] =	ssyncadd.s32 $0xFFFFFE00  }
0x1e: {  	[tilespmem:s9], [sflag:$0x1] =	stream.linear.gather [hbm4b:s5+s3], $0x4000, $0x38;
	[tilespmem:$0x9040] =	vst v63  }
0x1f: {  	_ =	swait.ge [sflag:s8], $0x4000  }
0x20: {  	[sflag:s8] =	ssyncset.done $0x0  }
0x21: {  	[sflag:s8] =	ssyncadd.s32 $0xFFFFC000  }
0x22: {  	[spmem:s2] =	stream.indirect.scatter.add.f32 [tilespmem:s9], [sflag:$0x1], $0x20, s3, s10, $0xb8;
	[tilespmem:$0x9040] =	vst v63  }
0x23: {  	_ =	swait.ge [sflag:s8], $0x1000  }
0x24: {  	[sflag:s8] =	ssyncset.done $0x0  }
0x25: {  	[sflag:s8] =	ssyncadd.s32 $0xFFFFF000  }
0x26: {  	[spmem:s2] =	stream.indirect.scatter.add.f32 [tilespmem:s11], [sflag:$0x1], $0x20, s10, s10, $0xb8;
	[tilespmem:$0x9040] =	vst v63  }
0x27: {  	_ =	swait.ge [sflag:s8], $0x1000  }
0x28: {  	[sflag:s8] =	ssyncset.done $0x0  }
0x29: {  	[sflag:s8] =	ssyncadd.s32 $0xFFFFF000  }
0x2a: {  	[spmem:s2] =	stream.indirect.scatter.add.f32 [tilespmem:s13], [sflag:$0x1], $0x20, s12, s10, $0xb8;
	[tilespmem:$0x9040] =	vst v63  }
0x2b: {  	_ =	swait.ge [sflag:s8], $0x1000  }
0x2c: {  	[sflag:s8] =	ssyncset.done $0x0  }
0x2d: {  	[sflag:s8] =	ssyncadd.s32 $0xFFFFF000  }
0x2e: {  	[spmem:s2] =	stream.indirect.scatter.add.f32 [tilespmem:s15], [sflag:$0x1], $0x20, s14, s10, $0xb8;
	[tilespmem:$0x9040] =	vst v63  }
0x2f: {  	s21 =	simm.s32 $0x40;
	_ =	swait.ge [sflag:s8], $0x1000  }
0x30: {  	s22 =	simm.s32 $0x80;
	s20 =	sadd.s32 $0x800, s5;
	[sflag:s8] =	ssyncset.done $0x0  }
.LBB2_2:
0x31: {  	s23 =	sadd.s32 s21, s6  }
0x32: {  	[sflag:s8] =	ssyncadd.s32 $0xFFFFF000;
	s21 =	smov.u32 s22;
	s24 =	sadd.s32 $0x40, s22  }
0x33: {  	[tilespmem:s3], [sflag:$0x1] =	stream.linear.gather [hbm4b:s23+s3], $0x200, $0x38;
	[tilespmem:$0x9040] =	vst v63  }
0x34: {  	p1 =	sne.s32 s22, $0xA40;
	_ =	swait.ge [sflag:s8], $0x200  }
0x35: {  	[sflag:s8] =	ssyncset.done $0x0  }
0x36: {  	[sflag:s8] =	ssyncadd.s32 $0xFFFFFE00  }
0x37: {  	[tilespmem:s9], [sflag:$0x1] =	stream.linear.gather [hbm4b:s20+s3], $0x4000, $0x38;
	[tilespmem:$0x9040] =	vst v63  }
0x38: {  	_ =	swait.ge [sflag:s8], $0x4000  }
0x39: {  	[sflag:s8] =	ssyncset.done $0x0  }
0x3a: {  	[sflag:s8] =	ssyncadd.s32 $0xFFFFC000  }
0x3b: {  	[spmem:s2] =	stream.indirect.scatter.add.f32 [tilespmem:s9], [sflag:$0x1], $0x20, s3, s10, $0xb8;
	[tilespmem:$0x9040] =	vst v63  }
0x3c: {  	_ =	swait.ge [sflag:s8], $0x1000  }
0x3d: {  	[sflag:s8] =	ssyncset.done $0x0  }
0x3e: {  	[sflag:s8] =	ssyncadd.s32 $0xFFFFF000  }
0x3f: {  	[spmem:s2] =	stream.indirect.scatter.add.f32 [tilespmem:s11], [sflag:$0x1], $0x20, s10, s10, $0xb8;
	[tilespmem:$0x9040] =	vst v63  }
0x40: {  	_ =	swait.ge [sflag:s8], $0x1000  }
0x41: {  	[sflag:s8] =	ssyncset.done $0x0  }
0x42: {  	[sflag:s8] =	ssyncadd.s32 $0xFFFFF000  }
0x43: {  	[spmem:s2] =	stream.indirect.scatter.add.f32 [tilespmem:s13], [sflag:$0x1], $0x20, s12, s10, $0xb8;
	[tilespmem:$0x9040] =	vst v63  }
0x44: {  	_ =	swait.ge [sflag:s8], $0x1000  }
.Ltmp0:
0x45: {  	[sflag:s8] =	ssyncset.done $0x0;
	(pc) =	sbr.rel @p1 .LBB2_2-.Ltmp0, $4  }
0x46: {  	[sflag:s8] =	ssyncadd.s32 $0xFFFFF000  }
0x47: {  	[spmem:s2] =	stream.indirect.scatter.add.f32 [tilespmem:s15], [sflag:$0x1], $0x20, s14, s10, $0xb8;
	[tilespmem:$0x9040] =	vst v63  }
0x48: {  	_ =	swait.ge [sflag:s8], $0x1000  }
0x49: {  	s22 =	smov.u32 s24;
	s20 =	sadd.s32 $0x800, s20;
	[sflag:s8] =	ssyncset.done $0x0  }
0x4a: {  	s21 =	sadd.s32 s21, s6;
	[sflag:s8] =	ssyncadd.s32 $0xFFFFF000  }
0x4b: {  	[tilespmem:s3], [sflag:$0x1] =	stream.linear.gather [hbm4b:s21+s3], $0x200, $0x38;
	[tilespmem:$0x9040] =	vst v63  }
0x4c: {  	_ =	swait.ge [sflag:s8], $0x200  }
0x4d: {  	[sflag:s8] =	ssyncset.done $0x0  }
0x4e: {  	[sflag:s8] =	ssyncadd.s32 $0xFFFFFE00  }
0x4f: {  	[tilespmem:s9], [sflag:$0x1] =	stream.linear.gather [hbm4b:s20+s3], $0x4000, $0x38;
	[tilespmem:$0x9040] =	vst v63  }
0x50: {  	_ =	swait.ge [sflag:s8], $0x4000  }
0x51: {  	[sflag:s8] =	ssyncset.done $0x0  }
0x52: {  	[sflag:s8] =	ssyncadd.s32 $0xFFFFC000  }
0x53: {  	[spmem:s2] =	stream.indirect.scatter.add.f32 [tilespmem:s9], [sflag:$0x1], $0x20, s3, s10, $0xb8;
	[tilespmem:$0x9040] =	vst v63  }
0x54: {  	_ =	swait.ge [sflag:s8], $0x1000  }
0x55: {  	[sflag:s8] =	ssyncset.done $0x0  }
0x56: {  	[sflag:s8] =	ssyncadd.s32 $0xFFFFF000  }
0x57: {  	[spmem:s2] =	stream.indirect.scatter.add.f32 [tilespmem:s11], [sflag:$0x1], $0x20, s10, s10, $0xb8;
	[tilespmem:$0x9040] =	vst v63  }
0x58: {  	_ =	swait.ge [sflag:s8], $0x1000  }
0x59: {  	[sflag:s8] =	ssyncset.done $0x0  }
0x5a: {  	[sflag:s8] =	ssyncadd.s32 $0xFFFFF000  }
0x5b: {  	[spmem:s2] =	stream.indirect.scatter.add.f32 [tilespmem:s13], [sflag:$0x1], $0x20, s12, s10, $0xb8;
	[tilespmem:$0x9040] =	vst v63  }
0x5c: {  	_ =	swait.ge [sflag:s8], $0x1000  }
0x5d: {  	[sflag:s8] =	ssyncset.done $0x0  }
0x5e: {  	[sflag:s8] =	ssyncadd.s32 $0xFFFFF000  }
0x5f: {  	[spmem:s2] =	stream.indirect.scatter.add.f32 [tilespmem:s15], [sflag:$0x1], $0x20, s14, s10, $0xb8;
	[tilespmem:$0x9040] =	vst v63  }
0x60: {  	_ =	swait.ge [sflag:s8], $0x1000  }
0x61: {  	s19 =	sadd.s32 $0x1, s19;
	[sflag:s8] =	ssyncset.done $0x0  }
0x62: {  	p1 =	sne.s32 s19, s4;
	[sflag:s8] =	ssyncadd.s32 $0xFFFFF000  }
.Ltmp1:
0x63: {  	[bflag:$0x0] =	sbarrier.arrive $0xFFFF;
	(pc) =	sbr.rel @p1 .LBB2_1-.Ltmp1, $4  }
0x64: {  	[hbm:s16], [sflag:s17] =	dma.local [spmem:s18], $0x9C8  }
0x65: {  	_ =	swait.ge [sflag:s8], $0x9C8  }
0x66: {  	[sflag:s8] =	ssyncset.done $0x0  }
0x67: {  	[sflag:s8] =	ssyncadd.s32 $0xFFFFF638  }
0x68: {  	_ =	sfence.sel $0x180000  }
0x69: {  	[bflag:$0x0] =	sbarrier.arrive $0xFFFF  }
0x6a: {  	_ =	strace $0x90000056  }
0x6b: {  	s0 =	sadd.s32 @!p0 $0x100000, s0;
	[bflag:$0x2] =	sbarrier.arrive $0xFFFF  }
0x6c: {  	[sflag:s0] =	ssyncadd.tile.s32 @!p0 $0x1;
	_ =	shalt  }
.Lfunc_end2:
_tile_overlayer_lowered:
.L_overlay_start_2:
0x6d: {  	(tag) =	ssettag $0x2  }
0x6e: {  	s0 =	rddreg [dreg:$0x0];
	s2 =	stileid.u32  }
0x6f: {  	s1 =	rddreg [dreg:$0x1];
	p0 =	sne.s32 s2, $0x0  }
0x70: {  	s3 =	rddreg [dreg:$0x2];
	[bflag:$0x3] =	sbarrier.arrive $0xFFFF;
	s2 =	simm.s32 @!p0 $0x1C01  }
0x71: {  	[timem:s3], [sflag:s2] =	dma.local @!p0 [hbm:s0], s1  }
0x72: {  	s0 =	simm.s32 @!p0 $0x1  }
0x73: {  	_ =	swait.ge @!p0 [sflag:s0], s1  }
0x74: {  	s1 =	ssub.s32 @!p0 $0x0, s1;
	[sflag:s0] =	ssyncset.done @!p0 $0x0  }
0x75: {  	[sflag:s0] =	ssyncadd.s32 @!p0 s1  }
0x76: {  	[bflag:$0x3] =	sbarrier.arrive $0xFFFF  }
0x77: {  	_ =	shalt  }

// kernel: kernel.32.cloned.1.call-start
scs
__scs_entry_jumppad:
0x0: {  	(pc) =	sbr.rel $0x88, $3  }
0x1: {  	(tag) =	ssettag $0x0;
	lr =	simm.s32 $0x1  }
0x2: {  	[smem:$0x3F8F] =	sst lr;
	_ =	strace $0xD0000000  }
0x3: {  	_ = 	snop  }
0x4: {  	_ = 	snop  }
0x5: {  	_ = 	snop  }
0x6: {  	_ = 	snop  }
0x7: {  	_ = 	snop  }
__scs_overlays_trampoline_lowered:
0x8: {  	[smem:$0x3F9E] =	sst s0  }
0x9: {  	[smem:$0x3F9F] =	sst s1  }
0xa: {  	[smem:$0x3FA0] =	sst s2  }
0xb: {  	[smem:$0x3FA1] =	sst s3  }
0xc: {  	[smem:$0x3FA2] =	sst s4  }
0xd: {  	[smem:$0x3FA3] =	sst s5  }
0xe: {  	[smem:$0x3FA4] =	sst s6  }
0xf: {  	[smem:$0x3FA5] =	sst s7  }
0x10: {  	[smem:$0x3FA6] =	sst s8  }
0x11: {  	[smem:$0x3FA7] =	sst s9;
	s0 =	simm.s32 @!p0 $0x0  }
0x12: {  	s1 =	sld [smem:$0x3F8D];
	s0 =	simm.s32 @p0 $0x1  }
0x13: {  	[smem:$0x3FA8] =	sst s0;
	s0 =	simm.s32 @!p1 $0x0  }
0x14: {  	s2 =	sld [smem:$0x3F8C];
	s0 =	simm.s32 @p1 $0x1  }
0x15: {  	[smem:$0x3FA9] =	sst s0;
	s0 =	simm.s32 @!p2 $0x0  }
0x16: {  	s3 =	sld [smem:$0x3FDB];
	s0 =	simm.s32 @p2 $0x1  }
0x17: {  	s4 =	simm.s32 $0x1BF5;
	[smem:$0x3FAB] =	sst s0  }
0x18: {  	s0 =	sld [smem:$0x3F8E];
	_ =	swait.ge [sflag:s4], $0x0  }
0x19: {  	s7 =	sld [smem:$0x3F8F]  }
0x1a: {  	s8 =	sadd.s32 $0xFFFFE003, lr  }
0x1b: {  	s9 =	sadd.s32 $0xFFFFFEF7, lr;
	s5 =	simm.s32 $0xFFFFFFFF;
	p2 =	slt.u32 s8, $0xFFFFF086  }
0x1c: {  	p1 =	slt.u32 s9, $0xF7A;
	s5 =	simm.s32 @!p2 $0x0  }
0x1d: {  	s5 =	simm.s32 @p1 $0x1;
	p0 =	seq.s32 s7, s2  }
0x1e: {  	s7 =	smul.u32 @!p0 $0xF7A, s2;
	p2 =	seq.s32 @!p0 s5, $0x0  }
0x1f: {  	s9 =	smul.u32 $0xF7A, s1;
	s8 =	simm.s32 @!p0 $0x1BF5;
	p2 =	por !p2, p0  }
0x20: {  	[sflag:s8] =	ssyncset.s32 @!p0 $0xFFFFF086;
	s6 =	sadd.s32 @!p0 s3, s7;
	s7 =	simm.s32 @!p0 $0x108  }
0x21: {  	s3 =	sadd.s32 s3, s9;
	s6 =	sadd.s32 @!p0 $0x88, s6;
	s7 =	simm.s32 @p2 $0x1082  }
0x22: {  	[simem:s7], [sflag:s8] =	dma.local @!p0 [hbm:s6], $0xF7A  }
0x23: {  	s9 =	sor.u32 $0xD0000000, s2;
	s6 =	simm.s32 $0x108;
	_ =	swait.ge @!p0 [sflag:s8], $0x0  }
0x24: {  	s3 =	sadd.s32 $0x88, s3;
	s6 =	simm.s32 @!p1 $0x1082;
	[sflag:s4] =	ssyncset.s32 $0xFFFFF086  }
0x25: {  	[simem:s6], [sflag:s4] =	dma.local [hbm:s3], $0xF7A  }
0x26: {  	[smem:$0x3F8F] =	sst s1;
	(tag) =	ssettag s2;
	_ =	strace s9  }
0x27: {  	s1 =	sld [smem:$0x3F9F]  }
0x28: {  	s2 =	sld [smem:$0x3FA0]  }
0x29: {  	s4 =	sld [smem:$0x3FA2]  }
0x2a: {  	p0 =	seq.s32 s5, $0x0;
	s5 =	sld [smem:$0x3FA3]  }
0x2b: {  	s6 =	sld [smem:$0x3FA4]  }
0x2c: {  	s7 =	sld [smem:$0x3FA5]  }
0x2d: {  	s3 =	simm.s32 $0x108;
	s8 =	sld [smem:$0x3FA6]  }
0x2e: {  	s3 =	simm.s32 @!p0 $0x1082;
	s9 =	sld [smem:$0x3FA7]  }
0x2f: {  	lr =	sadd.s32 s0, s3;
	s0 =	sld [smem:$0x3F9E]  }
0x30: {  	s3 =	sld [smem:$0x3FA1]  }
0x31: {  	[smem:$0x3FAA] =	sst s10  }
0x32: {  	s10 =	sld [smem:$0x3FA8];
	_ =	sdelay $0x3  }
0x33: {  	p0 =	seq.s32 s10, $0x1;
	s10 =	sld [smem:$0x3FAA];
	_ =	sdelay $0x3  }
0x34: {  	[smem:$0x3FAA] =	sst s10  }
0x35: {  	s10 =	sld [smem:$0x3FA9];
	_ =	sdelay $0x3  }
0x36: {  	p1 =	seq.s32 s10, $0x1;
	s10 =	sld [smem:$0x3FAA];
	_ =	sdelay $0x3  }
0x37: {  	[smem:$0x3FAA] =	sst s10  }
0x38: {  	s10 =	sld [smem:$0x3FAB]  }
0x39: {  	_ = 	snop;
	(pc) =	sbr.ind lr, $3  }
0x3a: {  	_ = 	snop  }
0x3b: {  	_ = 	snop  }
0x3c: {  	p2 =	seq.s32 s10, $0x1;
	s10 =	sld [smem:$0x3FAA]  }
0x3d: {  	_ =	shalt  }
0x3e: {  	_ =	shalt  }
0x3f: {  	_ =	shalt  }
0x40: {  	_ =	shalt  }
0x41: {  	_ =	shalt  }
0x42: {  	_ =	shalt  }
0x43: {  	_ =	shalt  }
0x44: {  	_ =	shalt  }
0x45: {  	_ =	shalt  }
0x46: {  	_ =	shalt  }
0x47: {  	_ =	shalt  }
0x48: {  	_ =	shalt  }
0x49: {  	_ =	shalt  }
0x4a: {  	_ =	shalt  }
0x4b: {  	_ =	shalt  }
0x4c: {  	_ =	shalt  }
0x4d: {  	_ =	shalt  }
0x4e: {  	_ =	shalt  }
0x4f: {  	_ =	shalt  }
0x50: {  	_ =	shalt  }
0x51: {  	_ =	shalt  }
0x52: {  	_ =	shalt  }
0x53: {  	_ =	shalt  }
0x54: {  	_ =	shalt  }
0x55: {  	_ =	shalt  }
0x56: {  	_ =	shalt  }
0x57: {  	_ =	shalt  }
0x58: {  	_ =	shalt  }
0x59: {  	_ =	shalt  }
0x5a: {  	_ =	shalt  }
0x5b: {  	_ =	shalt  }
0x5c: {  	_ =	shalt  }
0x5d: {  	_ =	shalt  }
0x5e: {  	_ =	shalt  }
0x5f: {  	_ =	shalt  }
0x60: {  	_ =	shalt  }
0x61: {  	_ =	shalt  }
0x62: {  	_ =	shalt  }
0x63: {  	_ =	shalt  }
0x64: {  	_ =	shalt  }
0x65: {  	_ =	shalt  }
0x66: {  	_ =	shalt  }
0x67: {  	_ =	shalt  }
0x68: {  	_ =	shalt  }
0x69: {  	_ =	shalt  }
0x6a: {  	_ =	shalt  }
0x6b: {  	_ =	shalt  }
0x6c: {  	_ =	shalt  }
0x6d: {  	_ =	shalt  }
0x6e: {  	_ =	shalt  }
0x6f: {  	_ =	shalt  }
0x70: {  	_ =	shalt  }
0x71: {  	_ =	shalt  }
0x72: {  	_ =	shalt  }
0x73: {  	_ =	shalt  }
0x74: {  	_ =	shalt  }
0x75: {  	_ =	shalt  }
0x76: {  	_ =	shalt  }
0x77: {  	_ =	shalt  }
0x78: {  	_ =	shalt  }
0x79: {  	_ =	shalt  }
0x7a: {  	_ =	shalt  }
0x7b: {  	_ =	shalt  }
0x7c: {  	_ =	shalt  }
0x7d: {  	_ =	shalt  }
0x7e: {  	_ =	shalt  }
0x7f: {  	_ =	shalt  }
0x80: {  	_ =	shalt  }
0x81: {  	_ =	shalt  }
0x82: {  	_ =	shalt  }
0x83: {  	_ =	shalt  }
0x84: {  	_ =	shalt  }
0x85: {  	_ =	shalt  }
0x86: {  	_ =	shalt  }
0x87: {  	_ =	shalt  }
.Lfunc_end0:
.L_simem_size_0:
called_computation.6_lowered:
.L_overlay_start_0:
0x88: {  	s2 =	sld [smem:$0x3FD9]  }
0x89: {  	s3 =	sld [smem:$0x3FFE];
	_ =	sdelay $0x1  }
0x8a: {  	s1 =	srdreg.scid  }
0x8b: {  	s0 =	sand.u32 $0x1, s1  }
0x8c: {  	s16 =	sshll.u32 s0, $0xA;
	s2 =	sadd.s32 s3, s2  }
0x8d: {  	s2 =	sadd.s32 s2, s16  }
0x8e: {  	[smem:$0x3FB6] =	sst s2  }
0x8f: {  	_ = 	snop  }
0x90: {  	(tm) =	ssettm $0x1  }
0x91: {  	s17 =	sld [smem:$0x3FFB];
	_ =	sdelay $0x3  }
0x92: {  	_ =	strace s17  }
0x93: {  	s2 =	sld [smem:$0x3FFC];
	_ =	sdelay $0x3  }
0x94: {  	_ =	strace s2  }
0x95: {  	s2 =	sld [smem:$0x3FFD];
	_ =	sdelay $0x3  }
0x96: {  	_ =	strace s2  }
0x97: {  	_ =	strace $0x8FFFFFFF  }
0x98: {  	s18 =	sld [smem:$0x3FDB];
	_ =	sdelay $0x1  }
0x99: {  	s19 =	simm.s32 $_scs_section_size  }
0x9a: {  	s4 =	simm.s32 $_size__tile_overlayer_lowered;
	s5 =	simm.s32 $_tile_overlayer_lowered  }
0x9b: {  	s22 =	simm.s32 $0x1BFF;
	s21 =	sshll.u32 s5, $0x1;
	s2 =	sadd.s32 s19, s18  }
0x9c: {  	s6 =	simm.s32 $0x0;
	s20 =	sshll.u32 s4, $0x1;
	s4 =	sadd.s32 s21, s2  }
0x9d: {  	[timem:s6], [sflag:s22] =	dma.local [hbm:s4], s20  }
0x9e: {  	_ =	swait.ge [sflag:s22], s20  }
0x9f: {  	s3 =	ssub.s32 $0x0, s20;
	[sflag:s22] =	ssyncset.done $0x0  }
0xa0: {  	[sflag:s22] =	ssyncadd.s32 s3;
	_ =	sdelay $0x1  }
0xa1: {  	s23 =	simm.s32 $0x1B8B  }
0xa2: {  	_ =	swait.ge [sflag:s23], $0x1  }
0xa3: {  	[sflag:s23] =	ssyncset.done $0x0  }
0xa4: {  	s25 =	simm.s32 $0x1B8E;
	s24 =	sld [smem:$0x3FFE];
	[sflag:s23] =	ssyncadd.s32 $0xFFFFFFFF  }
0xa5: {  	s26 =	simm.s32 $execute0_lowered;
	[smem:$0x3FD2] =	sst s25  }
0xa6: {  	s4 =	sshll.u32 s26, $0x1;
	_ =	strace $0x80000058;
	[dreg:$0x1] =	wrdreg $0xFFFFFFFF  }
0xa7: {  	s28 =	simm.s32 $_size_execute0_lowered;
	s2 =	sadd.s32 s2, s4;
	[dreg:$0x0] =	wrdreg $0x0  }
0xa8: {  	s4 =	sshll.u32 s28, $0x1;
	[dreg:$0x2] =	wrdreg s2  }
0xa9: {  	[dreg:$0x3] =	wrdreg s4  }
0xaa: {  	[dreg:$0x4] =	wrdreg $0xC0  }
0xab: {  	_ =	task [dreg:s6], $0x5FFFF  }
0xac: {  	[dreg:$0x1] =	wrdreg $0xFFFFFFFF  }
0xad: {  	[dreg:$0x0] =	wrdreg $0x60  }
0xae: {  	[dreg:$0x2] =	wrdreg s24  }
0xaf: {  	[dreg:$0x3] =	wrdreg $0x9  }
0xb0: {  	_ =	task.clear_ibuf [dreg:s6], $0x4FFFF;
	_ =	strace $0x90000058  }
0xb1: {  	s29 =	simm.s32 $0x9;
	_ =	strace $0x8000005A  }
0xb2: {  	_ =	swait.ge [sflag:s29], $0x1  }
0xb3: {  	[sflag:s29] =	ssyncadd.s32 $0xFFFFFFFF  }
0xb4: {  	_ =	strace $0x9000005A  }
0xb5: {  	_ =	sfence  }
0xb6: {  	s30 =	sld [smem:$0x0];
	_ =	sdelay $0x2  }
0xb7: {  	s31 =	sshll.u32 s1, $0xD;
	s1 =	sshrl.u32 s1, $0x2  }
0xb8: {  	s3 =	sand.u32 $0x4000, s31;
	s1 =	sadd.s32 s1, s30  }
0xb9: {  	s0 =	sor.u32 s3, s0;
	s1 =	sshll.u32 s1, $0x11  }
0xba: {  	s0 =	sor.u32 s1, s0  }
0xbb: {  	s0 =	sadd.s32 $0x8F2B, s0  }
0xbc: {  	[sflag:s0] =	ssyncadd.remote.s32 $0x1  }
0xbd: {  	_ =	sfence.sel $0xFFFF  }
0xbe: {  	[dreg:$0x0] =	wrdreg $0xFFFFFFFF;
	(pc) =	sbr.abs _section_cstart, $3  }
0xbf: {  	[dreg:$0x1] =	wrdreg $0xFFFFFFFF  }
0xc0: {  	_ =	task.clear_ibuf [dreg:s6], $0x2FFFF;
	_ =	strace $0x9FFFFFFF  }
0xc1: {  	(tm) =	ssettm $0x7FFFFFFF  }
tec
execute0_lowered:
.L_overlay_start_1:
0x0: {  	(tag) =	ssettag $0x1  }
0x1: {  	s0 =	rddreg [dreg:$0x0];
	s2 =	simm.s32 $0x0  }
0x2: {  	s1 =	srdreg.scid;
	s13 =	stileid.u32;
	s28 =	simm.s32 $0x8800  }
0x3: {  	s29 =	simm.s32 $0x4;
	s30 =	simm.s32 $0x5;
	s31 =	simm.s32 $0x6  }
0x4: {  	[smem:$0x7FF] =	sst s2;
	s1 =	sand.u32 $0x1, s1;
	s12 =	smul.u32 $0xA0000, s13  }
0x5: {  	s3 =	sshll.u32 s13, $0x1;
	s6 =	sadd.s32 $0x22800, s0;
	s17 =	smul.u32 $0x5000, s13  }
0x6: {  	s11 =	sadd.s32 $0x18800, s0;
	s5 =	sadd.s32 $0x193A00, s0;
	s16 =	smul.u32 $0x50000, s1  }
0x7: {  	s4 =	sor.u32 s1, s3;
	s8 =	ssub.s32 $0x2, s1;
	s1 =	smul.u32 $0x2800, s1  }
0x8: {  	_ =	strace $0x80000059;
	s3 =	sadd.s32 $0x2C800, s0;
	s7 =	smul.u32 $0x2800, s4  }
0x9: {  	s9 =	smul.u32 $0x50000, s4;
	s4 =	sadd.s32 $0x53A00, s0;
	s10 =	sshrl.u32 s8, $0x1  }
0xa: {  	s15 =	ssub.s32 s8, s10;
	s20 =	sadd.s32 s16, s12;
	s1 =	sadd.s32 s1, s17  }
0xb: {  	s7 =	sshrl.u32 s7, $0x3;
	s9 =	sshrl.u32 s9, $0x3;
	s0 =	smax.u32 s15, $0x1  }
0xc: {  	s23 =	sor.u32 $0x400, s1;
	s24 =	sor.u32 $0x200, s1;
	s26 =	sshll.u32 s1, $0x2  }
0xd: {  	s18 =	sadd.s32 s6, s7;
	s9 =	sadd.s32 $0x9800, s9;
	s7 =	sadd.s32 s11, s7  }
0xe: {  	[dreg:$0x6] =	wrdreg s0;
	s0 =	sshrl.u32 s23, $0x3;
	s25 =	sshrl.u32 s24, $0x3  }
0xf: {  	s1 =	sadd.s32 $0x1FFFF800, s26;
	s23 =	simm.s32 $0x4800;
	[dreg:$0x2] =	wrdreg s18  }
0x10: {  	s24 =	simm.s32 $0xC800;
	s26 =	simm.s32 $0x800;
	[dreg:$0x3] =	wrdreg s7  }
0x11: {  	s19 =	sadd.s32 s4, s9;
	s21 =	sadd.s32 s5, s9;
	s7 =	sshrl.u32 s20, $0x3  }
0x12: {  	s13 =	sadd.s32 s0, s11;
	s14 =	sadd.s32 s0, s6;
	s15 =	sadd.s32 s25, s11  }
.Ltmp0:
0x13: {  	s16 =	sadd.s32 s25, s6;
	s18 =	simm.s32 $0x400;
	(pc) =	sbr.rel .LBB2_1-.Ltmp0, $4  }
0x14: {  	s20 =	simm.s32 $0x200;
	s25 =	simm.s32 $0x3;
	[dreg:$0x4] =	wrdreg s19  }
0x15: {  	s0 =	simm.s32 $0x0;
	[dreg:$0x5] =	wrdreg s21;
	s22 =	sadd.s32 s7, s5  }
0x16: {  	s7 =	sadd.s32 s7, s4;
	s19 =	simm.s32 $0x1;
	[dreg:$0x7] =	wrdreg s22  }
0x17: {  	s21 =	simm.s32 $0x600;
	[dreg:$0x8] =	wrdreg s7;
	s22 =	simm.s32 $0x2  }
.LBB2_4:
0x18: {  	_ =	swait.ge [sflag:s29], $0x4000  }
0x19: {  	[sflag:s29] =	ssyncset.done $0x0  }
0x1a: {  	[sflag:s29] =	ssyncadd.s32 $0xFFFFC000  }
0x1b: {  	_ =	swait.ge [sflag:s29], $0x4000  }
0x1c: {  	[sflag:s29] =	ssyncset.done $0x0  }
0x1d: {  	s6 =	rddreg [dreg:$0x4];
	[sflag:s29] =	ssyncadd.s32 $0xFFFFC000  }
0x1e: {  	[hbm4b:s6+s2] =	stream.linear.scatter [tilespmem:s23], [sflag:$0x6], $0x4000, $0x38;
	[tilespmem:$0x10800] =	vst v63  }
0x1f: {  	s12 =	rddreg [dreg:$0x5]  }
0x20: {  	[hbm4b:s12+s2] =	stream.linear.scatter [tilespmem:s24], [sflag:$0x6], $0x4000, $0x38;
	[tilespmem:$0x10800] =	vst v63  }
0x21: {  	_ =	swait.ge [sflag:s30], $0x4000  }
0x22: {  	[sflag:s30] =	ssyncset.done $0x0  }
0x23: {  	[sflag:s30] =	ssyncadd.s32 $0xFFFFC000  }
0x24: {  	_ =	swait.ge [sflag:s30], $0x4000  }
0x25: {  	[sflag:s30] =	ssyncset.done $0x0  }
0x26: {  	[sflag:s30] =	ssyncadd.s32 $0xFFFFC000  }
0x27: {  	_ =	swait.ge [sflag:s31], $0x4000  }
0x28: {  	[sflag:s31] =	ssyncset.done $0x0  }
0x29: {  	[sflag:s31] =	ssyncadd.s32 $0xFFFFC000  }
0x2a: {  	_ =	swait.ge [sflag:s31], $0x4000  }
0x2b: {  	s0 =	sadd.s32 $0x1, s0;
	s17 =	rddreg [dreg:$0x6]  }
0x2c: {  	p0 =	sne.s32 s0, s17  }
.Ltmp1:
0x2d: {  	_ = 	snop;
	(pc) =	sbr.rel @!p0 .LBB2_5-.Ltmp1, $3  }
0x2e: {  	_ =	sdelay $0x1  }
0x2f: {  	[sflag:s31] =	ssyncset.done $0x0  }
0x30: {  	[sflag:s31] =	ssyncadd.s32 $0xFFFFC000  }
.LBB2_1:
0x31: {  	s6 =	rddreg [dreg:$0x2]  }
0x32: {  	s17 =	rddreg [dreg:$0x3]  }
0x33: {  	[tilespmem:s2], [sflag:$0x1] =	stream.linear.gather [hbm4b:s6+s2], $0x200, $0x38;
	[tilespmem:$0x10800] =	vst v63  }
0x34: {  	s12 =	rddreg [dreg:$0x8]  }
0x35: {  	[tilespmem:s18], [sflag:$0x1] =	stream.linear.gather [hbm4b:s17+s2], $0x200, $0x38;
	[tilespmem:$0x10800] =	vst v63  }
0x36: {  	s11 =	rddreg [dreg:$0x7];
	s6 =	simm.s32 $0x0;
	s17 =	smov.u32 s1  }
.LBB2_2:
0x37: {  	_ =	swait.ge [sflag:s19], $0x200  }
0x38: {  	[sflag:s19] =	ssyncset.done $0x0  }
0x39: {  	[sflag:s19] =	ssyncadd.s32 $0xFFFFFE00  }
0x3a: {  	_ =	swait.ge [sflag:s19], $0x200  }
0x3b: {  	p0 =	sne.s32 s6, $0x0;
	[sflag:s19] =	ssyncset.done $0x0  }
0x3c: {  	s9 =	simm.s32 @p0 $0x5;
	[sflag:s19] =	ssyncadd.s32 $0xFFFFFE00  }
0x3d: {  	_ =	swait.ge @p0 [sflag:s9], $0x4000  }
0x3e: {  	[sflag:s9] =	ssyncset.done @p0 $0x0  }
0x3f: {  	[sflag:s9] =	ssyncadd.s32 @p0 $0xFFFFC000  }
0x40: {  	_ =	swait.ge @p0 [sflag:s9], $0x4000  }
0x41: {  	s10 =	simm.s32 @p0 $0x0;
	[sflag:s9] =	ssyncset.done @p0 $0x0  }
0x42: {  	s8 =	simm.s32 @p0 $0x800;
	[sflag:s9] =	ssyncadd.s32 @p0 $0xFFFFC000;
	s9 =	simm.s32 @p0 $0x200  }
0x43: {  	[tilespmem:s8], [sflag:$0x3] =	stream.indirect.gather @p0 [hbm4b:s3+s9], $0x20, s10, s9, $0xb8;
	[tilespmem:$0x10800] =	vst v63  }
0x44: {  	s7 =	simm.s32 @p0 $0x8800;
	s8 =	simm.s32 @p0 $0x400  }
0x45: {  	[tilespmem:s7], [sflag:$0x3] =	stream.indirect.gather @p0 [hbm4b:s3+s9], $0x20, s8, s9, $0xb8;
	[tilespmem:$0x10800] =	vst v63  }
0x46: {  	s7 =	simm.s32 @p0 $0x4  }
0x47: {  	_ =	swait.ge @p0 [sflag:s7], $0x4000  }
0x48: {  	[sflag:s7] =	ssyncset.done @p0 $0x0  }
0x49: {  	[sflag:s7] =	ssyncadd.s32 @p0 $0xFFFFC000  }
0x4a: {  	_ =	swait.ge @p0 [sflag:s7], $0x4000  }
0x4b: {  	s8 =	sand.u32 @p0 $0x1FFFF800, s17;
	[sflag:s7] =	ssyncset.done @p0 $0x0  }
0x4c: {  	s9 =	simm.s32 @p0 $0x4800;
	[sflag:s7] =	ssyncadd.s32 @p0 $0xFFFFC000;
	s7 =	sadd.s32 @p0 s4, s8  }
0x4d: {  	[hbm4b:s7+s10] =	stream.linear.scatter @p0 [tilespmem:s9], [sflag:$0x6], $0x4000, $0x38;
	[tilespmem:$0x10800] =	vst v63  }
0x4e: {  	s7 =	sadd.s32 @p0 s5, s8;
	s8 =	simm.s32 @p0 $0xC800  }
0x4f: {  	[hbm4b:s7+s10] =	stream.linear.scatter @p0 [tilespmem:s8], [sflag:$0x6], $0x4000, $0x38;
	[tilespmem:$0x10800] =	vst v63  }
0x50: {  	s9 =	simm.s32 @!p0 $0x800;
	s7 =	simm.s32 @!p0 $0x200;
	s8 =	simm.s32 @!p0 $0x0  }
0x51: {  	[tilespmem:s9], [sflag:$0x3] =	stream.indirect.gather @!p0 [hbm4b:s3+s7], $0x20, s8, s7, $0xb8;
	[tilespmem:$0x10800] =	vst v63  }
0x52: {  	s8 =	simm.s32 @!p0 $0x400;
	s9 =	simm.s32 @!p0 $0x8800  }
0x53: {  	[tilespmem:s9], [sflag:$0x3] =	stream.indirect.gather @!p0 [hbm4b:s3+s7], $0x20, s8, s7, $0xb8;
	[tilespmem:$0x10800] =	vst v63  }
0x54: {  	s9 =	sadd.s32 s6, s16  }
0x55: {  	[tilespmem:s20], [sflag:$0x2] =	stream.linear.gather [hbm4b:s9+s2], $0x200, $0x38;
	[tilespmem:$0x10800] =	vst v63  }
0x56: {  	s10 =	sadd.s32 s6, s15  }
0x57: {  	[tilespmem:s21], [sflag:$0x2] =	stream.linear.gather [hbm4b:s10+s2], $0x200, $0x38;
	[tilespmem:$0x10800] =	vst v63  }
0x58: {  	_ =	swait.ge [sflag:s22], $0x200  }
0x59: {  	[sflag:s22] =	ssyncset.done $0x0  }
0x5a: {  	[sflag:s22] =	ssyncadd.s32 $0xFFFFFE00  }
0x5b: {  	_ =	swait.ge [sflag:s22], $0x200  }
0x5c: {  	p0 =	seq.s32 s6, $0x0;
	[sflag:s22] =	ssyncset.done $0x0  }
0x5d: {  	s7 =	simm.s32 @!p0 $0x6;
	[sflag:s22] =	ssyncadd.s32 $0xFFFFFE00  }
0x5e: {  	_ =	swait.ge @!p0 [sflag:s7], $0x4000  }
0x5f: {  	[sflag:s7] =	ssyncset.done @!p0 $0x0  }
0x60: {  	[sflag:s7] =	ssyncadd.s32 @!p0 $0xFFFFC000  }
0x61: {  	_ =	swait.ge @!p0 [sflag:s7], $0x4000  }
0x62: {  	[sflag:s7] =	ssyncset.done @!p0 $0x0  }
0x63: {  	[sflag:s7] =	ssyncadd.s32 @!p0 $0xFFFFC000  }
0x64: {  	[tilespmem:s23], [sflag:$0x4] =	stream.indirect.gather [hbm4b:s3+s20], $0x20, s20, s20, $0xb8;
	[tilespmem:$0x10800] =	vst v63  }
0x65: {  	_ = 	snop  }
0x66: {  	[tilespmem:s24], [sflag:$0x4] =	stream.indirect.gather [hbm4b:s3+s20], $0x20, s21, s20, $0xb8;
	[tilespmem:$0x10800] =	vst v63  }
0x67: {  	_ =	swait.ge [sflag:s25], $0x4000  }
0x68: {  	[sflag:s25] =	ssyncset.done $0x0  }
0x69: {  	[sflag:s25] =	ssyncadd.s32 $0xFFFFC000  }
0x6a: {  	p0 =	seq.s32 s6, $0x480;
	_ =	swait.ge [sflag:s25], $0x4000  }
.Ltmp2:
0x6b: {  	[sflag:s25] =	ssyncset.done $0x0;
	(pc) =	sbr.rel @p0 .LBB2_4-.Ltmp2, $4  }
0x6c: {  	[sflag:s25] =	ssyncadd.s32 $0xFFFFC000  }
0x6d: {  	[hbm4b:s12+s2] =	stream.linear.scatter [tilespmem:s26], [sflag:$0x5], $0x4000, $0x38;
	[tilespmem:$0x10800] =	vst v63  }
0x6e: {  	_ = 	snop  }
0x6f: {  	[hbm4b:s11+s2] =	stream.linear.scatter [tilespmem:s28], [sflag:$0x5], $0x4000, $0x38;
	[tilespmem:$0x10800] =	vst v63  }
.Ltmp3:
0x70: {  	(pc) =	sbr.rel .LBB2_2-.Ltmp3, $4  }
0x71: {  	s7 =	sadd.s32 s6, s14;
	s10 =	sadd.s32 s6, s13;
	s11 =	sadd.s32 $0x1000, s11  }
0x72: {  	[tilespmem:s2], [sflag:$0x1] =	stream.linear.gather [hbm4b:s7+s2], $0x200, $0x38;
	[tilespmem:$0x10800] =	vst v63  }
0x73: {  	s12 =	sadd.s32 $0x1000, s12;
	s6 =	sadd.s32 $0x80, s6;
	s17 =	sadd.s32 $0x1000, s17  }
0x74: {  	[tilespmem:s18], [sflag:$0x1] =	stream.linear.gather [hbm4b:s10+s2], $0x200, $0x38;
	[tilespmem:$0x10800] =	vst v63  }
.LBB2_5:
0x75: {  	_ =	sfence.sel $0x180000  }
0x76: {  	[bflag:$0x0] =	sbarrier.arrive $0xFFFF  }
0x77: {  	_ =	strace $0x90000059  }
0x78: {  	s0 =	stileid.u32;
	[bflag:$0x2] =	sbarrier.arrive $0xFFFF  }
0x79: {  	p0 =	sne.s32 s0, $0x0;
	s0 =	rddreg [dreg:$0x1]  }
0x7a: {  	s0 =	sadd.s32 @!p0 $0x100000, s0  }
0x7b: {  	[sflag:s0] =	ssyncadd.tile.s32 @!p0 $0x1;
	_ =	shalt  }
.Lfunc_end2:
_tile_overlayer_lowered:
.L_overlay_start_2:
0x7c: {  	(tag) =	ssettag $0x2  }
0x7d: {  	s0 =	rddreg [dreg:$0x0];
	s2 =	stileid.u32  }
0x7e: {  	s1 =	rddreg [dreg:$0x1];
	p0 =	sne.s32 s2, $0x0  }
0x7f: {  	s3 =	rddreg [dreg:$0x2];
	[bflag:$0x3] =	sbarrier.arrive $0xFFFF;
	s2 =	simm.s32 @!p0 $0x1C07  }
0x80: {  	[timem:s3], [sflag:s2] =	dma.local @!p0 [hbm:s0], s1  }
0x81: {  	s0 =	simm.s32 @!p0 $0x7  }
0x82: {  	_ =	swait.ge @!p0 [sflag:s0], s1  }
0x83: {  	s1 =	ssub.s32 @!p0 $0x0, s1;
	[sflag:s0] =	ssyncset.done @!p0 $0x0  }
0x84: {  	[sflag:s0] =	ssyncadd.s32 @!p0 s1  }
0x85: {  	[bflag:$0x3] =	sbarrier.arrive $0xFFFF  }
0x86: {  	_ =	shalt  }

</sc_bundles>
